<compile_context>
chip_gen: v7x
topology: tpu7x:2x2x1
jax: 0.10.2.dev20260603
libtpu: 0.0.44.dev20260713+nightly
codegen_flags: <defaults>
</compile_context>

<pallas_src>
import functools

import jax
import jax.numpy as jnp
from jax import lax
from jax.experimental import pallas as pl
from jax.experimental.pallas import tpu as pltpu
from jax.experimental.pallas import tpu_sc as plsc

NC, NS, L = 2, 16, 16
_SC_PARAMS = pltpu.CompilerParams(needs_layout_passes=False,
                                  use_tc_tiling_on_sc=False)
NW = NC * NS
N = 10000
E = 320000
A = 320000
EP = 327680
AP = 327680
EH = EP // 2
SG_DUMMY = 2048
SG_ROWS = EH + SG_DUMMY
NH = N // 2
P_SC_PAD = 524288
F32 = jnp.float32
I32 = jnp.int32


def _mesh():
    return plsc.VectorSubcoreMesh(
        core_axis_name="c", subcore_axis_name="s", num_cores=NC, num_subcores=NS)


def _wid():
    return lax.axis_index("s") * NC + lax.axis_index("c")


def _iota16():
    return lax.iota(I32, 16)


def _zero2d(ref, nrows, ncols):
    total = nrows * ncols
    assert total % 16 == 0
    zval = jnp.zeros((16,), ref.dtype)
    lane = _iota16()

    def body(i, _):
        flat = i * 16 + lane
        plsc.store_scatter(ref, [flat // ncols, flat % ncols], zval)
        return 0

    lax.fori_loop(0, total // 16, body, 0)


def _k1_body(atom_emb, bond_emb, l_atom_emb, r_atom_emb, orig_emb, dest_emb,
             l_bond_emb, r_bond_emb, anchor_emb, ring_W, ring_b, comb_W,
             comb_b, eW0, eW1, eb0, eb1, nW0,
             tla_o, tra_o, tao_o, td_o, tb_o, w8_o, awa_o, awb_o):
    f = lambda r: r[...]
    dot = functools.partial(jnp.dot, preferred_element_type=F32)
    doth = functools.partial(jnp.dot, preferred_element_type=F32,
                             precision=lax.Precision.HIGHEST)

    eW = jnp.concatenate([f(eW0), f(eW1)], axis=1)
    W2 = doth(f(comb_W)[32:64, :], eW)
    TL8 = doth(doth(f(l_bond_emb), f(ring_W)[0:32]), W2)
    TRb8 = doth(doth(f(r_bond_emb), f(ring_W)[32:64]), W2)
    TAn8 = doth(doth(f(anchor_emb), f(ring_W)[64:96]), W2)
    TLa8 = doth(doth(f(l_atom_emb), f(ring_W)[96:128]), W2)
    TRa8 = doth(doth(f(r_atom_emb), f(ring_W)[128:160]), W2)
    TO8 = doth(doth(f(orig_emb), f(ring_W)[160:192]), W2)
    TD8 = doth(doth(f(dest_emb), f(ring_W)[192:224]), W2)
    w8 = doth(f(ring_W)[224:225, :], W2)
    rb8 = doth(f(ring_b)[None, :], W2)
    r1600 = lax.broadcasted_iota(I32, (1600, 16), 0)
    rep16 = jnp.where(r1600 // 100 == lax.broadcasted_iota(I32, (1600, 16), 1),
                      1.0, 0.0).astype(F32)
    r1600b = lax.broadcasted_iota(I32, (1600, 100), 0)
    tile100 = jnp.where(r1600b % 100 == lax.broadcasted_iota(I32, (1600, 100), 1),
                        1.0, 0.0).astype(F32)
    tla_o[...] = dot(rep16, TL8) + dot(tile100, TLa8)
    tra_o[...] = dot(rep16, TRb8) + dot(tile100, TRa8)
    tao_o[...] = dot(rep16, TAn8) + dot(tile100, TO8) + rb8
    td_o[...] = TD8
    c8 = (doth(f(comb_b)[None, :], eW)
          + jnp.concatenate([f(eb0), f(eb1)])[None, :])
    tb_o[...] = doth(doth(f(bond_emb), f(comb_W)[0:32, :]), eW) + c8
    w8_o[...] = jnp.concatenate([w8, jnp.zeros((1, 8), F32)], axis=1)
    AW = [doth(f(atom_emb), f(nW0)[i]) for i in range(4)]
    ri = lax.broadcasted_iota(I32, (200, 100), 0)
    ci = lax.broadcasted_iota(I32, (200, 100), 1)
    sel0 = jnp.where(ri == 2 * ci, 1.0, 0.0).astype(F32)
    sel1 = jnp.where(ri == 2 * ci + 1, 1.0, 0.0).astype(F32)
    awa_o[...] = dot(sel0, AW[0]) + dot(sel1, AW[1])
    awb_o[...] = dot(sel0, AW[2]) + dot(sel1, AW[3])


def _k1(atom_emb, bond_emb, l_atom_emb, r_atom_emb, orig_emb, dest_emb,
        l_bond_emb, r_bond_emb, anchor_emb, ring_W, ring_b, comb_W, comb_b,
        eW0, eW1, eb0, eb1, nW0):
    outs = (
        jax.ShapeDtypeStruct((1600, 8), F32),
        jax.ShapeDtypeStruct((1600, 8), F32),
        jax.ShapeDtypeStruct((1600, 8), F32),
        jax.ShapeDtypeStruct((100, 8), F32),
        jax.ShapeDtypeStruct((16, 8), F32),
        jax.ShapeDtypeStruct((1, 16), F32),
        jax.ShapeDtypeStruct((200, 64), F32),
        jax.ShapeDtypeStruct((200, 64), F32),
    )
    return pl.pallas_call(_k1_body, out_shape=outs)(
        atom_emb, bond_emb, l_atom_emb, r_atom_emb, orig_emb, dest_emb,
        l_bond_emb, r_bond_emb, anchor_emb, ring_W, ring_b, comb_W, comb_b,
        eW0, eW1, eb0, eb1, nW0)


def _k2_body(atype_h, src_h, dst_h, et_h, tla_h, tra_h, tao_h, td_h,
             as_h, gl_h, gr_h, ga_h,
             atv, tlav, trav, taov, tdv,
             srcv, dstv, etv, asv, pkv, adv, glv, grv, gav):
    base = _wid() * (EP // NW)
    lane = _iota16()
    pltpu.sync_copy(atype_h, atv)
    pltpu.sync_copy(tla_h, tlav)
    pltpu.sync_copy(tra_h, trav)
    pltpu.sync_copy(tao_h, taov)
    pltpu.sync_copy(td_h, tdv)

    def chunk(kc, _):
        off = base + kc * 1024
        pltpu.sync_copy(src_h.at[pl.ds(off, 1024)], srcv)
        pltpu.sync_copy(dst_h.at[pl.ds(off, 1024)], dstv)
        pltpu.sync_copy(et_h.at[pl.ds(off, 1024)], etv)

        def body(i, _):
            sl = pl.ds(i * 16, 16)
            a_s = plsc.load_gather(atv, [srcv[sl]])
            a_d = plsc.load_gather(atv, [dstv[sl]])
            asv[sl] = a_s
            pkv[sl] = etv[sl] * 100 + a_s
            adv[sl] = a_d
            return 0

        lax.fori_loop(0, 64, body, 0)

        def gbody(f, _):
            r16 = 2 * f + lane // 8
            c16 = lane % 8
            fi = plsc.load_gather(pkv, [r16]) * 8 + c16
            di = plsc.load_gather(adv, [r16]) * 8 + c16
            plsc.store_scatter(glv, [r16, c16], plsc.load_gather(tlav, [fi]))
            plsc.store_scatter(grv, [r16, c16], plsc.load_gather(trav, [fi]))
            plsc.store_scatter(gav, [r16, c16],
                               plsc.load_gather(taov, [fi])
                               + plsc.load_gather(tdv, [di]))
            return 0

        lax.fori_loop(0, 512, gbody, 0)
        pltpu.sync_copy(asv, as_h.at[pl.ds(off, 1024)])
        pltpu.sync_copy(glv, gl_h.at[pl.ds(off, 1024)])
        pltpu.sync_copy(grv, gr_h.at[pl.ds(off, 1024)])
        pltpu.sync_copy(gav, ga_h.at[pl.ds(off, 1024)])
        return 0

    lax.fori_loop(0, 10, chunk, 0)


def _k2(atype, src_p, dst_p, et_p, tla_f, tra_f, tao_f, td_f):
    outs = (jax.ShapeDtypeStruct((EP,), I32),
            jax.ShapeDtypeStruct((EP, 8), F32),
            jax.ShapeDtypeStruct((EP, 8), F32),
            jax.ShapeDtypeStruct((EP, 8), F32))
    scratch = [
        pltpu.VMEM((N,), I32),
        pltpu.VMEM((12800,), F32), pltpu.VMEM((12800,), F32),
        pltpu.VMEM((12800,), F32), pltpu.VMEM((800,), F32),
        pltpu.VMEM((1024,), I32), pltpu.VMEM((1024,), I32),
        pltpu.VMEM((1024,), I32), pltpu.VMEM((1024,), I32),
        pltpu.VMEM((1024,), I32), pltpu.VMEM((1024,), I32),
        pltpu.VMEM((1024, 8), F32), pltpu.VMEM((1024, 8), F32),
        pltpu.VMEM((1024, 8), F32),
    ]
    return pl.kernel(_k2_body, out_type=outs, mesh=_mesh(),
                     scratch_types=scratch, compiler_params=_SC_PARAMS)(
        atype, src_p, dst_p, et_p, tla_f, tra_f, tao_f, td_f)


def _k3_body(anc_h, bi0_h, bi1_h, dlt_h, gl_h, gr_h, ga_h, et_h, tb_h, w8_h,
             attr_h,
             sg, tbv, w8v, ancv, bi0v, bi1v, dltv,
             glb, grb, gab, dwb, six, outb, etb, semg, sems):
    cid = lax.axis_index("c")
    sid = lax.axis_index("s")
    lane = _iota16()
    lo = cid * EH

    pltpu.sync_copy(tb_h, tbv)
    pltpu.sync_copy(w8_h, w8v)

    _zero2d(outb, 2048, 8)

    def zchunk(i, _):
        pltpu.sync_copy(outb, sg.at[pl.ds(sid * 10368 + i * 2048, 2048)])
        return 0

    lax.fori_loop(0, 5, zchunk, 0)
    pltpu.sync_copy(outb.at[pl.ds(0, 128)],
                    sg.at[pl.ds(sid * 10368 + 10240, 128)])
    plsc.subcore_barrier()

    w8c = plsc.load_gather(w8v, [lane % 8])
    abase = sid * (AP // NS)

    def _drain_scatters():
        pltpu.make_async_copy(glb, sg.at[six], sems).wait()
        pltpu.make_async_copy(grb, sg.at[six], sems).wait()
        pltpu.make_async_copy(gab, sg.at[six], sems).wait()
        pltpu.make_async_copy(dwb, sg.at[six], sems).wait()

    def achunk(kc, _):
        off = abase + kc * 2048
        pltpu.sync_copy(anc_h.at[pl.ds(off, 2048)], ancv)
        pltpu.sync_copy(bi0_h.at[pl.ds(off, 2048)], bi0v)
        pltpu.sync_copy(bi1_h.at[pl.ds(off, 2048)], bi1v)
        pltpu.sync_copy(dlt_h.at[pl.ds(off, 2048)], dltv)

        def group(g, _):
            goff = g * 128
            @pl.when(g > 0)
            def _():
                _drain_scatters()

            d1 = pltpu.async_copy(gl_h.at[bi0v.at[pl.ds(goff, 128)]], glb,
                                  semg)
            d2 = pltpu.async_copy(gr_h.at[bi1v.at[pl.ds(goff, 128)]], grb,
                                  semg)
            d3 = pltpu.async_copy(ga_h.at[ancv.at[pl.ds(goff, 128)]], gab,
                                  semg)

            def sub(s, _):
                sl = pl.ds(goff + s * 16, 16)
                a16 = ancv[sl]
                inr = (a16 >= lo) & (a16 < lo + EH)
                dummy = EH + ((goff + s * 16 + lane) & (SG_DUMMY - 1))
                plsc.store_scatter(six, [s * 16 + lane],
                                   jnp.where(inr, a16 - lo, dummy))
                return 0

            lax.fori_loop(0, 8, sub, 0)

            def dsub(f, _):
                r16 = 2 * f + lane // 8
                d16 = plsc.load_gather(dltv, [goff + r16])
                plsc.store_scatter(dwb, [r16, lane % 8], d16 * w8c)
                return 0

            lax.fori_loop(0, 64, dsub, 0)
            d1.wait()
            d2.wait()
            d3.wait()
            pltpu.async_copy(glb, sg.at[six], sems, add=True)
            pltpu.async_copy(grb, sg.at[six], sems, add=True)
            pltpu.async_copy(gab, sg.at[six], sems, add=True)
            pltpu.async_copy(dwb, sg.at[six], sems, add=True)
            return 0

        lax.fori_loop(0, 16, group, 0)
        _drain_scatters()
        return 0

    lax.fori_loop(0, 10, achunk, 0)
    plsc.subcore_barrier()

    loff0 = sid * (EH // NS)
    goff0 = lo + loff0

    def bchunk(kc, _):
        loff = loff0 + kc * 2048
        goff = goff0 + kc * 2048
        pltpu.sync_copy(sg.at[pl.ds(loff, 2048)], outb)
        pltpu.sync_copy(et_h.at[pl.ds(goff, 2048)], etb)

        def sub(f, _):
            r16 = 2 * f + lane // 8
            c16 = lane % 8
            e16 = plsc.load_gather(etb, [r16])
            val = (plsc.load_gather(outb, [r16, c16])
                   + plsc.load_gather(tbv, [e16 * 8 + c16]))
            val = jnp.where(goff + r16 < E, val, 0.0)
            plsc.store_scatter(outb, [r16, c16], val)
            return 0

        lax.fori_loop(0, 1024, sub, 0)
        pltpu.sync_copy(outb, attr_h.at[pl.ds(goff, 2048)])
        return 0

    lax.fori_loop(0, 5, bchunk, 0)


def _k3(anc_p, bi0_p, bi1_p, dlt_p, gl, gr, ga, et_p, tb_f, w8_f):
    scratch = [
        pltpu.VMEM_SHARED((SG_ROWS, 8), F32),
        pltpu.VMEM((128,), F32), pltpu.VMEM((16,), F32),
        pltpu.VMEM((2048,), I32), pltpu.VMEM((2048,), I32),
        pltpu.VMEM((2048,), I32), pltpu.VMEM((2048,), F32),
        pltpu.VMEM((128, 8), F32), pltpu.VMEM((128, 8), F32),
        pltpu.VMEM((128, 8), F32), pltpu.VMEM((128, 8), F32),
        pltpu.VMEM((128,), I32),
        pltpu.VMEM((2048, 8), F32), pltpu.VMEM((2048,), I32),
        pltpu.SemaphoreType.DMA, pltpu.SemaphoreType.DMA,
    ]
    return pl.kernel(_k3_body,
                     out_type=jax.ShapeDtypeStruct((EP, 8), F32),
                     mesh=_mesh(), scratch_types=scratch,
                     compiler_params=_SC_PARAMS)(
        anc_p, bi0_p, bi1_p, dlt_p, gl, gr, ga, et_p, tb_f, w8_f)


def _k4_body(dst_h, as_h, attr_h, p_out,
             psh, dstv, asv, attrv, mb, pidx, mb2, pidx2, pb, semp):
    cid = lax.axis_index("c")
    sid = lax.axis_index("s")
    lane = _iota16()
    nlo = cid * NH

    _zero2d(pb, 2048, 8)

    for cp in range(2):
        def zchunk(i, _):
            pltpu.sync_copy(pb, psh.at[pl.ds(sid * 8192 + i * 2048, 2048)])
            return 0

        lax.fori_loop(0, 4, zchunk, 0)
        plsc.subcore_barrier()

        ebase = sid * (EP // NS)
        bufs = ((mb, pidx), (mb2, pidx2))

        def echunk(kc, _):
            off = ebase + kc * 2048
            pltpu.sync_copy(dst_h.at[pl.ds(off, 2048)], dstv)
            pltpu.sync_copy(as_h.at[pl.ds(off, 2048)], asv)
            pltpu.sync_copy(attr_h.at[pl.ds(off, 2048)], attrv)

            def gpair(k, _):
                for par in range(2):
                    mbX, pixX = bufs[par]
                    g = 2 * k + par

                    @pl.when(k > 0)
                    def _():
                        pltpu.make_async_copy(mbX, psh.at[pixX], semp).wait()

                    goff = g * 128

                    def sub(s, _):
                        sl = pl.ds(goff + s * 16, 16)
                        d16 = dstv[sl]
                        as16 = asv[sl]
                        row16 = s * 16 + lane
                        inr = (d16 >= nlo) & (d16 < nlo + NH)
                        r = (d16 - nlo) * 100 + as16
                        q = jnp.where(inr, r // 4,
                                      125000 + ((goff + s * 16 + lane) & 4095))
                        cb = (r % 4) * 2
                        plsc.store_scatter(pixX, [row16], q)
                        lrow = goff + s * 16 + lane
                        av0 = plsc.load_gather(
                            attrv, [lrow, jnp.full((16,), 2 * cp, I32)])
                        av1 = plsc.load_gather(
                            attrv, [lrow, jnp.full((16,), 2 * cp + 1, I32)])
                        for c in range(8):
                            cc = jnp.full((16,), c, I32)
                            val = (jnp.where(cb == c, av0, 0.0)
                                   + jnp.where(cb + 1 == c, av1, 0.0))
                            plsc.store_scatter(mbX, [row16, cc], val)
                        return 0

                    lax.fori_loop(0, 8, sub, 0)
                    pltpu.async_copy(mbX, psh.at[pixX], semp, add=True)
                return 0

            lax.fori_loop(0, 8, gpair, 0)
            pltpu.make_async_copy(mb, psh.at[pidx], semp).wait()
            pltpu.make_async_copy(mb2, psh.at[pidx2], semp).wait()
            return 0

        lax.fori_loop(0, 10, echunk, 0)
        plsc.subcore_barrier()

        dbase = sid * 8192

        def dchunk(i, _):
            off = dbase + i * 2048
            pltpu.sync_copy(psh.at[pl.ds(off, 2048)], pb)
            pltpu.sync_copy(
                pb, p_out.at[pl.ds(cp * 262144 + cid * 131072 + off, 2048)])
            return 0

        lax.fori_loop(0, 4, dchunk, 0)
        if cp == 0:
            plsc.subcore_barrier()
            _zero2d(pb, 2048, 8)


def _k4(dst_p, asrc, attr8):
    scratch = [
        pltpu.VMEM_SHARED((131072, 8), F32),
        pltpu.VMEM((2048,), I32), pltpu.VMEM((2048,), I32),
        pltpu.VMEM((2048, 8), F32),
        pltpu.VMEM((128, 8), F32), pltpu.VMEM((128,), I32),
        pltpu.VMEM((128, 8), F32), pltpu.VMEM((128,), I32),
        pltpu.VMEM((2048, 8), F32),
        pltpu.SemaphoreType.DMA,
    ]
    return pl.kernel(_k4_body,
                     out_type=jax.ShapeDtypeStruct((2 * 2 * 131072, 8), F32),
                     mesh=_mesh(), scratch_types=scratch,
                     compiler_params=_SC_PARAMS)(dst_p, asrc, attr8)


def _k5_body(pa, pb, awa, awb, nb0, nW1, u_o):
    out1 = (jnp.dot(pa[...], awa[...], preferred_element_type=F32,
                    precision=lax.Precision.HIGHEST)
            + jnp.dot(pb[...], awb[...], preferred_element_type=F32,
                      precision=lax.Precision.HIGHEST)
            + jnp.sum(nb0[...], axis=0, keepdims=True))
    h1 = jnp.tanh(out1)
    vsum = jnp.sum(nW1[...], axis=-1)
    u_o[...] = lax.dot_general(h1, vsum, (((1,), (1,)), ((), ())),
                               preferred_element_type=F32,
                               precision=lax.Precision.HIGHEST)


def _k5(pa, pb, awa, awb, nb0, nW1):
    grid = (10,)
    return pl.pallas_call(
        _k5_body,
        grid=grid,
        in_specs=[
            pl.BlockSpec((1000, 200), lambda i: (i, 0)),
            pl.BlockSpec((1000, 200), lambda i: (i, 0)),
            pl.BlockSpec((200, 64), lambda i: (0, 0)),
            pl.BlockSpec((200, 64), lambda i: (0, 0)),
            pl.BlockSpec((4, 64), lambda i: (0, 0)),
            pl.BlockSpec((4, 64, 64), lambda i: (0, 0, 0)),
        ],
        out_specs=pl.BlockSpec((1000, 4), lambda i: (i, 0)),
        out_shape=jax.ShapeDtypeStruct((N, 4), F32),
    )(pa, pb, awa, awb, nb0, nW1)


def _k6_body(src_h, attr_h, u_h, part_h, uv, srcv, attrv, accv):
    wid = _wid()
    lane = _iota16()
    pltpu.sync_copy(u_h, uv)
    ebase = wid * (EP // NW)

    def chunk(kc, acc):
        off = ebase + kc * 2048
        pltpu.sync_copy(src_h.at[pl.ds(off, 2048)], srcv)
        pltpu.sync_copy(attr_h.at[pl.ds(off, 2048)], attrv)

        def body(i, carry):
            acc, comp = carry
            s16 = srcv[pl.ds(i * 16, 16)]
            row16 = i * 16 + lane
            term = jnp.zeros((16,), F32)
            for ii in range(4):
                ui = plsc.load_gather(uv, [s16, jnp.full((16,), ii, I32)])
                ai = plsc.load_gather(attrv,
                                      [row16, jnp.full((16,), 4 + ii, I32)])
                term = term + ui * ai
            y = term - comp
            t = acc + y
            comp = (t - acc) - y
            return (t, comp)

        return lax.fori_loop(0, 128, body, acc)

    acc, comp = lax.fori_loop(
        0, 5, chunk, (jnp.zeros((16,), F32), jnp.zeros((16,), F32)))
    accv[...] = acc - comp
    pltpu.sync_copy(accv, part_h.at[wid])


def _k6(src_p, attr8, u):
    scratch = [
        pltpu.VMEM((N, 4), F32),
        pltpu.VMEM((2048,), I32), pltpu.VMEM((2048, 8), F32),
        pltpu.VMEM((16,), F32),
    ]
    return pl.kernel(_k6_body,
                     out_type=jax.ShapeDtypeStruct((NW, 16), F32),
                     mesh=_mesh(), scratch_types=scratch,
                     compiler_params=_SC_PARAMS)(src_p, attr8, u)


def _k7_body(part, nb1, out):
    out[...] = (jnp.sum(part[...]) / (64.0 * N)
                + jnp.sum(nb1[...]) / 64.0)[None, None]


def _k7(part, nb1):
    return pl.pallas_call(_k7_body,
                          out_shape=jax.ShapeDtypeStruct((1, 1), F32))(part, nb1)


def kernel(atom_type, edge_index, edge_type, bond_anchor, bond_inbound,
           angle_deltas, atom_emb, bond_emb, l_atom_emb, r_atom_emb, orig_emb,
           dest_emb, l_bond_emb, r_bond_emb, anchor_emb, ring_W, ring_b,
           comb_W, comb_b, edge_W0, edge_b0, edge_W1, edge_b1, node_W0,
           node_b0, node_W1, node_b1):
    atom_type = atom_type.astype(I32)
    src = edge_index[0].astype(I32)
    dst = edge_index[1].astype(I32)
    et = edge_type.astype(I32)
    anc = bond_anchor.astype(I32)
    bi0 = bond_inbound[:, 0].astype(I32)
    bi1 = bond_inbound[:, 1].astype(I32)

    epad = EP - E
    src_p = jnp.pad(src, (0, epad))
    dst_p = jnp.pad(dst, (0, epad))
    et_p = jnp.pad(et, (0, epad))
    apad = AP - A
    anc_p = jnp.pad(anc, (0, apad), constant_values=EP)
    bi0_p = jnp.pad(bi0, (0, apad))
    bi1_p = jnp.pad(bi1, (0, apad))
    dlt_p = jnp.pad(angle_deltas, (0, apad))

    tla, tra, tao, td, tb, w8, awa, awb = _k1(
        atom_emb, bond_emb, l_atom_emb, r_atom_emb, orig_emb, dest_emb,
        l_bond_emb, r_bond_emb, anchor_emb, ring_W, ring_b, comb_W, comb_b,
        edge_W0, edge_W1, edge_b0, edge_b1, node_W0)
    asrc, gl, gr, ga = _k2(atom_type, src_p, dst_p, et_p,
                           tla.reshape(-1), tra.reshape(-1), tao.reshape(-1),
                           td.reshape(-1))
    attr8 = _k3(anc_p, bi0_p, bi1_p, dlt_p, gl, gr, ga, et_p,
                tb.reshape(-1), w8.reshape(-1))
    p4 = _k4(dst_p, asrc, attr8)

    def _unpad(p4half):
        return jnp.concatenate(
            [p4half[:125000], p4half[131072:131072 + 125000]]).reshape(N, 200)
    pa = _unpad(p4[:262144])
    pb = _unpad(p4[262144:])
    u = _k5(pa, pb, awa, awb, node_b0, node_W1)
    part = _k6(src_p, attr8, u)
    out = _k7(part, node_b1)
    return out[0, 0]

# --- scband reference (transcript-rebuilt; emitter-appended) ---
"""Pipeline reference for scband-xgcn-6382321402259 (READ-ONLY COPY).

The authoritative reference and input builder live on the scoring server;
editing this copy changes nothing except your own understanding.
"""

import jax, jax.numpy as jnp
import numpy as np

N = 10000
E = 320000
A = 320000

def setup_inputs(seed: int = 0):
    key = jax.random.key(seed)
    ks = jax.random.split(key, 40)
    s = 0.05
    inp = {}
    inp['atom_type'] = jax.random.randint(ks[0], (N,), 0, 100)
    inp['edge_index'] = jax.random.randint(ks[1], (2, E), 0, N)
    inp['edge_type'] = jax.random.randint(ks[2], (E,), 0, 16)
    inp['bond_anchor'] = jax.random.randint(ks[3], (A,), 0, E)
    inp['bond_inbound'] = jax.random.randint(ks[4], (A, 2), 0, E)
    inp['angle_deltas'] = jax.random.normal(ks[5], (A,), dtype=jnp.float32)
    inp['atom_emb'] = jax.random.normal(ks[6], (100, 64), dtype=jnp.float32) * s
    inp['bond_emb'] = jax.random.normal(ks[7], (16, 32), dtype=jnp.float32) * s
    inp['l_atom_emb'] = jax.random.normal(ks[8], (100, 32), dtype=jnp.float32) * s
    inp['r_atom_emb'] = jax.random.normal(ks[9], (100, 32), dtype=jnp.float32) * s
    inp['orig_emb'] = jax.random.normal(ks[10], (100, 32), dtype=jnp.float32) * s
    inp['dest_emb'] = jax.random.normal(ks[11], (100, 32), dtype=jnp.float32) * s
    inp['l_bond_emb'] = jax.random.normal(ks[12], (16, 32), dtype=jnp.float32) * s
    inp['r_bond_emb'] = jax.random.normal(ks[13], (16, 32), dtype=jnp.float32) * s
    inp['anchor_emb'] = jax.random.normal(ks[14], (16, 32), dtype=jnp.float32) * s
    inp['ring_W'] = jax.random.normal(ks[15], (225, 32), dtype=jnp.float32) * s
    inp['ring_b'] = jnp.zeros((32,), dtype=jnp.float32)
    inp['comb_W'] = jax.random.normal(ks[16], (64, 64), dtype=jnp.float32) * s
    inp['comb_b'] = jnp.zeros((64,), dtype=jnp.float32)
    inp['edge_W0'] = jax.random.normal(ks[17], (64, 4), dtype=jnp.float32) * s
    inp['edge_b0'] = jnp.zeros((4,), dtype=jnp.float32)
    inp['edge_W1'] = jax.random.normal(ks[18], (64, 4), dtype=jnp.float32) * s
    inp['edge_b1'] = jnp.zeros((4,), dtype=jnp.float32)
    inp['node_W0'] = jax.random.normal(ks[19], (4, 64, 64), dtype=jnp.float32) * s
    inp['node_b0'] = jnp.zeros((4, 64), dtype=jnp.float32)
    inp['node_W1'] = jax.random.normal(ks[20], (4, 64, 64), dtype=jnp.float32) * s
    inp['node_b1'] = jnp.zeros((4, 64), dtype=jnp.float32)
    return inp

def _forward(atom_type, edge_index, edge_type, bond_anchor, bond_inbound, angle_deltas,
             atom_emb, bond_emb, l_atom_emb, r_atom_emb, orig_emb, dest_emb,
             l_bond_emb, r_bond_emb, anchor_emb, ring_W, ring_b, comb_W, comb_b,
             edge_W0, edge_b0, edge_W1, edge_b1, node_W0, node_b0, node_W1, node_b1):
    src = edge_index[0]
    dst = edge_index[1]
    l_et = edge_type[bond_inbound[:, 0]]
    r_et = edge_type[bond_inbound[:, 1]]
    a_et = edge_type[bond_anchor]
    l_at = atom_type[src[bond_inbound[:, 0]]]
    r_at = atom_type[src[bond_inbound[:, 1]]]
    ao_at = atom_type[src[bond_anchor]]
    ad_at = atom_type[dst[bond_anchor]]
    ring_in = jnp.concatenate([
        l_bond_emb[l_et], r_bond_emb[r_et], anchor_emb[a_et],
        l_atom_emb[l_at], r_atom_emb[r_at], orig_emb[ao_at], dest_emb[ad_at],
        angle_deltas[:, None]], axis=-1)
    ring_out = ring_in @ ring_W + ring_b
    ring_conv = jnp.zeros((edge_type.shape[0], ring_out.shape[1]), ring_out.dtype).at[bond_anchor].add(ring_out)
    combined = jnp.concatenate([bond_emb[edge_type], ring_conv], axis=-1) @ comb_W + comb_b
    h = atom_emb[atom_type]
    layers = [(edge_W0, edge_b0, node_W0, node_b0), (edge_W1, edge_b1, node_W1, node_b1)]
    n_layers = len(layers)
    for li, (eW, eb, nW, nb) in enumerate(layers):
        edge_attr = combined @ eW + eb
        x_j = h[src]
        out = jnp.zeros((h.shape[0], nW.shape[2]), h.dtype)
        for i in range(edge_attr.shape[1]):
            msg = x_j * edge_attr[:, i:i + 1]
            agg = jnp.zeros((h.shape[0], h.shape[1]), h.dtype).at[dst].add(msg)
            out = out + agg @ nW[i] + nb[i]
        h = out
        if li + 1 < n_layers:
            h = jnp.tanh(h)
    return jnp.mean(h)

def reference(atom_type, edge_index, edge_type, bond_anchor, bond_inbound, angle_deltas,
              atom_emb, bond_emb, l_atom_emb, r_atom_emb, orig_emb, dest_emb,
              l_bond_emb, r_bond_emb, anchor_emb, ring_W, ring_b, comb_W, comb_b,
              edge_W0, edge_b0, edge_W1, edge_b1, node_W0, node_b0, node_W1, node_b1):
    return _forward(atom_type, edge_index, edge_type, bond_anchor, bond_inbound, angle_deltas,
                    atom_emb, bond_emb, l_atom_emb, r_atom_emb, orig_emb, dest_emb,
                    l_bond_emb, r_bond_emb, anchor_emb, ring_W, ring_b, comb_W, comb_b,
                    edge_W0, edge_b0, edge_W1, edge_b1, node_W0, node_b0, node_W1, node_b1)

if __name__ == "__main__":
    import jax
    _d = setup_inputs()
    print(jax.jit(kernel)(*tuple(_d.values())))

</pallas_src>

<mosaic_0001>
#map = affine_map<(d0, d1) -> (0)>
#map1 = affine_map<(d0, d1) -> (0, 0)>
module attributes {stable_mosaic.version = 14 : i64} {
  func.func @_k2_body(%arg0: i32, %arg1: i32, %arg2: memref<10000xi32, #tpu.memory_space<hbm>>, %arg3: memref<327680xi32, #tpu.memory_space<hbm>>, %arg4: memref<327680xi32, #tpu.memory_space<hbm>>, %arg5: memref<327680xi32, #tpu.memory_space<hbm>>, %arg6: memref<12800xf32, #tpu.memory_space<hbm>>, %arg7: memref<12800xf32, #tpu.memory_space<hbm>>, %arg8: memref<12800xf32, #tpu.memory_space<hbm>>, %arg9: memref<800xf32, #tpu.memory_space<hbm>>, %arg10: memref<327680xi32, #tpu.memory_space<hbm>>, %arg11: memref<327680x8xf32, #tpu.memory_space<hbm>>, %arg12: memref<327680x8xf32, #tpu.memory_space<hbm>>, %arg13: memref<327680x8xf32, #tpu.memory_space<hbm>>, %arg14: memref<10000xi32, #tpu.memory_space<vmem>>, %arg15: memref<12800xf32, #tpu.memory_space<vmem>>, %arg16: memref<12800xf32, #tpu.memory_space<vmem>>, %arg17: memref<12800xf32, #tpu.memory_space<vmem>>, %arg18: memref<800xf32, #tpu.memory_space<vmem>>, %arg19: memref<1024xi32, #tpu.memory_space<vmem>>, %arg20: memref<1024xi32, #tpu.memory_space<vmem>>, %arg21: memref<1024xi32, #tpu.memory_space<vmem>>, %arg22: memref<1024xi32, #tpu.memory_space<vmem>>, %arg23: memref<1024xi32, #tpu.memory_space<vmem>>, %arg24: memref<1024xi32, #tpu.memory_space<vmem>>, %arg25: memref<1024x8xf32, #tpu.memory_space<vmem>>, %arg26: memref<1024x8xf32, #tpu.memory_space<vmem>>, %arg27: memref<1024x8xf32, #tpu.memory_space<vmem>>) attributes {dimension_semantics = [#tpu.dimension_semantics<core_parallel>, #tpu.dimension_semantics<subcore_parallel>], iteration_bounds = array<i64: 2, 16>, scalar_prefetch = 0 : i64, scratch_operands = 14 : i64, tpu.core_type = #tpu.core_type<sc_vector_subcore>, window_params = [{transform_indices = #map}, {transform_indices = #map}, {transform_indices = #map}, {transform_indices = #map}, {transform_indices = #map}, {transform_indices = #map}, {transform_indices = #map}, {transform_indices = #map}, {transform_indices = #map}, {transform_indices = #map1}, {transform_indices = #map1}, {transform_indices = #map1}]} {
    %mul3A = arith.constant 2 : i32
    %mul3A_0 = arith.muli %arg1, %mul3A : i32
    %add3A = arith.addi %mul3A_0, %arg0 : i32
    %mul3A_1 = arith.constant 10240 : i32
    %mul3A_2 = arith.muli %add3A, %mul3A_1 : i32
    %iota3A = tpu.iota {dimensions = array<i32: 0>} : vector<16xi32>
    "tpu.region"() ({
      %run_scoped3A = tpu.sem_alloc : memref<!tpu.dma_semaphore, #tpu.memory_space<semaphore_mem>>
      tpu.enqueue_dma source(%arg2 : memref<10000xi32, #tpu.memory_space<hbm>>) target(%arg14 : memref<10000xi32, #tpu.memory_space<vmem>>) target_semaphore(%run_scoped3A : memref<!tpu.dma_semaphore, #tpu.memory_space<semaphore_mem>>)
      tpu.wait_dma2 semaphore(%run_scoped3A : memref<!tpu.dma_semaphore, #tpu.memory_space<semaphore_mem>>) src(%arg2 : memref<10000xi32, #tpu.memory_space<hbm>>) dst(%arg14 : memref<10000xi32, #tpu.memory_space<vmem>>)
      tpu.yield
    }) : () -> ()
    "tpu.region"() ({
      %run_scoped3A = tpu.sem_alloc : memref<!tpu.dma_semaphore, #tpu.memory_space<semaphore_mem>>
      tpu.enqueue_dma source(%arg6 : memref<12800xf32, #tpu.memory_space<hbm>>) target(%arg15 : memref<12800xf32, #tpu.memory_space<vmem>>) target_semaphore(%run_scoped3A : memref<!tpu.dma_semaphore, #tpu.memory_space<semaphore_mem>>)
      tpu.wait_dma2 semaphore(%run_scoped3A : memref<!tpu.dma_semaphore, #tpu.memory_space<semaphore_mem>>) src(%arg6 : memref<12800xf32, #tpu.memory_space<hbm>>) dst(%arg15 : memref<12800xf32, #tpu.memory_space<vmem>>)
      tpu.yield
    }) : () -> ()
    "tpu.region"() ({
      %run_scoped3A = tpu.sem_alloc : memref<!tpu.dma_semaphore, #tpu.memory_space<semaphore_mem>>
      tpu.enqueue_dma source(%arg7 : memref<12800xf32, #tpu.memory_space<hbm>>) target(%arg16 : memref<12800xf32, #tpu.memory_space<vmem>>) target_semaphore(%run_scoped3A : memref<!tpu.dma_semaphore, #tpu.memory_space<semaphore_mem>>)
      tpu.wait_dma2 semaphore(%run_scoped3A : memref<!tpu.dma_semaphore, #tpu.memory_space<semaphore_mem>>) src(%arg7 : memref<12800xf32, #tpu.memory_space<hbm>>) dst(%arg16 : memref<12800xf32, #tpu.memory_space<vmem>>)
      tpu.yield
    }) : () -> ()
    "tpu.region"() ({
      %run_scoped3A = tpu.sem_alloc : memref<!tpu.dma_semaphore, #tpu.memory_space<semaphore_mem>>
      tpu.enqueue_dma source(%arg8 : memref<12800xf32, #tpu.memory_space<hbm>>) target(%arg17 : memref<12800xf32, #tpu.memory_space<vmem>>) target_semaphore(%run_scoped3A : memref<!tpu.dma_semaphore, #tpu.memory_space<semaphore_mem>>)
      tpu.wait_dma2 semaphore(%run_scoped3A : memref<!tpu.dma_semaphore, #tpu.memory_space<semaphore_mem>>) src(%arg8 : memref<12800xf32, #tpu.memory_space<hbm>>) dst(%arg17 : memref<12800xf32, #tpu.memory_space<vmem>>)
      tpu.yield
    }) : () -> ()
    "tpu.region"() ({
      %run_scoped3A = tpu.sem_alloc : memref<!tpu.dma_semaphore, #tpu.memory_space<semaphore_mem>>
      tpu.enqueue_dma source(%arg9 : memref<800xf32, #tpu.memory_space<hbm>>) target(%arg18 : memref<800xf32, #tpu.memory_space<vmem>>) target_semaphore(%run_scoped3A : memref<!tpu.dma_semaphore, #tpu.memory_space<semaphore_mem>>)
      tpu.wait_dma2 semaphore(%run_scoped3A : memref<!tpu.dma_semaphore, #tpu.memory_space<semaphore_mem>>) src(%arg9 : memref<800xf32, #tpu.memory_space<hbm>>) dst(%arg18 : memref<800xf32, #tpu.memory_space<vmem>>)
      tpu.yield
    }) : () -> ()
    %scan3A = arith.constant 0 : i32
    %scan3A_3 = arith.constant 0 : i32
    %scan3A_4 = arith.constant 10 : i32
    %scan3A_5 = arith.addi %scan3A_3, %scan3A_4 : i32
    %scan3A_6 = arith.constant 1 : i32
    %scan3A_7 = scf.for %scan3A_9 = %scan3A_3 to %scan3A_5 step %scan3A_6 iter_args(%scan3A_10 = %scan3A) -> (i32)  : i32 {
      %mul3A_11 = arith.constant 1024 : i32
      %mul3A_12 = arith.muli %scan3A_9, %mul3A_11 : i32
      %add3A_13 = arith.addi %mul3A_2, %mul3A_12 : i32
      "tpu.region"() ({
        %run_scoped3A = tpu.sem_alloc : memref<!tpu.dma_semaphore, #tpu.memory_space<semaphore_mem>>
        %dma_start3A = tpu.memref_slice %arg3[%add3A_13] : memref<327680xi32, #tpu.memory_space<hbm>> -> memref<1024xi32, #tpu.memory_space<hbm>>
        %dma_start3A_29 = tpu.memref_slice %arg3[%add3A_13] : memref<327680xi32, #tpu.memory_space<hbm>> -> memref<1024xi32, #tpu.memory_space<hbm>>
        tpu.enqueue_dma source(%dma_start3A_29 : memref<1024xi32, #tpu.memory_space<hbm>>) target(%arg19 : memref<1024xi32, #tpu.memory_space<vmem>>) target_semaphore(%run_scoped3A : memref<!tpu.dma_semaphore, #tpu.memory_space<semaphore_mem>>)
        %dma_wait3A = tpu.memref_slice %arg3[%add3A_13] : memref<327680xi32, #tpu.memory_space<hbm>> -> memref<1024xi32, #tpu.memory_space<hbm>>
        %dma_wait3A_30 = tpu.memref_slice %arg3[%add3A_13] : memref<327680xi32, #tpu.memory_space<hbm>> -> memref<1024xi32, #tpu.memory_space<hbm>>
        tpu.wait_dma2 semaphore(%run_scoped3A : memref<!tpu.dma_semaphore, #tpu.memory_space<semaphore_mem>>) src(%dma_wait3A_30 : memref<1024xi32, #tpu.memory_space<hbm>>) dst(%arg19 : memref<1024xi32, #tpu.memory_space<vmem>>)
        tpu.yield
      }) : () -> ()
      "tpu.region"() ({
        %run_scoped3A = tpu.sem_alloc : memref<!tpu.dma_semaphore, #tpu.memory_space<semaphore_mem>>
        %dma_start3A = tpu.memref_slice %arg4[%add3A_13] : memref<327680xi32, #tpu.memory_space<hbm>> -> memref<1024xi32, #tpu.memory_space<hbm>>
        %dma_start3A_29 = tpu.memref_slice %arg4[%add3A_13] : memref<327680xi32, #tpu.memory_space<hbm>> -> memref<1024xi32, #tpu.memory_space<hbm>>
        tpu.enqueue_dma source(%dma_start3A_29 : memref<1024xi32, #tpu.memory_space<hbm>>) target(%arg20 : memref<1024xi32, #tpu.memory_space<vmem>>) target_semaphore(%run_scoped3A : memref<!tpu.dma_semaphore, #tpu.memory_space<semaphore_mem>>)
        %dma_wait3A = tpu.memref_slice %arg4[%add3A_13] : memref<327680xi32, #tpu.memory_space<hbm>> -> memref<1024xi32, #tpu.memory_space<hbm>>
        %dma_wait3A_30 = tpu.memref_slice %arg4[%add3A_13] : memref<327680xi32, #tpu.memory_space<hbm>> -> memref<1024xi32, #tpu.memory_space<hbm>>
        tpu.wait_dma2 semaphore(%run_scoped3A : memref<!tpu.dma_semaphore, #tpu.memory_space<semaphore_mem>>) src(%dma_wait3A_30 : memref<1024xi32, #tpu.memory_space<hbm>>) dst(%arg20 : memref<1024xi32, #tpu.memory_space<vmem>>)
        tpu.yield
      }) : () -> ()
      "tpu.region"() ({
        %run_scoped3A = tpu.sem_alloc : memref<!tpu.dma_semaphore, #tpu.memory_space<semaphore_mem>>
        %dma_start3A = tpu.memref_slice %arg5[%add3A_13] : memref<327680xi32, #tpu.memory_space<hbm>> -> memref<1024xi32, #tpu.memory_space<hbm>>
        %dma_start3A_29 = tpu.memref_slice %arg5[%add3A_13] : memref<327680xi32, #tpu.memory_space<hbm>> -> memref<1024xi32, #tpu.memory_space<hbm>>
        tpu.enqueue_dma source(%dma_start3A_29 : memref<1024xi32, #tpu.memory_space<hbm>>) target(%arg21 : memref<1024xi32, #tpu.memory_space<vmem>>) target_semaphore(%run_scoped3A : memref<!tpu.dma_semaphore, #tpu.memory_space<semaphore_mem>>)
        %dma_wait3A = tpu.memref_slice %arg5[%add3A_13] : memref<327680xi32, #tpu.memory_space<hbm>> -> memref<1024xi32, #tpu.memory_space<hbm>>
        %dma_wait3A_30 = tpu.memref_slice %arg5[%add3A_13] : memref<327680xi32, #tpu.memory_space<hbm>> -> memref<1024xi32, #tpu.memory_space<hbm>>
        tpu.wait_dma2 semaphore(%run_scoped3A : memref<!tpu.dma_semaphore, #tpu.memory_space<semaphore_mem>>) src(%dma_wait3A_30 : memref<1024xi32, #tpu.memory_space<hbm>>) dst(%arg21 : memref<1024xi32, #tpu.memory_space<vmem>>)
        tpu.yield
      }) : () -> ()
      %scan3A_14 = arith.constant 0 : i32
      %scan3A_15 = arith.constant 0 : i32
      %scan3A_16 = arith.constant 64 : i32
      %scan3A_17 = arith.addi %scan3A_15, %scan3A_16 : i32
      %scan3A_18 = arith.constant 1 : i32
      %scan3A_19 = scf.for %scan3A_29 = %scan3A_15 to %scan3A_17 step %scan3A_18 iter_args(%scan3A_30 = %scan3A_14) -> (i32)  : i32 {
        %mul3A_31 = arith.constant 16 : i32
        %mul3A_32 = arith.muli %scan3A_29, %mul3A_31 : i32
        %get3A = arith.index_cast %mul3A_32 : i32 to index
        %get3A_33 = tpu.vector_load %arg19[%get3A] {strides = array<i32>} : memref<1024xi32, #tpu.memory_space<vmem>>, vector<16xi32>,
        %gather3A = tpu.vector_load_idx %arg14[%get3A_33] : memref<10000xi32, #tpu.memory_space<vmem>>[vector<16xi32>], vector<16xi32>,
        %get3A_34 = arith.index_cast %mul3A_32 : i32 to index
        %get3A_35 = tpu.vector_load %arg20[%get3A_34] {strides = array<i32>} : memref<1024xi32, #tpu.memory_space<vmem>>, vector<16xi32>,
        %gather3A_36 = tpu.vector_load_idx %arg14[%get3A_35] : memref<10000xi32, #tpu.memory_space<vmem>>[vector<16xi32>], vector<16xi32>,
        %swap3A = arith.index_cast %mul3A_32 : i32 to index
        %swap3A_37 = tpu.vector_load %arg22[%swap3A] {strides = array<i32>} : memref<1024xi32, #tpu.memory_space<vmem>>, vector<16xi32>,
        tpu.vector_store %arg22[%swap3A], %gather3A {strides = array<i32>} : memref<1024xi32, #tpu.memory_space<vmem>>, vector<16xi32>,
        %get3A_38 = arith.index_cast %mul3A_32 : i32 to index
        %get3A_39 = tpu.vector_load %arg21[%get3A_38] {strides = array<i32>} : memref<1024xi32, #tpu.memory_space<vmem>>, vector<16xi32>,
        %mul3A_40 = arith.constant 100 : i32
        %mul3A_41 = vector.broadcast %mul3A_40 : i32 to vector<16xi32>
        %mul3A_42 = arith.muli %get3A_39, %mul3A_41 : vector<16xi32>
        %add3A_43 = arith.addi %mul3A_42, %gather3A : vector<16xi32>
        %swap3A_44 = arith.index_cast %mul3A_32 : i32 to index
        %swap3A_45 = tpu.vector_load %arg23[%swap3A_44] {strides = array<i32>} : memref<1024xi32, #tpu.memory_space<vmem>>, vector<16xi32>,
        tpu.vector_store %arg23[%swap3A_44], %add3A_43 {strides = array<i32>} : memref<1024xi32, #tpu.memory_space<vmem>>, vector<16xi32>,
        %swap3A_46 = arith.index_cast %mul3A_32 : i32 to index
        %swap3A_47 = tpu.vector_load %arg24[%swap3A_46] {strides = array<i32>} : memref<1024xi32, #tpu.memory_space<vmem>>, vector<16xi32>,
        tpu.vector_store %arg24[%swap3A_46], %gather3A_36 {strides = array<i32>} : memref<1024xi32, #tpu.memory_space<vmem>>, vector<16xi32>,
        %scan3A_48 = arith.constant 0 : i32
        scf.yield %scan3A_48 : i32
      }
      %scan3A_20 = arith.constant 64 : i32
      %scan3A_21 = arith.constant 0 : i32
      %scan3A_22 = arith.constant 0 : i32
      %scan3A_23 = arith.constant 512 : i32
      %scan3A_24 = arith.addi %scan3A_22, %scan3A_23 : i32
      %scan3A_25 = arith.constant 1 : i32
      %scan3A_26 = scf.for %scan3A_29 = %scan3A_22 to %scan3A_24 step %scan3A_25 iter_args(%scan3A_30 = %scan3A_21) -> (i32)  : i32 {
        %mul3A_31 = arith.constant 2 : i32
        %mul3A_32 = arith.muli %mul3A_31, %scan3A_29 : i32
        %jit3A = arith.constant 8 : i32
        %div3A = vector.broadcast %jit3A : i32 to vector<16xi32>
        %div3A_33 = arith.divsi %iota3A, %div3A : vector<16xi32>
        %sign3A = arith.constant 0 : i32
        %sign3A_34 = vector.broadcast %sign3A : i32 to vector<16xi32>
        %sign3A_35 = arith.cmpi sgt, %iota3A, %sign3A_34 : vector<16xi32>
        %sign3A_36 = arith.extui %sign3A_35 : vector<16xi1> to vector<16xi32>
        %sign3A_37 = arith.constant 0 : i32
        %sign3A_38 = vector.broadcast %sign3A_37 : i32 to vector<16xi32>
        %sign3A_39 = arith.cmpi slt, %iota3A, %sign3A_38 : vector<16xi32>
        %sign3A_40 = arith.extui %sign3A_39 : vector<16xi1> to vector<16xi32>
        %sign3A_41 = arith.subi %sign3A_36, %sign3A_40 : vector<16xi32>
        %sign3A_42 = arith.constant 0 : i32
        %sign3A_43 = arith.cmpi sgt, %jit3A, %sign3A_42 : i32
        %sign3A_44 = arith.extui %sign3A_43 : i1 to i32
        %sign3A_45 = arith.constant 0 : i32
        %sign3A_46 = arith.cmpi slt, %jit3A, %sign3A_45 : i32
        %sign3A_47 = arith.extui %sign3A_46 : i1 to i32
        %sign3A_48 = arith.subi %sign3A_44, %sign3A_47 : i32
        %ne3A = vector.broadcast %sign3A_48 : i32 to vector<16xi32>
        %ne3A_49 = arith.cmpi ne, %sign3A_41, %ne3A : vector<16xi32>
        %rem3A = vector.broadcast %jit3A : i32 to vector<16xi32>
        %rem3A_50 = arith.remsi %iota3A, %rem3A : vector<16xi32>
        %ne3A_51 = arith.constant 0 : i32
        %ne3A_52 = vector.broadcast %ne3A_51 : i32 to vector<16xi32>
        %ne3A_53 = arith.cmpi ne, %rem3A_50, %ne3A_52 : vector<16xi32>
        %and3A = arith.andi %ne3A_49, %ne3A_53 : vector<16xi1>
        %sub3A = arith.constant 1 : i32
        %sub3A_54 = vector.broadcast %sub3A : i32 to vector<16xi32>
        %sub3A_55 = arith.subi %div3A_33, %sub3A_54 : vector<16xi32>
        %select_n3A = arith.select %and3A, %sub3A_55, %div3A_33 : vector<16xi1>, vector<16xi32>
        %add3A_56 = vector.broadcast %mul3A_32 : i32 to vector<16xi32>
        %add3A_57 = arith.addi %add3A_56, %select_n3A : vector<16xi32>
        %jit3A_58 = arith.constant 8 : i32
        %eq3A = arith.constant 0 : i32
        %eq3A_59 = arith.cmpi eq, %jit3A_58, %eq3A : i32
        %jit3A_60 = arith.constant 1 : i32
        %select_n3A_61 = arith.select %eq3A_59, %jit3A_60, %jit3A_58 : i32
        %rem3A_62 = vector.broadcast %select_n3A_61 : i32 to vector<16xi32>
        %rem3A_63 = arith.remsi %iota3A, %rem3A_62 : vector<16xi32>
        %ne3A_64 = arith.constant 0 : i32
        %ne3A_65 = vector.broadcast %ne3A_64 : i32 to vector<16xi32>
        %ne3A_66 = arith.cmpi ne, %rem3A_63, %ne3A_65 : vector<16xi32>
        %lt3A = arith.constant 0 : i32
        %lt3A_67 = vector.broadcast %lt3A : i32 to vector<16xi32>
        %lt3A_68 = arith.cmpi slt, %rem3A_63, %lt3A_67 : vector<16xi32>
        %lt3A_69 = arith.constant 0 : i32
        %lt3A_70 = arith.cmpi slt, %select_n3A_61, %lt3A_69 : i32
        %ne3A_71 = vector.broadcast %lt3A_70 : i1 to vector<16xi1>
        %ne3A_72 = vector.broadcast %ne3A_71 : vector<16xi1> to vector<16xi1>
        %ne3A_73 = arith.xori %lt3A_68, %ne3A_72 : vector<16xi1>
        %and3A_74 = arith.andi %ne3A_73, %ne3A_66 : vector<16xi1>
        %add3A_75 = vector.broadcast %select_n3A_61 : i32 to vector<16xi32>
        %add3A_76 = arith.addi %rem3A_63, %add3A_75 : vector<16xi32>
        %select_n3A_77 = arith.select %and3A_74, %add3A_76, %rem3A_63 : vector<16xi1>, vector<16xi32>
        %gather3A = tpu.vector_load_idx %arg23[%add3A_57] : memref<1024xi32, #tpu.memory_space<vmem>>[vector<16xi32>], vector<16xi32>,
        %mul3A_78 = arith.constant 8 : i32
        %mul3A_79 = vector.broadcast %mul3A_78 : i32 to vector<16xi32>
        %mul3A_80 = arith.muli %gather3A, %mul3A_79 : vector<16xi32>
        %add3A_81 = arith.addi %mul3A_80, %select_n3A_77 : vector<16xi32>
        %gather3A_82 = tpu.vector_load_idx %arg24[%add3A_57] : memref<1024xi32, #tpu.memory_space<vmem>>[vector<16xi32>], vector<16xi32>,
        %mul3A_83 = arith.constant 8 : i32
        %mul3A_84 = vector.broadcast %mul3A_83 : i32 to vector<16xi32>
        %mul3A_85 = arith.muli %gather3A_82, %mul3A_84 : vector<16xi32>
        %add3A_86 = arith.addi %mul3A_85, %select_n3A_77 : vector<16xi32>
        %gather3A_87 = tpu.vector_load_idx %arg15[%add3A_81] : memref<12800xf32, #tpu.memory_space<vmem>>[vector<16xi32>], vector<16xf32>,
        tpu.vector_store_idx %arg25[%add3A_57, %select_n3A_77], %gather3A_87 : memref<1024x8xf32, #tpu.memory_space<vmem>>[vector<16xi32>, vector<16xi32>], vector<16xf32>,
        %gather3A_88 = tpu.vector_load_idx %arg16[%add3A_81] : memref<12800xf32, #tpu.memory_space<vmem>>[vector<16xi32>], vector<16xf32>,
        tpu.vector_store_idx %arg26[%add3A_57, %select_n3A_77], %gather3A_88 : memref<1024x8xf32, #tpu.memory_space<vmem>>[vector<16xi32>, vector<16xi32>], vector<16xf32>,
        %gather3A_89 = tpu.vector_load_idx %arg17[%add3A_81] : memref<12800xf32, #tpu.memory_space<vmem>>[vector<16xi32>], vector<16xf32>,
        %gather3A_90 = tpu.vector_load_idx %arg18[%add3A_86] : memref<800xf32, #tpu.memory_space<vmem>>[vector<16xi32>], vector<16xf32>,
        %add3A_91 = arith.addf %gather3A_89, %gather3A_90 : vector<16xf32>
        tpu.vector_store_idx %arg27[%add3A_57, %select_n3A_77], %add3A_91 : memref<1024x8xf32, #tpu.memory_space<vmem>>[vector<16xi32>, vector<16xi32>], vector<16xf32>,
        %scan3A_92 = arith.constant 0 : i32
        scf.yield %scan3A_92 : i32
      }
      %scan3A_27 = arith.constant 512 : i32
      "tpu.region"() ({
        %run_scoped3A = tpu.sem_alloc : memref<!tpu.dma_semaphore, #tpu.memory_space<semaphore_mem>>
        %dma_start3A = tpu.memref_slice %arg10[%add3A_13] : memref<327680xi32, #tpu.memory_space<hbm>> -> memref<1024xi32, #tpu.memory_space<hbm>>
        %dma_start3A_29 = tpu.memref_slice %arg10[%add3A_13] : memref<327680xi32, #tpu.memory_space<hbm>> -> memref<1024xi32, #tpu.memory_space<hbm>>
        tpu.enqueue_dma source(%arg22 : memref<1024xi32, #tpu.memory_space<vmem>>) target(%dma_start3A_29 : memref<1024xi32, #tpu.memory_space<hbm>>) target_semaphore(%run_scoped3A : memref<!tpu.dma_semaphore, #tpu.memory_space<semaphore_mem>>)
        %dma_wait3A = tpu.memref_slice %arg10[%add3A_13] : memref<327680xi32, #tpu.memory_space<hbm>> -> memref<1024xi32, #tpu.memory_space<hbm>>
        %dma_wait3A_30 = tpu.memref_slice %arg10[%add3A_13] : memref<327680xi32, #tpu.memory_space<hbm>> -> memref<1024xi32, #tpu.memory_space<hbm>>
        tpu.wait_dma2 semaphore(%run_scoped3A : memref<!tpu.dma_semaphore, #tpu.memory_space<semaphore_mem>>) src(%arg22 : memref<1024xi32, #tpu.memory_space<vmem>>) dst(%dma_wait3A_30 : memref<1024xi32, #tpu.memory_space<hbm>>)
        tpu.yield
      }) : () -> ()
      "tpu.region"() ({
        %run_scoped3A = tpu.sem_alloc : memref<!tpu.dma_semaphore, #tpu.memory_space<semaphore_mem>>
        %dma_start3A = arith.constant 0 : i32
        %dma_start3A_29 = tpu.memref_slice %arg11[%add3A_13, %dma_start3A] : memref<327680x8xf32, #tpu.memory_space<hbm>> -> memref<1024x8xf32, #tpu.memory_space<hbm>>
        %dma_start3A_30 = arith.constant 0 : i32
        %dma_start3A_31 = tpu.memref_slice %arg11[%add3A_13, %dma_start3A_30] : memref<327680x8xf32, #tpu.memory_space<hbm>> -> memref<1024x8xf32, #tpu.memory_space<hbm>>
        tpu.enqueue_dma source(%arg25 : memref<1024x8xf32, #tpu.memory_space<vmem>>) target(%dma_start3A_31 : memref<1024x8xf32, #tpu.memory_space<hbm>>) target_semaphore(%run_scoped3A : memref<!tpu.dma_semaphore, #tpu.memory_space<semaphore_mem>>)
        %dma_wait3A = arith.constant 0 : i32
        %dma_wait3A_32 = tpu.memref_slice %arg11[%add3A_13, %dma_wait3A] : memref<327680x8xf32, #tpu.memory_space<hbm>> -> memref<1024x8xf32, #tpu.memory_space<hbm>>
        %dma_wait3A_33 = arith.constant 0 : i32
        %dma_wait3A_34 = tpu.memref_slice %arg11[%add3A_13, %dma_wait3A_33] : memref<327680x8xf32, #tpu.memory_space<hbm>> -> memref<1024x8xf32, #tpu.memory_space<hbm>>
        tpu.wait_dma2 semaphore(%run_scoped3A : memref<!tpu.dma_semaphore, #tpu.memory_space<semaphore_mem>>) src(%arg25 : memref<1024x8xf32, #tpu.memory_space<vmem>>) dst(%dma_wait3A_34 : memref<1024x8xf32, #tpu.memory_space<hbm>>)
        tpu.yield
      }) : () -> ()
      "tpu.region"() ({
        %run_scoped3A = tpu.sem_alloc : memref<!tpu.dma_semaphore, #tpu.memory_space<semaphore_mem>>
        %dma_start3A = arith.constant 0 : i32
        %dma_start3A_29 = tpu.memref_slice %arg12[%add3A_13, %dma_start3A] : memref<327680x8xf32, #tpu.memory_space<hbm>> -> memref<1024x8xf32, #tpu.memory_space<hbm>>
        %dma_start3A_30 = arith.constant 0 : i32
        %dma_start3A_31 = tpu.memref_slice %arg12[%add3A_13, %dma_start3A_30] : memref<327680x8xf32, #tpu.memory_space<hbm>> -> memref<1024x8xf32, #tpu.memory_space<hbm>>
        tpu.enqueue_dma source(%arg26 : memref<1024x8xf32, #tpu.memory_space<vmem>>) target(%dma_start3A_31 : memref<1024x8xf32, #tpu.memory_space<hbm>>) target_semaphore(%run_scoped3A : memref<!tpu.dma_semaphore, #tpu.memory_space<semaphore_mem>>)
        %dma_wait3A = arith.constant 0 : i32
        %dma_wait3A_32 = tpu.memref_slice %arg12[%add3A_13, %dma_wait3A] : memref<327680x8xf32, #tpu.memory_space<hbm>> -> memref<1024x8xf32, #tpu.memory_space<hbm>>
        %dma_wait3A_33 = arith.constant 0 : i32
        %dma_wait3A_34 = tpu.memref_slice %arg12[%add3A_13, %dma_wait3A_33] : memref<327680x8xf32, #tpu.memory_space<hbm>> -> memref<1024x8xf32, #tpu.memory_space<hbm>>
        tpu.wait_dma2 semaphore(%run_scoped3A : memref<!tpu.dma_semaphore, #tpu.memory_space<semaphore_mem>>) src(%arg26 : memref<1024x8xf32, #tpu.memory_space<vmem>>) dst(%dma_wait3A_34 : memref<1024x8xf32, #tpu.memory_space<hbm>>)
        tpu.yield
      }) : () -> ()
      "tpu.region"() ({
        %run_scoped3A = tpu.sem_alloc : memref<!tpu.dma_semaphore, #tpu.memory_space<semaphore_mem>>
        %dma_start3A = arith.constant 0 : i32
        %dma_start3A_29 = tpu.memref_slice %arg13[%add3A_13, %dma_start3A] : memref<327680x8xf32, #tpu.memory_space<hbm>> -> memref<1024x8xf32, #tpu.memory_space<hbm>>
        %dma_start3A_30 = arith.constant 0 : i32
        %dma_start3A_31 = tpu.memref_slice %arg13[%add3A_13, %dma_start3A_30] : memref<327680x8xf32, #tpu.memory_space<hbm>> -> memref<1024x8xf32, #tpu.memory_space<hbm>>
        tpu.enqueue_dma source(%arg27 : memref<1024x8xf32, #tpu.memory_space<vmem>>) target(%dma_start3A_31 : memref<1024x8xf32, #tpu.memory_space<hbm>>) target_semaphore(%run_scoped3A : memref<!tpu.dma_semaphore, #tpu.memory_space<semaphore_mem>>)
        %dma_wait3A = arith.constant 0 : i32
        %dma_wait3A_32 = tpu.memref_slice %arg13[%add3A_13, %dma_wait3A] : memref<327680x8xf32, #tpu.memory_space<hbm>> -> memref<1024x8xf32, #tpu.memory_space<hbm>>
        %dma_wait3A_33 = arith.constant 0 : i32
        %dma_wait3A_34 = tpu.memref_slice %arg13[%add3A_13, %dma_wait3A_33] : memref<327680x8xf32, #tpu.memory_space<hbm>> -> memref<1024x8xf32, #tpu.memory_space<hbm>>
        tpu.wait_dma2 semaphore(%run_scoped3A : memref<!tpu.dma_semaphore, #tpu.memory_space<semaphore_mem>>) src(%arg27 : memref<1024x8xf32, #tpu.memory_space<vmem>>) dst(%dma_wait3A_34 : memref<1024x8xf32, #tpu.memory_space<hbm>>)
        tpu.yield
      }) : () -> ()
      %scan3A_28 = arith.constant 0 : i32
      scf.yield %scan3A_28 : i32
    }
    %scan3A_8 = arith.constant 10 : i32
    return
  }
}

#map = affine_map<(d0, d1) -> (0)>
#map1 = affine_map<(d0, d1) -> (0, 0)>
module attributes {stable_mosaic.version = 14 : i64} {
  func.func @_k4_body(%arg0: i32, %arg1: i32, %arg2: memref<327680xi32, #tpu.memory_space<hbm>>, %arg3: memref<327680xi32, #tpu.memory_space<hbm>>, %arg4: memref<327680x8xf32, #tpu.memory_space<hbm>>, %arg5: memref<524288x8xf32, #tpu.memory_space<hbm>>, %arg6: memref<131072x8xf32, #tpu.memory_space<vmem_shared>>, %arg7: memref<2048xi32, #tpu.memory_space<vmem>>, %arg8: memref<2048xi32, #tpu.memory_space<vmem>>, %arg9: memref<2048x8xf32, #tpu.memory_space<vmem>>, %arg10: memref<128x8xf32, #tpu.memory_space<vmem>>, %arg11: memref<128xi32, #tpu.memory_space<vmem>>, %arg12: memref<128x8xf32, #tpu.memory_space<vmem>>, %arg13: memref<128xi32, #tpu.memory_space<vmem>>, %arg14: memref<2048x8xf32, #tpu.memory_space<vmem>>, %arg15: memref<!tpu.dma_semaphore, #tpu.memory_space<semaphore_mem>>) attributes {dimension_semantics = [#tpu.dimension_semantics<core_parallel>, #tpu.dimension_semantics<subcore_parallel>], iteration_bounds = array<i64: 2, 16>, scalar_prefetch = 0 : i64, scratch_operands = 10 : i64, tpu.core_type = #tpu.core_type<sc_vector_subcore>, window_params = [{transform_indices = #map}, {transform_indices = #map}, {transform_indices = #map1}, {transform_indices = #map1}]} {
    %iota3A = tpu.iota {dimensions = array<i32: 0>} : vector<16xi32>
    %mul3A = arith.constant 5000 : i32
    %mul3A_0 = arith.muli %arg0, %mul3A : i32
    %broadcast_in_dim3A = arith.constant 0.000000e+00 : f32
    %broadcast_in_dim3A_1 = vector.broadcast %broadcast_in_dim3A : f32 to vector<16xf32>
    %iota3A_2 = tpu.iota {dimensions = array<i32: 0>} : vector<16xi32>
    %scan3A = arith.constant 0 : i32
    %scan3A_3 = arith.constant 0 : i32
    %scan3A_4 = arith.constant 1024 : i32
    %scan3A_5 = arith.addi %scan3A_3, %scan3A_4 : i32
    %scan3A_6 = arith.constant 1 : i32
    %scan3A_7 = scf.for %scan3A_73 = %scan3A_3 to %scan3A_5 step %scan3A_6 iter_args(%scan3A_74 = %scan3A) -> (i32)  : i32 {
      %mul3A_75 = arith.constant 16 : i32
      %mul3A_76 = arith.muli %scan3A_73, %mul3A_75 : i32
      %add3A = vector.broadcast %mul3A_76 : i32 to vector<16xi32>
      %add3A_77 = arith.addi %add3A, %iota3A_2 : vector<16xi32>
      %jit3A = arith.constant 8 : i32
      %div3A = vector.broadcast %jit3A : i32 to vector<16xi32>
      %div3A_78 = arith.divsi %add3A_77, %div3A : vector<16xi32>
      %sign3A = arith.constant 0 : i32
      %sign3A_79 = vector.broadcast %sign3A : i32 to vector<16xi32>
      %sign3A_80 = arith.cmpi sgt, %add3A_77, %sign3A_79 : vector<16xi32>
      %sign3A_81 = arith.extui %sign3A_80 : vector<16xi1> to vector<16xi32>
      %sign3A_82 = arith.constant 0 : i32
      %sign3A_83 = vector.broadcast %sign3A_82 : i32 to vector<16xi32>
      %sign3A_84 = arith.cmpi slt, %add3A_77, %sign3A_83 : vector<16xi32>
      %sign3A_85 = arith.extui %sign3A_84 : vector<16xi1> to vector<16xi32>
      %sign3A_86 = arith.subi %sign3A_81, %sign3A_85 : vector<16xi32>
      %sign3A_87 = arith.constant 0 : i32
      %sign3A_88 = arith.cmpi sgt, %jit3A, %sign3A_87 : i32
      %sign3A_89 = arith.extui %sign3A_88 : i1 to i32
      %sign3A_90 = arith.constant 0 : i32
      %sign3A_91 = arith.cmpi slt, %jit3A, %sign3A_90 : i32
      %sign3A_92 = arith.extui %sign3A_91 : i1 to i32
      %sign3A_93 = arith.subi %sign3A_89, %sign3A_92 : i32
      %ne3A = vector.broadcast %sign3A_93 : i32 to vector<16xi32>
      %ne3A_94 = arith.cmpi ne, %sign3A_86, %ne3A : vector<16xi32>
      %rem3A = vector.broadcast %jit3A : i32 to vector<16xi32>
      %rem3A_95 = arith.remsi %add3A_77, %rem3A : vector<16xi32>
      %ne3A_96 = arith.constant 0 : i32
      %ne3A_97 = vector.broadcast %ne3A_96 : i32 to vector<16xi32>
      %ne3A_98 = arith.cmpi ne, %rem3A_95, %ne3A_97 : vector<16xi32>
      %and3A = arith.andi %ne3A_94, %ne3A_98 : vector<16xi1>
      %sub3A = arith.constant 1 : i32
      %sub3A_99 = vector.broadcast %sub3A : i32 to vector<16xi32>
      %sub3A_100 = arith.subi %div3A_78, %sub3A_99 : vector<16xi32>
      %select_n3A = arith.select %and3A, %sub3A_100, %div3A_78 : vector<16xi1>, vector<16xi32>
      %jit3A_101 = arith.constant 8 : i32
      %eq3A = arith.constant 0 : i32
      %eq3A_102 = arith.cmpi eq, %jit3A_101, %eq3A : i32
      %jit3A_103 = arith.constant 1 : i32
      %select_n3A_104 = arith.select %eq3A_102, %jit3A_103, %jit3A_101 : i32
      %rem3A_105 = vector.broadcast %select_n3A_104 : i32 to vector<16xi32>
      %rem3A_106 = arith.remsi %add3A_77, %rem3A_105 : vector<16xi32>
      %ne3A_107 = arith.constant 0 : i32
      %ne3A_108 = vector.broadcast %ne3A_107 : i32 to vector<16xi32>
      %ne3A_109 = arith.cmpi ne, %rem3A_106, %ne3A_108 : vector<16xi32>
      %lt3A = arith.constant 0 : i32
      %lt3A_110 = vector.broadcast %lt3A : i32 to vector<16xi32>
      %lt3A_111 = arith.cmpi slt, %rem3A_106, %lt3A_110 : vector<16xi32>
      %lt3A_112 = arith.constant 0 : i32
      %lt3A_113 = arith.cmpi slt, %select_n3A_104, %lt3A_112 : i32
      %ne3A_114 = vector.broadcast %lt3A_113 : i1 to vector<16xi1>
      %ne3A_115 = vector.broadcast %ne3A_114 : vector<16xi1> to vector<16xi1>
      %ne3A_116 = arith.xori %lt3A_111, %ne3A_115 : vector<16xi1>
      %and3A_117 = arith.andi %ne3A_116, %ne3A_109 : vector<16xi1>
      %add3A_118 = vector.broadcast %select_n3A_104 : i32 to vector<16xi32>
      %add3A_119 = arith.addi %rem3A_106, %add3A_118 : vector<16xi32>
      %select_n3A_120 = arith.select %and3A_117, %add3A_119, %rem3A_106 : vector<16xi1>, vector<16xi32>
      tpu.vector_store_idx %arg14[%select_n3A, %select_n3A_120], %broadcast_in_dim3A_1 : memref<2048x8xf32, #tpu.memory_space<vmem>>[vector<16xi32>, vector<16xi32>], vector<16xf32>,
      %scan3A_121 = arith.constant 0 : i32
      scf.yield %scan3A_121 : i32
    }
    %scan3A_8 = arith.constant 1024 : i32
    %scan3A_9 = arith.constant 0 : i32
    %scan3A_10 = arith.constant 0 : i32
    %scan3A_11 = arith.constant 4 : i32
    %scan3A_12 = arith.addi %scan3A_10, %scan3A_11 : i32
    %scan3A_13 = arith.constant 1 : i32
    %scan3A_14 = scf.for %scan3A_73 = %scan3A_10 to %scan3A_12 step %scan3A_13 iter_args(%scan3A_74 = %scan3A_9) -> (i32)  : i32 {
      %mul3A_75 = arith.constant 8192 : i32
      %mul3A_76 = arith.muli %arg1, %mul3A_75 : i32
      %mul3A_77 = arith.constant 2048 : i32
      %mul3A_78 = arith.muli %scan3A_73, %mul3A_77 : i32
      %add3A = arith.addi %mul3A_76, %mul3A_78 : i32
      "tpu.region"() ({
        %run_scoped3A = tpu.sem_alloc : memref<!tpu.dma_semaphore, #tpu.memory_space<semaphore_mem>>
        %dma_start3A = arith.constant 0 : i32
        %dma_start3A_80 = tpu.memref_slice %arg6[%add3A, %dma_start3A] : memref<131072x8xf32, #tpu.memory_space<vmem_shared>> -> memref<2048x8xf32, #tpu.memory_space<vmem_shared>>
        %dma_start3A_81 = arith.constant 0 : i32
        %dma_start3A_82 = tpu.memref_slice %arg6[%add3A, %dma_start3A_81] : memref<131072x8xf32, #tpu.memory_space<vmem_shared>> -> memref<2048x8xf32, #tpu.memory_space<vmem_shared>>
        tpu.enqueue_dma source(%arg14 : memref<2048x8xf32, #tpu.memory_space<vmem>>) target(%dma_start3A_82 : memref<2048x8xf32, #tpu.memory_space<vmem_shared>>) target_semaphore(%run_scoped3A : memref<!tpu.dma_semaphore, #tpu.memory_space<semaphore_mem>>)
        %dma_wait3A = arith.constant 0 : i32
        %dma_wait3A_83 = tpu.memref_slice %arg6[%add3A, %dma_wait3A] : memref<131072x8xf32, #tpu.memory_space<vmem_shared>> -> memref<2048x8xf32, #tpu.memory_space<vmem_shared>>
        %dma_wait3A_84 = arith.constant 0 : i32
        %dma_wait3A_85 = tpu.memref_slice %arg6[%add3A, %dma_wait3A_84] : memref<131072x8xf32, #tpu.memory_space<vmem_shared>> -> memref<2048x8xf32, #tpu.memory_space<vmem_shared>>
        tpu.wait_dma2 semaphore(%run_scoped3A : memref<!tpu.dma_semaphore, #tpu.memory_space<semaphore_mem>>) src(%arg14 : memref<2048x8xf32, #tpu.memory_space<vmem>>) dst(%dma_wait3A_85 : memref<2048x8xf32, #tpu.memory_space<vmem_shared>>)
        tpu.yield
      }) : () -> ()
      %scan3A_79 = arith.constant 0 : i32
      scf.yield %scan3A_79 : i32
    }
    %scan3A_15 = arith.constant 4 : i32
    %barrier3A = arith.constant 0 : index
    tpu.barrier barrier_id(%barrier3A)
    %mul3A_16 = arith.constant 20480 : i32
    %mul3A_17 = arith.muli %arg1, %mul3A_16 : i32
    %scan3A_18 = arith.constant 0 : i32
    %scan3A_19 = arith.constant 0 : i32
    %scan3A_20 = arith.constant 10 : i32
    %scan3A_21 = arith.addi %scan3A_19, %scan3A_20 : i32
    %scan3A_22 = arith.constant 1 : i32
    %scan3A_23 = scf.for %scan3A_73 = %scan3A_19 to %scan3A_21 step %scan3A_22 iter_args(%scan3A_74 = %scan3A_18) -> (i32)  : i32 {
      %mul3A_75 = arith.constant 2048 : i32
      %mul3A_76 = arith.muli %scan3A_73, %mul3A_75 : i32
      %add3A = arith.addi %mul3A_17, %mul3A_76 : i32
      "tpu.region"() ({
        %run_scoped3A = tpu.sem_alloc : memref<!tpu.dma_semaphore, #tpu.memory_space<semaphore_mem>>
        %dma_start3A = tpu.memref_slice %arg2[%add3A] : memref<327680xi32, #tpu.memory_space<hbm>> -> memref<2048xi32, #tpu.memory_space<hbm>>
        %dma_start3A_90 = tpu.memref_slice %arg2[%add3A] : memref<327680xi32, #tpu.memory_space<hbm>> -> memref<2048xi32, #tpu.memory_space<hbm>>
        tpu.enqueue_dma source(%dma_start3A_90 : memref<2048xi32, #tpu.memory_space<hbm>>) target(%arg7 : memref<2048xi32, #tpu.memory_space<vmem>>) target_semaphore(%run_scoped3A : memref<!tpu.dma_semaphore, #tpu.memory_space<semaphore_mem>>)
        %dma_wait3A_91 = tpu.memref_slice %arg2[%add3A] : memref<327680xi32, #tpu.memory_space<hbm>> -> memref<2048xi32, #tpu.memory_space<hbm>>
        %dma_wait3A_92 = tpu.memref_slice %arg2[%add3A] : memref<327680xi32, #tpu.memory_space<hbm>> -> memref<2048xi32, #tpu.memory_space<hbm>>
        tpu.wait_dma2 semaphore(%run_scoped3A : memref<!tpu.dma_semaphore, #tpu.memory_space<semaphore_mem>>) src(%dma_wait3A_92 : memref<2048xi32, #tpu.memory_space<hbm>>) dst(%arg7 : memref<2048xi32, #tpu.memory_space<vmem>>)
        tpu.yield
      }) : () -> ()
      "tpu.region"() ({
        %run_scoped3A = tpu.sem_alloc : memref<!tpu.dma_semaphore, #tpu.memory_space<semaphore_mem>>
        %dma_start3A = tpu.memref_slice %arg3[%add3A] : memref<327680xi32, #tpu.memory_space<hbm>> -> memref<2048xi32, #tpu.memory_space<hbm>>
        %dma_start3A_90 = tpu.memref_slice %arg3[%add3A] : memref<327680xi32, #tpu.memory_space<hbm>> -> memref<2048xi32, #tpu.memory_space<hbm>>
        tpu.enqueue_dma source(%dma_start3A_90 : memref<2048xi32, #tpu.memory_space<hbm>>) target(%arg8 : memref<2048xi32, #tpu.memory_space<vmem>>) target_semaphore(%run_scoped3A : memref<!tpu.dma_semaphore, #tpu.memory_space<semaphore_mem>>)
        %dma_wait3A_91 = tpu.memref_slice %arg3[%add3A] : memref<327680xi32, #tpu.memory_space<hbm>> -> memref<2048xi32, #tpu.memory_space<hbm>>
        %dma_wait3A_92 = tpu.memref_slice %arg3[%add3A] : memref<327680xi32, #tpu.memory_space<hbm>> -> memref<2048xi32, #tpu.memory_space<hbm>>
        tpu.wait_dma2 semaphore(%run_scoped3A : memref<!tpu.dma_semaphore, #tpu.memory_space<semaphore_mem>>) src(%dma_wait3A_92 : memref<2048xi32, #tpu.memory_space<hbm>>) dst(%arg8 : memref<2048xi32, #tpu.memory_space<vmem>>)
        tpu.yield
      }) : () -> ()
      "tpu.region"() ({
        %run_scoped3A = tpu.sem_alloc : memref<!tpu.dma_semaphore, #tpu.memory_space<semaphore_mem>>
        %dma_start3A = arith.constant 0 : i32
        %dma_start3A_90 = tpu.memref_slice %arg4[%add3A, %dma_start3A] : memref<327680x8xf32, #tpu.memory_space<hbm>> -> memref<2048x8xf32, #tpu.memory_space<hbm>>
        %dma_start3A_91 = arith.constant 0 : i32
        %dma_start3A_92 = tpu.memref_slice %arg4[%add3A, %dma_start3A_91] : memref<327680x8xf32, #tpu.memory_space<hbm>> -> memref<2048x8xf32, #tpu.memory_space<hbm>>
        tpu.enqueue_dma source(%dma_start3A_92 : memref<2048x8xf32, #tpu.memory_space<hbm>>) target(%arg9 : memref<2048x8xf32, #tpu.memory_space<vmem>>) target_semaphore(%run_scoped3A : memref<!tpu.dma_semaphore, #tpu.memory_space<semaphore_mem>>)
        %dma_wait3A_93 = arith.constant 0 : i32
        %dma_wait3A_94 = tpu.memref_slice %arg4[%add3A, %dma_wait3A_93] : memref<327680x8xf32, #tpu.memory_space<hbm>> -> memref<2048x8xf32, #tpu.memory_space<hbm>>
        %dma_wait3A_95 = arith.constant 0 : i32
        %dma_wait3A_96 = tpu.memref_slice %arg4[%add3A, %dma_wait3A_95] : memref<327680x8xf32, #tpu.memory_space<hbm>> -> memref<2048x8xf32, #tpu.memory_space<hbm>>
        tpu.wait_dma2 semaphore(%run_scoped3A : memref<!tpu.dma_semaphore, #tpu.memory_space<semaphore_mem>>) src(%dma_wait3A_96 : memref<2048x8xf32, #tpu.memory_space<hbm>>) dst(%arg9 : memref<2048x8xf32, #tpu.memory_space<vmem>>)
        tpu.yield
      }) : () -> ()
      %scan3A_77 = arith.constant 0 : i32
      %scan3A_78 = arith.constant 0 : i32
      %scan3A_79 = arith.constant 8 : i32
      %scan3A_80 = arith.addi %scan3A_78, %scan3A_79 : i32
      %scan3A_81 = arith.constant 1 : i32
      %scan3A_82 = scf.for %scan3A_90 = %scan3A_78 to %scan3A_80 step %scan3A_81 iter_args(%scan3A_91 = %scan3A_77) -> (i32)  : i32 {
        %mul3A_92 = arith.constant 2 : i32
        %mul3A_93 = arith.muli %mul3A_92, %scan3A_90 : i32
        %add3A_94 = arith.constant 0 : i32
        %add3A_95 = arith.addi %mul3A_93, %add3A_94 : i32
        %gt3A = arith.constant 0 : i32
        %gt3A_96 = arith.cmpi sgt, %scan3A_90, %gt3A : i32
        %convert_element_type3A = arith.extui %gt3A_96 : i1 to i32
        %cond3A = arith.constant 0 : i32
        %cond3A_97 = arith.cmpi ne, %convert_element_type3A, %cond3A : i32
        scf.if %cond3A_97 {
          %dma_wait3A_131 = arith.constant 0 : i32
          %dma_wait3A_132 = arith.constant 0 : i32
          %dma_wait3A_133 = tpu.memref_slice %arg6[%dma_wait3A_131, %dma_wait3A_132] : memref<131072x8xf32, #tpu.memory_space<vmem_shared>> -> memref<131072x8xf32, #tpu.memory_space<vmem_shared>>
          tpu.wait_indirect_dma semaphore(%arg15 : memref<!tpu.dma_semaphore, #tpu.memory_space<semaphore_mem>>) src(%arg10 : memref<128x8xf32, #tpu.memory_space<vmem>>) dst(%dma_wait3A_133 : memref<131072x8xf32, #tpu.memory_space<vmem_shared>>)
        } else {
        }
        %mul3A_98 = arith.constant 128 : i32
        %mul3A_99 = arith.muli %add3A_95, %mul3A_98 : i32
        %scan3A_100 = arith.constant 0 : i32
        %scan3A_101 = arith.constant 0 : i32
        %scan3A_102 = arith.constant 8 : i32
        %scan3A_103 = arith.addi %scan3A_101, %scan3A_102 : i32
        %scan3A_104 = arith.constant 1 : i32
        %scan3A_105 = scf.for %scan3A_131 = %scan3A_101 to %scan3A_103 step %scan3A_104 iter_args(%scan3A_132 = %scan3A_100) -> (i32)  : i32 {
          %mul3A_133 = arith.constant 16 : i32
          %mul3A_134 = arith.muli %scan3A_131, %mul3A_133 : i32
          %add3A_135 = arith.addi %mul3A_99, %mul3A_134 : i32
          %get3A = arith.index_cast %add3A_135 : i32 to index
          %get3A_136 = tpu.vector_load %arg7[%get3A] {strides = array<i32>} : memref<2048xi32, #tpu.memory_space<vmem>>, vector<16xi32>,
          %get3A_137 = arith.index_cast %add3A_135 : i32 to index
          %get3A_138 = tpu.vector_load %arg8[%get3A_137] {strides = array<i32>} : memref<2048xi32, #tpu.memory_space<vmem>>, vector<16xi32>,
          %mul3A_139 = arith.constant 16 : i32
          %mul3A_140 = arith.muli %scan3A_131, %mul3A_139 : i32
          %add3A_141 = vector.broadcast %mul3A_140 : i32 to vector<16xi32>
          %add3A_142 = arith.addi %add3A_141, %iota3A : vector<16xi32>
          %ge3A = vector.broadcast %mul3A_0 : i32 to vector<16xi32>
          %ge3A_143 = arith.cmpi sge, %get3A_136, %ge3A : vector<16xi32>
          %add3A_144 = arith.constant 5000 : i32
          %add3A_145 = arith.addi %mul3A_0, %add3A_144 : i32
          %lt3A = vector.broadcast %add3A_145 : i32 to vector<16xi32>
          %lt3A_146 = arith.cmpi slt, %get3A_136, %lt3A : vector<16xi32>
          %and3A = arith.andi %ge3A_143, %lt3A_146 : vector<16xi1>
          %sub3A = vector.broadcast %mul3A_0 : i32 to vector<16xi32>
          %sub3A_147 = arith.subi %get3A_136, %sub3A : vector<16xi32>
          %mul3A_148 = arith.constant 100 : i32
          %mul3A_149 = vector.broadcast %mul3A_148 : i32 to vector<16xi32>
          %mul3A_150 = arith.muli %sub3A_147, %mul3A_149 : vector<16xi32>
          %add3A_151 = arith.addi %mul3A_150, %get3A_138 : vector<16xi32>
          %jit3A = arith.constant 4 : i32
          %div3A = vector.broadcast %jit3A : i32 to vector<16xi32>
          %div3A_152 = arith.divsi %add3A_151, %div3A : vector<16xi32>
          %sign3A = arith.constant 0 : i32
          %sign3A_153 = vector.broadcast %sign3A : i32 to vector<16xi32>
          %sign3A_154 = arith.cmpi sgt, %add3A_151, %sign3A_153 : vector<16xi32>
          %sign3A_155 = arith.extui %sign3A_154 : vector<16xi1> to vector<16xi32>
          %sign3A_156 = arith.constant 0 : i32
          %sign3A_157 = vector.broadcast %sign3A_156 : i32 to vector<16xi32>
          %sign3A_158 = arith.cmpi slt, %add3A_151, %sign3A_157 : vector<16xi32>
          %sign3A_159 = arith.extui %sign3A_158 : vector<16xi1> to vector<16xi32>
          %sign3A_160 = arith.subi %sign3A_155, %sign3A_159 : vector<16xi32>
          %sign3A_161 = arith.constant 0 : i32
          %sign3A_162 = arith.cmpi sgt, %jit3A, %sign3A_161 : i32
          %sign3A_163 = arith.extui %sign3A_162 : i1 to i32
          %sign3A_164 = arith.constant 0 : i32
          %sign3A_165 = arith.cmpi slt, %jit3A, %sign3A_164 : i32
          %sign3A_166 = arith.extui %sign3A_165 : i1 to i32
          %sign3A_167 = arith.subi %sign3A_163, %sign3A_166 : i32
          %ne3A = vector.broadcast %sign3A_167 : i32 to vector<16xi32>
          %ne3A_168 = arith.cmpi ne, %sign3A_160, %ne3A : vector<16xi32>
          %rem3A = vector.broadcast %jit3A : i32 to vector<16xi32>
          %rem3A_169 = arith.remsi %add3A_151, %rem3A : vector<16xi32>
          %ne3A_170 = arith.constant 0 : i32
          %ne3A_171 = vector.broadcast %ne3A_170 : i32 to vector<16xi32>
          %ne3A_172 = arith.cmpi ne, %rem3A_169, %ne3A_171 : vector<16xi32>
          %and3A_173 = arith.andi %ne3A_168, %ne3A_172 : vector<16xi1>
          %sub3A_174 = arith.constant 1 : i32
          %sub3A_175 = vector.broadcast %sub3A_174 : i32 to vector<16xi32>
          %sub3A_176 = arith.subi %div3A_152, %sub3A_175 : vector<16xi32>
          %select_n3A = arith.select %and3A_173, %sub3A_176, %div3A_152 : vector<16xi1>, vector<16xi32>
          %mul3A_177 = arith.constant 16 : i32
          %mul3A_178 = arith.muli %scan3A_131, %mul3A_177 : i32
          %add3A_179 = arith.addi %mul3A_99, %mul3A_178 : i32
          %add3A_180 = vector.broadcast %add3A_179 : i32 to vector<16xi32>
          %add3A_181 = arith.addi %add3A_180, %iota3A : vector<16xi32>
          %and3A_182 = arith.constant 4095 : i32
          %and3A_183 = vector.broadcast %and3A_182 : i32 to vector<16xi32>
          %and3A_184 = arith.andi %add3A_181, %and3A_183 : vector<16xi32>
          %add3A_185 = arith.constant 125000 : i32
          %add3A_186 = vector.broadcast %add3A_185 : i32 to vector<16xi32>
          %add3A_187 = arith.addi %add3A_186, %and3A_184 : vector<16xi32>
          %select_n3A_188 = arith.select %and3A, %select_n3A, %add3A_187 : vector<16xi1>, vector<16xi32>
          %jit3A_189 = arith.constant 4 : i32
          %eq3A = arith.constant 0 : i32
          %eq3A_190 = arith.cmpi eq, %jit3A_189, %eq3A : i32
          %jit3A_191 = arith.constant 1 : i32
          %select_n3A_192 = arith.select %eq3A_190, %jit3A_191, %jit3A_189 : i32
          %rem3A_193 = vector.broadcast %select_n3A_192 : i32 to vector<16xi32>
          %rem3A_194 = arith.remsi %add3A_151, %rem3A_193 : vector<16xi32>
          %ne3A_195 = arith.constant 0 : i32
          %ne3A_196 = vector.broadcast %ne3A_195 : i32 to vector<16xi32>
          %ne3A_197 = arith.cmpi ne, %rem3A_194, %ne3A_196 : vector<16xi32>
          %lt3A_198 = arith.constant 0 : i32
          %lt3A_199 = vector.broadcast %lt3A_198 : i32 to vector<16xi32>
          %lt3A_200 = arith.cmpi slt, %rem3A_194, %lt3A_199 : vector<16xi32>
          %lt3A_201 = arith.constant 0 : i32
          %lt3A_202 = arith.cmpi slt, %select_n3A_192, %lt3A_201 : i32
          %ne3A_203 = vector.broadcast %lt3A_202 : i1 to vector<16xi1>
          %ne3A_204 = vector.broadcast %ne3A_203 : vector<16xi1> to vector<16xi1>
          %ne3A_205 = arith.xori %lt3A_200, %ne3A_204 : vector<16xi1>
          %and3A_206 = arith.andi %ne3A_205, %ne3A_197 : vector<16xi1>
          %add3A_207 = vector.broadcast %select_n3A_192 : i32 to vector<16xi32>
          %add3A_208 = arith.addi %rem3A_194, %add3A_207 : vector<16xi32>
          %select_n3A_209 = arith.select %and3A_206, %add3A_208, %rem3A_194 : vector<16xi1>, vector<16xi32>
          %mul3A_210 = arith.constant 2 : i32
          %mul3A_211 = vector.broadcast %mul3A_210 : i32 to vector<16xi32>
          %mul3A_212 = arith.muli %select_n3A_209, %mul3A_211 : vector<16xi32>
          tpu.vector_store_idx %arg11[%add3A_142], %select_n3A_188 : memref<128xi32, #tpu.memory_space<vmem>>[vector<16xi32>], vector<16xi32>,
          %mul3A_213 = arith.constant 16 : i32
          %mul3A_214 = arith.muli %scan3A_131, %mul3A_213 : i32
          %add3A_215 = arith.addi %mul3A_99, %mul3A_214 : i32
          %add3A_216 = vector.broadcast %add3A_215 : i32 to vector<16xi32>
          %add3A_217 = arith.addi %add3A_216, %iota3A : vector<16xi32>
          %broadcast_in_dim3A_218 = arith.constant 0 : i32
          %broadcast_in_dim3A_219 = vector.broadcast %broadcast_in_dim3A_218 : i32 to vector<16xi32>
          %gather3A = tpu.vector_load_idx %arg9[%add3A_217, %broadcast_in_dim3A_219] : memref<2048x8xf32, #tpu.memory_space<vmem>>[vector<16xi32>, vector<16xi32>], vector<16xf32>,
          %broadcast_in_dim3A_220 = arith.constant 1 : i32
          %broadcast_in_dim3A_221 = vector.broadcast %broadcast_in_dim3A_220 : i32 to vector<16xi32>
          %gather3A_222 = tpu.vector_load_idx %arg9[%add3A_217, %broadcast_in_dim3A_221] : memref<2048x8xf32, #tpu.memory_space<vmem>>[vector<16xi32>, vector<16xi32>], vector<16xf32>,
          %broadcast_in_dim3A_223 = arith.constant 0 : i32
          %broadcast_in_dim3A_224 = vector.broadcast %broadcast_in_dim3A_223 : i32 to vector<16xi32>
          %eq3A_225 = arith.constant 0 : i32
          %eq3A_226 = vector.broadcast %eq3A_225 : i32 to vector<16xi32>
          %eq3A_227 = arith.cmpi eq, %mul3A_212, %eq3A_226 : vector<16xi32>
          %jit3A_228 = arith.constant 0.000000e+00 : f32
          %broadcast_in_dim3A_229 = vector.broadcast %jit3A_228 : f32 to vector<16xf32>
          %select_n3A_230 = arith.select %eq3A_227, %gather3A, %broadcast_in_dim3A_229 : vector<16xi1>, vector<16xf32>
          %add3A_231 = arith.constant 1 : i32
          %add3A_232 = vector.broadcast %add3A_231 : i32 to vector<16xi32>
          %add3A_233 = arith.addi %mul3A_212, %add3A_232 : vector<16xi32>
          %eq3A_234 = arith.constant 0 : i32
          %eq3A_235 = vector.broadcast %eq3A_234 : i32 to vector<16xi32>
          %eq3A_236 = arith.cmpi eq, %add3A_233, %eq3A_235 : vector<16xi32>
          %jit3A_237 = arith.constant 0.000000e+00 : f32
          %broadcast_in_dim3A_238 = vector.broadcast %jit3A_237 : f32 to vector<16xf32>
          %select_n3A_239 = arith.select %eq3A_236, %gather3A_222, %broadcast_in_dim3A_238 : vector<16xi1>, vector<16xf32>
          %add3A_240 = arith.addf %select_n3A_230, %select_n3A_239 : vector<16xf32>
          tpu.vector_store_idx %arg10[%add3A_142, %broadcast_in_dim3A_224], %add3A_240 : memref<128x8xf32, #tpu.memory_space<vmem>>[vector<16xi32>, vector<16xi32>], vector<16xf32>,
          %broadcast_in_dim3A_241 = arith.constant 1 : i32
          %broadcast_in_dim3A_242 = vector.broadcast %broadcast_in_dim3A_241 : i32 to vector<16xi32>
          %eq3A_243 = arith.constant 1 : i32
          %eq3A_244 = vector.broadcast %eq3A_243 : i32 to vector<16xi32>
          %eq3A_245 = arith.cmpi eq, %mul3A_212, %eq3A_244 : vector<16xi32>
          %jit3A_246 = arith.constant 0.000000e+00 : f32
          %broadcast_in_dim3A_247 = vector.broadcast %jit3A_246 : f32 to vector<16xf32>
          %select_n3A_248 = arith.select %eq3A_245, %gather3A, %broadcast_in_dim3A_247 : vector<16xi1>, vector<16xf32>
          %add3A_249 = arith.constant 1 : i32
          %add3A_250 = vector.broadcast %add3A_249 : i32 to vector<16xi32>
          %add3A_251 = arith.addi %mul3A_212, %add3A_250 : vector<16xi32>
          %eq3A_252 = arith.constant 1 : i32
          %eq3A_253 = vector.broadcast %eq3A_252 : i32 to vector<16xi32>
          %eq3A_254 = arith.cmpi eq, %add3A_251, %eq3A_253 : vector<16xi32>
          %jit3A_255 = arith.constant 0.000000e+00 : f32
          %broadcast_in_dim3A_256 = vector.broadcast %jit3A_255 : f32 to vector<16xf32>
          %select_n3A_257 = arith.select %eq3A_254, %gather3A_222, %broadcast_in_dim3A_256 : vector<16xi1>, vector<16xf32>
          %add3A_258 = arith.addf %select_n3A_248, %select_n3A_257 : vector<16xf32>
          tpu.vector_store_idx %arg10[%add3A_142, %broadcast_in_dim3A_242], %add3A_258 : memref<128x8xf32, #tpu.memory_space<vmem>>[vector<16xi32>, vector<16xi32>], vector<16xf32>,
          %broadcast_in_dim3A_259 = arith.constant 2 : i32
          %broadcast_in_dim3A_260 = vector.broadcast %broadcast_in_dim3A_259 : i32 to vector<16xi32>
          %eq3A_261 = arith.constant 2 : i32
          %eq3A_262 = vector.broadcast %eq3A_261 : i32 to vector<16xi32>
          %eq3A_263 = arith.cmpi eq, %mul3A_212, %eq3A_262 : vector<16xi32>
          %jit3A_264 = arith.constant 0.000000e+00 : f32
          %broadcast_in_dim3A_265 = vector.broadcast %jit3A_264 : f32 to vector<16xf32>
          %select_n3A_266 = arith.select %eq3A_263, %gather3A, %broadcast_in_dim3A_265 : vector<16xi1>, vector<16xf32>
          %add3A_267 = arith.constant 1 : i32
          %add3A_268 = vector.broadcast %add3A_267 : i32 to vector<16xi32>
          %add3A_269 = arith.addi %mul3A_212, %add3A_268 : vector<16xi32>
          %eq3A_270 = arith.constant 2 : i32
          %eq3A_271 = vector.broadcast %eq3A_270 : i32 to vector<16xi32>
          %eq3A_272 = arith.cmpi eq, %add3A_269, %eq3A_271 : vector<16xi32>
          %jit3A_273 = arith.constant 0.000000e+00 : f32
          %broadcast_in_dim3A_274 = vector.broadcast %jit3A_273 : f32 to vector<16xf32>
          %select_n3A_275 = arith.select %eq3A_272, %gather3A_222, %broadcast_in_dim3A_274 : vector<16xi1>, vector<16xf32>
          %add3A_276 = arith.addf %select_n3A_266, %select_n3A_275 : vector<16xf32>
          tpu.vector_store_idx %arg10[%add3A_142, %broadcast_in_dim3A_260], %add3A_276 : memref<128x8xf32, #tpu.memory_space<vmem>>[vector<16xi32>, vector<16xi32>], vector<16xf32>,
          %broadcast_in_dim3A_277 = arith.constant 3 : i32
          %broadcast_in_dim3A_278 = vector.broadcast %broadcast_in_dim3A_277 : i32 to vector<16xi32>
          %eq3A_279 = arith.constant 3 : i32
          %eq3A_280 = vector.broadcast %eq3A_279 : i32 to vector<16xi32>
          %eq3A_281 = arith.cmpi eq, %mul3A_212, %eq3A_280 : vector<16xi32>
          %jit3A_282 = arith.constant 0.000000e+00 : f32
          %broadcast_in_dim3A_283 = vector.broadcast %jit3A_282 : f32 to vector<16xf32>
          %select_n3A_284 = arith.select %eq3A_281, %gather3A, %broadcast_in_dim3A_283 : vector<16xi1>, vector<16xf32>
          %add3A_285 = arith.constant 1 : i32
          %add3A_286 = vector.broadcast %add3A_285 : i32 to vector<16xi32>
          %add3A_287 = arith.addi %mul3A_212, %add3A_286 : vector<16xi32>
          %eq3A_288 = arith.constant 3 : i32
          %eq3A_289 = vector.broadcast %eq3A_288 : i32 to vector<16xi32>
          %eq3A_290 = arith.cmpi eq, %add3A_287, %eq3A_289 : vector<16xi32>
          %jit3A_291 = arith.constant 0.000000e+00 : f32
          %broadcast_in_dim3A_292 = vector.broadcast %jit3A_291 : f32 to vector<16xf32>
          %select_n3A_293 = arith.select %eq3A_290, %gather3A_222, %broadcast_in_dim3A_292 : vector<16xi1>, vector<16xf32>
          %add3A_294 = arith.addf %select_n3A_284, %select_n3A_293 : vector<16xf32>
          tpu.vector_store_idx %arg10[%add3A_142, %broadcast_in_dim3A_278], %add3A_294 : memref<128x8xf32, #tpu.memory_space<vmem>>[vector<16xi32>, vector<16xi32>], vector<16xf32>,
          %broadcast_in_dim3A_295 = arith.constant 4 : i32
          %broadcast_in_dim3A_296 = vector.broadcast %broadcast_in_dim3A_295 : i32 to vector<16xi32>
          %eq3A_297 = arith.constant 4 : i32
          %eq3A_298 = vector.broadcast %eq3A_297 : i32 to vector<16xi32>
          %eq3A_299 = arith.cmpi eq, %mul3A_212, %eq3A_298 : vector<16xi32>
          %jit3A_300 = arith.constant 0.000000e+00 : f32
          %broadcast_in_dim3A_301 = vector.broadcast %jit3A_300 : f32 to vector<16xf32>
          %select_n3A_302 = arith.select %eq3A_299, %gather3A, %broadcast_in_dim3A_301 : vector<16xi1>, vector<16xf32>
          %add3A_303 = arith.constant 1 : i32
          %add3A_304 = vector.broadcast %add3A_303 : i32 to vector<16xi32>
          %add3A_305 = arith.addi %mul3A_212, %add3A_304 : vector<16xi32>
          %eq3A_306 = arith.constant 4 : i32
          %eq3A_307 = vector.broadcast %eq3A_306 : i32 to vector<16xi32>
          %eq3A_308 = arith.cmpi eq, %add3A_305, %eq3A_307 : vector<16xi32>
          %jit3A_309 = arith.constant 0.000000e+00 : f32
          %broadcast_in_dim3A_310 = vector.broadcast %jit3A_309 : f32 to vector<16xf32>
          %select_n3A_311 = arith.select %eq3A_308, %gather3A_222, %broadcast_in_dim3A_310 : vector<16xi1>, vector<16xf32>
          %add3A_312 = arith.addf %select_n3A_302, %select_n3A_311 : vector<16xf32>
          tpu.vector_store_idx %arg10[%add3A_142, %broadcast_in_dim3A_296], %add3A_312 : memref<128x8xf32, #tpu.memory_space<vmem>>[vector<16xi32>, vector<16xi32>], vector<16xf32>,
          %broadcast_in_dim3A_313 = arith.constant 5 : i32
          %broadcast_in_dim3A_314 = vector.broadcast %broadcast_in_dim3A_313 : i32 to vector<16xi32>
          %eq3A_315 = arith.constant 5 : i32
          %eq3A_316 = vector.broadcast %eq3A_315 : i32 to vector<16xi32>
          %eq3A_317 = arith.cmpi eq, %mul3A_212, %eq3A_316 : vector<16xi32>
          %jit3A_318 = arith.constant 0.000000e+00 : f32
          %broadcast_in_dim3A_319 = vector.broadcast %jit3A_318 : f32 to vector<16xf32>
          %select_n3A_320 = arith.select %eq3A_317, %gather3A, %broadcast_in_dim3A_319 : vector<16xi1>, vector<16xf32>
          %add3A_321 = arith.constant 1 : i32
          %add3A_322 = vector.broadcast %add3A_321 : i32 to vector<16xi32>
          %add3A_323 = arith.addi %mul3A_212, %add3A_322 : vector<16xi32>
          %eq3A_324 = arith.constant 5 : i32
          %eq3A_325 = vector.broadcast %eq3A_324 : i32 to vector<16xi32>
          %eq3A_326 = arith.cmpi eq, %add3A_323, %eq3A_325 : vector<16xi32>
          %jit3A_327 = arith.constant 0.000000e+00 : f32
          %broadcast_in_dim3A_328 = vector.broadcast %jit3A_327 : f32 to vector<16xf32>
          %select_n3A_329 = arith.select %eq3A_326, %gather3A_222, %broadcast_in_dim3A_328 : vector<16xi1>, vector<16xf32>
          %add3A_330 = arith.addf %select_n3A_320, %select_n3A_329 : vector<16xf32>
          tpu.vector_store_idx %arg10[%add3A_142, %broadcast_in_dim3A_314], %add3A_330 : memref<128x8xf32, #tpu.memory_space<vmem>>[vector<16xi32>, vector<16xi32>], vector<16xf32>,
          %broadcast_in_dim3A_331 = arith.constant 6 : i32
          %broadcast_in_dim3A_332 = vector.broadcast %broadcast_in_dim3A_331 : i32 to vector<16xi32>
          %eq3A_333 = arith.constant 6 : i32
          %eq3A_334 = vector.broadcast %eq3A_333 : i32 to vector<16xi32>
          %eq3A_335 = arith.cmpi eq, %mul3A_212, %eq3A_334 : vector<16xi32>
          %jit3A_336 = arith.constant 0.000000e+00 : f32
          %broadcast_in_dim3A_337 = vector.broadcast %jit3A_336 : f32 to vector<16xf32>
          %select_n3A_338 = arith.select %eq3A_335, %gather3A, %broadcast_in_dim3A_337 : vector<16xi1>, vector<16xf32>
          %add3A_339 = arith.constant 1 : i32
          %add3A_340 = vector.broadcast %add3A_339 : i32 to vector<16xi32>
          %add3A_341 = arith.addi %mul3A_212, %add3A_340 : vector<16xi32>
          %eq3A_342 = arith.constant 6 : i32
          %eq3A_343 = vector.broadcast %eq3A_342 : i32 to vector<16xi32>
          %eq3A_344 = arith.cmpi eq, %add3A_341, %eq3A_343 : vector<16xi32>
          %jit3A_345 = arith.constant 0.000000e+00 : f32
          %broadcast_in_dim3A_346 = vector.broadcast %jit3A_345 : f32 to vector<16xf32>
          %select_n3A_347 = arith.select %eq3A_344, %gather3A_222, %broadcast_in_dim3A_346 : vector<16xi1>, vector<16xf32>
          %add3A_348 = arith.addf %select_n3A_338, %select_n3A_347 : vector<16xf32>
          tpu.vector_store_idx %arg10[%add3A_142, %broadcast_in_dim3A_332], %add3A_348 : memref<128x8xf32, #tpu.memory_space<vmem>>[vector<16xi32>, vector<16xi32>], vector<16xf32>,
          %broadcast_in_dim3A_349 = arith.constant 7 : i32
          %broadcast_in_dim3A_350 = vector.broadcast %broadcast_in_dim3A_349 : i32 to vector<16xi32>
          %eq3A_351 = arith.constant 7 : i32
          %eq3A_352 = vector.broadcast %eq3A_351 : i32 to vector<16xi32>
          %eq3A_353 = arith.cmpi eq, %mul3A_212, %eq3A_352 : vector<16xi32>
          %jit3A_354 = arith.constant 0.000000e+00 : f32
          %broadcast_in_dim3A_355 = vector.broadcast %jit3A_354 : f32 to vector<16xf32>
          %select_n3A_356 = arith.select %eq3A_353, %gather3A, %broadcast_in_dim3A_355 : vector<16xi1>, vector<16xf32>
          %add3A_357 = arith.constant 1 : i32
          %add3A_358 = vector.broadcast %add3A_357 : i32 to vector<16xi32>
          %add3A_359 = arith.addi %mul3A_212, %add3A_358 : vector<16xi32>
          %eq3A_360 = arith.constant 7 : i32
          %eq3A_361 = vector.broadcast %eq3A_360 : i32 to vector<16xi32>
          %eq3A_362 = arith.cmpi eq, %add3A_359, %eq3A_361 : vector<16xi32>
          %jit3A_363 = arith.constant 0.000000e+00 : f32
          %broadcast_in_dim3A_364 = vector.broadcast %jit3A_363 : f32 to vector<16xf32>
          %select_n3A_365 = arith.select %eq3A_362, %gather3A_222, %broadcast_in_dim3A_364 : vector<16xi1>, vector<16xf32>
          %add3A_366 = arith.addf %select_n3A_356, %select_n3A_365 : vector<16xf32>
          tpu.vector_store_idx %arg10[%add3A_142, %broadcast_in_dim3A_350], %add3A_366 : memref<128x8xf32, #tpu.memory_space<vmem>>[vector<16xi32>, vector<16xi32>], vector<16xf32>,
          %scan3A_367 = arith.constant 0 : i32
          scf.yield %scan3A_367 : i32
        }
        %scan3A_106 = arith.constant 8 : i32
        %dma_start3A = arith.constant 0 : i32
        %dma_start3A_107 = arith.constant 0 : i32
        %dma_start3A_108 = tpu.memref_slice %arg6[%dma_start3A, %dma_start3A_107] : memref<131072x8xf32, #tpu.memory_space<vmem_shared>> -> memref<131072x8xf32, #tpu.memory_space<vmem_shared>>
        tpu.enqueue_indirect_dma source(%arg10 : memref<128x8xf32, #tpu.memory_space<vmem>>) target(%dma_start3A_108 : memref<131072x8xf32, #tpu.memory_space<vmem_shared>>) offsets(%arg11 : memref<128xi32, #tpu.memory_space<vmem>>) semaphore(%arg15 : memref<!tpu.dma_semaphore, #tpu.memory_space<semaphore_mem>>) {add = true}
        %mul3A_109 = arith.constant 2 : i32
        %mul3A_110 = arith.muli %mul3A_109, %scan3A_90 : i32
        %add3A_111 = arith.constant 1 : i32
        %add3A_112 = arith.addi %mul3A_110, %add3A_111 : i32
        %gt3A_113 = arith.constant 0 : i32
        %gt3A_114 = arith.cmpi sgt, %scan3A_90, %gt3A_113 : i32
        %convert_element_type3A_115 = arith.extui %gt3A_114 : i1 to i32
        %cond3A_116 = arith.constant 0 : i32
        %cond3A_117 = arith.cmpi ne, %convert_element_type3A_115, %cond3A_116 : i32
        scf.if %cond3A_117 {
          %dma_wait3A_131 = arith.constant 0 : i32
          %dma_wait3A_132 = arith.constant 0 : i32
          %dma_wait3A_133 = tpu.memref_slice %arg6[%dma_wait3A_131, %dma_wait3A_132] : memref<131072x8xf32, #tpu.memory_space<vmem_shared>> -> memref<131072x8xf32, #tpu.memory_space<vmem_shared>>
          tpu.wait_indirect_dma semaphore(%arg15 : memref<!tpu.dma_semaphore, #tpu.memory_space<semaphore_mem>>) src(%arg12 : memref<128x8xf32, #tpu.memory_space<vmem>>) dst(%dma_wait3A_133 : memref<131072x8xf32, #tpu.memory_space<vmem_shared>>)
        } else {
        }
        %mul3A_118 = arith.constant 128 : i32
        %mul3A_119 = arith.muli %add3A_112, %mul3A_118 : i32
        %scan3A_120 = arith.constant 0 : i32
        %scan3A_121 = arith.constant 0 : i32
        %scan3A_122 = arith.constant 8 : i32
        %scan3A_123 = arith.addi %scan3A_121, %scan3A_122 : i32
        %scan3A_124 = arith.constant 1 : i32
        %scan3A_125 = scf.for %scan3A_131 = %scan3A_121 to %scan3A_123 step %scan3A_124 iter_args(%scan3A_132 = %scan3A_120) -> (i32)  : i32 {
          %mul3A_133 = arith.constant 16 : i32
          %mul3A_134 = arith.muli %scan3A_131, %mul3A_133 : i32
          %add3A_135 = arith.addi %mul3A_119, %mul3A_134 : i32
          %get3A = arith.index_cast %add3A_135 : i32 to index
          %get3A_136 = tpu.vector_load %arg7[%get3A] {strides = array<i32>} : memref<2048xi32, #tpu.memory_space<vmem>>, vector<16xi32>,
          %get3A_137 = arith.index_cast %add3A_135 : i32 to index
          %get3A_138 = tpu.vector_load %arg8[%get3A_137] {strides = array<i32>} : memref<2048xi32, #tpu.memory_space<vmem>>, vector<16xi32>,
          %mul3A_139 = arith.constant 16 : i32
          %mul3A_140 = arith.muli %scan3A_131, %mul3A_139 : i32
          %add3A_141 = vector.broadcast %mul3A_140 : i32 to vector<16xi32>
          %add3A_142 = arith.addi %add3A_141, %iota3A : vector<16xi32>
          %ge3A = vector.broadcast %mul3A_0 : i32 to vector<16xi32>
          %ge3A_143 = arith.cmpi sge, %get3A_136, %ge3A : vector<16xi32>
          %add3A_144 = arith.constant 5000 : i32
          %add3A_145 = arith.addi %mul3A_0, %add3A_144 : i32
          %lt3A = vector.broadcast %add3A_145 : i32 to vector<16xi32>
          %lt3A_146 = arith.cmpi slt, %get3A_136, %lt3A : vector<16xi32>
          %and3A = arith.andi %ge3A_143, %lt3A_146 : vector<16xi1>
          %sub3A = vector.broadcast %mul3A_0 : i32 to vector<16xi32>
          %sub3A_147 = arith.subi %get3A_136, %sub3A : vector<16xi32>
          %mul3A_148 = arith.constant 100 : i32
          %mul3A_149 = vector.broadcast %mul3A_148 : i32 to vector<16xi32>
          %mul3A_150 = arith.muli %sub3A_147, %mul3A_149 : vector<16xi32>
          %add3A_151 = arith.addi %mul3A_150, %get3A_138 : vector<16xi32>
          %jit3A = arith.constant 4 : i32
          %div3A = vector.broadcast %jit3A : i32 to vector<16xi32>
          %div3A_152 = arith.divsi %add3A_151, %div3A : vector<16xi32>
          %sign3A = arith.constant 0 : i32
          %sign3A_153 = vector.broadcast %sign3A : i32 to vector<16xi32>
          %sign3A_154 = arith.cmpi sgt, %add3A_151, %sign3A_153 : vector<16xi32>
          %sign3A_155 = arith.extui %sign3A_154 : vector<16xi1> to vector<16xi32>
          %sign3A_156 = arith.constant 0 : i32
          %sign3A_157 = vector.broadcast %sign3A_156 : i32 to vector<16xi32>
          %sign3A_158 = arith.cmpi slt, %add3A_151, %sign3A_157 : vector<16xi32>
          %sign3A_159 = arith.extui %sign3A_158 : vector<16xi1> to vector<16xi32>
          %sign3A_160 = arith.subi %sign3A_155, %sign3A_159 : vector<16xi32>
          %sign3A_161 = arith.constant 0 : i32
          %sign3A_162 = arith.cmpi sgt, %jit3A, %sign3A_161 : i32
          %sign3A_163 = arith.extui %sign3A_162 : i1 to i32
          %sign3A_164 = arith.constant 0 : i32
          %sign3A_165 = arith.cmpi slt, %jit3A, %sign3A_164 : i32
          %sign3A_166 = arith.extui %sign3A_165 : i1 to i32
          %sign3A_167 = arith.subi %sign3A_163, %sign3A_166 : i32
          %ne3A = vector.broadcast %sign3A_167 : i32 to vector<16xi32>
          %ne3A_168 = arith.cmpi ne, %sign3A_160, %ne3A : vector<16xi32>
          %rem3A = vector.broadcast %jit3A : i32 to vector<16xi32>
          %rem3A_169 = arith.remsi %add3A_151, %rem3A : vector<16xi32>
          %ne3A_170 = arith.constant 0 : i32
          %ne3A_171 = vector.broadcast %ne3A_170 : i32 to vector<16xi32>
          %ne3A_172 = arith.cmpi ne, %rem3A_169, %ne3A_171 : vector<16xi32>
          %and3A_173 = arith.andi %ne3A_168, %ne3A_172 : vector<16xi1>
          %sub3A_174 = arith.constant 1 : i32
          %sub3A_175 = vector.broadcast %sub3A_174 : i32 to vector<16xi32>
          %sub3A_176 = arith.subi %div3A_152, %sub3A_175 : vector<16xi32>
          %select_n3A = arith.select %and3A_173, %sub3A_176, %div3A_152 : vector<16xi1>, vector<16xi32>
          %mul3A_177 = arith.constant 16 : i32
          %mul3A_178 = arith.muli %scan3A_131, %mul3A_177 : i32
          %add3A_179 = arith.addi %mul3A_119, %mul3A_178 : i32
          %add3A_180 = vector.broadcast %add3A_179 : i32 to vector<16xi32>
          %add3A_181 = arith.addi %add3A_180, %iota3A : vector<16xi32>
          %and3A_182 = arith.constant 4095 : i32
          %and3A_183 = vector.broadcast %and3A_182 : i32 to vector<16xi32>
          %and3A_184 = arith.andi %add3A_181, %and3A_183 : vector<16xi32>
          %add3A_185 = arith.constant 125000 : i32
          %add3A_186 = vector.broadcast %add3A_185 : i32 to vector<16xi32>
          %add3A_187 = arith.addi %add3A_186, %and3A_184 : vector<16xi32>
          %select_n3A_188 = arith.select %and3A, %select_n3A, %add3A_187 : vector<16xi1>, vector<16xi32>
          %jit3A_189 = arith.constant 4 : i32
          %eq3A = arith.constant 0 : i32
          %eq3A_190 = arith.cmpi eq, %jit3A_189, %eq3A : i32
          %jit3A_191 = arith.constant 1 : i32
          %select_n3A_192 = arith.select %eq3A_190, %jit3A_191, %jit3A_189 : i32
          %rem3A_193 = vector.broadcast %select_n3A_192 : i32 to vector<16xi32>
          %rem3A_194 = arith.remsi %add3A_151, %rem3A_193 : vector<16xi32>
          %ne3A_195 = arith.constant 0 : i32
          %ne3A_196 = vector.broadcast %ne3A_195 : i32 to vector<16xi32>
          %ne3A_197 = arith.cmpi ne, %rem3A_194, %ne3A_196 : vector<16xi32>
          %lt3A_198 = arith.constant 0 : i32
          %lt3A_199 = vector.broadcast %lt3A_198 : i32 to vector<16xi32>
          %lt3A_200 = arith.cmpi slt, %rem3A_194, %lt3A_199 : vector<16xi32>
          %lt3A_201 = arith.constant 0 : i32
          %lt3A_202 = arith.cmpi slt, %select_n3A_192, %lt3A_201 : i32
          %ne3A_203 = vector.broadcast %lt3A_202 : i1 to vector<16xi1>
          %ne3A_204 = vector.broadcast %ne3A_203 : vector<16xi1> to vector<16xi1>
          %ne3A_205 = arith.xori %lt3A_200, %ne3A_204 : vector<16xi1>
          %and3A_206 = arith.andi %ne3A_205, %ne3A_197 : vector<16xi1>
          %add3A_207 = vector.broadcast %select_n3A_192 : i32 to vector<16xi32>
          %add3A_208 = arith.addi %rem3A_194, %add3A_207 : vector<16xi32>
          %select_n3A_209 = arith.select %and3A_206, %add3A_208, %rem3A_194 : vector<16xi1>, vector<16xi32>
          %mul3A_210 = arith.constant 2 : i32
          %mul3A_211 = vector.broadcast %mul3A_210 : i32 to vector<16xi32>
          %mul3A_212 = arith.muli %select_n3A_209, %mul3A_211 : vector<16xi32>
          tpu.vector_store_idx %arg13[%add3A_142], %select_n3A_188 : memref<128xi32, #tpu.memory_space<vmem>>[vector<16xi32>], vector<16xi32>,
          %mul3A_213 = arith.constant 16 : i32
          %mul3A_214 = arith.muli %scan3A_131, %mul3A_213 : i32
          %add3A_215 = arith.addi %mul3A_119, %mul3A_214 : i32
          %add3A_216 = vector.broadcast %add3A_215 : i32 to vector<16xi32>
          %add3A_217 = arith.addi %add3A_216, %iota3A : vector<16xi32>
          %broadcast_in_dim3A_218 = arith.constant 0 : i32
          %broadcast_in_dim3A_219 = vector.broadcast %broadcast_in_dim3A_218 : i32 to vector<16xi32>
          %gather3A = tpu.vector_load_idx %arg9[%add3A_217, %broadcast_in_dim3A_219] : memref<2048x8xf32, #tpu.memory_space<vmem>>[vector<16xi32>, vector<16xi32>], vector<16xf32>,
          %broadcast_in_dim3A_220 = arith.constant 1 : i32
          %broadcast_in_dim3A_221 = vector.broadcast %broadcast_in_dim3A_220 : i32 to vector<16xi32>
          %gather3A_222 = tpu.vector_load_idx %arg9[%add3A_217, %broadcast_in_dim3A_221] : memref<2048x8xf32, #tpu.memory_space<vmem>>[vector<16xi32>, vector<16xi32>], vector<16xf32>,
          %broadcast_in_dim3A_223 = arith.constant 0 : i32
          %broadcast_in_dim3A_224 = vector.broadcast %broadcast_in_dim3A_223 : i32 to vector<16xi32>
          %eq3A_225 = arith.constant 0 : i32
          %eq3A_226 = vector.broadcast %eq3A_225 : i32 to vector<16xi32>
          %eq3A_227 = arith.cmpi eq, %mul3A_212, %eq3A_226 : vector<16xi32>
          %jit3A_228 = arith.constant 0.000000e+00 : f32
          %broadcast_in_dim3A_229 = vector.broadcast %jit3A_228 : f32 to vector<16xf32>
          %select_n3A_230 = arith.select %eq3A_227, %gather3A, %broadcast_in_dim3A_229 : vector<16xi1>, vector<16xf32>
          %add3A_231 = arith.constant 1 : i32
          %add3A_232 = vector.broadcast %add3A_231 : i32 to vector<16xi32>
          %add3A_233 = arith.addi %mul3A_212, %add3A_232 : vector<16xi32>
          %eq3A_234 = arith.constant 0 : i32
          %eq3A_235 = vector.broadcast %eq3A_234 : i32 to vector<16xi32>
          %eq3A_236 = arith.cmpi eq, %add3A_233, %eq3A_235 : vector<16xi32>
          %jit3A_237 = arith.constant 0.000000e+00 : f32
          %broadcast_in_dim3A_238 = vector.broadcast %jit3A_237 : f32 to vector<16xf32>
          %select_n3A_239 = arith.select %eq3A_236, %gather3A_222, %broadcast_in_dim3A_238 : vector<16xi1>, vector<16xf32>
          %add3A_240 = arith.addf %select_n3A_230, %select_n3A_239 : vector<16xf32>
          tpu.vector_store_idx %arg12[%add3A_142, %broadcast_in_dim3A_224], %add3A_240 : memref<128x8xf32, #tpu.memory_space<vmem>>[vector<16xi32>, vector<16xi32>], vector<16xf32>,
          %broadcast_in_dim3A_241 = arith.constant 1 : i32
          %broadcast_in_dim3A_242 = vector.broadcast %broadcast_in_dim3A_241 : i32 to vector<16xi32>
          %eq3A_243 = arith.constant 1 : i32
          %eq3A_244 = vector.broadcast %eq3A_243 : i32 to vector<16xi32>
          %eq3A_245 = arith.cmpi eq, %mul3A_212, %eq3A_244 : vector<16xi32>
          %jit3A_246 = arith.constant 0.000000e+00 : f32
          %broadcast_in_dim3A_247 = vector.broadcast %jit3A_246 : f32 to vector<16xf32>
          %select_n3A_248 = arith.select %eq3A_245, %gather3A, %broadcast_in_dim3A_247 : vector<16xi1>, vector<16xf32>
          %add3A_249 = arith.constant 1 : i32
          %add3A_250 = vector.broadcast %add3A_249 : i32 to vector<16xi32>
          %add3A_251 = arith.addi %mul3A_212, %add3A_250 : vector<16xi32>
          %eq3A_252 = arith.constant 1 : i32
          %eq3A_253 = vector.broadcast %eq3A_252 : i32 to vector<16xi32>
          %eq3A_254 = arith.cmpi eq, %add3A_251, %eq3A_253 : vector<16xi32>
          %jit3A_255 = arith.constant 0.000000e+00 : f32
          %broadcast_in_dim3A_256 = vector.broadcast %jit3A_255 : f32 to vector<16xf32>
          %select_n3A_257 = arith.select %eq3A_254, %gather3A_222, %broadcast_in_dim3A_256 : vector<16xi1>, vector<16xf32>
          %add3A_258 = arith.addf %select_n3A_248, %select_n3A_257 : vector<16xf32>
          tpu.vector_store_idx %arg12[%add3A_142, %broadcast_in_dim3A_242], %add3A_258 : memref<128x8xf32, #tpu.memory_space<vmem>>[vector<16xi32>, vector<16xi32>], vector<16xf32>,
          %broadcast_in_dim3A_259 = arith.constant 2 : i32
          %broadcast_in_dim3A_260 = vector.broadcast %broadcast_in_dim3A_259 : i32 to vector<16xi32>
          %eq3A_261 = arith.constant 2 : i32
          %eq3A_262 = vector.broadcast %eq3A_261 : i32 to vector<16xi32>
          %eq3A_263 = arith.cmpi eq, %mul3A_212, %eq3A_262 : vector<16xi32>
          %jit3A_264 = arith.constant 0.000000e+00 : f32
          %broadcast_in_dim3A_265 = vector.broadcast %jit3A_264 : f32 to vector<16xf32>
          %select_n3A_266 = arith.select %eq3A_263, %gather3A, %broadcast_in_dim3A_265 : vector<16xi1>, vector<16xf32>
          %add3A_267 = arith.constant 1 : i32
          %add3A_268 = vector.broadcast %add3A_267 : i32 to vector<16xi32>
          %add3A_269 = arith.addi %mul3A_212, %add3A_268 : vector<16xi32>
          %eq3A_270 = arith.constant 2 : i32
          %eq3A_271 = vector.broadcast %eq3A_270 : i32 to vector<16xi32>
          %eq3A_272 = arith.cmpi eq, %add3A_269, %eq3A_271 : vector<16xi32>
          %jit3A_273 = arith.constant 0.000000e+00 : f32
          %broadcast_in_dim3A_274 = vector.broadcast %jit3A_273 : f32 to vector<16xf32>
          %select_n3A_275 = arith.select %eq3A_272, %gather3A_222, %broadcast_in_dim3A_274 : vector<16xi1>, vector<16xf32>
          %add3A_276 = arith.addf %select_n3A_266, %select_n3A_275 : vector<16xf32>
          tpu.vector_store_idx %arg12[%add3A_142, %broadcast_in_dim3A_260], %add3A_276 : memref<128x8xf32, #tpu.memory_space<vmem>>[vector<16xi32>, vector<16xi32>], vector<16xf32>,
          %broadcast_in_dim3A_277 = arith.constant 3 : i32
          %broadcast_in_dim3A_278 = vector.broadcast %broadcast_in_dim3A_277 : i32 to vector<16xi32>
          %eq3A_279 = arith.constant 3 : i32
          %eq3A_280 = vector.broadcast %eq3A_279 : i32 to vector<16xi32>
          %eq3A_281 = arith.cmpi eq, %mul3A_212, %eq3A_280 : vector<16xi32>
          %jit3A_282 = arith.constant 0.000000e+00 : f32
          %broadcast_in_dim3A_283 = vector.broadcast %jit3A_282 : f32 to vector<16xf32>
          %select_n3A_284 = arith.select %eq3A_281, %gather3A, %broadcast_in_dim3A_283 : vector<16xi1>, vector<16xf32>
          %add3A_285 = arith.constant 1 : i32
          %add3A_286 = vector.broadcast %add3A_285 : i32 to vector<16xi32>
          %add3A_287 = arith.addi %mul3A_212, %add3A_286 : vector<16xi32>
          %eq3A_288 = arith.constant 3 : i32
          %eq3A_289 = vector.broadcast %eq3A_288 : i32 to vector<16xi32>
          %eq3A_290 = arith.cmpi eq, %add3A_287, %eq3A_289 : vector<16xi32>
          %jit3A_291 = arith.constant 0.000000e+00 : f32
          %broadcast_in_dim3A_292 = vector.broadcast %jit3A_291 : f32 to vector<16xf32>
          %select_n3A_293 = arith.select %eq3A_290, %gather3A_222, %broadcast_in_dim3A_292 : vector<16xi1>, vector<16xf32>
          %add3A_294 = arith.addf %select_n3A_284, %select_n3A_293 : vector<16xf32>
          tpu.vector_store_idx %arg12[%add3A_142, %broadcast_in_dim3A_278], %add3A_294 : memref<128x8xf32, #tpu.memory_space<vmem>>[vector<16xi32>, vector<16xi32>], vector<16xf32>,
          %broadcast_in_dim3A_295 = arith.constant 4 : i32
          %broadcast_in_dim3A_296 = vector.broadcast %broadcast_in_dim3A_295 : i32 to vector<16xi32>
          %eq3A_297 = arith.constant 4 : i32
          %eq3A_298 = vector.broadcast %eq3A_297 : i32 to vector<16xi32>
          %eq3A_299 = arith.cmpi eq, %mul3A_212, %eq3A_298 : vector<16xi32>
          %jit3A_300 = arith.constant 0.000000e+00 : f32
          %broadcast_in_dim3A_301 = vector.broadcast %jit3A_300 : f32 to vector<16xf32>
          %select_n3A_302 = arith.select %eq3A_299, %gather3A, %broadcast_in_dim3A_301 : vector<16xi1>, vector<16xf32>
          %add3A_303 = arith.constant 1 : i32
          %add3A_304 = vector.broadcast %add3A_303 : i32 to vector<16xi32>
          %add3A_305 = arith.addi %mul3A_212, %add3A_304 : vector<16xi32>
          %eq3A_306 = arith.constant 4 : i32
          %eq3A_307 = vector.broadcast %eq3A_306 : i32 to vector<16xi32>
          %eq3A_308 = arith.cmpi eq, %add3A_305, %eq3A_307 : vector<16xi32>
          %jit3A_309 = arith.constant 0.000000e+00 : f32
          %broadcast_in_dim3A_310 = vector.broadcast %jit3A_309 : f32 to vector<16xf32>
          %select_n3A_311 = arith.select %eq3A_308, %gather3A_222, %broadcast_in_dim3A_310 : vector<16xi1>, vector<16xf32>
          %add3A_312 = arith.addf %select_n3A_302, %select_n3A_311 : vector<16xf32>
          tpu.vector_store_idx %arg12[%add3A_142, %broadcast_in_dim3A_296], %add3A_312 : memref<128x8xf32, #tpu.memory_space<vmem>>[vector<16xi32>, vector<16xi32>], vector<16xf32>,
          %broadcast_in_dim3A_313 = arith.constant 5 : i32
          %broadcast_in_dim3A_314 = vector.broadcast %broadcast_in_dim3A_313 : i32 to vector<16xi32>
          %eq3A_315 = arith.constant 5 : i32
          %eq3A_316 = vector.broadcast %eq3A_315 : i32 to vector<16xi32>
          %eq3A_317 = arith.cmpi eq, %mul3A_212, %eq3A_316 : vector<16xi32>
          %jit3A_318 = arith.constant 0.000000e+00 : f32
          %broadcast_in_dim3A_319 = vector.broadcast %jit3A_318 : f32 to vector<16xf32>
          %select_n3A_320 = arith.select %eq3A_317, %gather3A, %broadcast_in_dim3A_319 : vector<16xi1>, vector<16xf32>
          %add3A_321 = arith.constant 1 : i32
          %add3A_322 = vector.broadcast %add3A_321 : i32 to vector<16xi32>
          %add3A_323 = arith.addi %mul3A_212, %add3A_322 : vector<16xi32>
          %eq3A_324 = arith.constant 5 : i32
          %eq3A_325 = vector.broadcast %eq3A_324 : i32 to vector<16xi32>
          %eq3A_326 = arith.cmpi eq, %add3A_323, %eq3A_325 : vector<16xi32>
          %jit3A_327 = arith.constant 0.000000e+00 : f32
          %broadcast_in_dim3A_328 = vector.broadcast %jit3A_327 : f32 to vector<16xf32>
          %select_n3A_329 = arith.select %eq3A_326, %gather3A_222, %broadcast_in_dim3A_328 : vector<16xi1>, vector<16xf32>
          %add3A_330 = arith.addf %select_n3A_320, %select_n3A_329 : vector<16xf32>
          tpu.vector_store_idx %arg12[%add3A_142, %broadcast_in_dim3A_314], %add3A_330 : memref<128x8xf32, #tpu.memory_space<vmem>>[vector<16xi32>, vector<16xi32>], vector<16xf32>,
          %broadcast_in_dim3A_331 = arith.constant 6 : i32
          %broadcast_in_dim3A_332 = vector.broadcast %broadcast_in_dim3A_331 : i32 to vector<16xi32>
          %eq3A_333 = arith.constant 6 : i32
          %eq3A_334 = vector.broadcast %eq3A_333 : i32 to vector<16xi32>
          %eq3A_335 = arith.cmpi eq, %mul3A_212, %eq3A_334 : vector<16xi32>
          %jit3A_336 = arith.constant 0.000000e+00 : f32
          %broadcast_in_dim3A_337 = vector.broadcast %jit3A_336 : f32 to vector<16xf32>
          %select_n3A_338 = arith.select %eq3A_335, %gather3A, %broadcast_in_dim3A_337 : vector<16xi1>, vector<16xf32>
          %add3A_339 = arith.constant 1 : i32
          %add3A_340 = vector.broadcast %add3A_339 : i32 to vector<16xi32>
          %add3A_341 = arith.addi %mul3A_212, %add3A_340 : vector<16xi32>
          %eq3A_342 = arith.constant 6 : i32
          %eq3A_343 = vector.broadcast %eq3A_342 : i32 to vector<16xi32>
          %eq3A_344 = arith.cmpi eq, %add3A_341, %eq3A_343 : vector<16xi32>
          %jit3A_345 = arith.constant 0.000000e+00 : f32
          %broadcast_in_dim3A_346 = vector.broadcast %jit3A_345 : f32 to vector<16xf32>
          %select_n3A_347 = arith.select %eq3A_344, %gather3A_222, %broadcast_in_dim3A_346 : vector<16xi1>, vector<16xf32>
          %add3A_348 = arith.addf %select_n3A_338, %select_n3A_347 : vector<16xf32>
          tpu.vector_store_idx %arg12[%add3A_142, %broadcast_in_dim3A_332], %add3A_348 : memref<128x8xf32, #tpu.memory_space<vmem>>[vector<16xi32>, vector<16xi32>], vector<16xf32>,
          %broadcast_in_dim3A_349 = arith.constant 7 : i32
          %broadcast_in_dim3A_350 = vector.broadcast %broadcast_in_dim3A_349 : i32 to vector<16xi32>
          %eq3A_351 = arith.constant 7 : i32
          %eq3A_352 = vector.broadcast %eq3A_351 : i32 to vector<16xi32>
          %eq3A_353 = arith.cmpi eq, %mul3A_212, %eq3A_352 : vector<16xi32>
          %jit3A_354 = arith.constant 0.000000e+00 : f32
          %broadcast_in_dim3A_355 = vector.broadcast %jit3A_354 : f32 to vector<16xf32>
          %select_n3A_356 = arith.select %eq3A_353, %gather3A, %broadcast_in_dim3A_355 : vector<16xi1>, vector<16xf32>
          %add3A_357 = arith.constant 1 : i32
          %add3A_358 = vector.broadcast %add3A_357 : i32 to vector<16xi32>
          %add3A_359 = arith.addi %mul3A_212, %add3A_358 : vector<16xi32>
          %eq3A_360 = arith.constant 7 : i32
          %eq3A_361 = vector.broadcast %eq3A_360 : i32 to vector<16xi32>
          %eq3A_362 = arith.cmpi eq, %add3A_359, %eq3A_361 : vector<16xi32>
          %jit3A_363 = arith.constant 0.000000e+00 : f32
          %broadcast_in_dim3A_364 = vector.broadcast %jit3A_363 : f32 to vector<16xf32>
          %select_n3A_365 = arith.select %eq3A_362, %gather3A_222, %broadcast_in_dim3A_364 : vector<16xi1>, vector<16xf32>
          %add3A_366 = arith.addf %select_n3A_356, %select_n3A_365 : vector<16xf32>
          tpu.vector_store_idx %arg12[%add3A_142, %broadcast_in_dim3A_350], %add3A_366 : memref<128x8xf32, #tpu.memory_space<vmem>>[vector<16xi32>, vector<16xi32>], vector<16xf32>,
          %scan3A_367 = arith.constant 0 : i32
          scf.yield %scan3A_367 : i32
        }
        %scan3A_126 = arith.constant 8 : i32
        %dma_start3A_127 = arith.constant 0 : i32
        %dma_start3A_128 = arith.constant 0 : i32
        %dma_start3A_129 = tpu.memref_slice %arg6[%dma_start3A_127, %dma_start3A_128] : memref<131072x8xf32, #tpu.memory_space<vmem_shared>> -> memref<131072x8xf32, #tpu.memory_space<vmem_shared>>
        tpu.enqueue_indirect_dma source(%arg12 : memref<128x8xf32, #tpu.memory_space<vmem>>) target(%dma_start3A_129 : memref<131072x8xf32, #tpu.memory_space<vmem_shared>>) offsets(%arg13 : memref<128xi32, #tpu.memory_space<vmem>>) semaphore(%arg15 : memref<!tpu.dma_semaphore, #tpu.memory_space<semaphore_mem>>) {add = true}
        %scan3A_130 = arith.constant 0 : i32
        scf.yield %scan3A_130 : i32
      }
      %scan3A_83 = arith.constant 8 : i32
      %dma_wait3A = arith.constant 0 : i32
      %dma_wait3A_84 = arith.constant 0 : i32
      %dma_wait3A_85 = tpu.memref_slice %arg6[%dma_wait3A, %dma_wait3A_84] : memref<131072x8xf32, #tpu.memory_space<vmem_shared>> -> memref<131072x8xf32, #tpu.memory_space<vmem_shared>>
      tpu.wait_indirect_dma semaphore(%arg15 : memref<!tpu.dma_semaphore, #tpu.memory_space<semaphore_mem>>) src(%arg10 : memref<128x8xf32, #tpu.memory_space<vmem>>) dst(%dma_wait3A_85 : memref<131072x8xf32, #tpu.memory_space<vmem_shared>>)
      %dma_wait3A_86 = arith.constant 0 : i32
      %dma_wait3A_87 = arith.constant 0 : i32
      %dma_wait3A_88 = tpu.memref_slice %arg6[%dma_wait3A_86, %dma_wait3A_87] : memref<131072x8xf32, #tpu.memory_space<vmem_shared>> -> memref<131072x8xf32, #tpu.memory_space<vmem_shared>>
      tpu.wait_indirect_dma semaphore(%arg15 : memref<!tpu.dma_semaphore, #tpu.memory_space<semaphore_mem>>) src(%arg12 : memref<128x8xf32, #tpu.memory_space<vmem>>) dst(%dma_wait3A_88 : memref<131072x8xf32, #tpu.memory_space<vmem_shared>>)
      %scan3A_89 = arith.constant 0 : i32
      scf.yield %scan3A_89 : i32
    }
    %scan3A_24 = arith.constant 10 : i32
    %barrier3A_25 = arith.constant 0 : index
    tpu.barrier barrier_id(%barrier3A_25)
    %mul3A_26 = arith.constant 8192 : i32
    %mul3A_27 = arith.muli %arg1, %mul3A_26 : i32
    %scan3A_28 = arith.constant 0 : i32
    %scan3A_29 = arith.constant 0 : i32
    %scan3A_30 = arith.constant 4 : i32
    %scan3A_31 = arith.addi %scan3A_29, %scan3A_30 : i32
    %scan3A_32 = arith.constant 1 : i32
    %scan3A_33 = scf.for %scan3A_73 = %scan3A_29 to %scan3A_31 step %scan3A_32 iter_args(%scan3A_74 = %scan3A_28) -> (i32)  : i32 {
      %mul3A_75 = arith.constant 2048 : i32
      %mul3A_76 = arith.muli %scan3A_73, %mul3A_75 : i32
      %add3A = arith.addi %mul3A_27, %mul3A_76 : i32
      "tpu.region"() ({
        %run_scoped3A = tpu.sem_alloc : memref<!tpu.dma_semaphore, #tpu.memory_space<semaphore_mem>>
        %dma_start3A = arith.constant 0 : i32
        %dma_start3A_83 = tpu.memref_slice %arg6[%add3A, %dma_start3A] : memref<131072x8xf32, #tpu.memory_space<vmem_shared>> -> memref<2048x8xf32, #tpu.memory_space<vmem_shared>>
        %dma_start3A_84 = arith.constant 0 : i32
        %dma_start3A_85 = tpu.memref_slice %arg6[%add3A, %dma_start3A_84] : memref<131072x8xf32, #tpu.memory_space<vmem_shared>> -> memref<2048x8xf32, #tpu.memory_space<vmem_shared>>
        tpu.enqueue_dma source(%dma_start3A_85 : memref<2048x8xf32, #tpu.memory_space<vmem_shared>>) target(%arg14 : memref<2048x8xf32, #tpu.memory_space<vmem>>) target_semaphore(%run_scoped3A : memref<!tpu.dma_semaphore, #tpu.memory_space<semaphore_mem>>)
        %dma_wait3A = arith.constant 0 : i32
        %dma_wait3A_86 = tpu.memref_slice %arg6[%add3A, %dma_wait3A] : memref<131072x8xf32, #tpu.memory_space<vmem_shared>> -> memref<2048x8xf32, #tpu.memory_space<vmem_shared>>
        %dma_wait3A_87 = arith.constant 0 : i32
        %dma_wait3A_88 = tpu.memref_slice %arg6[%add3A, %dma_wait3A_87] : memref<131072x8xf32, #tpu.memory_space<vmem_shared>> -> memref<2048x8xf32, #tpu.memory_space<vmem_shared>>
        tpu.wait_dma2 semaphore(%run_scoped3A : memref<!tpu.dma_semaphore, #tpu.memory_space<semaphore_mem>>) src(%dma_wait3A_88 : memref<2048x8xf32, #tpu.memory_space<vmem_shared>>) dst(%arg14 : memref<2048x8xf32, #tpu.memory_space<vmem>>)
        tpu.yield
      }) : () -> ()
      %mul3A_77 = arith.constant 131072 : i32
      %mul3A_78 = arith.muli %arg0, %mul3A_77 : i32
      %add3A_79 = arith.constant 0 : i32
      %add3A_80 = arith.addi %add3A_79, %mul3A_78 : i32
      %add3A_81 = arith.addi %add3A_80, %add3A : i32
      "tpu.region"() ({
        %run_scoped3A = tpu.sem_alloc : memref<!tpu.dma_semaphore, #tpu.memory_space<semaphore_mem>>
        %dma_start3A = arith.constant 0 : i32
        %dma_start3A_83 = tpu.memref_slice %arg5[%add3A_81, %dma_start3A] : memref<524288x8xf32, #tpu.memory_space<hbm>> -> memref<2048x8xf32, #tpu.memory_space<hbm>>
        %dma_start3A_84 = arith.constant 0 : i32
        %dma_start3A_85 = tpu.memref_slice %arg5[%add3A_81, %dma_start3A_84] : memref<524288x8xf32, #tpu.memory_space<hbm>> -> memref<2048x8xf32, #tpu.memory_space<hbm>>
        tpu.enqueue_dma source(%arg14 : memref<2048x8xf32, #tpu.memory_space<vmem>>) target(%dma_start3A_85 : memref<2048x8xf32, #tpu.memory_space<hbm>>) target_semaphore(%run_scoped3A : memref<!tpu.dma_semaphore, #tpu.memory_space<semaphore_mem>>)
        %dma_wait3A = arith.constant 0 : i32
        %dma_wait3A_86 = tpu.memref_slice %arg5[%add3A_81, %dma_wait3A] : memref<524288x8xf32, #tpu.memory_space<hbm>> -> memref<2048x8xf32, #tpu.memory_space<hbm>>
        %dma_wait3A_87 = arith.constant 0 : i32
        %dma_wait3A_88 = tpu.memref_slice %arg5[%add3A_81, %dma_wait3A_87] : memref<524288x8xf32, #tpu.memory_space<hbm>> -> memref<2048x8xf32, #tpu.memory_space<hbm>>
        tpu.wait_dma2 semaphore(%run_scoped3A : memref<!tpu.dma_semaphore, #tpu.memory_space<semaphore_mem>>) src(%arg14 : memref<2048x8xf32, #tpu.memory_space<vmem>>) dst(%dma_wait3A_88 : memref<2048x8xf32, #tpu.memory_space<hbm>>)
        tpu.yield
      }) : () -> ()
      %scan3A_82 = arith.constant 0 : i32
      scf.yield %scan3A_82 : i32
    }
    %scan3A_34 = arith.constant 4 : i32
    %barrier3A_35 = arith.constant 0 : index
    tpu.barrier barrier_id(%barrier3A_35)
    %broadcast_in_dim3A_36 = arith.constant 0.000000e+00 : f32
    %broadcast_in_dim3A_37 = vector.broadcast %broadcast_in_dim3A_36 : f32 to vector<16xf32>
    %iota3A_38 = tpu.iota {dimensions = array<i32: 0>} : vector<16xi32>
    %scan3A_39 = arith.constant 0 : i32
    %scan3A_40 = arith.constant 0 : i32
    %scan3A_41 = arith.constant 1024 : i32
    %scan3A_42 = arith.addi %scan3A_40, %scan3A_41 : i32
    %scan3A_43 = arith.constant 1 : i32
    %scan3A_44 = scf.for %scan3A_73 = %scan3A_40 to %scan3A_42 step %scan3A_43 iter_args(%scan3A_74 = %scan3A_39) -> (i32)  : i32 {
      %mul3A_75 = arith.constant 16 : i32
      %mul3A_76 = arith.muli %scan3A_73, %mul3A_75 : i32
      %add3A = vector.broadcast %mul3A_76 : i32 to vector<16xi32>
      %add3A_77 = arith.addi %add3A, %iota3A_38 : vector<16xi32>
      %jit3A = arith.constant 8 : i32
      %div3A = vector.broadcast %jit3A : i32 to vector<16xi32>
      %div3A_78 = arith.divsi %add3A_77, %div3A : vector<16xi32>
      %sign3A = arith.constant 0 : i32
      %sign3A_79 = vector.broadcast %sign3A : i32 to vector<16xi32>
      %sign3A_80 = arith.cmpi sgt, %add3A_77, %sign3A_79 : vector<16xi32>
      %sign3A_81 = arith.extui %sign3A_80 : vector<16xi1> to vector<16xi32>
      %sign3A_82 = arith.constant 0 : i32
      %sign3A_83 = vector.broadcast %sign3A_82 : i32 to vector<16xi32>
      %sign3A_84 = arith.cmpi slt, %add3A_77, %sign3A_83 : vector<16xi32>
      %sign3A_85 = arith.extui %sign3A_84 : vector<16xi1> to vector<16xi32>
      %sign3A_86 = arith.subi %sign3A_81, %sign3A_85 : vector<16xi32>
      %sign3A_87 = arith.constant 0 : i32
      %sign3A_88 = arith.cmpi sgt, %jit3A, %sign3A_87 : i32
      %sign3A_89 = arith.extui %sign3A_88 : i1 to i32
      %sign3A_90 = arith.constant 0 : i32
      %sign3A_91 = arith.cmpi slt, %jit3A, %sign3A_90 : i32
      %sign3A_92 = arith.extui %sign3A_91 : i1 to i32
      %sign3A_93 = arith.subi %sign3A_89, %sign3A_92 : i32
      %ne3A = vector.broadcast %sign3A_93 : i32 to vector<16xi32>
      %ne3A_94 = arith.cmpi ne, %sign3A_86, %ne3A : vector<16xi32>
      %rem3A = vector.broadcast %jit3A : i32 to vector<16xi32>
      %rem3A_95 = arith.remsi %add3A_77, %rem3A : vector<16xi32>
      %ne3A_96 = arith.constant 0 : i32
      %ne3A_97 = vector.broadcast %ne3A_96 : i32 to vector<16xi32>
      %ne3A_98 = arith.cmpi ne, %rem3A_95, %ne3A_97 : vector<16xi32>
      %and3A = arith.andi %ne3A_94, %ne3A_98 : vector<16xi1>
      %sub3A = arith.constant 1 : i32
      %sub3A_99 = vector.broadcast %sub3A : i32 to vector<16xi32>
      %sub3A_100 = arith.subi %div3A_78, %sub3A_99 : vector<16xi32>
      %select_n3A = arith.select %and3A, %sub3A_100, %div3A_78 : vector<16xi1>, vector<16xi32>
      %jit3A_101 = arith.constant 8 : i32
      %eq3A = arith.constant 0 : i32
      %eq3A_102 = arith.cmpi eq, %jit3A_101, %eq3A : i32
      %jit3A_103 = arith.constant 1 : i32
      %select_n3A_104 = arith.select %eq3A_102, %jit3A_103, %jit3A_101 : i32
      %rem3A_105 = vector.broadcast %select_n3A_104 : i32 to vector<16xi32>
      %rem3A_106 = arith.remsi %add3A_77, %rem3A_105 : vector<16xi32>
      %ne3A_107 = arith.constant 0 : i32
      %ne3A_108 = vector.broadcast %ne3A_107 : i32 to vector<16xi32>
      %ne3A_109 = arith.cmpi ne, %rem3A_106, %ne3A_108 : vector<16xi32>
      %lt3A = arith.constant 0 : i32
      %lt3A_110 = vector.broadcast %lt3A : i32 to vector<16xi32>
      %lt3A_111 = arith.cmpi slt, %rem3A_106, %lt3A_110 : vector<16xi32>
      %lt3A_112 = arith.constant 0 : i32
      %lt3A_113 = arith.cmpi slt, %select_n3A_104, %lt3A_112 : i32
      %ne3A_114 = vector.broadcast %lt3A_113 : i1 to vector<16xi1>
      %ne3A_115 = vector.broadcast %ne3A_114 : vector<16xi1> to vector<16xi1>
      %ne3A_116 = arith.xori %lt3A_111, %ne3A_115 : vector<16xi1>
      %and3A_117 = arith.andi %ne3A_116, %ne3A_109 : vector<16xi1>
      %add3A_118 = vector.broadcast %select_n3A_104 : i32 to vector<16xi32>
      %add3A_119 = arith.addi %rem3A_106, %add3A_118 : vector<16xi32>
      %select_n3A_120 = arith.select %and3A_117, %add3A_119, %rem3A_106 : vector<16xi1>, vector<16xi32>
      tpu.vector_store_idx %arg14[%select_n3A, %select_n3A_120], %broadcast_in_dim3A_37 : memref<2048x8xf32, #tpu.memory_space<vmem>>[vector<16xi32>, vector<16xi32>], vector<16xf32>,
      %scan3A_121 = arith.constant 0 : i32
      scf.yield %scan3A_121 : i32
    }
    %scan3A_45 = arith.constant 1024 : i32
    %scan3A_46 = arith.constant 0 : i32
    %scan3A_47 = arith.constant 0 : i32
    %scan3A_48 = arith.constant 4 : i32
    %scan3A_49 = arith.addi %scan3A_47, %scan3A_48 : i32
    %scan3A_50 = arith.constant 1 : i32
    %scan3A_51 = scf.for %scan3A_73 = %scan3A_47 to %scan3A_49 step %scan3A_50 iter_args(%scan3A_74 = %scan3A_46) -> (i32)  : i32 {
      %mul3A_75 = arith.constant 8192 : i32
      %mul3A_76 = arith.muli %arg1, %mul3A_75 : i32
      %mul3A_77 = arith.constant 2048 : i32
      %mul3A_78 = arith.muli %scan3A_73, %mul3A_77 : i32
      %add3A = arith.addi %mul3A_76, %mul3A_78 : i32
      "tpu.region"() ({
        %run_scoped3A = tpu.sem_alloc : memref<!tpu.dma_semaphore, #tpu.memory_space<semaphore_mem>>
        %dma_start3A = arith.constant 0 : i32
        %dma_start3A_80 = tpu.memref_slice %arg6[%add3A, %dma_start3A] : memref<131072x8xf32, #tpu.memory_space<vmem_shared>> -> memref<2048x8xf32, #tpu.memory_space<vmem_shared>>
        %dma_start3A_81 = arith.constant 0 : i32
        %dma_start3A_82 = tpu.memref_slice %arg6[%add3A, %dma_start3A_81] : memref<131072x8xf32, #tpu.memory_space<vmem_shared>> -> memref<2048x8xf32, #tpu.memory_space<vmem_shared>>
        tpu.enqueue_dma source(%arg14 : memref<2048x8xf32, #tpu.memory_space<vmem>>) target(%dma_start3A_82 : memref<2048x8xf32, #tpu.memory_space<vmem_shared>>) target_semaphore(%run_scoped3A : memref<!tpu.dma_semaphore, #tpu.memory_space<semaphore_mem>>)
        %dma_wait3A = arith.constant 0 : i32
        %dma_wait3A_83 = tpu.memref_slice %arg6[%add3A, %dma_wait3A] : memref<131072x8xf32, #tpu.memory_space<vmem_shared>> -> memref<2048x8xf32, #tpu.memory_space<vmem_shared>>
        %dma_wait3A_84 = arith.constant 0 : i32
        %dma_wait3A_85 = tpu.memref_slice %arg6[%add3A, %dma_wait3A_84] : memref<131072x8xf32, #tpu.memory_space<vmem_shared>> -> memref<2048x8xf32, #tpu.memory_space<vmem_shared>>
        tpu.wait_dma2 semaphore(%run_scoped3A : memref<!tpu.dma_semaphore, #tpu.memory_space<semaphore_mem>>) src(%arg14 : memref<2048x8xf32, #tpu.memory_space<vmem>>) dst(%dma_wait3A_85 : memref<2048x8xf32, #tpu.memory_space<vmem_shared>>)
        tpu.yield
      }) : () -> ()
      %scan3A_79 = arith.constant 0 : i32
      scf.yield %scan3A_79 : i32
    }
    %scan3A_52 = arith.constant 4 : i32
    %barrier3A_53 = arith.constant 0 : index
    tpu.barrier barrier_id(%barrier3A_53)
    %mul3A_54 = arith.constant 20480 : i32
    %mul3A_55 = arith.muli %arg1, %mul3A_54 : i32
    %scan3A_56 = arith.constant 0 : i32
    %scan3A_57 = arith.constant 0 : i32
    %scan3A_58 = arith.constant 10 : i32
    %scan3A_59 = arith.addi %scan3A_57, %scan3A_58 : i32
    %scan3A_60 = arith.constant 1 : i32
    %scan3A_61 = scf.for %scan3A_73 = %scan3A_57 to %scan3A_59 step %scan3A_60 iter_args(%scan3A_74 = %scan3A_56) -> (i32)  : i32 {
      %mul3A_75 = arith.constant 2048 : i32
      %mul3A_76 = arith.muli %scan3A_73, %mul3A_75 : i32
      %add3A = arith.addi %mul3A_55, %mul3A_76 : i32
      "tpu.region"() ({
        %run_scoped3A = tpu.sem_alloc : memref<!tpu.dma_semaphore, #tpu.memory_space<semaphore_mem>>
        %dma_start3A = tpu.memref_slice %arg2[%add3A] : memref<327680xi32, #tpu.memory_space<hbm>> -> memref<2048xi32, #tpu.memory_space<hbm>>
        %dma_start3A_90 = tpu.memref_slice %arg2[%add3A] : memref<327680xi32, #tpu.memory_space<hbm>> -> memref<2048xi32, #tpu.memory_space<hbm>>
        tpu.enqueue_dma source(%dma_start3A_90 : memref<2048xi32, #tpu.memory_space<hbm>>) target(%arg7 : memref<2048xi32, #tpu.memory_space<vmem>>) target_semaphore(%run_scoped3A : memref<!tpu.dma_semaphore, #tpu.memory_space<semaphore_mem>>)
        %dma_wait3A_91 = tpu.memref_slice %arg2[%add3A] : memref<327680xi32, #tpu.memory_space<hbm>> -> memref<2048xi32, #tpu.memory_space<hbm>>
        %dma_wait3A_92 = tpu.memref_slice %arg2[%add3A] : memref<327680xi32, #tpu.memory_space<hbm>> -> memref<2048xi32, #tpu.memory_space<hbm>>
        tpu.wait_dma2 semaphore(%run_scoped3A : memref<!tpu.dma_semaphore, #tpu.memory_space<semaphore_mem>>) src(%dma_wait3A_92 : memref<2048xi32, #tpu.memory_space<hbm>>) dst(%arg7 : memref<2048xi32, #tpu.memory_space<vmem>>)
        tpu.yield
      }) : () -> ()
      "tpu.region"() ({
        %run_scoped3A = tpu.sem_alloc : memref<!tpu.dma_semaphore, #tpu.memory_space<semaphore_mem>>
        %dma_start3A = tpu.memref_slice %arg3[%add3A] : memref<327680xi32, #tpu.memory_space<hbm>> -> memref<2048xi32, #tpu.memory_space<hbm>>
        %dma_start3A_90 = tpu.memref_slice %arg3[%add3A] : memref<327680xi32, #tpu.memory_space<hbm>> -> memref<2048xi32, #tpu.memory_space<hbm>>
        tpu.enqueue_dma source(%dma_start3A_90 : memref<2048xi32, #tpu.memory_space<hbm>>) target(%arg8 : memref<2048xi32, #tpu.memory_space<vmem>>) target_semaphore(%run_scoped3A : memref<!tpu.dma_semaphore, #tpu.memory_space<semaphore_mem>>)
        %dma_wait3A_91 = tpu.memref_slice %arg3[%add3A] : memref<327680xi32, #tpu.memory_space<hbm>> -> memref<2048xi32, #tpu.memory_space<hbm>>
        %dma_wait3A_92 = tpu.memref_slice %arg3[%add3A] : memref<327680xi32, #tpu.memory_space<hbm>> -> memref<2048xi32, #tpu.memory_space<hbm>>
        tpu.wait_dma2 semaphore(%run_scoped3A : memref<!tpu.dma_semaphore, #tpu.memory_space<semaphore_mem>>) src(%dma_wait3A_92 : memref<2048xi32, #tpu.memory_space<hbm>>) dst(%arg8 : memref<2048xi32, #tpu.memory_space<vmem>>)
        tpu.yield
      }) : () -> ()
      "tpu.region"() ({
        %run_scoped3A = tpu.sem_alloc : memref<!tpu.dma_semaphore, #tpu.memory_space<semaphore_mem>>
        %dma_start3A = arith.constant 0 : i32
        %dma_start3A_90 = tpu.memref_slice %arg4[%add3A, %dma_start3A] : memref<327680x8xf32, #tpu.memory_space<hbm>> -> memref<2048x8xf32, #tpu.memory_space<hbm>>
        %dma_start3A_91 = arith.constant 0 : i32
        %dma_start3A_92 = tpu.memref_slice %arg4[%add3A, %dma_start3A_91] : memref<327680x8xf32, #tpu.memory_space<hbm>> -> memref<2048x8xf32, #tpu.memory_space<hbm>>
        tpu.enqueue_dma source(%dma_start3A_92 : memref<2048x8xf32, #tpu.memory_space<hbm>>) target(%arg9 : memref<2048x8xf32, #tpu.memory_space<vmem>>) target_semaphore(%run_scoped3A : memref<!tpu.dma_semaphore, #tpu.memory_space<semaphore_mem>>)
        %dma_wait3A_93 = arith.constant 0 : i32
        %dma_wait3A_94 = tpu.memref_slice %arg4[%add3A, %dma_wait3A_93] : memref<327680x8xf32, #tpu.memory_space<hbm>> -> memref<2048x8xf32, #tpu.memory_space<hbm>>
        %dma_wait3A_95 = arith.constant 0 : i32
        %dma_wait3A_96 = tpu.memref_slice %arg4[%add3A, %dma_wait3A_95] : memref<327680x8xf32, #tpu.memory_space<hbm>> -> memref<2048x8xf32, #tpu.memory_space<hbm>>
        tpu.wait_dma2 semaphore(%run_scoped3A : memref<!tpu.dma_semaphore, #tpu.memory_space<semaphore_mem>>) src(%dma_wait3A_96 : memref<2048x8xf32, #tpu.memory_space<hbm>>) dst(%arg9 : memref<2048x8xf32, #tpu.memory_space<vmem>>)
        tpu.yield
      }) : () -> ()
      %scan3A_77 = arith.constant 0 : i32
      %scan3A_78 = arith.constant 0 : i32
      %scan3A_79 = arith.constant 8 : i32
      %scan3A_80 = arith.addi %scan3A_78, %scan3A_79 : i32
      %scan3A_81 = arith.constant 1 : i32
      %scan3A_82 = scf.for %scan3A_90 = %scan3A_78 to %scan3A_80 step %scan3A_81 iter_args(%scan3A_91 = %scan3A_77) -> (i32)  : i32 {
        %mul3A_92 = arith.constant 2 : i32
        %mul3A_93 = arith.muli %mul3A_92, %scan3A_90 : i32
        %add3A_94 = arith.constant 0 : i32
        %add3A_95 = arith.addi %mul3A_93, %add3A_94 : i32
        %gt3A = arith.constant 0 : i32
        %gt3A_96 = arith.cmpi sgt, %scan3A_90, %gt3A : i32
        %convert_element_type3A = arith.extui %gt3A_96 : i1 to i32
        %cond3A = arith.constant 0 : i32
        %cond3A_97 = arith.cmpi ne, %convert_element_type3A, %cond3A : i32
        scf.if %cond3A_97 {
          %dma_wait3A_131 = arith.constant 0 : i32
          %dma_wait3A_132 = arith.constant 0 : i32
          %dma_wait3A_133 = tpu.memref_slice %arg6[%dma_wait3A_131, %dma_wait3A_132] : memref<131072x8xf32, #tpu.memory_space<vmem_shared>> -> memref<131072x8xf32, #tpu.memory_space<vmem_shared>>
          tpu.wait_indirect_dma semaphore(%arg15 : memref<!tpu.dma_semaphore, #tpu.memory_space<semaphore_mem>>) src(%arg10 : memref<128x8xf32, #tpu.memory_space<vmem>>) dst(%dma_wait3A_133 : memref<131072x8xf32, #tpu.memory_space<vmem_shared>>)
        } else {
        }
        %mul3A_98 = arith.constant 128 : i32
        %mul3A_99 = arith.muli %add3A_95, %mul3A_98 : i32
        %scan3A_100 = arith.constant 0 : i32
        %scan3A_101 = arith.constant 0 : i32
        %scan3A_102 = arith.constant 8 : i32
        %scan3A_103 = arith.addi %scan3A_101, %scan3A_102 : i32
        %scan3A_104 = arith.constant 1 : i32
        %scan3A_105 = scf.for %scan3A_131 = %scan3A_101 to %scan3A_103 step %scan3A_104 iter_args(%scan3A_132 = %scan3A_100) -> (i32)  : i32 {
          %mul3A_133 = arith.constant 16 : i32
          %mul3A_134 = arith.muli %scan3A_131, %mul3A_133 : i32
          %add3A_135 = arith.addi %mul3A_99, %mul3A_134 : i32
          %get3A = arith.index_cast %add3A_135 : i32 to index
          %get3A_136 = tpu.vector_load %arg7[%get3A] {strides = array<i32>} : memref<2048xi32, #tpu.memory_space<vmem>>, vector<16xi32>,
          %get3A_137 = arith.index_cast %add3A_135 : i32 to index
          %get3A_138 = tpu.vector_load %arg8[%get3A_137] {strides = array<i32>} : memref<2048xi32, #tpu.memory_space<vmem>>, vector<16xi32>,
          %mul3A_139 = arith.constant 16 : i32
          %mul3A_140 = arith.muli %scan3A_131, %mul3A_139 : i32
          %add3A_141 = vector.broadcast %mul3A_140 : i32 to vector<16xi32>
          %add3A_142 = arith.addi %add3A_141, %iota3A : vector<16xi32>
          %ge3A = vector.broadcast %mul3A_0 : i32 to vector<16xi32>
          %ge3A_143 = arith.cmpi sge, %get3A_136, %ge3A : vector<16xi32>
          %add3A_144 = arith.constant 5000 : i32
          %add3A_145 = arith.addi %mul3A_0, %add3A_144 : i32
          %lt3A = vector.broadcast %add3A_145 : i32 to vector<16xi32>
          %lt3A_146 = arith.cmpi slt, %get3A_136, %lt3A : vector<16xi32>
          %and3A = arith.andi %ge3A_143, %lt3A_146 : vector<16xi1>
          %sub3A = vector.broadcast %mul3A_0 : i32 to vector<16xi32>
          %sub3A_147 = arith.subi %get3A_136, %sub3A : vector<16xi32>
          %mul3A_148 = arith.constant 100 : i32
          %mul3A_149 = vector.broadcast %mul3A_148 : i32 to vector<16xi32>
          %mul3A_150 = arith.muli %sub3A_147, %mul3A_149 : vector<16xi32>
          %add3A_151 = arith.addi %mul3A_150, %get3A_138 : vector<16xi32>
          %jit3A = arith.constant 4 : i32
          %div3A = vector.broadcast %jit3A : i32 to vector<16xi32>
          %div3A_152 = arith.divsi %add3A_151, %div3A : vector<16xi32>
          %sign3A = arith.constant 0 : i32
          %sign3A_153 = vector.broadcast %sign3A : i32 to vector<16xi32>
          %sign3A_154 = arith.cmpi sgt, %add3A_151, %sign3A_153 : vector<16xi32>
          %sign3A_155 = arith.extui %sign3A_154 : vector<16xi1> to vector<16xi32>
          %sign3A_156 = arith.constant 0 : i32
          %sign3A_157 = vector.broadcast %sign3A_156 : i32 to vector<16xi32>
          %sign3A_158 = arith.cmpi slt, %add3A_151, %sign3A_157 : vector<16xi32>
          %sign3A_159 = arith.extui %sign3A_158 : vector<16xi1> to vector<16xi32>
          %sign3A_160 = arith.subi %sign3A_155, %sign3A_159 : vector<16xi32>
          %sign3A_161 = arith.constant 0 : i32
          %sign3A_162 = arith.cmpi sgt, %jit3A, %sign3A_161 : i32
          %sign3A_163 = arith.extui %sign3A_162 : i1 to i32
          %sign3A_164 = arith.constant 0 : i32
          %sign3A_165 = arith.cmpi slt, %jit3A, %sign3A_164 : i32
          %sign3A_166 = arith.extui %sign3A_165 : i1 to i32
          %sign3A_167 = arith.subi %sign3A_163, %sign3A_166 : i32
          %ne3A = vector.broadcast %sign3A_167 : i32 to vector<16xi32>
          %ne3A_168 = arith.cmpi ne, %sign3A_160, %ne3A : vector<16xi32>
          %rem3A = vector.broadcast %jit3A : i32 to vector<16xi32>
          %rem3A_169 = arith.remsi %add3A_151, %rem3A : vector<16xi32>
          %ne3A_170 = arith.constant 0 : i32
          %ne3A_171 = vector.broadcast %ne3A_170 : i32 to vector<16xi32>
          %ne3A_172 = arith.cmpi ne, %rem3A_169, %ne3A_171 : vector<16xi32>
          %and3A_173 = arith.andi %ne3A_168, %ne3A_172 : vector<16xi1>
          %sub3A_174 = arith.constant 1 : i32
          %sub3A_175 = vector.broadcast %sub3A_174 : i32 to vector<16xi32>
          %sub3A_176 = arith.subi %div3A_152, %sub3A_175 : vector<16xi32>
          %select_n3A = arith.select %and3A_173, %sub3A_176, %div3A_152 : vector<16xi1>, vector<16xi32>
          %mul3A_177 = arith.constant 16 : i32
          %mul3A_178 = arith.muli %scan3A_131, %mul3A_177 : i32
          %add3A_179 = arith.addi %mul3A_99, %mul3A_178 : i32
          %add3A_180 = vector.broadcast %add3A_179 : i32 to vector<16xi32>
          %add3A_181 = arith.addi %add3A_180, %iota3A : vector<16xi32>
          %and3A_182 = arith.constant 4095 : i32
          %and3A_183 = vector.broadcast %and3A_182 : i32 to vector<16xi32>
          %and3A_184 = arith.andi %add3A_181, %and3A_183 : vector<16xi32>
          %add3A_185 = arith.constant 125000 : i32
          %add3A_186 = vector.broadcast %add3A_185 : i32 to vector<16xi32>
          %add3A_187 = arith.addi %add3A_186, %and3A_184 : vector<16xi32>
          %select_n3A_188 = arith.select %and3A, %select_n3A, %add3A_187 : vector<16xi1>, vector<16xi32>
          %jit3A_189 = arith.constant 4 : i32
          %eq3A = arith.constant 0 : i32
          %eq3A_190 = arith.cmpi eq, %jit3A_189, %eq3A : i32
          %jit3A_191 = arith.constant 1 : i32
          %select_n3A_192 = arith.select %eq3A_190, %jit3A_191, %jit3A_189 : i32
          %rem3A_193 = vector.broadcast %select_n3A_192 : i32 to vector<16xi32>
          %rem3A_194 = arith.remsi %add3A_151, %rem3A_193 : vector<16xi32>
          %ne3A_195 = arith.constant 0 : i32
          %ne3A_196 = vector.broadcast %ne3A_195 : i32 to vector<16xi32>
          %ne3A_197 = arith.cmpi ne, %rem3A_194, %ne3A_196 : vector<16xi32>
          %lt3A_198 = arith.constant 0 : i32
          %lt3A_199 = vector.broadcast %lt3A_198 : i32 to vector<16xi32>
          %lt3A_200 = arith.cmpi slt, %rem3A_194, %lt3A_199 : vector<16xi32>
          %lt3A_201 = arith.constant 0 : i32
          %lt3A_202 = arith.cmpi slt, %select_n3A_192, %lt3A_201 : i32
          %ne3A_203 = vector.broadcast %lt3A_202 : i1 to vector<16xi1>
          %ne3A_204 = vector.broadcast %ne3A_203 : vector<16xi1> to vector<16xi1>
          %ne3A_205 = arith.xori %lt3A_200, %ne3A_204 : vector<16xi1>
          %and3A_206 = arith.andi %ne3A_205, %ne3A_197 : vector<16xi1>
          %add3A_207 = vector.broadcast %select_n3A_192 : i32 to vector<16xi32>
          %add3A_208 = arith.addi %rem3A_194, %add3A_207 : vector<16xi32>
          %select_n3A_209 = arith.select %and3A_206, %add3A_208, %rem3A_194 : vector<16xi1>, vector<16xi32>
          %mul3A_210 = arith.constant 2 : i32
          %mul3A_211 = vector.broadcast %mul3A_210 : i32 to vector<16xi32>
          %mul3A_212 = arith.muli %select_n3A_209, %mul3A_211 : vector<16xi32>
          tpu.vector_store_idx %arg11[%add3A_142], %select_n3A_188 : memref<128xi32, #tpu.memory_space<vmem>>[vector<16xi32>], vector<16xi32>,
          %mul3A_213 = arith.constant 16 : i32
          %mul3A_214 = arith.muli %scan3A_131, %mul3A_213 : i32
          %add3A_215 = arith.addi %mul3A_99, %mul3A_214 : i32
          %add3A_216 = vector.broadcast %add3A_215 : i32 to vector<16xi32>
          %add3A_217 = arith.addi %add3A_216, %iota3A : vector<16xi32>
          %broadcast_in_dim3A_218 = arith.constant 2 : i32
          %broadcast_in_dim3A_219 = vector.broadcast %broadcast_in_dim3A_218 : i32 to vector<16xi32>
          %gather3A = tpu.vector_load_idx %arg9[%add3A_217, %broadcast_in_dim3A_219] : memref<2048x8xf32, #tpu.memory_space<vmem>>[vector<16xi32>, vector<16xi32>], vector<16xf32>,
          %broadcast_in_dim3A_220 = arith.constant 3 : i32
          %broadcast_in_dim3A_221 = vector.broadcast %broadcast_in_dim3A_220 : i32 to vector<16xi32>
          %gather3A_222 = tpu.vector_load_idx %arg9[%add3A_217, %broadcast_in_dim3A_221] : memref<2048x8xf32, #tpu.memory_space<vmem>>[vector<16xi32>, vector<16xi32>], vector<16xf32>,
          %broadcast_in_dim3A_223 = arith.constant 0 : i32
          %broadcast_in_dim3A_224 = vector.broadcast %broadcast_in_dim3A_223 : i32 to vector<16xi32>
          %eq3A_225 = arith.constant 0 : i32
          %eq3A_226 = vector.broadcast %eq3A_225 : i32 to vector<16xi32>
          %eq3A_227 = arith.cmpi eq, %mul3A_212, %eq3A_226 : vector<16xi32>
          %jit3A_228 = arith.constant 0.000000e+00 : f32
          %broadcast_in_dim3A_229 = vector.broadcast %jit3A_228 : f32 to vector<16xf32>
          %select_n3A_230 = arith.select %eq3A_227, %gather3A, %broadcast_in_dim3A_229 : vector<16xi1>, vector<16xf32>
          %add3A_231 = arith.constant 1 : i32
          %add3A_232 = vector.broadcast %add3A_231 : i32 to vector<16xi32>
          %add3A_233 = arith.addi %mul3A_212, %add3A_232 : vector<16xi32>
          %eq3A_234 = arith.constant 0 : i32
          %eq3A_235 = vector.broadcast %eq3A_234 : i32 to vector<16xi32>
          %eq3A_236 = arith.cmpi eq, %add3A_233, %eq3A_235 : vector<16xi32>
          %jit3A_237 = arith.constant 0.000000e+00 : f32
          %broadcast_in_dim3A_238 = vector.broadcast %jit3A_237 : f32 to vector<16xf32>
          %select_n3A_239 = arith.select %eq3A_236, %gather3A_222, %broadcast_in_dim3A_238 : vector<16xi1>, vector<16xf32>
          %add3A_240 = arith.addf %select_n3A_230, %select_n3A_239 : vector<16xf32>
          tpu.vector_store_idx %arg10[%add3A_142, %broadcast_in_dim3A_224], %add3A_240 : memref<128x8xf32, #tpu.memory_space<vmem>>[vector<16xi32>, vector<16xi32>], vector<16xf32>,
          %broadcast_in_dim3A_241 = arith.constant 1 : i32
          %broadcast_in_dim3A_242 = vector.broadcast %broadcast_in_dim3A_241 : i32 to vector<16xi32>
          %eq3A_243 = arith.constant 1 : i32
          %eq3A_244 = vector.broadcast %eq3A_243 : i32 to vector<16xi32>
          %eq3A_245 = arith.cmpi eq, %mul3A_212, %eq3A_244 : vector<16xi32>
          %jit3A_246 = arith.constant 0.000000e+00 : f32
          %broadcast_in_dim3A_247 = vector.broadcast %jit3A_246 : f32 to vector<16xf32>
          %select_n3A_248 = arith.select %eq3A_245, %gather3A, %broadcast_in_dim3A_247 : vector<16xi1>, vector<16xf32>
          %add3A_249 = arith.constant 1 : i32
          %add3A_250 = vector.broadcast %add3A_249 : i32 to vector<16xi32>
          %add3A_251 = arith.addi %mul3A_212, %add3A_250 : vector<16xi32>
          %eq3A_252 = arith.constant 1 : i32
          %eq3A_253 = vector.broadcast %eq3A_252 : i32 to vector<16xi32>
          %eq3A_254 = arith.cmpi eq, %add3A_251, %eq3A_253 : vector<16xi32>
          %jit3A_255 = arith.constant 0.000000e+00 : f32
          %broadcast_in_dim3A_256 = vector.broadcast %jit3A_255 : f32 to vector<16xf32>
          %select_n3A_257 = arith.select %eq3A_254, %gather3A_222, %broadcast_in_dim3A_256 : vector<16xi1>, vector<16xf32>
          %add3A_258 = arith.addf %select_n3A_248, %select_n3A_257 : vector<16xf32>
          tpu.vector_store_idx %arg10[%add3A_142, %broadcast_in_dim3A_242], %add3A_258 : memref<128x8xf32, #tpu.memory_space<vmem>>[vector<16xi32>, vector<16xi32>], vector<16xf32>,
          %broadcast_in_dim3A_259 = arith.constant 2 : i32
          %broadcast_in_dim3A_260 = vector.broadcast %broadcast_in_dim3A_259 : i32 to vector<16xi32>
          %eq3A_261 = arith.constant 2 : i32
          %eq3A_262 = vector.broadcast %eq3A_261 : i32 to vector<16xi32>
          %eq3A_263 = arith.cmpi eq, %mul3A_212, %eq3A_262 : vector<16xi32>
          %jit3A_264 = arith.constant 0.000000e+00 : f32
          %broadcast_in_dim3A_265 = vector.broadcast %jit3A_264 : f32 to vector<16xf32>
          %select_n3A_266 = arith.select %eq3A_263, %gather3A, %broadcast_in_dim3A_265 : vector<16xi1>, vector<16xf32>
          %add3A_267 = arith.constant 1 : i32
          %add3A_268 = vector.broadcast %add3A_267 : i32 to vector<16xi32>
          %add3A_269 = arith.addi %mul3A_212, %add3A_268 : vector<16xi32>
          %eq3A_270 = arith.constant 2 : i32
          %eq3A_271 = vector.broadcast %eq3A_270 : i32 to vector<16xi32>
          %eq3A_272 = arith.cmpi eq, %add3A_269, %eq3A_271 : vector<16xi32>
          %jit3A_273 = arith.constant 0.000000e+00 : f32
          %broadcast_in_dim3A_274 = vector.broadcast %jit3A_273 : f32 to vector<16xf32>
          %select_n3A_275 = arith.select %eq3A_272, %gather3A_222, %broadcast_in_dim3A_274 : vector<16xi1>, vector<16xf32>
          %add3A_276 = arith.addf %select_n3A_266, %select_n3A_275 : vector<16xf32>
          tpu.vector_store_idx %arg10[%add3A_142, %broadcast_in_dim3A_260], %add3A_276 : memref<128x8xf32, #tpu.memory_space<vmem>>[vector<16xi32>, vector<16xi32>], vector<16xf32>,
          %broadcast_in_dim3A_277 = arith.constant 3 : i32
          %broadcast_in_dim3A_278 = vector.broadcast %broadcast_in_dim3A_277 : i32 to vector<16xi32>
          %eq3A_279 = arith.constant 3 : i32
          %eq3A_280 = vector.broadcast %eq3A_279 : i32 to vector<16xi32>
          %eq3A_281 = arith.cmpi eq, %mul3A_212, %eq3A_280 : vector<16xi32>
          %jit3A_282 = arith.constant 0.000000e+00 : f32
          %broadcast_in_dim3A_283 = vector.broadcast %jit3A_282 : f32 to vector<16xf32>
          %select_n3A_284 = arith.select %eq3A_281, %gather3A, %broadcast_in_dim3A_283 : vector<16xi1>, vector<16xf32>
          %add3A_285 = arith.constant 1 : i32
          %add3A_286 = vector.broadcast %add3A_285 : i32 to vector<16xi32>
          %add3A_287 = arith.addi %mul3A_212, %add3A_286 : vector<16xi32>
          %eq3A_288 = arith.constant 3 : i32
          %eq3A_289 = vector.broadcast %eq3A_288 : i32 to vector<16xi32>
          %eq3A_290 = arith.cmpi eq, %add3A_287, %eq3A_289 : vector<16xi32>
          %jit3A_291 = arith.constant 0.000000e+00 : f32
          %broadcast_in_dim3A_292 = vector.broadcast %jit3A_291 : f32 to vector<16xf32>
          %select_n3A_293 = arith.select %eq3A_290, %gather3A_222, %broadcast_in_dim3A_292 : vector<16xi1>, vector<16xf32>
          %add3A_294 = arith.addf %select_n3A_284, %select_n3A_293 : vector<16xf32>
          tpu.vector_store_idx %arg10[%add3A_142, %broadcast_in_dim3A_278], %add3A_294 : memref<128x8xf32, #tpu.memory_space<vmem>>[vector<16xi32>, vector<16xi32>], vector<16xf32>,
          %broadcast_in_dim3A_295 = arith.constant 4 : i32
          %broadcast_in_dim3A_296 = vector.broadcast %broadcast_in_dim3A_295 : i32 to vector<16xi32>
          %eq3A_297 = arith.constant 4 : i32
          %eq3A_298 = vector.broadcast %eq3A_297 : i32 to vector<16xi32>
          %eq3A_299 = arith.cmpi eq, %mul3A_212, %eq3A_298 : vector<16xi32>
          %jit3A_300 = arith.constant 0.000000e+00 : f32
          %broadcast_in_dim3A_301 = vector.broadcast %jit3A_300 : f32 to vector<16xf32>
          %select_n3A_302 = arith.select %eq3A_299, %gather3A, %broadcast_in_dim3A_301 : vector<16xi1>, vector<16xf32>
          %add3A_303 = arith.constant 1 : i32
          %add3A_304 = vector.broadcast %add3A_303 : i32 to vector<16xi32>
          %add3A_305 = arith.addi %mul3A_212, %add3A_304 : vector<16xi32>
          %eq3A_306 = arith.constant 4 : i32
          %eq3A_307 = vector.broadcast %eq3A_306 : i32 to vector<16xi32>
          %eq3A_308 = arith.cmpi eq, %add3A_305, %eq3A_307 : vector<16xi32>
          %jit3A_309 = arith.constant 0.000000e+00 : f32
          %broadcast_in_dim3A_310 = vector.broadcast %jit3A_309 : f32 to vector<16xf32>
          %select_n3A_311 = arith.select %eq3A_308, %gather3A_222, %broadcast_in_dim3A_310 : vector<16xi1>, vector<16xf32>
          %add3A_312 = arith.addf %select_n3A_302, %select_n3A_311 : vector<16xf32>
          tpu.vector_store_idx %arg10[%add3A_142, %broadcast_in_dim3A_296], %add3A_312 : memref<128x8xf32, #tpu.memory_space<vmem>>[vector<16xi32>, vector<16xi32>], vector<16xf32>,
          %broadcast_in_dim3A_313 = arith.constant 5 : i32
          %broadcast_in_dim3A_314 = vector.broadcast %broadcast_in_dim3A_313 : i32 to vector<16xi32>
          %eq3A_315 = arith.constant 5 : i32
          %eq3A_316 = vector.broadcast %eq3A_315 : i32 to vector<16xi32>
          %eq3A_317 = arith.cmpi eq, %mul3A_212, %eq3A_316 : vector<16xi32>
          %jit3A_318 = arith.constant 0.000000e+00 : f32
          %broadcast_in_dim3A_319 = vector.broadcast %jit3A_318 : f32 to vector<16xf32>
          %select_n3A_320 = arith.select %eq3A_317, %gather3A, %broadcast_in_dim3A_319 : vector<16xi1>, vector<16xf32>
          %add3A_321 = arith.constant 1 : i32
          %add3A_322 = vector.broadcast %add3A_321 : i32 to vector<16xi32>
          %add3A_323 = arith.addi %mul3A_212, %add3A_322 : vector<16xi32>
          %eq3A_324 = arith.constant 5 : i32
          %eq3A_325 = vector.broadcast %eq3A_324 : i32 to vector<16xi32>
          %eq3A_326 = arith.cmpi eq, %add3A_323, %eq3A_325 : vector<16xi32>
          %jit3A_327 = arith.constant 0.000000e+00 : f32
          %broadcast_in_dim3A_328 = vector.broadcast %jit3A_327 : f32 to vector<16xf32>
          %select_n3A_329 = arith.select %eq3A_326, %gather3A_222, %broadcast_in_dim3A_328 : vector<16xi1>, vector<16xf32>
          %add3A_330 = arith.addf %select_n3A_320, %select_n3A_329 : vector<16xf32>
          tpu.vector_store_idx %arg10[%add3A_142, %broadcast_in_dim3A_314], %add3A_330 : memref<128x8xf32, #tpu.memory_space<vmem>>[vector<16xi32>, vector<16xi32>], vector<16xf32>,
          %broadcast_in_dim3A_331 = arith.constant 6 : i32
          %broadcast_in_dim3A_332 = vector.broadcast %broadcast_in_dim3A_331 : i32 to vector<16xi32>
          %eq3A_333 = arith.constant 6 : i32
          %eq3A_334 = vector.broadcast %eq3A_333 : i32 to vector<16xi32>
          %eq3A_335 = arith.cmpi eq, %mul3A_212, %eq3A_334 : vector<16xi32>
          %jit3A_336 = arith.constant 0.000000e+00 : f32
          %broadcast_in_dim3A_337 = vector.broadcast %jit3A_336 : f32 to vector<16xf32>
          %select_n3A_338 = arith.select %eq3A_335, %gather3A, %broadcast_in_dim3A_337 : vector<16xi1>, vector<16xf32>
          %add3A_339 = arith.constant 1 : i32
          %add3A_340 = vector.broadcast %add3A_339 : i32 to vector<16xi32>
          %add3A_341 = arith.addi %mul3A_212, %add3A_340 : vector<16xi32>
          %eq3A_342 = arith.constant 6 : i32
          %eq3A_343 = vector.broadcast %eq3A_342 : i32 to vector<16xi32>
          %eq3A_344 = arith.cmpi eq, %add3A_341, %eq3A_343 : vector<16xi32>
          %jit3A_345 = arith.constant 0.000000e+00 : f32
          %broadcast_in_dim3A_346 = vector.broadcast %jit3A_345 : f32 to vector<16xf32>
          %select_n3A_347 = arith.select %eq3A_344, %gather3A_222, %broadcast_in_dim3A_346 : vector<16xi1>, vector<16xf32>
          %add3A_348 = arith.addf %select_n3A_338, %select_n3A_347 : vector<16xf32>
          tpu.vector_store_idx %arg10[%add3A_142, %broadcast_in_dim3A_332], %add3A_348 : memref<128x8xf32, #tpu.memory_space<vmem>>[vector<16xi32>, vector<16xi32>], vector<16xf32>,
          %broadcast_in_dim3A_349 = arith.constant 7 : i32
          %broadcast_in_dim3A_350 = vector.broadcast %broadcast_in_dim3A_349 : i32 to vector<16xi32>
          %eq3A_351 = arith.constant 7 : i32
          %eq3A_352 = vector.broadcast %eq3A_351 : i32 to vector<16xi32>
          %eq3A_353 = arith.cmpi eq, %mul3A_212, %eq3A_352 : vector<16xi32>
          %jit3A_354 = arith.constant 0.000000e+00 : f32
          %broadcast_in_dim3A_355 = vector.broadcast %jit3A_354 : f32 to vector<16xf32>
          %select_n3A_356 = arith.select %eq3A_353, %gather3A, %broadcast_in_dim3A_355 : vector<16xi1>, vector<16xf32>
          %add3A_357 = arith.constant 1 : i32
          %add3A_358 = vector.broadcast %add3A_357 : i32 to vector<16xi32>
          %add3A_359 = arith.addi %mul3A_212, %add3A_358 : vector<16xi32>
          %eq3A_360 = arith.constant 7 : i32
          %eq3A_361 = vector.broadcast %eq3A_360 : i32 to vector<16xi32>
          %eq3A_362 = arith.cmpi eq, %add3A_359, %eq3A_361 : vector<16xi32>
          %jit3A_363 = arith.constant 0.000000e+00 : f32
          %broadcast_in_dim3A_364 = vector.broadcast %jit3A_363 : f32 to vector<16xf32>
          %select_n3A_365 = arith.select %eq3A_362, %gather3A_222, %broadcast_in_dim3A_364 : vector<16xi1>, vector<16xf32>
          %add3A_366 = arith.addf %select_n3A_356, %select_n3A_365 : vector<16xf32>
          tpu.vector_store_idx %arg10[%add3A_142, %broadcast_in_dim3A_350], %add3A_366 : memref<128x8xf32, #tpu.memory_space<vmem>>[vector<16xi32>, vector<16xi32>], vector<16xf32>,
          %scan3A_367 = arith.constant 0 : i32
          scf.yield %scan3A_367 : i32
        }
        %scan3A_106 = arith.constant 8 : i32
        %dma_start3A = arith.constant 0 : i32
        %dma_start3A_107 = arith.constant 0 : i32
        %dma_start3A_108 = tpu.memref_slice %arg6[%dma_start3A, %dma_start3A_107] : memref<131072x8xf32, #tpu.memory_space<vmem_shared>> -> memref<131072x8xf32, #tpu.memory_space<vmem_shared>>
        tpu.enqueue_indirect_dma source(%arg10 : memref<128x8xf32, #tpu.memory_space<vmem>>) target(%dma_start3A_108 : memref<131072x8xf32, #tpu.memory_space<vmem_shared>>) offsets(%arg11 : memref<128xi32, #tpu.memory_space<vmem>>) semaphore(%arg15 : memref<!tpu.dma_semaphore, #tpu.memory_space<semaphore_mem>>) {add = true}
        %mul3A_109 = arith.constant 2 : i32
        %mul3A_110 = arith.muli %mul3A_109, %scan3A_90 : i32
        %add3A_111 = arith.constant 1 : i32
        %add3A_112 = arith.addi %mul3A_110, %add3A_111 : i32
        %gt3A_113 = arith.constant 0 : i32
        %gt3A_114 = arith.cmpi sgt, %scan3A_90, %gt3A_113 : i32
        %convert_element_type3A_115 = arith.extui %gt3A_114 : i1 to i32
        %cond3A_116 = arith.constant 0 : i32
        %cond3A_117 = arith.cmpi ne, %convert_element_type3A_115, %cond3A_116 : i32
        scf.if %cond3A_117 {
          %dma_wait3A_131 = arith.constant 0 : i32
          %dma_wait3A_132 = arith.constant 0 : i32
          %dma_wait3A_133 = tpu.memref_slice %arg6[%dma_wait3A_131, %dma_wait3A_132] : memref<131072x8xf32, #tpu.memory_space<vmem_shared>> -> memref<131072x8xf32, #tpu.memory_space<vmem_shared>>
          tpu.wait_indirect_dma semaphore(%arg15 : memref<!tpu.dma_semaphore, #tpu.memory_space<semaphore_mem>>) src(%arg12 : memref<128x8xf32, #tpu.memory_space<vmem>>) dst(%dma_wait3A_133 : memref<131072x8xf32, #tpu.memory_space<vmem_shared>>)
        } else {
        }
        %mul3A_118 = arith.constant 128 : i32
        %mul3A_119 = arith.muli %add3A_112, %mul3A_118 : i32
        %scan3A_120 = arith.constant 0 : i32
        %scan3A_121 = arith.constant 0 : i32
        %scan3A_122 = arith.constant 8 : i32
        %scan3A_123 = arith.addi %scan3A_121, %scan3A_122 : i32
        %scan3A_124 = arith.constant 1 : i32
        %scan3A_125 = scf.for %scan3A_131 = %scan3A_121 to %scan3A_123 step %scan3A_124 iter_args(%scan3A_132 = %scan3A_120) -> (i32)  : i32 {
          %mul3A_133 = arith.constant 16 : i32
          %mul3A_134 = arith.muli %scan3A_131, %mul3A_133 : i32
          %add3A_135 = arith.addi %mul3A_119, %mul3A_134 : i32
          %get3A = arith.index_cast %add3A_135 : i32 to index
          %get3A_136 = tpu.vector_load %arg7[%get3A] {strides = array<i32>} : memref<2048xi32, #tpu.memory_space<vmem>>, vector<16xi32>,
          %get3A_137 = arith.index_cast %add3A_135 : i32 to index
          %get3A_138 = tpu.vector_load %arg8[%get3A_137] {strides = array<i32>} : memref<2048xi32, #tpu.memory_space<vmem>>, vector<16xi32>,
          %mul3A_139 = arith.constant 16 : i32
          %mul3A_140 = arith.muli %scan3A_131, %mul3A_139 : i32
          %add3A_141 = vector.broadcast %mul3A_140 : i32 to vector<16xi32>
          %add3A_142 = arith.addi %add3A_141, %iota3A : vector<16xi32>
          %ge3A = vector.broadcast %mul3A_0 : i32 to vector<16xi32>
          %ge3A_143 = arith.cmpi sge, %get3A_136, %ge3A : vector<16xi32>
          %add3A_144 = arith.constant 5000 : i32
          %add3A_145 = arith.addi %mul3A_0, %add3A_144 : i32
          %lt3A = vector.broadcast %add3A_145 : i32 to vector<16xi32>
          %lt3A_146 = arith.cmpi slt, %get3A_136, %lt3A : vector<16xi32>
          %and3A = arith.andi %ge3A_143, %lt3A_146 : vector<16xi1>
          %sub3A = vector.broadcast %mul3A_0 : i32 to vector<16xi32>
          %sub3A_147 = arith.subi %get3A_136, %sub3A : vector<16xi32>
          %mul3A_148 = arith.constant 100 : i32
          %mul3A_149 = vector.broadcast %mul3A_148 : i32 to vector<16xi32>
          %mul3A_150 = arith.muli %sub3A_147, %mul3A_149 : vector<16xi32>
          %add3A_151 = arith.addi %mul3A_150, %get3A_138 : vector<16xi32>
          %jit3A = arith.constant 4 : i32
          %div3A = vector.broadcast %jit3A : i32 to vector<16xi32>
          %div3A_152 = arith.divsi %add3A_151, %div3A : vector<16xi32>
          %sign3A = arith.constant 0 : i32
          %sign3A_153 = vector.broadcast %sign3A : i32 to vector<16xi32>
          %sign3A_154 = arith.cmpi sgt, %add3A_151, %sign3A_153 : vector<16xi32>
          %sign3A_155 = arith.extui %sign3A_154 : vector<16xi1> to vector<16xi32>
          %sign3A_156 = arith.constant 0 : i32
          %sign3A_157 = vector.broadcast %sign3A_156 : i32 to vector<16xi32>
          %sign3A_158 = arith.cmpi slt, %add3A_151, %sign3A_157 : vector<16xi32>
          %sign3A_159 = arith.extui %sign3A_158 : vector<16xi1> to vector<16xi32>
          %sign3A_160 = arith.subi %sign3A_155, %sign3A_159 : vector<16xi32>
          %sign3A_161 = arith.constant 0 : i32
          %sign3A_162 = arith.cmpi sgt, %jit3A, %sign3A_161 : i32
          %sign3A_163 = arith.extui %sign3A_162 : i1 to i32
          %sign3A_164 = arith.constant 0 : i32
          %sign3A_165 = arith.cmpi slt, %jit3A, %sign3A_164 : i32
          %sign3A_166 = arith.extui %sign3A_165 : i1 to i32
          %sign3A_167 = arith.subi %sign3A_163, %sign3A_166 : i32
          %ne3A = vector.broadcast %sign3A_167 : i32 to vector<16xi32>
          %ne3A_168 = arith.cmpi ne, %sign3A_160, %ne3A : vector<16xi32>
          %rem3A = vector.broadcast %jit3A : i32 to vector<16xi32>
          %rem3A_169 = arith.remsi %add3A_151, %rem3A : vector<16xi32>
          %ne3A_170 = arith.constant 0 : i32
          %ne3A_171 = vector.broadcast %ne3A_170 : i32 to vector<16xi32>
          %ne3A_172 = arith.cmpi ne, %rem3A_169, %ne3A_171 : vector<16xi32>
          %and3A_173 = arith.andi %ne3A_168, %ne3A_172 : vector<16xi1>
          %sub3A_174 = arith.constant 1 : i32
          %sub3A_175 = vector.broadcast %sub3A_174 : i32 to vector<16xi32>
          %sub3A_176 = arith.subi %div3A_152, %sub3A_175 : vector<16xi32>
          %select_n3A = arith.select %and3A_173, %sub3A_176, %div3A_152 : vector<16xi1>, vector<16xi32>
          %mul3A_177 = arith.constant 16 : i32
          %mul3A_178 = arith.muli %scan3A_131, %mul3A_177 : i32
          %add3A_179 = arith.addi %mul3A_119, %mul3A_178 : i32
          %add3A_180 = vector.broadcast %add3A_179 : i32 to vector<16xi32>
          %add3A_181 = arith.addi %add3A_180, %iota3A : vector<16xi32>
          %and3A_182 = arith.constant 4095 : i32
          %and3A_183 = vector.broadcast %and3A_182 : i32 to vector<16xi32>
          %and3A_184 = arith.andi %add3A_181, %and3A_183 : vector<16xi32>
          %add3A_185 = arith.constant 125000 : i32
          %add3A_186 = vector.broadcast %add3A_185 : i32 to vector<16xi32>
          %add3A_187 = arith.addi %add3A_186, %and3A_184 : vector<16xi32>
          %select_n3A_188 = arith.select %and3A, %select_n3A, %add3A_187 : vector<16xi1>, vector<16xi32>
          %jit3A_189 = arith.constant 4 : i32
          %eq3A = arith.constant 0 : i32
          %eq3A_190 = arith.cmpi eq, %jit3A_189, %eq3A : i32
          %jit3A_191 = arith.constant 1 : i32
          %select_n3A_192 = arith.select %eq3A_190, %jit3A_191, %jit3A_189 : i32
          %rem3A_193 = vector.broadcast %select_n3A_192 : i32 to vector<16xi32>
          %rem3A_194 = arith.remsi %add3A_151, %rem3A_193 : vector<16xi32>
          %ne3A_195 = arith.constant 0 : i32
          %ne3A_196 = vector.broadcast %ne3A_195 : i32 to vector<16xi32>
          %ne3A_197 = arith.cmpi ne, %rem3A_194, %ne3A_196 : vector<16xi32>
          %lt3A_198 = arith.constant 0 : i32
          %lt3A_199 = vector.broadcast %lt3A_198 : i32 to vector<16xi32>
          %lt3A_200 = arith.cmpi slt, %rem3A_194, %lt3A_199 : vector<16xi32>
          %lt3A_201 = arith.constant 0 : i32
          %lt3A_202 = arith.cmpi slt, %select_n3A_192, %lt3A_201 : i32
          %ne3A_203 = vector.broadcast %lt3A_202 : i1 to vector<16xi1>
          %ne3A_204 = vector.broadcast %ne3A_203 : vector<16xi1> to vector<16xi1>
          %ne3A_205 = arith.xori %lt3A_200, %ne3A_204 : vector<16xi1>
          %and3A_206 = arith.andi %ne3A_205, %ne3A_197 : vector<16xi1>
          %add3A_207 = vector.broadcast %select_n3A_192 : i32 to vector<16xi32>
          %add3A_208 = arith.addi %rem3A_194, %add3A_207 : vector<16xi32>
          %select_n3A_209 = arith.select %and3A_206, %add3A_208, %rem3A_194 : vector<16xi1>, vector<16xi32>
          %mul3A_210 = arith.constant 2 : i32
          %mul3A_211 = vector.broadcast %mul3A_210 : i32 to vector<16xi32>
          %mul3A_212 = arith.muli %select_n3A_209, %mul3A_211 : vector<16xi32>
          tpu.vector_store_idx %arg13[%add3A_142], %select_n3A_188 : memref<128xi32, #tpu.memory_space<vmem>>[vector<16xi32>], vector<16xi32>,
          %mul3A_213 = arith.constant 16 : i32
          %mul3A_214 = arith.muli %scan3A_131, %mul3A_213 : i32
          %add3A_215 = arith.addi %mul3A_119, %mul3A_214 : i32
          %add3A_216 = vector.broadcast %add3A_215 : i32 to vector<16xi32>
          %add3A_217 = arith.addi %add3A_216, %iota3A : vector<16xi32>
          %broadcast_in_dim3A_218 = arith.constant 2 : i32
          %broadcast_in_dim3A_219 = vector.broadcast %broadcast_in_dim3A_218 : i32 to vector<16xi32>
          %gather3A = tpu.vector_load_idx %arg9[%add3A_217, %broadcast_in_dim3A_219] : memref<2048x8xf32, #tpu.memory_space<vmem>>[vector<16xi32>, vector<16xi32>], vector<16xf32>,
          %broadcast_in_dim3A_220 = arith.constant 3 : i32
          %broadcast_in_dim3A_221 = vector.broadcast %broadcast_in_dim3A_220 : i32 to vector<16xi32>
          %gather3A_222 = tpu.vector_load_idx %arg9[%add3A_217, %broadcast_in_dim3A_221] : memref<2048x8xf32, #tpu.memory_space<vmem>>[vector<16xi32>, vector<16xi32>], vector<16xf32>,
          %broadcast_in_dim3A_223 = arith.constant 0 : i32
          %broadcast_in_dim3A_224 = vector.broadcast %broadcast_in_dim3A_223 : i32 to vector<16xi32>
          %eq3A_225 = arith.constant 0 : i32
          %eq3A_226 = vector.broadcast %eq3A_225 : i32 to vector<16xi32>
          %eq3A_227 = arith.cmpi eq, %mul3A_212, %eq3A_226 : vector<16xi32>
          %jit3A_228 = arith.constant 0.000000e+00 : f32
          %broadcast_in_dim3A_229 = vector.broadcast %jit3A_228 : f32 to vector<16xf32>
          %select_n3A_230 = arith.select %eq3A_227, %gather3A, %broadcast_in_dim3A_229 : vector<16xi1>, vector<16xf32>
          %add3A_231 = arith.constant 1 : i32
          %add3A_232 = vector.broadcast %add3A_231 : i32 to vector<16xi32>
          %add3A_233 = arith.addi %mul3A_212, %add3A_232 : vector<16xi32>
          %eq3A_234 = arith.constant 0 : i32
          %eq3A_235 = vector.broadcast %eq3A_234 : i32 to vector<16xi32>
          %eq3A_236 = arith.cmpi eq, %add3A_233, %eq3A_235 : vector<16xi32>
          %jit3A_237 = arith.constant 0.000000e+00 : f32
          %broadcast_in_dim3A_238 = vector.broadcast %jit3A_237 : f32 to vector<16xf32>
          %select_n3A_239 = arith.select %eq3A_236, %gather3A_222, %broadcast_in_dim3A_238 : vector<16xi1>, vector<16xf32>
          %add3A_240 = arith.addf %select_n3A_230, %select_n3A_239 : vector<16xf32>
          tpu.vector_store_idx %arg12[%add3A_142, %broadcast_in_dim3A_224], %add3A_240 : memref<128x8xf32, #tpu.memory_space<vmem>>[vector<16xi32>, vector<16xi32>], vector<16xf32>,
          %broadcast_in_dim3A_241 = arith.constant 1 : i32
          %broadcast_in_dim3A_242 = vector.broadcast %broadcast_in_dim3A_241 : i32 to vector<16xi32>
          %eq3A_243 = arith.constant 1 : i32
          %eq3A_244 = vector.broadcast %eq3A_243 : i32 to vector<16xi32>
          %eq3A_245 = arith.cmpi eq, %mul3A_212, %eq3A_244 : vector<16xi32>
          %jit3A_246 = arith.constant 0.000000e+00 : f32
          %broadcast_in_dim3A_247 = vector.broadcast %jit3A_246 : f32 to vector<16xf32>
          %select_n3A_248 = arith.select %eq3A_245, %gather3A, %broadcast_in_dim3A_247 : vector<16xi1>, vector<16xf32>
          %add3A_249 = arith.constant 1 : i32
          %add3A_250 = vector.broadcast %add3A_249 : i32 to vector<16xi32>
          %add3A_251 = arith.addi %mul3A_212, %add3A_250 : vector<16xi32>
          %eq3A_252 = arith.constant 1 : i32
          %eq3A_253 = vector.broadcast %eq3A_252 : i32 to vector<16xi32>
          %eq3A_254 = arith.cmpi eq, %add3A_251, %eq3A_253 : vector<16xi32>
          %jit3A_255 = arith.constant 0.000000e+00 : f32
          %broadcast_in_dim3A_256 = vector.broadcast %jit3A_255 : f32 to vector<16xf32>
          %select_n3A_257 = arith.select %eq3A_254, %gather3A_222, %broadcast_in_dim3A_256 : vector<16xi1>, vector<16xf32>
          %add3A_258 = arith.addf %select_n3A_248, %select_n3A_257 : vector<16xf32>
          tpu.vector_store_idx %arg12[%add3A_142, %broadcast_in_dim3A_242], %add3A_258 : memref<128x8xf32, #tpu.memory_space<vmem>>[vector<16xi32>, vector<16xi32>], vector<16xf32>,
          %broadcast_in_dim3A_259 = arith.constant 2 : i32
          %broadcast_in_dim3A_260 = vector.broadcast %broadcast_in_dim3A_259 : i32 to vector<16xi32>
          %eq3A_261 = arith.constant 2 : i32
          %eq3A_262 = vector.broadcast %eq3A_261 : i32 to vector<16xi32>
          %eq3A_263 = arith.cmpi eq, %mul3A_212, %eq3A_262 : vector<16xi32>
          %jit3A_264 = arith.constant 0.000000e+00 : f32
          %broadcast_in_dim3A_265 = vector.broadcast %jit3A_264 : f32 to vector<16xf32>
          %select_n3A_266 = arith.select %eq3A_263, %gather3A, %broadcast_in_dim3A_265 : vector<16xi1>, vector<16xf32>
          %add3A_267 = arith.constant 1 : i32
          %add3A_268 = vector.broadcast %add3A_267 : i32 to vector<16xi32>
          %add3A_269 = arith.addi %mul3A_212, %add3A_268 : vector<16xi32>
          %eq3A_270 = arith.constant 2 : i32
          %eq3A_271 = vector.broadcast %eq3A_270 : i32 to vector<16xi32>
          %eq3A_272 = arith.cmpi eq, %add3A_269, %eq3A_271 : vector<16xi32>
          %jit3A_273 = arith.constant 0.000000e+00 : f32
          %broadcast_in_dim3A_274 = vector.broadcast %jit3A_273 : f32 to vector<16xf32>
          %select_n3A_275 = arith.select %eq3A_272, %gather3A_222, %broadcast_in_dim3A_274 : vector<16xi1>, vector<16xf32>
          %add3A_276 = arith.addf %select_n3A_266, %select_n3A_275 : vector<16xf32>
          tpu.vector_store_idx %arg12[%add3A_142, %broadcast_in_dim3A_260], %add3A_276 : memref<128x8xf32, #tpu.memory_space<vmem>>[vector<16xi32>, vector<16xi32>], vector<16xf32>,
          %broadcast_in_dim3A_277 = arith.constant 3 : i32
          %broadcast_in_dim3A_278 = vector.broadcast %broadcast_in_dim3A_277 : i32 to vector<16xi32>
          %eq3A_279 = arith.constant 3 : i32
          %eq3A_280 = vector.broadcast %eq3A_279 : i32 to vector<16xi32>
          %eq3A_281 = arith.cmpi eq, %mul3A_212, %eq3A_280 : vector<16xi32>
          %jit3A_282 = arith.constant 0.000000e+00 : f32
          %broadcast_in_dim3A_283 = vector.broadcast %jit3A_282 : f32 to vector<16xf32>
          %select_n3A_284 = arith.select %eq3A_281, %gather3A, %broadcast_in_dim3A_283 : vector<16xi1>, vector<16xf32>
          %add3A_285 = arith.constant 1 : i32
          %add3A_286 = vector.broadcast %add3A_285 : i32 to vector<16xi32>
          %add3A_287 = arith.addi %mul3A_212, %add3A_286 : vector<16xi32>
          %eq3A_288 = arith.constant 3 : i32
          %eq3A_289 = vector.broadcast %eq3A_288 : i32 to vector<16xi32>
          %eq3A_290 = arith.cmpi eq, %add3A_287, %eq3A_289 : vector<16xi32>
          %jit3A_291 = arith.constant 0.000000e+00 : f32
          %broadcast_in_dim3A_292 = vector.broadcast %jit3A_291 : f32 to vector<16xf32>
          %select_n3A_293 = arith.select %eq3A_290, %gather3A_222, %broadcast_in_dim3A_292 : vector<16xi1>, vector<16xf32>
          %add3A_294 = arith.addf %select_n3A_284, %select_n3A_293 : vector<16xf32>
          tpu.vector_store_idx %arg12[%add3A_142, %broadcast_in_dim3A_278], %add3A_294 : memref<128x8xf32, #tpu.memory_space<vmem>>[vector<16xi32>, vector<16xi32>], vector<16xf32>,
          %broadcast_in_dim3A_295 = arith.constant 4 : i32
          %broadcast_in_dim3A_296 = vector.broadcast %broadcast_in_dim3A_295 : i32 to vector<16xi32>
          %eq3A_297 = arith.constant 4 : i32
          %eq3A_298 = vector.broadcast %eq3A_297 : i32 to vector<16xi32>
          %eq3A_299 = arith.cmpi eq, %mul3A_212, %eq3A_298 : vector<16xi32>
          %jit3A_300 = arith.constant 0.000000e+00 : f32
          %broadcast_in_dim3A_301 = vector.broadcast %jit3A_300 : f32 to vector<16xf32>
          %select_n3A_302 = arith.select %eq3A_299, %gather3A, %broadcast_in_dim3A_301 : vector<16xi1>, vector<16xf32>
          %add3A_303 = arith.constant 1 : i32
          %add3A_304 = vector.broadcast %add3A_303 : i32 to vector<16xi32>
          %add3A_305 = arith.addi %mul3A_212, %add3A_304 : vector<16xi32>
          %eq3A_306 = arith.constant 4 : i32
          %eq3A_307 = vector.broadcast %eq3A_306 : i32 to vector<16xi32>
          %eq3A_308 = arith.cmpi eq, %add3A_305, %eq3A_307 : vector<16xi32>
          %jit3A_309 = arith.constant 0.000000e+00 : f32
          %broadcast_in_dim3A_310 = vector.broadcast %jit3A_309 : f32 to vector<16xf32>
          %select_n3A_311 = arith.select %eq3A_308, %gather3A_222, %broadcast_in_dim3A_310 : vector<16xi1>, vector<16xf32>
          %add3A_312 = arith.addf %select_n3A_302, %select_n3A_311 : vector<16xf32>
          tpu.vector_store_idx %arg12[%add3A_142, %broadcast_in_dim3A_296], %add3A_312 : memref<128x8xf32, #tpu.memory_space<vmem>>[vector<16xi32>, vector<16xi32>], vector<16xf32>,
          %broadcast_in_dim3A_313 = arith.constant 5 : i32
          %broadcast_in_dim3A_314 = vector.broadcast %broadcast_in_dim3A_313 : i32 to vector<16xi32>
          %eq3A_315 = arith.constant 5 : i32
          %eq3A_316 = vector.broadcast %eq3A_315 : i32 to vector<16xi32>
          %eq3A_317 = arith.cmpi eq, %mul3A_212, %eq3A_316 : vector<16xi32>
          %jit3A_318 = arith.constant 0.000000e+00 : f32
          %broadcast_in_dim3A_319 = vector.broadcast %jit3A_318 : f32 to vector<16xf32>
          %select_n3A_320 = arith.select %eq3A_317, %gather3A, %broadcast_in_dim3A_319 : vector<16xi1>, vector<16xf32>
          %add3A_321 = arith.constant 1 : i32
          %add3A_322 = vector.broadcast %add3A_321 : i32 to vector<16xi32>
          %add3A_323 = arith.addi %mul3A_212, %add3A_322 : vector<16xi32>
          %eq3A_324 = arith.constant 5 : i32
          %eq3A_325 = vector.broadcast %eq3A_324 : i32 to vector<16xi32>
          %eq3A_326 = arith.cmpi eq, %add3A_323, %eq3A_325 : vector<16xi32>
          %jit3A_327 = arith.constant 0.000000e+00 : f32
          %broadcast_in_dim3A_328 = vector.broadcast %jit3A_327 : f32 to vector<16xf32>
          %select_n3A_329 = arith.select %eq3A_326, %gather3A_222, %broadcast_in_dim3A_328 : vector<16xi1>, vector<16xf32>
          %add3A_330 = arith.addf %select_n3A_320, %select_n3A_329 : vector<16xf32>
          tpu.vector_store_idx %arg12[%add3A_142, %broadcast_in_dim3A_314], %add3A_330 : memref<128x8xf32, #tpu.memory_space<vmem>>[vector<16xi32>, vector<16xi32>], vector<16xf32>,
          %broadcast_in_dim3A_331 = arith.constant 6 : i32
          %broadcast_in_dim3A_332 = vector.broadcast %broadcast_in_dim3A_331 : i32 to vector<16xi32>
          %eq3A_333 = arith.constant 6 : i32
          %eq3A_334 = vector.broadcast %eq3A_333 : i32 to vector<16xi32>
          %eq3A_335 = arith.cmpi eq, %mul3A_212, %eq3A_334 : vector<16xi32>
          %jit3A_336 = arith.constant 0.000000e+00 : f32
          %broadcast_in_dim3A_337 = vector.broadcast %jit3A_336 : f32 to vector<16xf32>
          %select_n3A_338 = arith.select %eq3A_335, %gather3A, %broadcast_in_dim3A_337 : vector<16xi1>, vector<16xf32>
          %add3A_339 = arith.constant 1 : i32
          %add3A_340 = vector.broadcast %add3A_339 : i32 to vector<16xi32>
          %add3A_341 = arith.addi %mul3A_212, %add3A_340 : vector<16xi32>
          %eq3A_342 = arith.constant 6 : i32
          %eq3A_343 = vector.broadcast %eq3A_342 : i32 to vector<16xi32>
          %eq3A_344 = arith.cmpi eq, %add3A_341, %eq3A_343 : vector<16xi32>
          %jit3A_345 = arith.constant 0.000000e+00 : f32
          %broadcast_in_dim3A_346 = vector.broadcast %jit3A_345 : f32 to vector<16xf32>
          %select_n3A_347 = arith.select %eq3A_344, %gather3A_222, %broadcast_in_dim3A_346 : vector<16xi1>, vector<16xf32>
          %add3A_348 = arith.addf %select_n3A_338, %select_n3A_347 : vector<16xf32>
          tpu.vector_store_idx %arg12[%add3A_142, %broadcast_in_dim3A_332], %add3A_348 : memref<128x8xf32, #tpu.memory_space<vmem>>[vector<16xi32>, vector<16xi32>], vector<16xf32>,
          %broadcast_in_dim3A_349 = arith.constant 7 : i32
          %broadcast_in_dim3A_350 = vector.broadcast %broadcast_in_dim3A_349 : i32 to vector<16xi32>
          %eq3A_351 = arith.constant 7 : i32
          %eq3A_352 = vector.broadcast %eq3A_351 : i32 to vector<16xi32>
          %eq3A_353 = arith.cmpi eq, %mul3A_212, %eq3A_352 : vector<16xi32>
          %jit3A_354 = arith.constant 0.000000e+00 : f32
          %broadcast_in_dim3A_355 = vector.broadcast %jit3A_354 : f32 to vector<16xf32>
          %select_n3A_356 = arith.select %eq3A_353, %gather3A, %broadcast_in_dim3A_355 : vector<16xi1>, vector<16xf32>
          %add3A_357 = arith.constant 1 : i32
          %add3A_358 = vector.broadcast %add3A_357 : i32 to vector<16xi32>
          %add3A_359 = arith.addi %mul3A_212, %add3A_358 : vector<16xi32>
          %eq3A_360 = arith.constant 7 : i32
          %eq3A_361 = vector.broadcast %eq3A_360 : i32 to vector<16xi32>
          %eq3A_362 = arith.cmpi eq, %add3A_359, %eq3A_361 : vector<16xi32>
          %jit3A_363 = arith.constant 0.000000e+00 : f32
          %broadcast_in_dim3A_364 = vector.broadcast %jit3A_363 : f32 to vector<16xf32>
          %select_n3A_365 = arith.select %eq3A_362, %gather3A_222, %broadcast_in_dim3A_364 : vector<16xi1>, vector<16xf32>
          %add3A_366 = arith.addf %select_n3A_356, %select_n3A_365 : vector<16xf32>
          tpu.vector_store_idx %arg12[%add3A_142, %broadcast_in_dim3A_350], %add3A_366 : memref<128x8xf32, #tpu.memory_space<vmem>>[vector<16xi32>, vector<16xi32>], vector<16xf32>,
          %scan3A_367 = arith.constant 0 : i32
          scf.yield %scan3A_367 : i32
        }
        %scan3A_126 = arith.constant 8 : i32
        %dma_start3A_127 = arith.constant 0 : i32
        %dma_start3A_128 = arith.constant 0 : i32
        %dma_start3A_129 = tpu.memref_slice %arg6[%dma_start3A_127, %dma_start3A_128] : memref<131072x8xf32, #tpu.memory_space<vmem_shared>> -> memref<131072x8xf32, #tpu.memory_space<vmem_shared>>
        tpu.enqueue_indirect_dma source(%arg12 : memref<128x8xf32, #tpu.memory_space<vmem>>) target(%dma_start3A_129 : memref<131072x8xf32, #tpu.memory_space<vmem_shared>>) offsets(%arg13 : memref<128xi32, #tpu.memory_space<vmem>>) semaphore(%arg15 : memref<!tpu.dma_semaphore, #tpu.memory_space<semaphore_mem>>) {add = true}
        %scan3A_130 = arith.constant 0 : i32
        scf.yield %scan3A_130 : i32
      }
      %scan3A_83 = arith.constant 8 : i32
      %dma_wait3A = arith.constant 0 : i32
      %dma_wait3A_84 = arith.constant 0 : i32
      %dma_wait3A_85 = tpu.memref_slice %arg6[%dma_wait3A, %dma_wait3A_84] : memref<131072x8xf32, #tpu.memory_space<vmem_shared>> -> memref<131072x8xf32, #tpu.memory_space<vmem_shared>>
      tpu.wait_indirect_dma semaphore(%arg15 : memref<!tpu.dma_semaphore, #tpu.memory_space<semaphore_mem>>) src(%arg10 : memref<128x8xf32, #tpu.memory_space<vmem>>) dst(%dma_wait3A_85 : memref<131072x8xf32, #tpu.memory_space<vmem_shared>>)
      %dma_wait3A_86 = arith.constant 0 : i32
      %dma_wait3A_87 = arith.constant 0 : i32
      %dma_wait3A_88 = tpu.memref_slice %arg6[%dma_wait3A_86, %dma_wait3A_87] : memref<131072x8xf32, #tpu.memory_space<vmem_shared>> -> memref<131072x8xf32, #tpu.memory_space<vmem_shared>>
      tpu.wait_indirect_dma semaphore(%arg15 : memref<!tpu.dma_semaphore, #tpu.memory_space<semaphore_mem>>) src(%arg12 : memref<128x8xf32, #tpu.memory_space<vmem>>) dst(%dma_wait3A_88 : memref<131072x8xf32, #tpu.memory_space<vmem_shared>>)
      %scan3A_89 = arith.constant 0 : i32
      scf.yield %scan3A_89 : i32
    }
    %scan3A_62 = arith.constant 10 : i32
    %barrier3A_63 = arith.constant 0 : index
    tpu.barrier barrier_id(%barrier3A_63)
    %mul3A_64 = arith.constant 8192 : i32
    %mul3A_65 = arith.muli %arg1, %mul3A_64 : i32
    %scan3A_66 = arith.constant 0 : i32
    %scan3A_67 = arith.constant 0 : i32
    %scan3A_68 = arith.constant 4 : i32
    %scan3A_69 = arith.addi %scan3A_67, %scan3A_68 : i32
    %scan3A_70 = arith.constant 1 : i32
    %scan3A_71 = scf.for %scan3A_73 = %scan3A_67 to %scan3A_69 step %scan3A_70 iter_args(%scan3A_74 = %scan3A_66) -> (i32)  : i32 {
      %mul3A_75 = arith.constant 2048 : i32
      %mul3A_76 = arith.muli %scan3A_73, %mul3A_75 : i32
      %add3A = arith.addi %mul3A_65, %mul3A_76 : i32
      "tpu.region"() ({
        %run_scoped3A = tpu.sem_alloc : memref<!tpu.dma_semaphore, #tpu.memory_space<semaphore_mem>>
        %dma_start3A = arith.constant 0 : i32
        %dma_start3A_83 = tpu.memref_slice %arg6[%add3A, %dma_start3A] : memref<131072x8xf32, #tpu.memory_space<vmem_shared>> -> memref<2048x8xf32, #tpu.memory_space<vmem_shared>>
        %dma_start3A_84 = arith.constant 0 : i32
        %dma_start3A_85 = tpu.memref_slice %arg6[%add3A, %dma_start3A_84] : memref<131072x8xf32, #tpu.memory_space<vmem_shared>> -> memref<2048x8xf32, #tpu.memory_space<vmem_shared>>
        tpu.enqueue_dma source(%dma_start3A_85 : memref<2048x8xf32, #tpu.memory_space<vmem_shared>>) target(%arg14 : memref<2048x8xf32, #tpu.memory_space<vmem>>) target_semaphore(%run_scoped3A : memref<!tpu.dma_semaphore, #tpu.memory_space<semaphore_mem>>)
        %dma_wait3A = arith.constant 0 : i32
        %dma_wait3A_86 = tpu.memref_slice %arg6[%add3A, %dma_wait3A] : memref<131072x8xf32, #tpu.memory_space<vmem_shared>> -> memref<2048x8xf32, #tpu.memory_space<vmem_shared>>
        %dma_wait3A_87 = arith.constant 0 : i32
        %dma_wait3A_88 = tpu.memref_slice %arg6[%add3A, %dma_wait3A_87] : memref<131072x8xf32, #tpu.memory_space<vmem_shared>> -> memref<2048x8xf32, #tpu.memory_space<vmem_shared>>
        tpu.wait_dma2 semaphore(%run_scoped3A : memref<!tpu.dma_semaphore, #tpu.memory_space<semaphore_mem>>) src(%dma_wait3A_88 : memref<2048x8xf32, #tpu.memory_space<vmem_shared>>) dst(%arg14 : memref<2048x8xf32, #tpu.memory_space<vmem>>)
        tpu.yield
      }) : () -> ()
      %mul3A_77 = arith.constant 131072 : i32
      %mul3A_78 = arith.muli %arg0, %mul3A_77 : i32
      %add3A_79 = arith.constant 262144 : i32
      %add3A_80 = arith.addi %add3A_79, %mul3A_78 : i32
      %add3A_81 = arith.addi %add3A_80, %add3A : i32
      "tpu.region"() ({
        %run_scoped3A = tpu.sem_alloc : memref<!tpu.dma_semaphore, #tpu.memory_space<semaphore_mem>>
        %dma_start3A = arith.constant 0 : i32
        %dma_start3A_83 = tpu.memref_slice %arg5[%add3A_81, %dma_start3A] : memref<524288x8xf32, #tpu.memory_space<hbm>> -> memref<2048x8xf32, #tpu.memory_space<hbm>>
        %dma_start3A_84 = arith.constant 0 : i32
        %dma_start3A_85 = tpu.memref_slice %arg5[%add3A_81, %dma_start3A_84] : memref<524288x8xf32, #tpu.memory_space<hbm>> -> memref<2048x8xf32, #tpu.memory_space<hbm>>
        tpu.enqueue_dma source(%arg14 : memref<2048x8xf32, #tpu.memory_space<vmem>>) target(%dma_start3A_85 : memref<2048x8xf32, #tpu.memory_space<hbm>>) target_semaphore(%run_scoped3A : memref<!tpu.dma_semaphore, #tpu.memory_space<semaphore_mem>>)
        %dma_wait3A = arith.constant 0 : i32
        %dma_wait3A_86 = tpu.memref_slice %arg5[%add3A_81, %dma_wait3A] : memref<524288x8xf32, #tpu.memory_space<hbm>> -> memref<2048x8xf32, #tpu.memory_space<hbm>>
        %dma_wait3A_87 = arith.constant 0 : i32
        %dma_wait3A_88 = tpu.memref_slice %arg5[%add3A_81, %dma_wait3A_87] : memref<524288x8xf32, #tpu.memory_space<hbm>> -> memref<2048x8xf32, #tpu.memory_space<hbm>>
        tpu.wait_dma2 semaphore(%run_scoped3A : memref<!tpu.dma_semaphore, #tpu.memory_space<semaphore_mem>>) src(%arg14 : memref<2048x8xf32, #tpu.memory_space<vmem>>) dst(%dma_wait3A_88 : memref<2048x8xf32, #tpu.memory_space<hbm>>)
        tpu.yield
      }) : () -> ()
      %scan3A_82 = arith.constant 0 : i32
      scf.yield %scan3A_82 : i32
    }
    %scan3A_72 = arith.constant 4 : i32
    return
  }
}

#map = affine_map<(d0, d1) -> (0)>
#map1 = affine_map<(d0, d1) -> (0, 0)>
module attributes {stable_mosaic.version = 14 : i64} {
  func.func @_k3_body(%arg0: i32, %arg1: i32, %arg2: memref<327680xi32, #tpu.memory_space<hbm>>, %arg3: memref<327680xi32, #tpu.memory_space<hbm>>, %arg4: memref<327680xi32, #tpu.memory_space<hbm>>, %arg5: memref<327680xf32, #tpu.memory_space<hbm>>, %arg6: memref<327680x8xf32, #tpu.memory_space<hbm>>, %arg7: memref<327680x8xf32, #tpu.memory_space<hbm>>, %arg8: memref<327680x8xf32, #tpu.memory_space<hbm>>, %arg9: memref<327680xi32, #tpu.memory_space<hbm>>, %arg10: memref<128xf32, #tpu.memory_space<hbm>>, %arg11: memref<16xf32, #tpu.memory_space<hbm>>, %arg12: memref<327680x8xf32, #tpu.memory_space<hbm>>, %arg13: memref<165888x8xf32, #tpu.memory_space<vmem_shared>>, %arg14: memref<128xf32, #tpu.memory_space<vmem>>, %arg15: memref<16xf32, #tpu.memory_space<vmem>>, %arg16: memref<2048xi32, #tpu.memory_space<vmem>>, %arg17: memref<2048xi32, #tpu.memory_space<vmem>>, %arg18: memref<2048xi32, #tpu.memory_space<vmem>>, %arg19: memref<2048xf32, #tpu.memory_space<vmem>>, %arg20: memref<128x8xf32, #tpu.memory_space<vmem>>, %arg21: memref<128x8xf32, #tpu.memory_space<vmem>>, %arg22: memref<128x8xf32, #tpu.memory_space<vmem>>, %arg23: memref<128x8xf32, #tpu.memory_space<vmem>>, %arg24: memref<128xi32, #tpu.memory_space<vmem>>, %arg25: memref<2048x8xf32, #tpu.memory_space<vmem>>, %arg26: memref<2048xi32, #tpu.memory_space<vmem>>, %arg27: memref<!tpu.dma_semaphore, #tpu.memory_space<semaphore_mem>>, %arg28: memref<!tpu.dma_semaphore, #tpu.memory_space<semaphore_mem>>) attributes {dimension_semantics = [#tpu.dimension_semantics<core_parallel>, #tpu.dimension_semantics<subcore_parallel>], iteration_bounds = array<i64: 2, 16>, scalar_prefetch = 0 : i64, scratch_operands = 16 : i64, tpu.core_type = #tpu.core_type<sc_vector_subcore>, window_params = [{transform_indices = #map}, {transform_indices = #map}, {transform_indices = #map}, {transform_indices = #map}, {transform_indices = #map1}, {transform_indices = #map1}, {transform_indices = #map1}, {transform_indices = #map}, {transform_indices = #map}, {transform_indices = #map}, {transform_indices = #map1}]} {
    %iota3A = tpu.iota {dimensions = array<i32: 0>} : vector<16xi32>
    %mul3A = arith.constant 163840 : i32
    %mul3A_0 = arith.muli %arg0, %mul3A : i32
    "tpu.region"() ({
      %run_scoped3A = tpu.sem_alloc : memref<!tpu.dma_semaphore, #tpu.memory_space<semaphore_mem>>
      tpu.enqueue_dma source(%arg10 : memref<128xf32, #tpu.memory_space<hbm>>) target(%arg14 : memref<128xf32, #tpu.memory_space<vmem>>) target_semaphore(%run_scoped3A : memref<!tpu.dma_semaphore, #tpu.memory_space<semaphore_mem>>)
      tpu.wait_dma2 semaphore(%run_scoped3A : memref<!tpu.dma_semaphore, #tpu.memory_space<semaphore_mem>>) src(%arg10 : memref<128xf32, #tpu.memory_space<hbm>>) dst(%arg14 : memref<128xf32, #tpu.memory_space<vmem>>)
      tpu.yield
    }) : () -> ()
    "tpu.region"() ({
      %run_scoped3A = tpu.sem_alloc : memref<!tpu.dma_semaphore, #tpu.memory_space<semaphore_mem>>
      tpu.enqueue_dma source(%arg11 : memref<16xf32, #tpu.memory_space<hbm>>) target(%arg15 : memref<16xf32, #tpu.memory_space<vmem>>) target_semaphore(%run_scoped3A : memref<!tpu.dma_semaphore, #tpu.memory_space<semaphore_mem>>)
      tpu.wait_dma2 semaphore(%run_scoped3A : memref<!tpu.dma_semaphore, #tpu.memory_space<semaphore_mem>>) src(%arg11 : memref<16xf32, #tpu.memory_space<hbm>>) dst(%arg15 : memref<16xf32, #tpu.memory_space<vmem>>)
      tpu.yield
    }) : () -> ()
    %broadcast_in_dim3A = arith.constant 0.000000e+00 : f32
    %broadcast_in_dim3A_1 = vector.broadcast %broadcast_in_dim3A : f32 to vector<16xf32>
    %iota3A_2 = tpu.iota {dimensions = array<i32: 0>} : vector<16xi32>
    %scan3A = arith.constant 0 : i32
    %scan3A_3 = arith.constant 0 : i32
    %scan3A_4 = arith.constant 1024 : i32
    %scan3A_5 = arith.addi %scan3A_3, %scan3A_4 : i32
    %scan3A_6 = arith.constant 1 : i32
    %scan3A_7 = scf.for %scan3A_54 = %scan3A_3 to %scan3A_5 step %scan3A_6 iter_args(%scan3A_55 = %scan3A) -> (i32)  : i32 {
      %mul3A_56 = arith.constant 16 : i32
      %mul3A_57 = arith.muli %scan3A_54, %mul3A_56 : i32
      %add3A_58 = vector.broadcast %mul3A_57 : i32 to vector<16xi32>
      %add3A_59 = arith.addi %add3A_58, %iota3A_2 : vector<16xi32>
      %jit3A_60 = arith.constant 8 : i32
      %div3A = vector.broadcast %jit3A_60 : i32 to vector<16xi32>
      %div3A_61 = arith.divsi %add3A_59, %div3A : vector<16xi32>
      %sign3A = arith.constant 0 : i32
      %sign3A_62 = vector.broadcast %sign3A : i32 to vector<16xi32>
      %sign3A_63 = arith.cmpi sgt, %add3A_59, %sign3A_62 : vector<16xi32>
      %sign3A_64 = arith.extui %sign3A_63 : vector<16xi1> to vector<16xi32>
      %sign3A_65 = arith.constant 0 : i32
      %sign3A_66 = vector.broadcast %sign3A_65 : i32 to vector<16xi32>
      %sign3A_67 = arith.cmpi slt, %add3A_59, %sign3A_66 : vector<16xi32>
      %sign3A_68 = arith.extui %sign3A_67 : vector<16xi1> to vector<16xi32>
      %sign3A_69 = arith.subi %sign3A_64, %sign3A_68 : vector<16xi32>
      %sign3A_70 = arith.constant 0 : i32
      %sign3A_71 = arith.cmpi sgt, %jit3A_60, %sign3A_70 : i32
      %sign3A_72 = arith.extui %sign3A_71 : i1 to i32
      %sign3A_73 = arith.constant 0 : i32
      %sign3A_74 = arith.cmpi slt, %jit3A_60, %sign3A_73 : i32
      %sign3A_75 = arith.extui %sign3A_74 : i1 to i32
      %sign3A_76 = arith.subi %sign3A_72, %sign3A_75 : i32
      %ne3A_77 = vector.broadcast %sign3A_76 : i32 to vector<16xi32>
      %ne3A_78 = arith.cmpi ne, %sign3A_69, %ne3A_77 : vector<16xi32>
      %rem3A_79 = vector.broadcast %jit3A_60 : i32 to vector<16xi32>
      %rem3A_80 = arith.remsi %add3A_59, %rem3A_79 : vector<16xi32>
      %ne3A_81 = arith.constant 0 : i32
      %ne3A_82 = vector.broadcast %ne3A_81 : i32 to vector<16xi32>
      %ne3A_83 = arith.cmpi ne, %rem3A_80, %ne3A_82 : vector<16xi32>
      %and3A_84 = arith.andi %ne3A_78, %ne3A_83 : vector<16xi1>
      %sub3A = arith.constant 1 : i32
      %sub3A_85 = vector.broadcast %sub3A : i32 to vector<16xi32>
      %sub3A_86 = arith.subi %div3A_61, %sub3A_85 : vector<16xi32>
      %select_n3A_87 = arith.select %and3A_84, %sub3A_86, %div3A_61 : vector<16xi1>, vector<16xi32>
      %jit3A_88 = arith.constant 8 : i32
      %eq3A_89 = arith.constant 0 : i32
      %eq3A_90 = arith.cmpi eq, %jit3A_88, %eq3A_89 : i32
      %jit3A_91 = arith.constant 1 : i32
      %select_n3A_92 = arith.select %eq3A_90, %jit3A_91, %jit3A_88 : i32
      %rem3A_93 = vector.broadcast %select_n3A_92 : i32 to vector<16xi32>
      %rem3A_94 = arith.remsi %add3A_59, %rem3A_93 : vector<16xi32>
      %ne3A_95 = arith.constant 0 : i32
      %ne3A_96 = vector.broadcast %ne3A_95 : i32 to vector<16xi32>
      %ne3A_97 = arith.cmpi ne, %rem3A_94, %ne3A_96 : vector<16xi32>
      %lt3A_98 = arith.constant 0 : i32
      %lt3A_99 = vector.broadcast %lt3A_98 : i32 to vector<16xi32>
      %lt3A_100 = arith.cmpi slt, %rem3A_94, %lt3A_99 : vector<16xi32>
      %lt3A_101 = arith.constant 0 : i32
      %lt3A_102 = arith.cmpi slt, %select_n3A_92, %lt3A_101 : i32
      %ne3A_103 = vector.broadcast %lt3A_102 : i1 to vector<16xi1>
      %ne3A_104 = vector.broadcast %ne3A_103 : vector<16xi1> to vector<16xi1>
      %ne3A_105 = arith.xori %lt3A_100, %ne3A_104 : vector<16xi1>
      %and3A_106 = arith.andi %ne3A_105, %ne3A_97 : vector<16xi1>
      %add3A_107 = vector.broadcast %select_n3A_92 : i32 to vector<16xi32>
      %add3A_108 = arith.addi %rem3A_94, %add3A_107 : vector<16xi32>
      %select_n3A_109 = arith.select %and3A_106, %add3A_108, %rem3A_94 : vector<16xi1>, vector<16xi32>
      tpu.vector_store_idx %arg25[%select_n3A_87, %select_n3A_109], %broadcast_in_dim3A_1 : memref<2048x8xf32, #tpu.memory_space<vmem>>[vector<16xi32>, vector<16xi32>], vector<16xf32>,
      %scan3A_110 = arith.constant 0 : i32
      scf.yield %scan3A_110 : i32
    }
    %scan3A_8 = arith.constant 1024 : i32
    %scan3A_9 = arith.constant 0 : i32
    %scan3A_10 = arith.constant 0 : i32
    %scan3A_11 = arith.constant 5 : i32
    %scan3A_12 = arith.addi %scan3A_10, %scan3A_11 : i32
    %scan3A_13 = arith.constant 1 : i32
    %scan3A_14 = scf.for %scan3A_54 = %scan3A_10 to %scan3A_12 step %scan3A_13 iter_args(%scan3A_55 = %scan3A_9) -> (i32)  : i32 {
      %mul3A_56 = arith.constant 10368 : i32
      %mul3A_57 = arith.muli %arg1, %mul3A_56 : i32
      %mul3A_58 = arith.constant 2048 : i32
      %mul3A_59 = arith.muli %scan3A_54, %mul3A_58 : i32
      %add3A_60 = arith.addi %mul3A_57, %mul3A_59 : i32
      "tpu.region"() ({
        %run_scoped3A = tpu.sem_alloc : memref<!tpu.dma_semaphore, #tpu.memory_space<semaphore_mem>>
        %dma_start3A = arith.constant 0 : i32
        %dma_start3A_62 = tpu.memref_slice %arg13[%add3A_60, %dma_start3A] : memref<165888x8xf32, #tpu.memory_space<vmem_shared>> -> memref<2048x8xf32, #tpu.memory_space<vmem_shared>>
        %dma_start3A_63 = arith.constant 0 : i32
        %dma_start3A_64 = tpu.memref_slice %arg13[%add3A_60, %dma_start3A_63] : memref<165888x8xf32, #tpu.memory_space<vmem_shared>> -> memref<2048x8xf32, #tpu.memory_space<vmem_shared>>
        tpu.enqueue_dma source(%arg25 : memref<2048x8xf32, #tpu.memory_space<vmem>>) target(%dma_start3A_64 : memref<2048x8xf32, #tpu.memory_space<vmem_shared>>) target_semaphore(%run_scoped3A : memref<!tpu.dma_semaphore, #tpu.memory_space<semaphore_mem>>)
        %dma_wait3A = arith.constant 0 : i32
        %dma_wait3A_65 = tpu.memref_slice %arg13[%add3A_60, %dma_wait3A] : memref<165888x8xf32, #tpu.memory_space<vmem_shared>> -> memref<2048x8xf32, #tpu.memory_space<vmem_shared>>
        %dma_wait3A_66 = arith.constant 0 : i32
        %dma_wait3A_67 = tpu.memref_slice %arg13[%add3A_60, %dma_wait3A_66] : memref<165888x8xf32, #tpu.memory_space<vmem_shared>> -> memref<2048x8xf32, #tpu.memory_space<vmem_shared>>
        tpu.wait_dma2 semaphore(%run_scoped3A : memref<!tpu.dma_semaphore, #tpu.memory_space<semaphore_mem>>) src(%arg25 : memref<2048x8xf32, #tpu.memory_space<vmem>>) dst(%dma_wait3A_67 : memref<2048x8xf32, #tpu.memory_space<vmem_shared>>)
        tpu.yield
      }) : () -> ()
      %scan3A_61 = arith.constant 0 : i32
      scf.yield %scan3A_61 : i32
    }
    %scan3A_15 = arith.constant 5 : i32
    %mul3A_16 = arith.constant 10368 : i32
    %mul3A_17 = arith.muli %arg1, %mul3A_16 : i32
    %add3A = arith.constant 10240 : i32
    %add3A_18 = arith.addi %mul3A_17, %add3A : i32
    "tpu.region"() ({
      %run_scoped3A = tpu.sem_alloc : memref<!tpu.dma_semaphore, #tpu.memory_space<semaphore_mem>>
      %dma_start3A = arith.constant 0 : i32
      %dma_start3A_54 = arith.constant 0 : i32
      %dma_start3A_55 = tpu.memref_slice %arg25[%dma_start3A, %dma_start3A_54] : memref<2048x8xf32, #tpu.memory_space<vmem>> -> memref<128x8xf32, #tpu.memory_space<vmem>>
      %dma_start3A_56 = arith.constant 0 : i32
      %dma_start3A_57 = tpu.memref_slice %arg13[%add3A_18, %dma_start3A_56] : memref<165888x8xf32, #tpu.memory_space<vmem_shared>> -> memref<128x8xf32, #tpu.memory_space<vmem_shared>>
      %dma_start3A_58 = arith.constant 0 : i32
      %dma_start3A_59 = tpu.memref_slice %arg13[%add3A_18, %dma_start3A_58] : memref<165888x8xf32, #tpu.memory_space<vmem_shared>> -> memref<128x8xf32, #tpu.memory_space<vmem_shared>>
      %dma_start3A_60 = arith.constant 0 : i32
      %dma_start3A_61 = arith.constant 0 : i32
      %dma_start3A_62 = tpu.memref_slice %arg25[%dma_start3A_60, %dma_start3A_61] : memref<2048x8xf32, #tpu.memory_space<vmem>> -> memref<128x8xf32, #tpu.memory_space<vmem>>
      tpu.enqueue_dma source(%dma_start3A_62 : memref<128x8xf32, #tpu.memory_space<vmem>>) target(%dma_start3A_59 : memref<128x8xf32, #tpu.memory_space<vmem_shared>>) target_semaphore(%run_scoped3A : memref<!tpu.dma_semaphore, #tpu.memory_space<semaphore_mem>>)
      %dma_wait3A = arith.constant 0 : i32
      %dma_wait3A_63 = arith.constant 0 : i32
      %dma_wait3A_64 = tpu.memref_slice %arg25[%dma_wait3A, %dma_wait3A_63] : memref<2048x8xf32, #tpu.memory_space<vmem>> -> memref<128x8xf32, #tpu.memory_space<vmem>>
      %dma_wait3A_65 = arith.constant 0 : i32
      %dma_wait3A_66 = tpu.memref_slice %arg13[%add3A_18, %dma_wait3A_65] : memref<165888x8xf32, #tpu.memory_space<vmem_shared>> -> memref<128x8xf32, #tpu.memory_space<vmem_shared>>
      %dma_wait3A_67 = arith.constant 0 : i32
      %dma_wait3A_68 = tpu.memref_slice %arg13[%add3A_18, %dma_wait3A_67] : memref<165888x8xf32, #tpu.memory_space<vmem_shared>> -> memref<128x8xf32, #tpu.memory_space<vmem_shared>>
      %dma_wait3A_69 = arith.constant 0 : i32
      %dma_wait3A_70 = arith.constant 0 : i32
      %dma_wait3A_71 = tpu.memref_slice %arg25[%dma_wait3A_69, %dma_wait3A_70] : memref<2048x8xf32, #tpu.memory_space<vmem>> -> memref<128x8xf32, #tpu.memory_space<vmem>>
      tpu.wait_dma2 semaphore(%run_scoped3A : memref<!tpu.dma_semaphore, #tpu.memory_space<semaphore_mem>>) src(%dma_wait3A_71 : memref<128x8xf32, #tpu.memory_space<vmem>>) dst(%dma_wait3A_68 : memref<128x8xf32, #tpu.memory_space<vmem_shared>>)
      tpu.yield
    }) : () -> ()
    %barrier3A = arith.constant 0 : index
    tpu.barrier barrier_id(%barrier3A)
    %jit3A = arith.constant 8 : i32
    %eq3A = arith.constant 0 : i32
    %eq3A_19 = arith.cmpi eq, %jit3A, %eq3A : i32
    %jit3A_20 = arith.constant 1 : i32
    %select_n3A = arith.select %eq3A_19, %jit3A_20, %jit3A : i32
    %rem3A = vector.broadcast %select_n3A : i32 to vector<16xi32>
    %rem3A_21 = arith.remsi %iota3A, %rem3A : vector<16xi32>
    %ne3A = arith.constant 0 : i32
    %ne3A_22 = vector.broadcast %ne3A : i32 to vector<16xi32>
    %ne3A_23 = arith.cmpi ne, %rem3A_21, %ne3A_22 : vector<16xi32>
    %lt3A = arith.constant 0 : i32
    %lt3A_24 = vector.broadcast %lt3A : i32 to vector<16xi32>
    %lt3A_25 = arith.cmpi slt, %rem3A_21, %lt3A_24 : vector<16xi32>
    %lt3A_26 = arith.constant 0 : i32
    %lt3A_27 = arith.cmpi slt, %select_n3A, %lt3A_26 : i32
    %ne3A_28 = vector.broadcast %lt3A_27 : i1 to vector<16xi1>
    %ne3A_29 = vector.broadcast %ne3A_28 : vector<16xi1> to vector<16xi1>
    %ne3A_30 = arith.xori %lt3A_25, %ne3A_29 : vector<16xi1>
    %and3A = arith.andi %ne3A_30, %ne3A_23 : vector<16xi1>
    %add3A_31 = vector.broadcast %select_n3A : i32 to vector<16xi32>
    %add3A_32 = arith.addi %rem3A_21, %add3A_31 : vector<16xi32>
    %select_n3A_33 = arith.select %and3A, %add3A_32, %rem3A_21 : vector<16xi1>, vector<16xi32>
    %gather3A = tpu.vector_load_idx %arg15[%select_n3A_33] : memref<16xf32, #tpu.memory_space<vmem>>[vector<16xi32>], vector<16xf32>,
    %mul3A_34 = arith.constant 20480 : i32
    %mul3A_35 = arith.muli %arg1, %mul3A_34 : i32
    %scan3A_36 = arith.constant 0 : i32
    %scan3A_37 = arith.constant 0 : i32
    %scan3A_38 = arith.constant 10 : i32
    %scan3A_39 = arith.addi %scan3A_37, %scan3A_38 : i32
    %scan3A_40 = arith.constant 1 : i32
    %scan3A_41 = scf.for %scan3A_54 = %scan3A_37 to %scan3A_39 step %scan3A_40 iter_args(%scan3A_55 = %scan3A_36) -> (i32)  : i32 {
      %mul3A_56 = arith.constant 2048 : i32
      %mul3A_57 = arith.muli %scan3A_54, %mul3A_56 : i32
      %add3A_58 = arith.addi %mul3A_35, %mul3A_57 : i32
      "tpu.region"() ({
        %run_scoped3A = tpu.sem_alloc : memref<!tpu.dma_semaphore, #tpu.memory_space<semaphore_mem>>
        %dma_start3A = tpu.memref_slice %arg2[%add3A_58] : memref<327680xi32, #tpu.memory_space<hbm>> -> memref<2048xi32, #tpu.memory_space<hbm>>
        %dma_start3A_78 = tpu.memref_slice %arg2[%add3A_58] : memref<327680xi32, #tpu.memory_space<hbm>> -> memref<2048xi32, #tpu.memory_space<hbm>>
        tpu.enqueue_dma source(%dma_start3A_78 : memref<2048xi32, #tpu.memory_space<hbm>>) target(%arg16 : memref<2048xi32, #tpu.memory_space<vmem>>) target_semaphore(%run_scoped3A : memref<!tpu.dma_semaphore, #tpu.memory_space<semaphore_mem>>)
        %dma_wait3A_79 = tpu.memref_slice %arg2[%add3A_58] : memref<327680xi32, #tpu.memory_space<hbm>> -> memref<2048xi32, #tpu.memory_space<hbm>>
        %dma_wait3A_80 = tpu.memref_slice %arg2[%add3A_58] : memref<327680xi32, #tpu.memory_space<hbm>> -> memref<2048xi32, #tpu.memory_space<hbm>>
        tpu.wait_dma2 semaphore(%run_scoped3A : memref<!tpu.dma_semaphore, #tpu.memory_space<semaphore_mem>>) src(%dma_wait3A_80 : memref<2048xi32, #tpu.memory_space<hbm>>) dst(%arg16 : memref<2048xi32, #tpu.memory_space<vmem>>)
        tpu.yield
      }) : () -> ()
      "tpu.region"() ({
        %run_scoped3A = tpu.sem_alloc : memref<!tpu.dma_semaphore, #tpu.memory_space<semaphore_mem>>
        %dma_start3A = tpu.memref_slice %arg3[%add3A_58] : memref<327680xi32, #tpu.memory_space<hbm>> -> memref<2048xi32, #tpu.memory_space<hbm>>
        %dma_start3A_78 = tpu.memref_slice %arg3[%add3A_58] : memref<327680xi32, #tpu.memory_space<hbm>> -> memref<2048xi32, #tpu.memory_space<hbm>>
        tpu.enqueue_dma source(%dma_start3A_78 : memref<2048xi32, #tpu.memory_space<hbm>>) target(%arg17 : memref<2048xi32, #tpu.memory_space<vmem>>) target_semaphore(%run_scoped3A : memref<!tpu.dma_semaphore, #tpu.memory_space<semaphore_mem>>)
        %dma_wait3A_79 = tpu.memref_slice %arg3[%add3A_58] : memref<327680xi32, #tpu.memory_space<hbm>> -> memref<2048xi32, #tpu.memory_space<hbm>>
        %dma_wait3A_80 = tpu.memref_slice %arg3[%add3A_58] : memref<327680xi32, #tpu.memory_space<hbm>> -> memref<2048xi32, #tpu.memory_space<hbm>>
        tpu.wait_dma2 semaphore(%run_scoped3A : memref<!tpu.dma_semaphore, #tpu.memory_space<semaphore_mem>>) src(%dma_wait3A_80 : memref<2048xi32, #tpu.memory_space<hbm>>) dst(%arg17 : memref<2048xi32, #tpu.memory_space<vmem>>)
        tpu.yield
      }) : () -> ()
      "tpu.region"() ({
        %run_scoped3A = tpu.sem_alloc : memref<!tpu.dma_semaphore, #tpu.memory_space<semaphore_mem>>
        %dma_start3A = tpu.memref_slice %arg4[%add3A_58] : memref<327680xi32, #tpu.memory_space<hbm>> -> memref<2048xi32, #tpu.memory_space<hbm>>
        %dma_start3A_78 = tpu.memref_slice %arg4[%add3A_58] : memref<327680xi32, #tpu.memory_space<hbm>> -> memref<2048xi32, #tpu.memory_space<hbm>>
        tpu.enqueue_dma source(%dma_start3A_78 : memref<2048xi32, #tpu.memory_space<hbm>>) target(%arg18 : memref<2048xi32, #tpu.memory_space<vmem>>) target_semaphore(%run_scoped3A : memref<!tpu.dma_semaphore, #tpu.memory_space<semaphore_mem>>)
        %dma_wait3A_79 = tpu.memref_slice %arg4[%add3A_58] : memref<327680xi32, #tpu.memory_space<hbm>> -> memref<2048xi32, #tpu.memory_space<hbm>>
        %dma_wait3A_80 = tpu.memref_slice %arg4[%add3A_58] : memref<327680xi32, #tpu.memory_space<hbm>> -> memref<2048xi32, #tpu.memory_space<hbm>>
        tpu.wait_dma2 semaphore(%run_scoped3A : memref<!tpu.dma_semaphore, #tpu.memory_space<semaphore_mem>>) src(%dma_wait3A_80 : memref<2048xi32, #tpu.memory_space<hbm>>) dst(%arg18 : memref<2048xi32, #tpu.memory_space<vmem>>)
        tpu.yield
      }) : () -> ()
      "tpu.region"() ({
        %run_scoped3A = tpu.sem_alloc : memref<!tpu.dma_semaphore, #tpu.memory_space<semaphore_mem>>
        %dma_start3A = tpu.memref_slice %arg5[%add3A_58] : memref<327680xf32, #tpu.memory_space<hbm>> -> memref<2048xf32, #tpu.memory_space<hbm>>
        %dma_start3A_78 = tpu.memref_slice %arg5[%add3A_58] : memref<327680xf32, #tpu.memory_space<hbm>> -> memref<2048xf32, #tpu.memory_space<hbm>>
        tpu.enqueue_dma source(%dma_start3A_78 : memref<2048xf32, #tpu.memory_space<hbm>>) target(%arg19 : memref<2048xf32, #tpu.memory_space<vmem>>) target_semaphore(%run_scoped3A : memref<!tpu.dma_semaphore, #tpu.memory_space<semaphore_mem>>)
        %dma_wait3A_79 = tpu.memref_slice %arg5[%add3A_58] : memref<327680xf32, #tpu.memory_space<hbm>> -> memref<2048xf32, #tpu.memory_space<hbm>>
        %dma_wait3A_80 = tpu.memref_slice %arg5[%add3A_58] : memref<327680xf32, #tpu.memory_space<hbm>> -> memref<2048xf32, #tpu.memory_space<hbm>>
        tpu.wait_dma2 semaphore(%run_scoped3A : memref<!tpu.dma_semaphore, #tpu.memory_space<semaphore_mem>>) src(%dma_wait3A_80 : memref<2048xf32, #tpu.memory_space<hbm>>) dst(%arg19 : memref<2048xf32, #tpu.memory_space<vmem>>)
        tpu.yield
      }) : () -> ()
      %scan3A_59 = arith.constant 0 : i32
      %scan3A_60 = arith.constant 0 : i32
      %scan3A_61 = arith.constant 16 : i32
      %scan3A_62 = arith.addi %scan3A_60, %scan3A_61 : i32
      %scan3A_63 = arith.constant 1 : i32
      %scan3A_64 = scf.for %scan3A_78 = %scan3A_60 to %scan3A_62 step %scan3A_63 iter_args(%scan3A_79 = %scan3A_59) -> (i32)  : i32 {
        %mul3A_80 = arith.constant 128 : i32
        %mul3A_81 = arith.muli %scan3A_78, %mul3A_80 : i32
        %gt3A = arith.constant 0 : i32
        %gt3A_82 = arith.cmpi sgt, %scan3A_78, %gt3A : i32
        %convert_element_type3A = arith.extui %gt3A_82 : i1 to i32
        %cond3A = arith.constant 0 : i32
        %cond3A_83 = arith.cmpi ne, %convert_element_type3A, %cond3A : i32
        scf.if %cond3A_83 {
          %dma_wait3A_134 = arith.constant 0 : i32
          %dma_wait3A_135 = arith.constant 0 : i32
          %dma_wait3A_136 = tpu.memref_slice %arg13[%dma_wait3A_134, %dma_wait3A_135] : memref<165888x8xf32, #tpu.memory_space<vmem_shared>> -> memref<165888x8xf32, #tpu.memory_space<vmem_shared>>
          tpu.wait_indirect_dma semaphore(%arg28 : memref<!tpu.dma_semaphore, #tpu.memory_space<semaphore_mem>>) src(%arg20 : memref<128x8xf32, #tpu.memory_space<vmem>>) dst(%dma_wait3A_136 : memref<165888x8xf32, #tpu.memory_space<vmem_shared>>)
          %dma_wait3A_137 = arith.constant 0 : i32
          %dma_wait3A_138 = arith.constant 0 : i32
          %dma_wait3A_139 = tpu.memref_slice %arg13[%dma_wait3A_137, %dma_wait3A_138] : memref<165888x8xf32, #tpu.memory_space<vmem_shared>> -> memref<165888x8xf32, #tpu.memory_space<vmem_shared>>
          tpu.wait_indirect_dma semaphore(%arg28 : memref<!tpu.dma_semaphore, #tpu.memory_space<semaphore_mem>>) src(%arg21 : memref<128x8xf32, #tpu.memory_space<vmem>>) dst(%dma_wait3A_139 : memref<165888x8xf32, #tpu.memory_space<vmem_shared>>)
          %dma_wait3A_140 = arith.constant 0 : i32
          %dma_wait3A_141 = arith.constant 0 : i32
          %dma_wait3A_142 = tpu.memref_slice %arg13[%dma_wait3A_140, %dma_wait3A_141] : memref<165888x8xf32, #tpu.memory_space<vmem_shared>> -> memref<165888x8xf32, #tpu.memory_space<vmem_shared>>
          tpu.wait_indirect_dma semaphore(%arg28 : memref<!tpu.dma_semaphore, #tpu.memory_space<semaphore_mem>>) src(%arg22 : memref<128x8xf32, #tpu.memory_space<vmem>>) dst(%dma_wait3A_142 : memref<165888x8xf32, #tpu.memory_space<vmem_shared>>)
          %dma_wait3A_143 = arith.constant 0 : i32
          %dma_wait3A_144 = arith.constant 0 : i32
          %dma_wait3A_145 = tpu.memref_slice %arg13[%dma_wait3A_143, %dma_wait3A_144] : memref<165888x8xf32, #tpu.memory_space<vmem_shared>> -> memref<165888x8xf32, #tpu.memory_space<vmem_shared>>
          tpu.wait_indirect_dma semaphore(%arg28 : memref<!tpu.dma_semaphore, #tpu.memory_space<semaphore_mem>>) src(%arg23 : memref<128x8xf32, #tpu.memory_space<vmem>>) dst(%dma_wait3A_145 : memref<165888x8xf32, #tpu.memory_space<vmem_shared>>)
        } else {
        }
        %dma_start3A = tpu.memref_slice %arg17[%mul3A_81] : memref<2048xi32, #tpu.memory_space<vmem>> -> memref<128xi32, #tpu.memory_space<vmem>>
        %dma_start3A_84 = arith.constant 0 : i32
        %dma_start3A_85 = arith.constant 0 : i32
        %dma_start3A_86 = tpu.memref_slice %arg6[%dma_start3A_84, %dma_start3A_85] : memref<327680x8xf32, #tpu.memory_space<hbm>> -> memref<327680x8xf32, #tpu.memory_space<hbm>>
        tpu.enqueue_indirect_dma source(%dma_start3A_86 : memref<327680x8xf32, #tpu.memory_space<hbm>>) target(%arg20 : memref<128x8xf32, #tpu.memory_space<vmem>>) offsets(%dma_start3A : memref<128xi32, #tpu.memory_space<vmem>>) semaphore(%arg27 : memref<!tpu.dma_semaphore, #tpu.memory_space<semaphore_mem>>)
        %dma_start3A_87 = tpu.memref_slice %arg18[%mul3A_81] : memref<2048xi32, #tpu.memory_space<vmem>> -> memref<128xi32, #tpu.memory_space<vmem>>
        %dma_start3A_88 = arith.constant 0 : i32
        %dma_start3A_89 = arith.constant 0 : i32
        %dma_start3A_90 = tpu.memref_slice %arg7[%dma_start3A_88, %dma_start3A_89] : memref<327680x8xf32, #tpu.memory_space<hbm>> -> memref<327680x8xf32, #tpu.memory_space<hbm>>
        tpu.enqueue_indirect_dma source(%dma_start3A_90 : memref<327680x8xf32, #tpu.memory_space<hbm>>) target(%arg21 : memref<128x8xf32, #tpu.memory_space<vmem>>) offsets(%dma_start3A_87 : memref<128xi32, #tpu.memory_space<vmem>>) semaphore(%arg27 : memref<!tpu.dma_semaphore, #tpu.memory_space<semaphore_mem>>)
        %dma_start3A_91 = tpu.memref_slice %arg16[%mul3A_81] : memref<2048xi32, #tpu.memory_space<vmem>> -> memref<128xi32, #tpu.memory_space<vmem>>
        %dma_start3A_92 = arith.constant 0 : i32
        %dma_start3A_93 = arith.constant 0 : i32
        %dma_start3A_94 = tpu.memref_slice %arg8[%dma_start3A_92, %dma_start3A_93] : memref<327680x8xf32, #tpu.memory_space<hbm>> -> memref<327680x8xf32, #tpu.memory_space<hbm>>
        tpu.enqueue_indirect_dma source(%dma_start3A_94 : memref<327680x8xf32, #tpu.memory_space<hbm>>) target(%arg22 : memref<128x8xf32, #tpu.memory_space<vmem>>) offsets(%dma_start3A_91 : memref<128xi32, #tpu.memory_space<vmem>>) semaphore(%arg27 : memref<!tpu.dma_semaphore, #tpu.memory_space<semaphore_mem>>)
        %scan3A_95 = arith.constant 0 : i32
        %scan3A_96 = arith.constant 0 : i32
        %scan3A_97 = arith.constant 8 : i32
        %scan3A_98 = arith.addi %scan3A_96, %scan3A_97 : i32
        %scan3A_99 = arith.constant 1 : i32
        %scan3A_100 = scf.for %scan3A_134 = %scan3A_96 to %scan3A_98 step %scan3A_99 iter_args(%scan3A_135 = %scan3A_95) -> (i32)  : i32 {
          %mul3A_136 = arith.constant 16 : i32
          %mul3A_137 = arith.muli %scan3A_134, %mul3A_136 : i32
          %add3A_138 = arith.addi %mul3A_81, %mul3A_137 : i32
          %get3A = arith.index_cast %add3A_138 : i32 to index
          %get3A_139 = tpu.vector_load %arg16[%get3A] {strides = array<i32>} : memref<2048xi32, #tpu.memory_space<vmem>>, vector<16xi32>,
          %ge3A = vector.broadcast %mul3A_0 : i32 to vector<16xi32>
          %ge3A_140 = arith.cmpi sge, %get3A_139, %ge3A : vector<16xi32>
          %add3A_141 = arith.constant 163840 : i32
          %add3A_142 = arith.addi %mul3A_0, %add3A_141 : i32
          %lt3A_143 = vector.broadcast %add3A_142 : i32 to vector<16xi32>
          %lt3A_144 = arith.cmpi slt, %get3A_139, %lt3A_143 : vector<16xi32>
          %and3A_145 = arith.andi %ge3A_140, %lt3A_144 : vector<16xi1>
          %mul3A_146 = arith.constant 16 : i32
          %mul3A_147 = arith.muli %scan3A_134, %mul3A_146 : i32
          %add3A_148 = arith.addi %mul3A_81, %mul3A_147 : i32
          %add3A_149 = vector.broadcast %add3A_148 : i32 to vector<16xi32>
          %add3A_150 = arith.addi %add3A_149, %iota3A : vector<16xi32>
          %and3A_151 = arith.constant 2047 : i32
          %and3A_152 = vector.broadcast %and3A_151 : i32 to vector<16xi32>
          %and3A_153 = arith.andi %add3A_150, %and3A_152 : vector<16xi32>
          %add3A_154 = arith.constant 163840 : i32
          %add3A_155 = vector.broadcast %add3A_154 : i32 to vector<16xi32>
          %add3A_156 = arith.addi %add3A_155, %and3A_153 : vector<16xi32>
          %mul3A_157 = arith.constant 16 : i32
          %mul3A_158 = arith.muli %scan3A_134, %mul3A_157 : i32
          %add3A_159 = vector.broadcast %mul3A_158 : i32 to vector<16xi32>
          %add3A_160 = arith.addi %add3A_159, %iota3A : vector<16xi32>
          %sub3A = vector.broadcast %mul3A_0 : i32 to vector<16xi32>
          %sub3A_161 = arith.subi %get3A_139, %sub3A : vector<16xi32>
          %select_n3A_162 = arith.select %and3A_145, %sub3A_161, %add3A_156 : vector<16xi1>, vector<16xi32>
          tpu.vector_store_idx %arg24[%add3A_160], %select_n3A_162 : memref<128xi32, #tpu.memory_space<vmem>>[vector<16xi32>], vector<16xi32>,
          %scan3A_163 = arith.constant 0 : i32
          scf.yield %scan3A_163 : i32
        }
        %scan3A_101 = arith.constant 8 : i32
        %scan3A_102 = arith.constant 0 : i32
        %scan3A_103 = arith.constant 0 : i32
        %scan3A_104 = arith.constant 64 : i32
        %scan3A_105 = arith.addi %scan3A_103, %scan3A_104 : i32
        %scan3A_106 = arith.constant 1 : i32
        %scan3A_107 = scf.for %scan3A_134 = %scan3A_103 to %scan3A_105 step %scan3A_106 iter_args(%scan3A_135 = %scan3A_102) -> (i32)  : i32 {
          %mul3A_136 = arith.constant 2 : i32
          %mul3A_137 = arith.muli %mul3A_136, %scan3A_134 : i32
          %jit3A_138 = arith.constant 8 : i32
          %div3A = vector.broadcast %jit3A_138 : i32 to vector<16xi32>
          %div3A_139 = arith.divsi %iota3A, %div3A : vector<16xi32>
          %sign3A = arith.constant 0 : i32
          %sign3A_140 = vector.broadcast %sign3A : i32 to vector<16xi32>
          %sign3A_141 = arith.cmpi sgt, %iota3A, %sign3A_140 : vector<16xi32>
          %sign3A_142 = arith.extui %sign3A_141 : vector<16xi1> to vector<16xi32>
          %sign3A_143 = arith.constant 0 : i32
          %sign3A_144 = vector.broadcast %sign3A_143 : i32 to vector<16xi32>
          %sign3A_145 = arith.cmpi slt, %iota3A, %sign3A_144 : vector<16xi32>
          %sign3A_146 = arith.extui %sign3A_145 : vector<16xi1> to vector<16xi32>
          %sign3A_147 = arith.subi %sign3A_142, %sign3A_146 : vector<16xi32>
          %sign3A_148 = arith.constant 0 : i32
          %sign3A_149 = arith.cmpi sgt, %jit3A_138, %sign3A_148 : i32
          %sign3A_150 = arith.extui %sign3A_149 : i1 to i32
          %sign3A_151 = arith.constant 0 : i32
          %sign3A_152 = arith.cmpi slt, %jit3A_138, %sign3A_151 : i32
          %sign3A_153 = arith.extui %sign3A_152 : i1 to i32
          %sign3A_154 = arith.subi %sign3A_150, %sign3A_153 : i32
          %ne3A_155 = vector.broadcast %sign3A_154 : i32 to vector<16xi32>
          %ne3A_156 = arith.cmpi ne, %sign3A_147, %ne3A_155 : vector<16xi32>
          %rem3A_157 = vector.broadcast %jit3A_138 : i32 to vector<16xi32>
          %rem3A_158 = arith.remsi %iota3A, %rem3A_157 : vector<16xi32>
          %ne3A_159 = arith.constant 0 : i32
          %ne3A_160 = vector.broadcast %ne3A_159 : i32 to vector<16xi32>
          %ne3A_161 = arith.cmpi ne, %rem3A_158, %ne3A_160 : vector<16xi32>
          %and3A_162 = arith.andi %ne3A_156, %ne3A_161 : vector<16xi1>
          %sub3A = arith.constant 1 : i32
          %sub3A_163 = vector.broadcast %sub3A : i32 to vector<16xi32>
          %sub3A_164 = arith.subi %div3A_139, %sub3A_163 : vector<16xi32>
          %select_n3A_165 = arith.select %and3A_162, %sub3A_164, %div3A_139 : vector<16xi1>, vector<16xi32>
          %add3A_166 = vector.broadcast %mul3A_137 : i32 to vector<16xi32>
          %add3A_167 = arith.addi %add3A_166, %select_n3A_165 : vector<16xi32>
          %add3A_168 = vector.broadcast %mul3A_81 : i32 to vector<16xi32>
          %add3A_169 = arith.addi %add3A_168, %add3A_167 : vector<16xi32>
          %gather3A_170 = tpu.vector_load_idx %arg19[%add3A_169] : memref<2048xf32, #tpu.memory_space<vmem>>[vector<16xi32>], vector<16xf32>,
          %jit3A_171 = arith.constant 8 : i32
          %eq3A_172 = arith.constant 0 : i32
          %eq3A_173 = arith.cmpi eq, %jit3A_171, %eq3A_172 : i32
          %jit3A_174 = arith.constant 1 : i32
          %select_n3A_175 = arith.select %eq3A_173, %jit3A_174, %jit3A_171 : i32
          %rem3A_176 = vector.broadcast %select_n3A_175 : i32 to vector<16xi32>
          %rem3A_177 = arith.remsi %iota3A, %rem3A_176 : vector<16xi32>
          %ne3A_178 = arith.constant 0 : i32
          %ne3A_179 = vector.broadcast %ne3A_178 : i32 to vector<16xi32>
          %ne3A_180 = arith.cmpi ne, %rem3A_177, %ne3A_179 : vector<16xi32>
          %lt3A_181 = arith.constant 0 : i32
          %lt3A_182 = vector.broadcast %lt3A_181 : i32 to vector<16xi32>
          %lt3A_183 = arith.cmpi slt, %rem3A_177, %lt3A_182 : vector<16xi32>
          %lt3A_184 = arith.constant 0 : i32
          %lt3A_185 = arith.cmpi slt, %select_n3A_175, %lt3A_184 : i32
          %ne3A_186 = vector.broadcast %lt3A_185 : i1 to vector<16xi1>
          %ne3A_187 = vector.broadcast %ne3A_186 : vector<16xi1> to vector<16xi1>
          %ne3A_188 = arith.xori %lt3A_183, %ne3A_187 : vector<16xi1>
          %and3A_189 = arith.andi %ne3A_188, %ne3A_180 : vector<16xi1>
          %add3A_190 = vector.broadcast %select_n3A_175 : i32 to vector<16xi32>
          %add3A_191 = arith.addi %rem3A_177, %add3A_190 : vector<16xi32>
          %select_n3A_192 = arith.select %and3A_189, %add3A_191, %rem3A_177 : vector<16xi1>, vector<16xi32>
          %mul3A_193 = arith.mulf %gather3A_170, %gather3A : vector<16xf32>
          tpu.vector_store_idx %arg23[%add3A_167, %select_n3A_192], %mul3A_193 : memref<128x8xf32, #tpu.memory_space<vmem>>[vector<16xi32>, vector<16xi32>], vector<16xf32>,
          %scan3A_194 = arith.constant 0 : i32
          scf.yield %scan3A_194 : i32
        }
        %scan3A_108 = arith.constant 64 : i32
        %dma_wait3A_109 = tpu.memref_slice %arg17[%mul3A_81] : memref<2048xi32, #tpu.memory_space<vmem>> -> memref<128xi32, #tpu.memory_space<vmem>>
        %dma_wait3A_110 = arith.constant 0 : i32
        %dma_wait3A_111 = arith.constant 0 : i32
        %dma_wait3A_112 = tpu.memref_slice %arg6[%dma_wait3A_110, %dma_wait3A_111] : memref<327680x8xf32, #tpu.memory_space<hbm>> -> memref<327680x8xf32, #tpu.memory_space<hbm>>
        tpu.wait_indirect_dma semaphore(%arg27 : memref<!tpu.dma_semaphore, #tpu.memory_space<semaphore_mem>>) src(%dma_wait3A_112 : memref<327680x8xf32, #tpu.memory_space<hbm>>) dst(%arg20 : memref<128x8xf32, #tpu.memory_space<vmem>>)
        %dma_wait3A_113 = tpu.memref_slice %arg18[%mul3A_81] : memref<2048xi32, #tpu.memory_space<vmem>> -> memref<128xi32, #tpu.memory_space<vmem>>
        %dma_wait3A_114 = arith.constant 0 : i32
        %dma_wait3A_115 = arith.constant 0 : i32
        %dma_wait3A_116 = tpu.memref_slice %arg7[%dma_wait3A_114, %dma_wait3A_115] : memref<327680x8xf32, #tpu.memory_space<hbm>> -> memref<327680x8xf32, #tpu.memory_space<hbm>>
        tpu.wait_indirect_dma semaphore(%arg27 : memref<!tpu.dma_semaphore, #tpu.memory_space<semaphore_mem>>) src(%dma_wait3A_116 : memref<327680x8xf32, #tpu.memory_space<hbm>>) dst(%arg21 : memref<128x8xf32, #tpu.memory_space<vmem>>)
        %dma_wait3A_117 = tpu.memref_slice %arg16[%mul3A_81] : memref<2048xi32, #tpu.memory_space<vmem>> -> memref<128xi32, #tpu.memory_space<vmem>>
        %dma_wait3A_118 = arith.constant 0 : i32
        %dma_wait3A_119 = arith.constant 0 : i32
        %dma_wait3A_120 = tpu.memref_slice %arg8[%dma_wait3A_118, %dma_wait3A_119] : memref<327680x8xf32, #tpu.memory_space<hbm>> -> memref<327680x8xf32, #tpu.memory_space<hbm>>
        tpu.wait_indirect_dma semaphore(%arg27 : memref<!tpu.dma_semaphore, #tpu.memory_space<semaphore_mem>>) src(%dma_wait3A_120 : memref<327680x8xf32, #tpu.memory_space<hbm>>) dst(%arg22 : memref<128x8xf32, #tpu.memory_space<vmem>>)
        %dma_start3A_121 = arith.constant 0 : i32
        %dma_start3A_122 = arith.constant 0 : i32
        %dma_start3A_123 = tpu.memref_slice %arg13[%dma_start3A_121, %dma_start3A_122] : memref<165888x8xf32, #tpu.memory_space<vmem_shared>> -> memref<165888x8xf32, #tpu.memory_space<vmem_shared>>
        tpu.enqueue_indirect_dma source(%arg20 : memref<128x8xf32, #tpu.memory_space<vmem>>) target(%dma_start3A_123 : memref<165888x8xf32, #tpu.memory_space<vmem_shared>>) offsets(%arg24 : memref<128xi32, #tpu.memory_space<vmem>>) semaphore(%arg28 : memref<!tpu.dma_semaphore, #tpu.memory_space<semaphore_mem>>) {add = true}
        %dma_start3A_124 = arith.constant 0 : i32
        %dma_start3A_125 = arith.constant 0 : i32
        %dma_start3A_126 = tpu.memref_slice %arg13[%dma_start3A_124, %dma_start3A_125] : memref<165888x8xf32, #tpu.memory_space<vmem_shared>> -> memref<165888x8xf32, #tpu.memory_space<vmem_shared>>
        tpu.enqueue_indirect_dma source(%arg21 : memref<128x8xf32, #tpu.memory_space<vmem>>) target(%dma_start3A_126 : memref<165888x8xf32, #tpu.memory_space<vmem_shared>>) offsets(%arg24 : memref<128xi32, #tpu.memory_space<vmem>>) semaphore(%arg28 : memref<!tpu.dma_semaphore, #tpu.memory_space<semaphore_mem>>) {add = true}
        %dma_start3A_127 = arith.constant 0 : i32
        %dma_start3A_128 = arith.constant 0 : i32
        %dma_start3A_129 = tpu.memref_slice %arg13[%dma_start3A_127, %dma_start3A_128] : memref<165888x8xf32, #tpu.memory_space<vmem_shared>> -> memref<165888x8xf32, #tpu.memory_space<vmem_shared>>
        tpu.enqueue_indirect_dma source(%arg22 : memref<128x8xf32, #tpu.memory_space<vmem>>) target(%dma_start3A_129 : memref<165888x8xf32, #tpu.memory_space<vmem_shared>>) offsets(%arg24 : memref<128xi32, #tpu.memory_space<vmem>>) semaphore(%arg28 : memref<!tpu.dma_semaphore, #tpu.memory_space<semaphore_mem>>) {add = true}
        %dma_start3A_130 = arith.constant 0 : i32
        %dma_start3A_131 = arith.constant 0 : i32
        %dma_start3A_132 = tpu.memref_slice %arg13[%dma_start3A_130, %dma_start3A_131] : memref<165888x8xf32, #tpu.memory_space<vmem_shared>> -> memref<165888x8xf32, #tpu.memory_space<vmem_shared>>
        tpu.enqueue_indirect_dma source(%arg23 : memref<128x8xf32, #tpu.memory_space<vmem>>) target(%dma_start3A_132 : memref<165888x8xf32, #tpu.memory_space<vmem_shared>>) offsets(%arg24 : memref<128xi32, #tpu.memory_space<vmem>>) semaphore(%arg28 : memref<!tpu.dma_semaphore, #tpu.memory_space<semaphore_mem>>) {add = true}
        %scan3A_133 = arith.constant 0 : i32
        scf.yield %scan3A_133 : i32
      }
      %scan3A_65 = arith.constant 16 : i32
      %dma_wait3A = arith.constant 0 : i32
      %dma_wait3A_66 = arith.constant 0 : i32
      %dma_wait3A_67 = tpu.memref_slice %arg13[%dma_wait3A, %dma_wait3A_66] : memref<165888x8xf32, #tpu.memory_space<vmem_shared>> -> memref<165888x8xf32, #tpu.memory_space<vmem_shared>>
      tpu.wait_indirect_dma semaphore(%arg28 : memref<!tpu.dma_semaphore, #tpu.memory_space<semaphore_mem>>) src(%arg20 : memref<128x8xf32, #tpu.memory_space<vmem>>) dst(%dma_wait3A_67 : memref<165888x8xf32, #tpu.memory_space<vmem_shared>>)
      %dma_wait3A_68 = arith.constant 0 : i32
      %dma_wait3A_69 = arith.constant 0 : i32
      %dma_wait3A_70 = tpu.memref_slice %arg13[%dma_wait3A_68, %dma_wait3A_69] : memref<165888x8xf32, #tpu.memory_space<vmem_shared>> -> memref<165888x8xf32, #tpu.memory_space<vmem_shared>>
      tpu.wait_indirect_dma semaphore(%arg28 : memref<!tpu.dma_semaphore, #tpu.memory_space<semaphore_mem>>) src(%arg21 : memref<128x8xf32, #tpu.memory_space<vmem>>) dst(%dma_wait3A_70 : memref<165888x8xf32, #tpu.memory_space<vmem_shared>>)
      %dma_wait3A_71 = arith.constant 0 : i32
      %dma_wait3A_72 = arith.constant 0 : i32
      %dma_wait3A_73 = tpu.memref_slice %arg13[%dma_wait3A_71, %dma_wait3A_72] : memref<165888x8xf32, #tpu.memory_space<vmem_shared>> -> memref<165888x8xf32, #tpu.memory_space<vmem_shared>>
      tpu.wait_indirect_dma semaphore(%arg28 : memref<!tpu.dma_semaphore, #tpu.memory_space<semaphore_mem>>) src(%arg22 : memref<128x8xf32, #tpu.memory_space<vmem>>) dst(%dma_wait3A_73 : memref<165888x8xf32, #tpu.memory_space<vmem_shared>>)
      %dma_wait3A_74 = arith.constant 0 : i32
      %dma_wait3A_75 = arith.constant 0 : i32
      %dma_wait3A_76 = tpu.memref_slice %arg13[%dma_wait3A_74, %dma_wait3A_75] : memref<165888x8xf32, #tpu.memory_space<vmem_shared>> -> memref<165888x8xf32, #tpu.memory_space<vmem_shared>>
      tpu.wait_indirect_dma semaphore(%arg28 : memref<!tpu.dma_semaphore, #tpu.memory_space<semaphore_mem>>) src(%arg23 : memref<128x8xf32, #tpu.memory_space<vmem>>) dst(%dma_wait3A_76 : memref<165888x8xf32, #tpu.memory_space<vmem_shared>>)
      %scan3A_77 = arith.constant 0 : i32
      scf.yield %scan3A_77 : i32
    }
    %scan3A_42 = arith.constant 10 : i32
    %barrier3A_43 = arith.constant 0 : index
    tpu.barrier barrier_id(%barrier3A_43)
    %mul3A_44 = arith.constant 10240 : i32
    %mul3A_45 = arith.muli %arg1, %mul3A_44 : i32
    %add3A_46 = arith.addi %mul3A_0, %mul3A_45 : i32
    %scan3A_47 = arith.constant 0 : i32
    %scan3A_48 = arith.constant 0 : i32
    %scan3A_49 = arith.constant 5 : i32
    %scan3A_50 = arith.addi %scan3A_48, %scan3A_49 : i32
    %scan3A_51 = arith.constant 1 : i32
    %scan3A_52 = scf.for %scan3A_54 = %scan3A_48 to %scan3A_50 step %scan3A_51 iter_args(%scan3A_55 = %scan3A_47) -> (i32)  : i32 {
      %mul3A_56 = arith.constant 2048 : i32
      %mul3A_57 = arith.muli %scan3A_54, %mul3A_56 : i32
      %add3A_58 = arith.addi %mul3A_45, %mul3A_57 : i32
      %mul3A_59 = arith.constant 2048 : i32
      %mul3A_60 = arith.muli %scan3A_54, %mul3A_59 : i32
      %add3A_61 = arith.addi %add3A_46, %mul3A_60 : i32
      "tpu.region"() ({
        %run_scoped3A = tpu.sem_alloc : memref<!tpu.dma_semaphore, #tpu.memory_space<semaphore_mem>>
        %dma_start3A = arith.constant 0 : i32
        %dma_start3A_70 = tpu.memref_slice %arg13[%add3A_58, %dma_start3A] : memref<165888x8xf32, #tpu.memory_space<vmem_shared>> -> memref<2048x8xf32, #tpu.memory_space<vmem_shared>>
        %dma_start3A_71 = arith.constant 0 : i32
        %dma_start3A_72 = tpu.memref_slice %arg13[%add3A_58, %dma_start3A_71] : memref<165888x8xf32, #tpu.memory_space<vmem_shared>> -> memref<2048x8xf32, #tpu.memory_space<vmem_shared>>
        tpu.enqueue_dma source(%dma_start3A_72 : memref<2048x8xf32, #tpu.memory_space<vmem_shared>>) target(%arg25 : memref<2048x8xf32, #tpu.memory_space<vmem>>) target_semaphore(%run_scoped3A : memref<!tpu.dma_semaphore, #tpu.memory_space<semaphore_mem>>)
        %dma_wait3A = arith.constant 0 : i32
        %dma_wait3A_73 = tpu.memref_slice %arg13[%add3A_58, %dma_wait3A] : memref<165888x8xf32, #tpu.memory_space<vmem_shared>> -> memref<2048x8xf32, #tpu.memory_space<vmem_shared>>
        %dma_wait3A_74 = arith.constant 0 : i32
        %dma_wait3A_75 = tpu.memref_slice %arg13[%add3A_58, %dma_wait3A_74] : memref<165888x8xf32, #tpu.memory_space<vmem_shared>> -> memref<2048x8xf32, #tpu.memory_space<vmem_shared>>
        tpu.wait_dma2 semaphore(%run_scoped3A : memref<!tpu.dma_semaphore, #tpu.memory_space<semaphore_mem>>) src(%dma_wait3A_75 : memref<2048x8xf32, #tpu.memory_space<vmem_shared>>) dst(%arg25 : memref<2048x8xf32, #tpu.memory_space<vmem>>)
        tpu.yield
      }) : () -> ()
      "tpu.region"() ({
        %run_scoped3A = tpu.sem_alloc : memref<!tpu.dma_semaphore, #tpu.memory_space<semaphore_mem>>
        %dma_start3A = tpu.memref_slice %arg9[%add3A_61] : memref<327680xi32, #tpu.memory_space<hbm>> -> memref<2048xi32, #tpu.memory_space<hbm>>
        %dma_start3A_70 = tpu.memref_slice %arg9[%add3A_61] : memref<327680xi32, #tpu.memory_space<hbm>> -> memref<2048xi32, #tpu.memory_space<hbm>>
        tpu.enqueue_dma source(%dma_start3A_70 : memref<2048xi32, #tpu.memory_space<hbm>>) target(%arg26 : memref<2048xi32, #tpu.memory_space<vmem>>) target_semaphore(%run_scoped3A : memref<!tpu.dma_semaphore, #tpu.memory_space<semaphore_mem>>)
        %dma_wait3A = tpu.memref_slice %arg9[%add3A_61] : memref<327680xi32, #tpu.memory_space<hbm>> -> memref<2048xi32, #tpu.memory_space<hbm>>
        %dma_wait3A_71 = tpu.memref_slice %arg9[%add3A_61] : memref<327680xi32, #tpu.memory_space<hbm>> -> memref<2048xi32, #tpu.memory_space<hbm>>
        tpu.wait_dma2 semaphore(%run_scoped3A : memref<!tpu.dma_semaphore, #tpu.memory_space<semaphore_mem>>) src(%dma_wait3A_71 : memref<2048xi32, #tpu.memory_space<hbm>>) dst(%arg26 : memref<2048xi32, #tpu.memory_space<vmem>>)
        tpu.yield
      }) : () -> ()
      %scan3A_62 = arith.constant 0 : i32
      %scan3A_63 = arith.constant 0 : i32
      %scan3A_64 = arith.constant 1024 : i32
      %scan3A_65 = arith.addi %scan3A_63, %scan3A_64 : i32
      %scan3A_66 = arith.constant 1 : i32
      %scan3A_67 = scf.for %scan3A_70 = %scan3A_63 to %scan3A_65 step %scan3A_66 iter_args(%scan3A_71 = %scan3A_62) -> (i32)  : i32 {
        %mul3A_72 = arith.constant 2 : i32
        %mul3A_73 = arith.muli %mul3A_72, %scan3A_70 : i32
        %jit3A_74 = arith.constant 8 : i32
        %div3A = vector.broadcast %jit3A_74 : i32 to vector<16xi32>
        %div3A_75 = arith.divsi %iota3A, %div3A : vector<16xi32>
        %sign3A = arith.constant 0 : i32
        %sign3A_76 = vector.broadcast %sign3A : i32 to vector<16xi32>
        %sign3A_77 = arith.cmpi sgt, %iota3A, %sign3A_76 : vector<16xi32>
        %sign3A_78 = arith.extui %sign3A_77 : vector<16xi1> to vector<16xi32>
        %sign3A_79 = arith.constant 0 : i32
        %sign3A_80 = vector.broadcast %sign3A_79 : i32 to vector<16xi32>
        %sign3A_81 = arith.cmpi slt, %iota3A, %sign3A_80 : vector<16xi32>
        %sign3A_82 = arith.extui %sign3A_81 : vector<16xi1> to vector<16xi32>
        %sign3A_83 = arith.subi %sign3A_78, %sign3A_82 : vector<16xi32>
        %sign3A_84 = arith.constant 0 : i32
        %sign3A_85 = arith.cmpi sgt, %jit3A_74, %sign3A_84 : i32
        %sign3A_86 = arith.extui %sign3A_85 : i1 to i32
        %sign3A_87 = arith.constant 0 : i32
        %sign3A_88 = arith.cmpi slt, %jit3A_74, %sign3A_87 : i32
        %sign3A_89 = arith.extui %sign3A_88 : i1 to i32
        %sign3A_90 = arith.subi %sign3A_86, %sign3A_89 : i32
        %ne3A_91 = vector.broadcast %sign3A_90 : i32 to vector<16xi32>
        %ne3A_92 = arith.cmpi ne, %sign3A_83, %ne3A_91 : vector<16xi32>
        %rem3A_93 = vector.broadcast %jit3A_74 : i32 to vector<16xi32>
        %rem3A_94 = arith.remsi %iota3A, %rem3A_93 : vector<16xi32>
        %ne3A_95 = arith.constant 0 : i32
        %ne3A_96 = vector.broadcast %ne3A_95 : i32 to vector<16xi32>
        %ne3A_97 = arith.cmpi ne, %rem3A_94, %ne3A_96 : vector<16xi32>
        %and3A_98 = arith.andi %ne3A_92, %ne3A_97 : vector<16xi1>
        %sub3A = arith.constant 1 : i32
        %sub3A_99 = vector.broadcast %sub3A : i32 to vector<16xi32>
        %sub3A_100 = arith.subi %div3A_75, %sub3A_99 : vector<16xi32>
        %select_n3A_101 = arith.select %and3A_98, %sub3A_100, %div3A_75 : vector<16xi1>, vector<16xi32>
        %add3A_102 = vector.broadcast %mul3A_73 : i32 to vector<16xi32>
        %add3A_103 = arith.addi %add3A_102, %select_n3A_101 : vector<16xi32>
        %jit3A_104 = arith.constant 8 : i32
        %eq3A_105 = arith.constant 0 : i32
        %eq3A_106 = arith.cmpi eq, %jit3A_104, %eq3A_105 : i32
        %jit3A_107 = arith.constant 1 : i32
        %select_n3A_108 = arith.select %eq3A_106, %jit3A_107, %jit3A_104 : i32
        %rem3A_109 = vector.broadcast %select_n3A_108 : i32 to vector<16xi32>
        %rem3A_110 = arith.remsi %iota3A, %rem3A_109 : vector<16xi32>
        %ne3A_111 = arith.constant 0 : i32
        %ne3A_112 = vector.broadcast %ne3A_111 : i32 to vector<16xi32>
        %ne3A_113 = arith.cmpi ne, %rem3A_110, %ne3A_112 : vector<16xi32>
        %lt3A_114 = arith.constant 0 : i32
        %lt3A_115 = vector.broadcast %lt3A_114 : i32 to vector<16xi32>
        %lt3A_116 = arith.cmpi slt, %rem3A_110, %lt3A_115 : vector<16xi32>
        %lt3A_117 = arith.constant 0 : i32
        %lt3A_118 = arith.cmpi slt, %select_n3A_108, %lt3A_117 : i32
        %ne3A_119 = vector.broadcast %lt3A_118 : i1 to vector<16xi1>
        %ne3A_120 = vector.broadcast %ne3A_119 : vector<16xi1> to vector<16xi1>
        %ne3A_121 = arith.xori %lt3A_116, %ne3A_120 : vector<16xi1>
        %and3A_122 = arith.andi %ne3A_121, %ne3A_113 : vector<16xi1>
        %add3A_123 = vector.broadcast %select_n3A_108 : i32 to vector<16xi32>
        %add3A_124 = arith.addi %rem3A_110, %add3A_123 : vector<16xi32>
        %select_n3A_125 = arith.select %and3A_122, %add3A_124, %rem3A_110 : vector<16xi1>, vector<16xi32>
        %gather3A_126 = tpu.vector_load_idx %arg26[%add3A_103] : memref<2048xi32, #tpu.memory_space<vmem>>[vector<16xi32>], vector<16xi32>,
        %gather3A_127 = tpu.vector_load_idx %arg25[%add3A_103, %select_n3A_125] : memref<2048x8xf32, #tpu.memory_space<vmem>>[vector<16xi32>, vector<16xi32>], vector<16xf32>,
        %mul3A_128 = arith.constant 8 : i32
        %mul3A_129 = vector.broadcast %mul3A_128 : i32 to vector<16xi32>
        %mul3A_130 = arith.muli %gather3A_126, %mul3A_129 : vector<16xi32>
        %add3A_131 = arith.addi %mul3A_130, %select_n3A_125 : vector<16xi32>
        %gather3A_132 = tpu.vector_load_idx %arg14[%add3A_131] : memref<128xf32, #tpu.memory_space<vmem>>[vector<16xi32>], vector<16xf32>,
        %add3A_133 = arith.addf %gather3A_127, %gather3A_132 : vector<16xf32>
        %add3A_134 = vector.broadcast %add3A_61 : i32 to vector<16xi32>
        %add3A_135 = arith.addi %add3A_134, %add3A_103 : vector<16xi32>
        %lt3A_136 = arith.constant 320000 : i32
        %lt3A_137 = vector.broadcast %lt3A_136 : i32 to vector<16xi32>
        %lt3A_138 = arith.cmpi slt, %add3A_135, %lt3A_137 : vector<16xi32>
        %jit3A_139 = arith.constant 0.000000e+00 : f32
        %broadcast_in_dim3A_140 = vector.broadcast %jit3A_139 : f32 to vector<16xf32>
        %select_n3A_141 = arith.select %lt3A_138, %add3A_133, %broadcast_in_dim3A_140 : vector<16xi1>, vector<16xf32>
        tpu.vector_store_idx %arg25[%add3A_103, %select_n3A_125], %select_n3A_141 : memref<2048x8xf32, #tpu.memory_space<vmem>>[vector<16xi32>, vector<16xi32>], vector<16xf32>,
        %scan3A_142 = arith.constant 0 : i32
        scf.yield %scan3A_142 : i32
      }
      %scan3A_68 = arith.constant 1024 : i32
      "tpu.region"() ({
        %run_scoped3A = tpu.sem_alloc : memref<!tpu.dma_semaphore, #tpu.memory_space<semaphore_mem>>
        %dma_start3A = arith.constant 0 : i32
        %dma_start3A_70 = tpu.memref_slice %arg12[%add3A_61, %dma_start3A] : memref<327680x8xf32, #tpu.memory_space<hbm>> -> memref<2048x8xf32, #tpu.memory_space<hbm>>
        %dma_start3A_71 = arith.constant 0 : i32
        %dma_start3A_72 = tpu.memref_slice %arg12[%add3A_61, %dma_start3A_71] : memref<327680x8xf32, #tpu.memory_space<hbm>> -> memref<2048x8xf32, #tpu.memory_space<hbm>>
        tpu.enqueue_dma source(%arg25 : memref<2048x8xf32, #tpu.memory_space<vmem>>) target(%dma_start3A_72 : memref<2048x8xf32, #tpu.memory_space<hbm>>) target_semaphore(%run_scoped3A : memref<!tpu.dma_semaphore, #tpu.memory_space<semaphore_mem>>)
        %dma_wait3A = arith.constant 0 : i32
        %dma_wait3A_73 = tpu.memref_slice %arg12[%add3A_61, %dma_wait3A] : memref<327680x8xf32, #tpu.memory_space<hbm>> -> memref<2048x8xf32, #tpu.memory_space<hbm>>
        %dma_wait3A_74 = arith.constant 0 : i32
        %dma_wait3A_75 = tpu.memref_slice %arg12[%add3A_61, %dma_wait3A_74] : memref<327680x8xf32, #tpu.memory_space<hbm>> -> memref<2048x8xf32, #tpu.memory_space<hbm>>
        tpu.wait_dma2 semaphore(%run_scoped3A : memref<!tpu.dma_semaphore, #tpu.memory_space<semaphore_mem>>) src(%arg25 : memref<2048x8xf32, #tpu.memory_space<vmem>>) dst(%dma_wait3A_75 : memref<2048x8xf32, #tpu.memory_space<hbm>>)
        tpu.yield
      }) : () -> ()
      %scan3A_69 = arith.constant 0 : i32
      scf.yield %scan3A_69 : i32
    }
    %scan3A_53 = arith.constant 5 : i32
    return
  }
}

#map = affine_map<(d0, d1) -> (0)>
#map1 = affine_map<(d0, d1) -> (0, 0)>
module attributes {stable_mosaic.version = 14 : i64} {
  func.func @_k6_body(%arg0: i32, %arg1: i32, %arg2: memref<327680xi32, #tpu.memory_space<hbm>>, %arg3: memref<327680x8xf32, #tpu.memory_space<hbm>>, %arg4: memref<10000x4xf32, #tpu.memory_space<hbm>>, %arg5: memref<32x16xf32, #tpu.memory_space<hbm>>, %arg6: memref<10000x4xf32, #tpu.memory_space<vmem>>, %arg7: memref<2048xi32, #tpu.memory_space<vmem>>, %arg8: memref<2048x8xf32, #tpu.memory_space<vmem>>, %arg9: memref<16xf32, #tpu.memory_space<vmem>>) attributes {dimension_semantics = [#tpu.dimension_semantics<core_parallel>, #tpu.dimension_semantics<subcore_parallel>], iteration_bounds = array<i64: 2, 16>, scalar_prefetch = 0 : i64, scratch_operands = 4 : i64, tpu.core_type = #tpu.core_type<sc_vector_subcore>, window_params = [{transform_indices = #map}, {transform_indices = #map1}, {transform_indices = #map1}, {transform_indices = #map1}]} {
    %mul3A = arith.constant 2 : i32
    %mul3A_0 = arith.muli %arg1, %mul3A : i32
    %add3A = arith.addi %mul3A_0, %arg0 : i32
    %iota3A = tpu.iota {dimensions = array<i32: 0>} : vector<16xi32>
    "tpu.region"() ({
      %run_scoped3A = tpu.sem_alloc : memref<!tpu.dma_semaphore, #tpu.memory_space<semaphore_mem>>
      tpu.enqueue_dma source(%arg4 : memref<10000x4xf32, #tpu.memory_space<hbm>>) target(%arg6 : memref<10000x4xf32, #tpu.memory_space<vmem>>) target_semaphore(%run_scoped3A : memref<!tpu.dma_semaphore, #tpu.memory_space<semaphore_mem>>)
      tpu.wait_dma2 semaphore(%run_scoped3A : memref<!tpu.dma_semaphore, #tpu.memory_space<semaphore_mem>>) src(%arg4 : memref<10000x4xf32, #tpu.memory_space<hbm>>) dst(%arg6 : memref<10000x4xf32, #tpu.memory_space<vmem>>)
      tpu.yield
    }) : () -> ()
    %mul3A_1 = arith.constant 10240 : i32
    %mul3A_2 = arith.muli %add3A, %mul3A_1 : i32
    %broadcast_in_dim3A = arith.constant 0.000000e+00 : f32
    %broadcast_in_dim3A_3 = vector.broadcast %broadcast_in_dim3A : f32 to vector<16xf32>
    %broadcast_in_dim3A_4 = arith.constant 0.000000e+00 : f32
    %broadcast_in_dim3A_5 = vector.broadcast %broadcast_in_dim3A_4 : f32 to vector<16xf32>
    %scan3A = arith.constant 0 : i32
    %scan3A_6 = arith.constant 5 : i32
    %scan3A_7 = arith.addi %scan3A, %scan3A_6 : i32
    %scan3A_8 = arith.constant 1 : i32
    %scan3A_9:2 = scf.for %scan3A_12 = %scan3A to %scan3A_7 step %scan3A_8 iter_args(%scan3A_13 = %broadcast_in_dim3A_3, %scan3A_14 = %broadcast_in_dim3A_5) -> (vector<16xf32>, vector<16xf32>)  : i32 {
      %mul3A_15 = arith.constant 2048 : i32
      %mul3A_16 = arith.muli %scan3A_12, %mul3A_15 : i32
      %add3A_17 = arith.addi %mul3A_2, %mul3A_16 : i32
      "tpu.region"() ({
        %run_scoped3A = tpu.sem_alloc : memref<!tpu.dma_semaphore, #tpu.memory_space<semaphore_mem>>
        %dma_start3A = tpu.memref_slice %arg2[%add3A_17] : memref<327680xi32, #tpu.memory_space<hbm>> -> memref<2048xi32, #tpu.memory_space<hbm>>
        %dma_start3A_24 = tpu.memref_slice %arg2[%add3A_17] : memref<327680xi32, #tpu.memory_space<hbm>> -> memref<2048xi32, #tpu.memory_space<hbm>>
        tpu.enqueue_dma source(%dma_start3A_24 : memref<2048xi32, #tpu.memory_space<hbm>>) target(%arg7 : memref<2048xi32, #tpu.memory_space<vmem>>) target_semaphore(%run_scoped3A : memref<!tpu.dma_semaphore, #tpu.memory_space<semaphore_mem>>)
        %dma_wait3A = tpu.memref_slice %arg2[%add3A_17] : memref<327680xi32, #tpu.memory_space<hbm>> -> memref<2048xi32, #tpu.memory_space<hbm>>
        %dma_wait3A_25 = tpu.memref_slice %arg2[%add3A_17] : memref<327680xi32, #tpu.memory_space<hbm>> -> memref<2048xi32, #tpu.memory_space<hbm>>
        tpu.wait_dma2 semaphore(%run_scoped3A : memref<!tpu.dma_semaphore, #tpu.memory_space<semaphore_mem>>) src(%dma_wait3A_25 : memref<2048xi32, #tpu.memory_space<hbm>>) dst(%arg7 : memref<2048xi32, #tpu.memory_space<vmem>>)
        tpu.yield
      }) : () -> ()
      "tpu.region"() ({
        %run_scoped3A = tpu.sem_alloc : memref<!tpu.dma_semaphore, #tpu.memory_space<semaphore_mem>>
        %dma_start3A = arith.constant 0 : i32
        %dma_start3A_24 = tpu.memref_slice %arg3[%add3A_17, %dma_start3A] : memref<327680x8xf32, #tpu.memory_space<hbm>> -> memref<2048x8xf32, #tpu.memory_space<hbm>>
        %dma_start3A_25 = arith.constant 0 : i32
        %dma_start3A_26 = tpu.memref_slice %arg3[%add3A_17, %dma_start3A_25] : memref<327680x8xf32, #tpu.memory_space<hbm>> -> memref<2048x8xf32, #tpu.memory_space<hbm>>
        tpu.enqueue_dma source(%dma_start3A_26 : memref<2048x8xf32, #tpu.memory_space<hbm>>) target(%arg8 : memref<2048x8xf32, #tpu.memory_space<vmem>>) target_semaphore(%run_scoped3A : memref<!tpu.dma_semaphore, #tpu.memory_space<semaphore_mem>>)
        %dma_wait3A = arith.constant 0 : i32
        %dma_wait3A_27 = tpu.memref_slice %arg3[%add3A_17, %dma_wait3A] : memref<327680x8xf32, #tpu.memory_space<hbm>> -> memref<2048x8xf32, #tpu.memory_space<hbm>>
        %dma_wait3A_28 = arith.constant 0 : i32
        %dma_wait3A_29 = tpu.memref_slice %arg3[%add3A_17, %dma_wait3A_28] : memref<327680x8xf32, #tpu.memory_space<hbm>> -> memref<2048x8xf32, #tpu.memory_space<hbm>>
        tpu.wait_dma2 semaphore(%run_scoped3A : memref<!tpu.dma_semaphore, #tpu.memory_space<semaphore_mem>>) src(%dma_wait3A_29 : memref<2048x8xf32, #tpu.memory_space<hbm>>) dst(%arg8 : memref<2048x8xf32, #tpu.memory_space<vmem>>)
        tpu.yield
      }) : () -> ()
      %scan3A_18 = arith.constant 0 : i32
      %scan3A_19 = arith.constant 128 : i32
      %scan3A_20 = arith.addi %scan3A_18, %scan3A_19 : i32
      %scan3A_21 = arith.constant 1 : i32
      %scan3A_22:2 = scf.for %scan3A_24 = %scan3A_18 to %scan3A_20 step %scan3A_21 iter_args(%scan3A_25 = %scan3A_13, %scan3A_26 = %scan3A_14) -> (vector<16xf32>, vector<16xf32>)  : i32 {
        %mul3A_27 = arith.constant 16 : i32
        %mul3A_28 = arith.muli %scan3A_24, %mul3A_27 : i32
        %get3A = arith.index_cast %mul3A_28 : i32 to index
        %get3A_29 = tpu.vector_load %arg7[%get3A] {strides = array<i32>} : memref<2048xi32, #tpu.memory_space<vmem>>, vector<16xi32>,
        %mul3A_30 = arith.constant 16 : i32
        %mul3A_31 = arith.muli %scan3A_24, %mul3A_30 : i32
        %add3A_32 = vector.broadcast %mul3A_31 : i32 to vector<16xi32>
        %add3A_33 = arith.addi %add3A_32, %iota3A : vector<16xi32>
        %broadcast_in_dim3A_34 = arith.constant 0.000000e+00 : f32
        %broadcast_in_dim3A_35 = vector.broadcast %broadcast_in_dim3A_34 : f32 to vector<16xf32>
        %broadcast_in_dim3A_36 = arith.constant 0 : i32
        %broadcast_in_dim3A_37 = vector.broadcast %broadcast_in_dim3A_36 : i32 to vector<16xi32>
        %gather3A = tpu.vector_load_idx %arg6[%get3A_29, %broadcast_in_dim3A_37] : memref<10000x4xf32, #tpu.memory_space<vmem>>[vector<16xi32>, vector<16xi32>], vector<16xf32>,
        %broadcast_in_dim3A_38 = arith.constant 4 : i32
        %broadcast_in_dim3A_39 = vector.broadcast %broadcast_in_dim3A_38 : i32 to vector<16xi32>
        %gather3A_40 = tpu.vector_load_idx %arg8[%add3A_33, %broadcast_in_dim3A_39] : memref<2048x8xf32, #tpu.memory_space<vmem>>[vector<16xi32>, vector<16xi32>], vector<16xf32>,
        %mul3A_41 = arith.mulf %gather3A, %gather3A_40 : vector<16xf32>
        %add3A_42 = arith.addf %broadcast_in_dim3A_35, %mul3A_41 : vector<16xf32>
        %broadcast_in_dim3A_43 = arith.constant 1 : i32
        %broadcast_in_dim3A_44 = vector.broadcast %broadcast_in_dim3A_43 : i32 to vector<16xi32>
        %gather3A_45 = tpu.vector_load_idx %arg6[%get3A_29, %broadcast_in_dim3A_44] : memref<10000x4xf32, #tpu.memory_space<vmem>>[vector<16xi32>, vector<16xi32>], vector<16xf32>,
        %broadcast_in_dim3A_46 = arith.constant 5 : i32
        %broadcast_in_dim3A_47 = vector.broadcast %broadcast_in_dim3A_46 : i32 to vector<16xi32>
        %gather3A_48 = tpu.vector_load_idx %arg8[%add3A_33, %broadcast_in_dim3A_47] : memref<2048x8xf32, #tpu.memory_space<vmem>>[vector<16xi32>, vector<16xi32>], vector<16xf32>,
        %mul3A_49 = arith.mulf %gather3A_45, %gather3A_48 : vector<16xf32>
        %add3A_50 = arith.addf %add3A_42, %mul3A_49 : vector<16xf32>
        %broadcast_in_dim3A_51 = arith.constant 2 : i32
        %broadcast_in_dim3A_52 = vector.broadcast %broadcast_in_dim3A_51 : i32 to vector<16xi32>
        %gather3A_53 = tpu.vector_load_idx %arg6[%get3A_29, %broadcast_in_dim3A_52] : memref<10000x4xf32, #tpu.memory_space<vmem>>[vector<16xi32>, vector<16xi32>], vector<16xf32>,
        %broadcast_in_dim3A_54 = arith.constant 6 : i32
        %broadcast_in_dim3A_55 = vector.broadcast %broadcast_in_dim3A_54 : i32 to vector<16xi32>
        %gather3A_56 = tpu.vector_load_idx %arg8[%add3A_33, %broadcast_in_dim3A_55] : memref<2048x8xf32, #tpu.memory_space<vmem>>[vector<16xi32>, vector<16xi32>], vector<16xf32>,
        %mul3A_57 = arith.mulf %gather3A_53, %gather3A_56 : vector<16xf32>
        %add3A_58 = arith.addf %add3A_50, %mul3A_57 : vector<16xf32>
        %broadcast_in_dim3A_59 = arith.constant 3 : i32
        %broadcast_in_dim3A_60 = vector.broadcast %broadcast_in_dim3A_59 : i32 to vector<16xi32>
        %gather3A_61 = tpu.vector_load_idx %arg6[%get3A_29, %broadcast_in_dim3A_60] : memref<10000x4xf32, #tpu.memory_space<vmem>>[vector<16xi32>, vector<16xi32>], vector<16xf32>,
        %broadcast_in_dim3A_62 = arith.constant 7 : i32
        %broadcast_in_dim3A_63 = vector.broadcast %broadcast_in_dim3A_62 : i32 to vector<16xi32>
        %gather3A_64 = tpu.vector_load_idx %arg8[%add3A_33, %broadcast_in_dim3A_63] : memref<2048x8xf32, #tpu.memory_space<vmem>>[vector<16xi32>, vector<16xi32>], vector<16xf32>,
        %mul3A_65 = arith.mulf %gather3A_61, %gather3A_64 : vector<16xf32>
        %add3A_66 = arith.addf %add3A_58, %mul3A_65 : vector<16xf32>
        %sub3A_67 = arith.subf %add3A_66, %scan3A_26 : vector<16xf32>
        %add3A_68 = arith.addf %scan3A_25, %sub3A_67 : vector<16xf32>
        %sub3A_69 = arith.subf %add3A_68, %scan3A_25 : vector<16xf32>
        %sub3A_70 = arith.subf %sub3A_69, %sub3A_67 : vector<16xf32>
        scf.yield %add3A_68, %sub3A_70 : vector<16xf32>, vector<16xf32>
      }
      %scan3A_23 = arith.constant 128 : i32
      scf.yield %scan3A_22#0, %scan3A_22#1 : vector<16xf32>, vector<16xf32>
    }
    %scan3A_10 = arith.constant 5 : i32
    %sub3A = arith.subf %scan3A_9#0, %scan3A_9#1 : vector<16xf32>
    %swap3A = arith.constant 0 : index
    %swap3A_11 = tpu.vector_load %arg9[%swap3A] {strides = array<i32>} : memref<16xf32, #tpu.memory_space<vmem>>, vector<16xf32>,
    tpu.vector_store %arg9[%swap3A], %sub3A {strides = array<i32>} : memref<16xf32, #tpu.memory_space<vmem>>, vector<16xf32>,
    "tpu.region"() ({
      %run_scoped3A = tpu.sem_alloc : memref<!tpu.dma_semaphore, #tpu.memory_space<semaphore_mem>>
      %dma_start3A = arith.constant 0 : i32
      %dma_start3A_12 = tpu.memref_slice %arg5[%add3A, %dma_start3A] : memref<32x16xf32, #tpu.memory_space<hbm>> -> memref<1x16xf32, #tpu.memory_space<hbm>>
      %dma_start3A_13 = tpu.memref_squeeze %dma_start3A_12 : memref<1x16xf32, #tpu.memory_space<hbm>> -> memref<16xf32, #tpu.memory_space<hbm>>
      %dma_start3A_14 = arith.constant 0 : i32
      %dma_start3A_15 = tpu.memref_slice %arg5[%add3A, %dma_start3A_14] : memref<32x16xf32, #tpu.memory_space<hbm>> -> memref<1x16xf32, #tpu.memory_space<hbm>>
      %dma_start3A_16 = tpu.memref_squeeze %dma_start3A_15 : memref<1x16xf32, #tpu.memory_space<hbm>> -> memref<16xf32, #tpu.memory_space<hbm>>
      tpu.enqueue_dma source(%arg9 : memref<16xf32, #tpu.memory_space<vmem>>) target(%dma_start3A_16 : memref<16xf32, #tpu.memory_space<hbm>>) target_semaphore(%run_scoped3A : memref<!tpu.dma_semaphore, #tpu.memory_space<semaphore_mem>>)
      %dma_wait3A = arith.constant 0 : i32
      %dma_wait3A_17 = tpu.memref_slice %arg5[%add3A, %dma_wait3A] : memref<32x16xf32, #tpu.memory_space<hbm>> -> memref<1x16xf32, #tpu.memory_space<hbm>>
      %dma_wait3A_18 = tpu.memref_squeeze %dma_wait3A_17 : memref<1x16xf32, #tpu.memory_space<hbm>> -> memref<16xf32, #tpu.memory_space<hbm>>
      %dma_wait3A_19 = arith.constant 0 : i32
      %dma_wait3A_20 = tpu.memref_slice %arg5[%add3A, %dma_wait3A_19] : memref<32x16xf32, #tpu.memory_space<hbm>> -> memref<1x16xf32, #tpu.memory_space<hbm>>
      %dma_wait3A_21 = tpu.memref_squeeze %dma_wait3A_20 : memref<1x16xf32, #tpu.memory_space<hbm>> -> memref<16xf32, #tpu.memory_space<hbm>>
      tpu.wait_dma2 semaphore(%run_scoped3A : memref<!tpu.dma_semaphore, #tpu.memory_space<semaphore_mem>>) src(%arg9 : memref<16xf32, #tpu.memory_space<vmem>>) dst(%dma_wait3A_21 : memref<16xf32, #tpu.memory_space<hbm>>)
      tpu.yield
    }) : () -> ()
    return
  }
}

module attributes {stable_mosaic.version = 14 : i64} {
  func.func @_k1_body(%arg0: memref<100x64xf32, #tpu.memory_space<vmem>>, %arg1: memref<16x32xf32, #tpu.memory_space<vmem>>, %arg2: memref<100x32xf32, #tpu.memory_space<vmem>>, %arg3: memref<100x32xf32, #tpu.memory_space<vmem>>, %arg4: memref<100x32xf32, #tpu.memory_space<vmem>>, %arg5: memref<100x32xf32, #tpu.memory_space<vmem>>, %arg6: memref<16x32xf32, #tpu.memory_space<vmem>>, %arg7: memref<16x32xf32, #tpu.memory_space<vmem>>, %arg8: memref<16x32xf32, #tpu.memory_space<vmem>>, %arg9: memref<225x32xf32, #tpu.memory_space<vmem>>, %arg10: memref<32xf32, #tpu.memory_space<vmem>>, %arg11: memref<64x64xf32, #tpu.memory_space<vmem>>, %arg12: memref<64xf32, #tpu.memory_space<vmem>>, %arg13: memref<64x4xf32, #tpu.memory_space<vmem>>, %arg14: memref<64x4xf32, #tpu.memory_space<vmem>>, %arg15: memref<4xf32, #tpu.memory_space<vmem>>, %arg16: memref<4xf32, #tpu.memory_space<vmem>>, %arg17: memref<4x64x64xf32, #tpu.memory_space<vmem>>, %arg18: memref<1600x8xf32, #tpu.memory_space<vmem>>, %arg19: memref<1600x8xf32, #tpu.memory_space<vmem>>, %arg20: memref<1600x8xf32, #tpu.memory_space<vmem>>, %arg21: memref<100x8xf32, #tpu.memory_space<vmem>>, %arg22: memref<16x8xf32, #tpu.memory_space<vmem>>, %arg23: memref<1x16xf32, #tpu.memory_space<vmem>>, %arg24: memref<200x64xf32, #tpu.memory_space<vmem>>, %arg25: memref<200x64xf32, #tpu.memory_space<vmem>>) attributes {dimension_semantics = [], scalar_prefetch = 0 : i64, scratch_operands = 0 : i64, tpu.core_type = #tpu.core_type<tc>} {
    %get3A = arith.constant 0 : index
    %get3A_0 = arith.constant 0 : index
    %get3A_1 = vector.load %arg13[%get3A, %get3A_0] : memref<64x4xf32, #tpu.memory_space<vmem>>, vector<64x4xf32>
    %get3A_2 = arith.constant 0 : index
    %get3A_3 = arith.constant 0 : index
    %get3A_4 = vector.load %arg14[%get3A_2, %get3A_3] : memref<64x4xf32, #tpu.memory_space<vmem>>, vector<64x4xf32>
    %concatenate3A = tpu.concatenate %get3A_1, %get3A_4 in 1 : vector<64x4xf32>, vector<64x4xf32> -> vector<64x8xf32>
    %get3A_5 = arith.constant 0 : index
    %get3A_6 = arith.constant 0 : index
    %get3A_7 = vector.load %arg11[%get3A_5, %get3A_6] : memref<64x64xf32, #tpu.memory_space<vmem>>, vector<64x64xf32>
    %slice3A = vector.extract_strided_slice %get3A_7 {offsets = [32, 0], sizes = [32, 64], strides = [1, 1]} : vector<64x64xf32> to vector<32x64xf32>
    %dot_general3A = arith.constant dense<0.000000e+00> : vector<32x8xf32>
    %dot_general3A_8 = tpu.matmul %slice3A, %concatenate3A, %dot_general3A {dimension_numbers = #tpu.dot_dimension_numbers<[1], [0], [0], [1], [0, 0, 1, 1], [], []>, precision = #tpu.contract_precision<fp32>, transpose_lhs_hint = false} : vector<32x64xf32>, vector<64x8xf32>, vector<32x8xf32> -> vector<32x8xf32>
    %get3A_9 = arith.constant 0 : index
    %get3A_10 = arith.constant 0 : index
    %get3A_11 = vector.load %arg6[%get3A_9, %get3A_10] : memref<16x32xf32, #tpu.memory_space<vmem>>, vector<16x32xf32>
    %get3A_12 = arith.constant 0 : index
    %get3A_13 = arith.constant 0 : index
    %get3A_14 = vector.load %arg9[%get3A_12, %get3A_13] : memref<225x32xf32, #tpu.memory_space<vmem>>, vector<225x32xf32>
    %slice3A_15 = vector.extract_strided_slice %get3A_14 {offsets = [0, 0], sizes = [32, 32], strides = [1, 1]} : vector<225x32xf32> to vector<32x32xf32>
    %dot_general3A_16 = arith.constant dense<0.000000e+00> : vector<16x32xf32>
    %dot_general3A_17 = tpu.matmul %get3A_11, %slice3A_15, %dot_general3A_16 {dimension_numbers = #tpu.dot_dimension_numbers<[1], [0], [0], [1], [0, 0, 1, 1], [], []>, precision = #tpu.contract_precision<fp32>, transpose_lhs_hint = false} : vector<16x32xf32>, vector<32x32xf32>, vector<16x32xf32> -> vector<16x32xf32>
    %dot_general3A_18 = arith.constant dense<0.000000e+00> : vector<16x8xf32>
    %dot_general3A_19 = tpu.matmul %dot_general3A_17, %dot_general3A_8, %dot_general3A_18 {dimension_numbers = #tpu.dot_dimension_numbers<[1], [0], [0], [1], [0, 0, 1, 1], [], []>, precision = #tpu.contract_precision<fp32>, transpose_lhs_hint = false} : vector<16x32xf32>, vector<32x8xf32>, vector<16x8xf32> -> vector<16x8xf32>
    %get3A_20 = arith.constant 0 : index
    %get3A_21 = arith.constant 0 : index
    %get3A_22 = vector.load %arg7[%get3A_20, %get3A_21] : memref<16x32xf32, #tpu.memory_space<vmem>>, vector<16x32xf32>
    %get3A_23 = arith.constant 0 : index
    %get3A_24 = arith.constant 0 : index
    %get3A_25 = vector.load %arg9[%get3A_23, %get3A_24] : memref<225x32xf32, #tpu.memory_space<vmem>>, vector<225x32xf32>
    %slice3A_26 = vector.extract_strided_slice %get3A_25 {offsets = [32, 0], sizes = [32, 32], strides = [1, 1]} : vector<225x32xf32> to vector<32x32xf32>
    %dot_general3A_27 = arith.constant dense<0.000000e+00> : vector<16x32xf32>
    %dot_general3A_28 = tpu.matmul %get3A_22, %slice3A_26, %dot_general3A_27 {dimension_numbers = #tpu.dot_dimension_numbers<[1], [0], [0], [1], [0, 0, 1, 1], [], []>, precision = #tpu.contract_precision<fp32>, transpose_lhs_hint = false} : vector<16x32xf32>, vector<32x32xf32>, vector<16x32xf32> -> vector<16x32xf32>
    %dot_general3A_29 = arith.constant dense<0.000000e+00> : vector<16x8xf32>
    %dot_general3A_30 = tpu.matmul %dot_general3A_28, %dot_general3A_8, %dot_general3A_29 {dimension_numbers = #tpu.dot_dimension_numbers<[1], [0], [0], [1], [0, 0, 1, 1], [], []>, precision = #tpu.contract_precision<fp32>, transpose_lhs_hint = false} : vector<16x32xf32>, vector<32x8xf32>, vector<16x8xf32> -> vector<16x8xf32>
    %get3A_31 = arith.constant 0 : index
    %get3A_32 = arith.constant 0 : index
    %get3A_33 = vector.load %arg8[%get3A_31, %get3A_32] : memref<16x32xf32, #tpu.memory_space<vmem>>, vector<16x32xf32>
    %get3A_34 = arith.constant 0 : index
    %get3A_35 = arith.constant 0 : index
    %get3A_36 = vector.load %arg9[%get3A_34, %get3A_35] : memref<225x32xf32, #tpu.memory_space<vmem>>, vector<225x32xf32>
    %slice3A_37 = vector.extract_strided_slice %get3A_36 {offsets = [64, 0], sizes = [32, 32], strides = [1, 1]} : vector<225x32xf32> to vector<32x32xf32>
    %dot_general3A_38 = arith.constant dense<0.000000e+00> : vector<16x32xf32>
    %dot_general3A_39 = tpu.matmul %get3A_33, %slice3A_37, %dot_general3A_38 {dimension_numbers = #tpu.dot_dimension_numbers<[1], [0], [0], [1], [0, 0, 1, 1], [], []>, precision = #tpu.contract_precision<fp32>, transpose_lhs_hint = false} : vector<16x32xf32>, vector<32x32xf32>, vector<16x32xf32> -> vector<16x32xf32>
    %dot_general3A_40 = arith.constant dense<0.000000e+00> : vector<16x8xf32>
    %dot_general3A_41 = tpu.matmul %dot_general3A_39, %dot_general3A_8, %dot_general3A_40 {dimension_numbers = #tpu.dot_dimension_numbers<[1], [0], [0], [1], [0, 0, 1, 1], [], []>, precision = #tpu.contract_precision<fp32>, transpose_lhs_hint = false} : vector<16x32xf32>, vector<32x8xf32>, vector<16x8xf32> -> vector<16x8xf32>
    %get3A_42 = arith.constant 0 : index
    %get3A_43 = arith.constant 0 : index
    %get3A_44 = vector.load %arg2[%get3A_42, %get3A_43] : memref<100x32xf32, #tpu.memory_space<vmem>>, vector<100x32xf32>
    %get3A_45 = arith.constant 0 : index
    %get3A_46 = arith.constant 0 : index
    %get3A_47 = vector.load %arg9[%get3A_45, %get3A_46] : memref<225x32xf32, #tpu.memory_space<vmem>>, vector<225x32xf32>
    %slice3A_48 = vector.extract_strided_slice %get3A_47 {offsets = [96, 0], sizes = [32, 32], strides = [1, 1]} : vector<225x32xf32> to vector<32x32xf32>
    %dot_general3A_49 = arith.constant dense<0.000000e+00> : vector<100x32xf32>
    %dot_general3A_50 = tpu.matmul %get3A_44, %slice3A_48, %dot_general3A_49 {dimension_numbers = #tpu.dot_dimension_numbers<[1], [0], [0], [1], [0, 0, 1, 1], [], []>, precision = #tpu.contract_precision<fp32>, transpose_lhs_hint = false} : vector<100x32xf32>, vector<32x32xf32>, vector<100x32xf32> -> vector<100x32xf32>
    %dot_general3A_51 = arith.constant dense<0.000000e+00> : vector<100x8xf32>
    %dot_general3A_52 = tpu.matmul %dot_general3A_50, %dot_general3A_8, %dot_general3A_51 {dimension_numbers = #tpu.dot_dimension_numbers<[1], [0], [0], [1], [0, 0, 1, 1], [], []>, precision = #tpu.contract_precision<fp32>, transpose_lhs_hint = false} : vector<100x32xf32>, vector<32x8xf32>, vector<100x8xf32> -> vector<100x8xf32>
    %get3A_53 = arith.constant 0 : index
    %get3A_54 = arith.constant 0 : index
    %get3A_55 = vector.load %arg3[%get3A_53, %get3A_54] : memref<100x32xf32, #tpu.memory_space<vmem>>, vector<100x32xf32>
    %get3A_56 = arith.constant 0 : index
    %get3A_57 = arith.constant 0 : index
    %get3A_58 = vector.load %arg9[%get3A_56, %get3A_57] : memref<225x32xf32, #tpu.memory_space<vmem>>, vector<225x32xf32>
    %slice3A_59 = vector.extract_strided_slice %get3A_58 {offsets = [128, 0], sizes = [32, 32], strides = [1, 1]} : vector<225x32xf32> to vector<32x32xf32>
    %dot_general3A_60 = arith.constant dense<0.000000e+00> : vector<100x32xf32>
    %dot_general3A_61 = tpu.matmul %get3A_55, %slice3A_59, %dot_general3A_60 {dimension_numbers = #tpu.dot_dimension_numbers<[1], [0], [0], [1], [0, 0, 1, 1], [], []>, precision = #tpu.contract_precision<fp32>, transpose_lhs_hint = false} : vector<100x32xf32>, vector<32x32xf32>, vector<100x32xf32> -> vector<100x32xf32>
    %dot_general3A_62 = arith.constant dense<0.000000e+00> : vector<100x8xf32>
    %dot_general3A_63 = tpu.matmul %dot_general3A_61, %dot_general3A_8, %dot_general3A_62 {dimension_numbers = #tpu.dot_dimension_numbers<[1], [0], [0], [1], [0, 0, 1, 1], [], []>, precision = #tpu.contract_precision<fp32>, transpose_lhs_hint = false} : vector<100x32xf32>, vector<32x8xf32>, vector<100x8xf32> -> vector<100x8xf32>
    %get3A_64 = arith.constant 0 : index
    %get3A_65 = arith.constant 0 : index
    %get3A_66 = vector.load %arg4[%get3A_64, %get3A_65] : memref<100x32xf32, #tpu.memory_space<vmem>>, vector<100x32xf32>
    %get3A_67 = arith.constant 0 : index
    %get3A_68 = arith.constant 0 : index
    %get3A_69 = vector.load %arg9[%get3A_67, %get3A_68] : memref<225x32xf32, #tpu.memory_space<vmem>>, vector<225x32xf32>
    %slice3A_70 = vector.extract_strided_slice %get3A_69 {offsets = [160, 0], sizes = [32, 32], strides = [1, 1]} : vector<225x32xf32> to vector<32x32xf32>
    %dot_general3A_71 = arith.constant dense<0.000000e+00> : vector<100x32xf32>
    %dot_general3A_72 = tpu.matmul %get3A_66, %slice3A_70, %dot_general3A_71 {dimension_numbers = #tpu.dot_dimension_numbers<[1], [0], [0], [1], [0, 0, 1, 1], [], []>, precision = #tpu.contract_precision<fp32>, transpose_lhs_hint = false} : vector<100x32xf32>, vector<32x32xf32>, vector<100x32xf32> -> vector<100x32xf32>
    %dot_general3A_73 = arith.constant dense<0.000000e+00> : vector<100x8xf32>
    %dot_general3A_74 = tpu.matmul %dot_general3A_72, %dot_general3A_8, %dot_general3A_73 {dimension_numbers = #tpu.dot_dimension_numbers<[1], [0], [0], [1], [0, 0, 1, 1], [], []>, precision = #tpu.contract_precision<fp32>, transpose_lhs_hint = false} : vector<100x32xf32>, vector<32x8xf32>, vector<100x8xf32> -> vector<100x8xf32>
    %get3A_75 = arith.constant 0 : index
    %get3A_76 = arith.constant 0 : index
    %get3A_77 = vector.load %arg5[%get3A_75, %get3A_76] : memref<100x32xf32, #tpu.memory_space<vmem>>, vector<100x32xf32>
    %get3A_78 = arith.constant 0 : index
    %get3A_79 = arith.constant 0 : index
    %get3A_80 = vector.load %arg9[%get3A_78, %get3A_79] : memref<225x32xf32, #tpu.memory_space<vmem>>, vector<225x32xf32>
    %slice3A_81 = vector.extract_strided_slice %get3A_80 {offsets = [192, 0], sizes = [32, 32], strides = [1, 1]} : vector<225x32xf32> to vector<32x32xf32>
    %dot_general3A_82 = arith.constant dense<0.000000e+00> : vector<100x32xf32>
    %dot_general3A_83 = tpu.matmul %get3A_77, %slice3A_81, %dot_general3A_82 {dimension_numbers = #tpu.dot_dimension_numbers<[1], [0], [0], [1], [0, 0, 1, 1], [], []>, precision = #tpu.contract_precision<fp32>, transpose_lhs_hint = false} : vector<100x32xf32>, vector<32x32xf32>, vector<100x32xf32> -> vector<100x32xf32>
    %dot_general3A_84 = arith.constant dense<0.000000e+00> : vector<100x8xf32>
    %dot_general3A_85 = tpu.matmul %dot_general3A_83, %dot_general3A_8, %dot_general3A_84 {dimension_numbers = #tpu.dot_dimension_numbers<[1], [0], [0], [1], [0, 0, 1, 1], [], []>, precision = #tpu.contract_precision<fp32>, transpose_lhs_hint = false} : vector<100x32xf32>, vector<32x8xf32>, vector<100x8xf32> -> vector<100x8xf32>
    %get3A_86 = arith.constant 0 : index
    %get3A_87 = arith.constant 0 : index
    %get3A_88 = vector.load %arg9[%get3A_86, %get3A_87] : memref<225x32xf32, #tpu.memory_space<vmem>>, vector<225x32xf32>
    %slice3A_89 = vector.extract_strided_slice %get3A_88 {offsets = [224, 0], sizes = [1, 32], strides = [1, 1]} : vector<225x32xf32> to vector<1x32xf32>
    %dot_general3A_90 = arith.constant dense<0.000000e+00> : vector<1x8xf32>
    %dot_general3A_91 = tpu.matmul %slice3A_89, %dot_general3A_8, %dot_general3A_90 {dimension_numbers = #tpu.dot_dimension_numbers<[1], [0], [0], [1], [0, 0, 1, 1], [], []>, precision = #tpu.contract_precision<fp32>, transpose_lhs_hint = false} : vector<1x32xf32>, vector<32x8xf32>, vector<1x8xf32> -> vector<1x8xf32>
    %get3A_92 = arith.constant 0 : index
    %get3A_93 = vector.load %arg10[%get3A_92] : memref<32xf32, #tpu.memory_space<vmem>>, vector<32xf32>
    %broadcast_in_dim3A = vector.shape_cast %get3A_93 : vector<32xf32> to vector<1x32xf32>
    %dot_general3A_94 = arith.constant dense<0.000000e+00> : vector<1x8xf32>
    %dot_general3A_95 = tpu.matmul %broadcast_in_dim3A, %dot_general3A_8, %dot_general3A_94 {dimension_numbers = #tpu.dot_dimension_numbers<[1], [0], [0], [1], [0, 0, 1, 1], [], []>, precision = #tpu.contract_precision<fp32>, transpose_lhs_hint = false} : vector<1x32xf32>, vector<32x8xf32>, vector<1x8xf32> -> vector<1x8xf32>
    %iota3A = tpu.iota {dimensions = array<i32: 0>} : vector<1600x16xi32>
    %jit3A = arith.constant 100 : i32
    %div3A = vector.broadcast %jit3A : i32 to vector<1600x16xi32>
    %div3A_96 = arith.divsi %iota3A, %div3A : vector<1600x16xi32>
    %sign3A = arith.constant 0 : i32
    %sign3A_97 = vector.broadcast %sign3A : i32 to vector<1600x16xi32>
    %sign3A_98 = arith.cmpi sgt, %iota3A, %sign3A_97 : vector<1600x16xi32>
    %sign3A_99 = arith.extui %sign3A_98 : vector<1600x16xi1> to vector<1600x16xi32>
    %sign3A_100 = arith.constant 0 : i32
    %sign3A_101 = vector.broadcast %sign3A_100 : i32 to vector<1600x16xi32>
    %sign3A_102 = arith.cmpi slt, %iota3A, %sign3A_101 : vector<1600x16xi32>
    %sign3A_103 = arith.extui %sign3A_102 : vector<1600x16xi1> to vector<1600x16xi32>
    %sign3A_104 = arith.subi %sign3A_99, %sign3A_103 : vector<1600x16xi32>
    %sign3A_105 = arith.constant 0 : i32
    %sign3A_106 = arith.cmpi sgt, %jit3A, %sign3A_105 : i32
    %sign3A_107 = arith.extui %sign3A_106 : i1 to i32
    %sign3A_108 = arith.constant 0 : i32
    %sign3A_109 = arith.cmpi slt, %jit3A, %sign3A_108 : i32
    %sign3A_110 = arith.extui %sign3A_109 : i1 to i32
    %sign3A_111 = arith.subi %sign3A_107, %sign3A_110 : i32
    %ne3A = vector.broadcast %sign3A_111 : i32 to vector<1600x16xi32>
    %ne3A_112 = arith.cmpi ne, %sign3A_104, %ne3A : vector<1600x16xi32>
    %rem3A = vector.broadcast %jit3A : i32 to vector<1600x16xi32>
    %rem3A_113 = arith.remsi %iota3A, %rem3A : vector<1600x16xi32>
    %ne3A_114 = arith.constant 0 : i32
    %ne3A_115 = vector.broadcast %ne3A_114 : i32 to vector<1600x16xi32>
    %ne3A_116 = arith.cmpi ne, %rem3A_113, %ne3A_115 : vector<1600x16xi32>
    %and3A = arith.andi %ne3A_112, %ne3A_116 : vector<1600x16xi1>
    %sub3A = arith.constant 1 : i32
    %sub3A_117 = vector.broadcast %sub3A : i32 to vector<1600x16xi32>
    %sub3A_118 = arith.subi %div3A_96, %sub3A_117 : vector<1600x16xi32>
    %select_n3A = arith.select %and3A, %sub3A_118, %div3A_96 : vector<1600x16xi1>, vector<1600x16xi32>
    %iota3A_119 = tpu.iota {dimensions = array<i32: 1>} : vector<1600x16xi32>
    %eq3A = arith.cmpi eq, %select_n3A, %iota3A_119 : vector<1600x16xi32>
    %jit3A_120 = arith.constant 1.000000e+00 : f32
    %jit3A_121 = arith.constant 0.000000e+00 : f32
    %broadcast_in_dim3A_122 = vector.broadcast %jit3A_120 : f32 to vector<1600x16xf32>
    %broadcast_in_dim3A_123 = vector.broadcast %jit3A_121 : f32 to vector<1600x16xf32>
    %select_n3A_124 = arith.select %eq3A, %broadcast_in_dim3A_122, %broadcast_in_dim3A_123 : vector<1600x16xi1>, vector<1600x16xf32>
    %iota3A_125 = tpu.iota {dimensions = array<i32: 0>} : vector<1600x100xi32>
    %jit3A_126 = arith.constant 100 : i32
    %eq3A_127 = arith.constant 0 : i32
    %eq3A_128 = arith.cmpi eq, %jit3A_126, %eq3A_127 : i32
    %jit3A_129 = arith.constant 1 : i32
    %select_n3A_130 = arith.select %eq3A_128, %jit3A_129, %jit3A_126 : i32
    %rem3A_131 = vector.broadcast %select_n3A_130 : i32 to vector<1600x100xi32>
    %rem3A_132 = arith.remsi %iota3A_125, %rem3A_131 : vector<1600x100xi32>
    %ne3A_133 = arith.constant 0 : i32
    %ne3A_134 = vector.broadcast %ne3A_133 : i32 to vector<1600x100xi32>
    %ne3A_135 = arith.cmpi ne, %rem3A_132, %ne3A_134 : vector<1600x100xi32>
    %lt3A = arith.constant 0 : i32
    %lt3A_136 = vector.broadcast %lt3A : i32 to vector<1600x100xi32>
    %lt3A_137 = arith.cmpi slt, %rem3A_132, %lt3A_136 : vector<1600x100xi32>
    %lt3A_138 = arith.constant 0 : i32
    %lt3A_139 = arith.cmpi slt, %select_n3A_130, %lt3A_138 : i32
    %ne3A_140 = vector.broadcast %lt3A_139 : i1 to vector<1600x100xi1>
    %ne3A_141 = vector.broadcast %ne3A_140 : vector<1600x100xi1> to vector<1600x100xi1>
    %ne3A_142 = arith.xori %lt3A_137, %ne3A_141 : vector<1600x100xi1>
    %and3A_143 = arith.andi %ne3A_142, %ne3A_135 : vector<1600x100xi1>
    %add3A = vector.broadcast %select_n3A_130 : i32 to vector<1600x100xi32>
    %add3A_144 = arith.addi %rem3A_132, %add3A : vector<1600x100xi32>
    %select_n3A_145 = arith.select %and3A_143, %add3A_144, %rem3A_132 : vector<1600x100xi1>, vector<1600x100xi32>
    %iota3A_146 = tpu.iota {dimensions = array<i32: 1>} : vector<1600x100xi32>
    %eq3A_147 = arith.cmpi eq, %select_n3A_145, %iota3A_146 : vector<1600x100xi32>
    %jit3A_148 = arith.constant 1.000000e+00 : f32
    %jit3A_149 = arith.constant 0.000000e+00 : f32
    %broadcast_in_dim3A_150 = vector.broadcast %jit3A_148 : f32 to vector<1600x100xf32>
    %broadcast_in_dim3A_151 = vector.broadcast %jit3A_149 : f32 to vector<1600x100xf32>
    %select_n3A_152 = arith.select %eq3A_147, %broadcast_in_dim3A_150, %broadcast_in_dim3A_151 : vector<1600x100xi1>, vector<1600x100xf32>
    %dot_general3A_153 = arith.constant dense<0.000000e+00> : vector<1600x8xf32>
    %dot_general3A_154 = tpu.matmul %select_n3A_124, %dot_general3A_19, %dot_general3A_153 {dimension_numbers = #tpu.dot_dimension_numbers<[1], [0], [0], [1], [0, 0, 1, 1], [], []>, transpose_lhs_hint = false} : vector<1600x16xf32>, vector<16x8xf32>, vector<1600x8xf32> -> vector<1600x8xf32>
    %dot_general3A_155 = arith.constant dense<0.000000e+00> : vector<1600x8xf32>
    %dot_general3A_156 = tpu.matmul %select_n3A_152, %dot_general3A_52, %dot_general3A_155 {dimension_numbers = #tpu.dot_dimension_numbers<[1], [0], [0], [1], [0, 0, 1, 1], [], []>, transpose_lhs_hint = false} : vector<1600x100xf32>, vector<100x8xf32>, vector<1600x8xf32> -> vector<1600x8xf32>
    %add3A_157 = arith.addf %dot_general3A_154, %dot_general3A_156 : vector<1600x8xf32>
    %swap3A = arith.constant 0 : index
    %swap3A_158 = arith.constant 0 : index
    %swap3A_159 = vector.load %arg18[%swap3A, %swap3A_158] : memref<1600x8xf32, #tpu.memory_space<vmem>>, vector<1600x8xf32>
    tpu.vector_store %arg18[%swap3A, %swap3A_158], %add3A_157 {strides = array<i32>} : memref<1600x8xf32, #tpu.memory_space<vmem>>, vector<1600x8xf32>,
    %dot_general3A_160 = arith.constant dense<0.000000e+00> : vector<1600x8xf32>
    %dot_general3A_161 = tpu.matmul %select_n3A_124, %dot_general3A_30, %dot_general3A_160 {dimension_numbers = #tpu.dot_dimension_numbers<[1], [0], [0], [1], [0, 0, 1, 1], [], []>, transpose_lhs_hint = false} : vector<1600x16xf32>, vector<16x8xf32>, vector<1600x8xf32> -> vector<1600x8xf32>
    %dot_general3A_162 = arith.constant dense<0.000000e+00> : vector<1600x8xf32>
    %dot_general3A_163 = tpu.matmul %select_n3A_152, %dot_general3A_63, %dot_general3A_162 {dimension_numbers = #tpu.dot_dimension_numbers<[1], [0], [0], [1], [0, 0, 1, 1], [], []>, transpose_lhs_hint = false} : vector<1600x100xf32>, vector<100x8xf32>, vector<1600x8xf32> -> vector<1600x8xf32>
    %add3A_164 = arith.addf %dot_general3A_161, %dot_general3A_163 : vector<1600x8xf32>
    %swap3A_165 = arith.constant 0 : index
    %swap3A_166 = arith.constant 0 : index
    %swap3A_167 = vector.load %arg19[%swap3A_165, %swap3A_166] : memref<1600x8xf32, #tpu.memory_space<vmem>>, vector<1600x8xf32>
    tpu.vector_store %arg19[%swap3A_165, %swap3A_166], %add3A_164 {strides = array<i32>} : memref<1600x8xf32, #tpu.memory_space<vmem>>, vector<1600x8xf32>,
    %dot_general3A_168 = arith.constant dense<0.000000e+00> : vector<1600x8xf32>
    %dot_general3A_169 = tpu.matmul %select_n3A_124, %dot_general3A_41, %dot_general3A_168 {dimension_numbers = #tpu.dot_dimension_numbers<[1], [0], [0], [1], [0, 0, 1, 1], [], []>, transpose_lhs_hint = false} : vector<1600x16xf32>, vector<16x8xf32>, vector<1600x8xf32> -> vector<1600x8xf32>
    %dot_general3A_170 = arith.constant dense<0.000000e+00> : vector<1600x8xf32>
    %dot_general3A_171 = tpu.matmul %select_n3A_152, %dot_general3A_74, %dot_general3A_170 {dimension_numbers = #tpu.dot_dimension_numbers<[1], [0], [0], [1], [0, 0, 1, 1], [], []>, transpose_lhs_hint = false} : vector<1600x100xf32>, vector<100x8xf32>, vector<1600x8xf32> -> vector<1600x8xf32>
    %add3A_172 = arith.addf %dot_general3A_169, %dot_general3A_171 : vector<1600x8xf32>
    %add3A_173 = vector.broadcast %dot_general3A_95 : vector<1x8xf32> to vector<1600x8xf32>
    %add3A_174 = arith.addf %add3A_172, %add3A_173 : vector<1600x8xf32>
    %swap3A_175 = arith.constant 0 : index
    %swap3A_176 = arith.constant 0 : index
    %swap3A_177 = vector.load %arg20[%swap3A_175, %swap3A_176] : memref<1600x8xf32, #tpu.memory_space<vmem>>, vector<1600x8xf32>
    tpu.vector_store %arg20[%swap3A_175, %swap3A_176], %add3A_174 {strides = array<i32>} : memref<1600x8xf32, #tpu.memory_space<vmem>>, vector<1600x8xf32>,
    %swap3A_178 = arith.constant 0 : index
    %swap3A_179 = arith.constant 0 : index
    %swap3A_180 = vector.load %arg21[%swap3A_178, %swap3A_179] : memref<100x8xf32, #tpu.memory_space<vmem>>, vector<100x8xf32>
    tpu.vector_store %arg21[%swap3A_178, %swap3A_179], %dot_general3A_85 {strides = array<i32>} : memref<100x8xf32, #tpu.memory_space<vmem>>, vector<100x8xf32>,
    %get3A_181 = arith.constant 0 : index
    %get3A_182 = vector.load %arg12[%get3A_181] : memref<64xf32, #tpu.memory_space<vmem>>, vector<64xf32>
    %broadcast_in_dim3A_183 = vector.shape_cast %get3A_182 : vector<64xf32> to vector<1x64xf32>
    %dot_general3A_184 = arith.constant dense<0.000000e+00> : vector<1x8xf32>
    %dot_general3A_185 = tpu.matmul %broadcast_in_dim3A_183, %concatenate3A, %dot_general3A_184 {dimension_numbers = #tpu.dot_dimension_numbers<[1], [0], [0], [1], [0, 0, 1, 1], [], []>, precision = #tpu.contract_precision<fp32>, transpose_lhs_hint = false} : vector<1x64xf32>, vector<64x8xf32>, vector<1x8xf32> -> vector<1x8xf32>
    %get3A_186 = arith.constant 0 : index
    %get3A_187 = vector.load %arg15[%get3A_186] : memref<4xf32, #tpu.memory_space<vmem>>, vector<4xf32>
    %get3A_188 = arith.constant 0 : index
    %get3A_189 = vector.load %arg16[%get3A_188] : memref<4xf32, #tpu.memory_space<vmem>>, vector<4xf32>
    %concatenate3A_190 = tpu.concatenate %get3A_187, %get3A_189 in 0 : vector<4xf32>, vector<4xf32> -> vector<8xf32>
    %broadcast_in_dim3A_191 = vector.shape_cast %concatenate3A_190 : vector<8xf32> to vector<1x8xf32>
    %add3A_192 = arith.addf %dot_general3A_185, %broadcast_in_dim3A_191 : vector<1x8xf32>
    %get3A_193 = arith.constant 0 : index
    %get3A_194 = arith.constant 0 : index
    %get3A_195 = vector.load %arg1[%get3A_193, %get3A_194] : memref<16x32xf32, #tpu.memory_space<vmem>>, vector<16x32xf32>
    %get3A_196 = arith.constant 0 : index
    %get3A_197 = arith.constant 0 : index
    %get3A_198 = vector.load %arg11[%get3A_196, %get3A_197] : memref<64x64xf32, #tpu.memory_space<vmem>>, vector<64x64xf32>
    %slice3A_199 = vector.extract_strided_slice %get3A_198 {offsets = [0, 0], sizes = [32, 64], strides = [1, 1]} : vector<64x64xf32> to vector<32x64xf32>
    %dot_general3A_200 = arith.constant dense<0.000000e+00> : vector<16x64xf32>
    %dot_general3A_201 = tpu.matmul %get3A_195, %slice3A_199, %dot_general3A_200 {dimension_numbers = #tpu.dot_dimension_numbers<[1], [0], [0], [1], [0, 0, 1, 1], [], []>, precision = #tpu.contract_precision<fp32>, transpose_lhs_hint = false} : vector<16x32xf32>, vector<32x64xf32>, vector<16x64xf32> -> vector<16x64xf32>
    %dot_general3A_202 = arith.constant dense<0.000000e+00> : vector<16x8xf32>
    %dot_general3A_203 = tpu.matmul %dot_general3A_201, %concatenate3A, %dot_general3A_202 {dimension_numbers = #tpu.dot_dimension_numbers<[1], [0], [0], [1], [0, 0, 1, 1], [], []>, precision = #tpu.contract_precision<fp32>, transpose_lhs_hint = false} : vector<16x64xf32>, vector<64x8xf32>, vector<16x8xf32> -> vector<16x8xf32>
    %add3A_204 = vector.broadcast %add3A_192 : vector<1x8xf32> to vector<16x8xf32>
    %add3A_205 = arith.addf %dot_general3A_203, %add3A_204 : vector<16x8xf32>
    %swap3A_206 = arith.constant 0 : index
    %swap3A_207 = arith.constant 0 : index
    %swap3A_208 = vector.load %arg22[%swap3A_206, %swap3A_207] : memref<16x8xf32, #tpu.memory_space<vmem>>, vector<16x8xf32>
    tpu.vector_store %arg22[%swap3A_206, %swap3A_207], %add3A_205 {strides = array<i32>} : memref<16x8xf32, #tpu.memory_space<vmem>>, vector<16x8xf32>,
    %broadcast_in_dim3A_209 = arith.constant 0.000000e+00 : f32
    %broadcast_in_dim3A_210 = vector.broadcast %broadcast_in_dim3A_209 : f32 to vector<1x8xf32>
    %concatenate3A_211 = tpu.concatenate %dot_general3A_91, %broadcast_in_dim3A_210 in 1 : vector<1x8xf32>, vector<1x8xf32> -> vector<1x16xf32>
    %swap3A_212 = arith.constant 0 : index
    %swap3A_213 = arith.constant 0 : index
    %swap3A_214 = vector.load %arg23[%swap3A_212, %swap3A_213] : memref<1x16xf32, #tpu.memory_space<vmem>>, vector<1x16xf32>
    tpu.vector_store %arg23[%swap3A_212, %swap3A_213], %concatenate3A_211 {strides = array<i32>} : memref<1x16xf32, #tpu.memory_space<vmem>>, vector<1x16xf32>,
    %get3A_215 = arith.constant 0 : index
    %get3A_216 = arith.constant 0 : index
    %get3A_217 = vector.load %arg0[%get3A_215, %get3A_216] : memref<100x64xf32, #tpu.memory_space<vmem>>, vector<100x64xf32>
    %get3A_218 = arith.constant 0 : index
    %get3A_219 = arith.constant 0 : index
    %get3A_220 = arith.constant 0 : index
    %get3A_221 = vector.load %arg17[%get3A_218, %get3A_219, %get3A_220] : memref<4x64x64xf32, #tpu.memory_space<vmem>>, vector<4x64x64xf32>
    %slice3A_222 = vector.extract_strided_slice %get3A_221 {offsets = [0, 0, 0], sizes = [1, 64, 64], strides = [1, 1, 1]} : vector<4x64x64xf32> to vector<1x64x64xf32>
    %squeeze3A = vector.shape_cast %slice3A_222 : vector<1x64x64xf32> to vector<64x64xf32>
    %dot_general3A_223 = arith.constant dense<0.000000e+00> : vector<100x64xf32>
    %dot_general3A_224 = tpu.matmul %get3A_217, %squeeze3A, %dot_general3A_223 {dimension_numbers = #tpu.dot_dimension_numbers<[1], [0], [0], [1], [0, 0, 1, 1], [], []>, precision = #tpu.contract_precision<fp32>, transpose_lhs_hint = false} : vector<100x64xf32>, vector<64x64xf32>, vector<100x64xf32> -> vector<100x64xf32>
    %get3A_225 = arith.constant 0 : index
    %get3A_226 = arith.constant 0 : index
    %get3A_227 = vector.load %arg0[%get3A_225, %get3A_226] : memref<100x64xf32, #tpu.memory_space<vmem>>, vector<100x64xf32>
    %get3A_228 = arith.constant 0 : index
    %get3A_229 = arith.constant 0 : index
    %get3A_230 = arith.constant 0 : index
    %get3A_231 = vector.load %arg17[%get3A_228, %get3A_229, %get3A_230] : memref<4x64x64xf32, #tpu.memory_space<vmem>>, vector<4x64x64xf32>
    %slice3A_232 = vector.extract_strided_slice %get3A_231 {offsets = [1, 0, 0], sizes = [1, 64, 64], strides = [1, 1, 1]} : vector<4x64x64xf32> to vector<1x64x64xf32>
    %squeeze3A_233 = vector.shape_cast %slice3A_232 : vector<1x64x64xf32> to vector<64x64xf32>
    %dot_general3A_234 = arith.constant dense<0.000000e+00> : vector<100x64xf32>
    %dot_general3A_235 = tpu.matmul %get3A_227, %squeeze3A_233, %dot_general3A_234 {dimension_numbers = #tpu.dot_dimension_numbers<[1], [0], [0], [1], [0, 0, 1, 1], [], []>, precision = #tpu.contract_precision<fp32>, transpose_lhs_hint = false} : vector<100x64xf32>, vector<64x64xf32>, vector<100x64xf32> -> vector<100x64xf32>
    %get3A_236 = arith.constant 0 : index
    %get3A_237 = arith.constant 0 : index
    %get3A_238 = vector.load %arg0[%get3A_236, %get3A_237] : memref<100x64xf32, #tpu.memory_space<vmem>>, vector<100x64xf32>
    %get3A_239 = arith.constant 0 : index
    %get3A_240 = arith.constant 0 : index
    %get3A_241 = arith.constant 0 : index
    %get3A_242 = vector.load %arg17[%get3A_239, %get3A_240, %get3A_241] : memref<4x64x64xf32, #tpu.memory_space<vmem>>, vector<4x64x64xf32>
    %slice3A_243 = vector.extract_strided_slice %get3A_242 {offsets = [2, 0, 0], sizes = [1, 64, 64], strides = [1, 1, 1]} : vector<4x64x64xf32> to vector<1x64x64xf32>
    %squeeze3A_244 = vector.shape_cast %slice3A_243 : vector<1x64x64xf32> to vector<64x64xf32>
    %dot_general3A_245 = arith.constant dense<0.000000e+00> : vector<100x64xf32>
    %dot_general3A_246 = tpu.matmul %get3A_238, %squeeze3A_244, %dot_general3A_245 {dimension_numbers = #tpu.dot_dimension_numbers<[1], [0], [0], [1], [0, 0, 1, 1], [], []>, precision = #tpu.contract_precision<fp32>, transpose_lhs_hint = false} : vector<100x64xf32>, vector<64x64xf32>, vector<100x64xf32> -> vector<100x64xf32>
    %get3A_247 = arith.constant 0 : index
    %get3A_248 = arith.constant 0 : index
    %get3A_249 = vector.load %arg0[%get3A_247, %get3A_248] : memref<100x64xf32, #tpu.memory_space<vmem>>, vector<100x64xf32>
    %get3A_250 = arith.constant 0 : index
    %get3A_251 = arith.constant 0 : index
    %get3A_252 = arith.constant 0 : index
    %get3A_253 = vector.load %arg17[%get3A_250, %get3A_251, %get3A_252] : memref<4x64x64xf32, #tpu.memory_space<vmem>>, vector<4x64x64xf32>
    %slice3A_254 = vector.extract_strided_slice %get3A_253 {offsets = [3, 0, 0], sizes = [1, 64, 64], strides = [1, 1, 1]} : vector<4x64x64xf32> to vector<1x64x64xf32>
    %squeeze3A_255 = vector.shape_cast %slice3A_254 : vector<1x64x64xf32> to vector<64x64xf32>
    %dot_general3A_256 = arith.constant dense<0.000000e+00> : vector<100x64xf32>
    %dot_general3A_257 = tpu.matmul %get3A_249, %squeeze3A_255, %dot_general3A_256 {dimension_numbers = #tpu.dot_dimension_numbers<[1], [0], [0], [1], [0, 0, 1, 1], [], []>, precision = #tpu.contract_precision<fp32>, transpose_lhs_hint = false} : vector<100x64xf32>, vector<64x64xf32>, vector<100x64xf32> -> vector<100x64xf32>
    %iota3A_258 = tpu.iota {dimensions = array<i32: 0>} : vector<200x100xi32>
    %iota3A_259 = tpu.iota {dimensions = array<i32: 1>} : vector<200x100xi32>
    %mul3A = arith.constant 2 : i32
    %mul3A_260 = vector.broadcast %mul3A : i32 to vector<200x100xi32>
    %mul3A_261 = arith.muli %mul3A_260, %iota3A_259 : vector<200x100xi32>
    %eq3A_262 = arith.cmpi eq, %iota3A_258, %mul3A_261 : vector<200x100xi32>
    %jit3A_263 = arith.constant 1.000000e+00 : f32
    %jit3A_264 = arith.constant 0.000000e+00 : f32
    %broadcast_in_dim3A_265 = vector.broadcast %jit3A_263 : f32 to vector<200x100xf32>
    %broadcast_in_dim3A_266 = vector.broadcast %jit3A_264 : f32 to vector<200x100xf32>
    %select_n3A_267 = arith.select %eq3A_262, %broadcast_in_dim3A_265, %broadcast_in_dim3A_266 : vector<200x100xi1>, vector<200x100xf32>
    %mul3A_268 = arith.constant 2 : i32
    %mul3A_269 = vector.broadcast %mul3A_268 : i32 to vector<200x100xi32>
    %mul3A_270 = arith.muli %mul3A_269, %iota3A_259 : vector<200x100xi32>
    %add3A_271 = arith.constant 1 : i32
    %add3A_272 = vector.broadcast %add3A_271 : i32 to vector<200x100xi32>
    %add3A_273 = arith.addi %mul3A_270, %add3A_272 : vector<200x100xi32>
    %eq3A_274 = arith.cmpi eq, %iota3A_258, %add3A_273 : vector<200x100xi32>
    %jit3A_275 = arith.constant 1.000000e+00 : f32
    %jit3A_276 = arith.constant 0.000000e+00 : f32
    %broadcast_in_dim3A_277 = vector.broadcast %jit3A_275 : f32 to vector<200x100xf32>
    %broadcast_in_dim3A_278 = vector.broadcast %jit3A_276 : f32 to vector<200x100xf32>
    %select_n3A_279 = arith.select %eq3A_274, %broadcast_in_dim3A_277, %broadcast_in_dim3A_278 : vector<200x100xi1>, vector<200x100xf32>
    %dot_general3A_280 = arith.constant dense<0.000000e+00> : vector<200x64xf32>
    %dot_general3A_281 = tpu.matmul %select_n3A_267, %dot_general3A_224, %dot_general3A_280 {dimension_numbers = #tpu.dot_dimension_numbers<[1], [0], [0], [1], [0, 0, 1, 1], [], []>, transpose_lhs_hint = false} : vector<200x100xf32>, vector<100x64xf32>, vector<200x64xf32> -> vector<200x64xf32>
    %dot_general3A_282 = arith.constant dense<0.000000e+00> : vector<200x64xf32>
    %dot_general3A_283 = tpu.matmul %select_n3A_279, %dot_general3A_235, %dot_general3A_282 {dimension_numbers = #tpu.dot_dimension_numbers<[1], [0], [0], [1], [0, 0, 1, 1], [], []>, transpose_lhs_hint = false} : vector<200x100xf32>, vector<100x64xf32>, vector<200x64xf32> -> vector<200x64xf32>
    %add3A_284 = arith.addf %dot_general3A_281, %dot_general3A_283 : vector<200x64xf32>
    %swap3A_285 = arith.constant 0 : index
    %swap3A_286 = arith.constant 0 : index
    %swap3A_287 = vector.load %arg24[%swap3A_285, %swap3A_286] : memref<200x64xf32, #tpu.memory_space<vmem>>, vector<200x64xf32>
    tpu.vector_store %arg24[%swap3A_285, %swap3A_286], %add3A_284 {strides = array<i32>} : memref<200x64xf32, #tpu.memory_space<vmem>>, vector<200x64xf32>,
    %dot_general3A_288 = arith.constant dense<0.000000e+00> : vector<200x64xf32>
    %dot_general3A_289 = tpu.matmul %select_n3A_267, %dot_general3A_246, %dot_general3A_288 {dimension_numbers = #tpu.dot_dimension_numbers<[1], [0], [0], [1], [0, 0, 1, 1], [], []>, transpose_lhs_hint = false} : vector<200x100xf32>, vector<100x64xf32>, vector<200x64xf32> -> vector<200x64xf32>
    %dot_general3A_290 = arith.constant dense<0.000000e+00> : vector<200x64xf32>
    %dot_general3A_291 = tpu.matmul %select_n3A_279, %dot_general3A_257, %dot_general3A_290 {dimension_numbers = #tpu.dot_dimension_numbers<[1], [0], [0], [1], [0, 0, 1, 1], [], []>, transpose_lhs_hint = false} : vector<200x100xf32>, vector<100x64xf32>, vector<200x64xf32> -> vector<200x64xf32>
    %add3A_292 = arith.addf %dot_general3A_289, %dot_general3A_291 : vector<200x64xf32>
    %swap3A_293 = arith.constant 0 : index
    %swap3A_294 = arith.constant 0 : index
    %swap3A_295 = vector.load %arg25[%swap3A_293, %swap3A_294] : memref<200x64xf32, #tpu.memory_space<vmem>>, vector<200x64xf32>
    tpu.vector_store %arg25[%swap3A_293, %swap3A_294], %add3A_292 {strides = array<i32>} : memref<200x64xf32, #tpu.memory_space<vmem>>, vector<200x64xf32>,
    return
  }
}

module attributes {stable_mosaic.version = 14 : i64} {
  func.func @_k5_body(%arg0: i32, %arg1: memref<1000x200xf32, #tpu.memory_space<vmem>>, %arg2: memref<1000x200xf32, #tpu.memory_space<vmem>>, %arg3: memref<200x64xf32, #tpu.memory_space<vmem>>, %arg4: memref<200x64xf32, #tpu.memory_space<vmem>>, %arg5: memref<4x64xf32, #tpu.memory_space<vmem>>, %arg6: memref<4x64x64xf32, #tpu.memory_space<vmem>>, %arg7: memref<1000x4xf32, #tpu.memory_space<vmem>>) attributes {dimension_semantics = [#tpu.dimension_semantics<arbitrary>], iteration_bounds = array<i64: 10>, scalar_prefetch = 0 : i64, scratch_operands = 0 : i64, tpu.core_type = #tpu.core_type<tc>, window_params = [{transform_indices = @transform_0, window_bounds = array<i64: 1000, 200>}, {transform_indices = @transform_1, window_bounds = array<i64: 1000, 200>}, {pipeline_mode = #tpu.pipeline_mode<synchronous>, transform_indices = @transform_2, window_bounds = array<i64: 200, 64>}, {pipeline_mode = #tpu.pipeline_mode<synchronous>, transform_indices = @transform_3, window_bounds = array<i64: 200, 64>}, {pipeline_mode = #tpu.pipeline_mode<synchronous>, transform_indices = @transform_4, window_bounds = array<i64: 4, 64>}, {pipeline_mode = #tpu.pipeline_mode<synchronous>, transform_indices = @transform_5, window_bounds = array<i64: 4, 64, 64>}, {transform_indices = @transform_6, window_bounds = array<i64: 1000, 4>}]} {
    %get3A = arith.constant 0 : index
    %get3A_0 = arith.constant 0 : index
    %get3A_1 = vector.load %arg1[%get3A, %get3A_0] : memref<1000x200xf32, #tpu.memory_space<vmem>>, vector<1000x200xf32>
    %get3A_2 = arith.constant 0 : index
    %get3A_3 = arith.constant 0 : index
    %get3A_4 = vector.load %arg3[%get3A_2, %get3A_3] : memref<200x64xf32, #tpu.memory_space<vmem>>, vector<200x64xf32>
    %dot_general3A = arith.constant dense<0.000000e+00> : vector<1000x64xf32>
    %dot_general3A_5 = tpu.matmul %get3A_1, %get3A_4, %dot_general3A {dimension_numbers = #tpu.dot_dimension_numbers<[1], [0], [0], [1], [0, 0, 1, 1], [], []>, precision = #tpu.contract_precision<fp32>, transpose_lhs_hint = false} : vector<1000x200xf32>, vector<200x64xf32>, vector<1000x64xf32> -> vector<1000x64xf32>
    %get3A_6 = arith.constant 0 : index
    %get3A_7 = arith.constant 0 : index
    %get3A_8 = vector.load %arg2[%get3A_6, %get3A_7] : memref<1000x200xf32, #tpu.memory_space<vmem>>, vector<1000x200xf32>
    %get3A_9 = arith.constant 0 : index
    %get3A_10 = arith.constant 0 : index
    %get3A_11 = vector.load %arg4[%get3A_9, %get3A_10] : memref<200x64xf32, #tpu.memory_space<vmem>>, vector<200x64xf32>
    %dot_general3A_12 = arith.constant dense<0.000000e+00> : vector<1000x64xf32>
    %dot_general3A_13 = tpu.matmul %get3A_8, %get3A_11, %dot_general3A_12 {dimension_numbers = #tpu.dot_dimension_numbers<[1], [0], [0], [1], [0, 0, 1, 1], [], []>, precision = #tpu.contract_precision<fp32>, transpose_lhs_hint = false} : vector<1000x200xf32>, vector<200x64xf32>, vector<1000x64xf32> -> vector<1000x64xf32>
    %add3A = arith.addf %dot_general3A_5, %dot_general3A_13 : vector<1000x64xf32>
    %get3A_14 = arith.constant 0 : index
    %get3A_15 = arith.constant 0 : index
    %get3A_16 = vector.load %arg5[%get3A_14, %get3A_15] : memref<4x64xf32, #tpu.memory_space<vmem>>, vector<4x64xf32>
    %reduce_sum3A = arith.constant dense<0.000000e+00> : vector<64xf32>
    %reduce_sum3A_17 = vector.multi_reduction <add>, %get3A_16, %reduce_sum3A [0] : vector<4x64xf32> to vector<64xf32>
    %broadcast_in_dim3A = vector.shape_cast %reduce_sum3A_17 : vector<64xf32> to vector<1x64xf32>
    %add3A_18 = vector.broadcast %broadcast_in_dim3A : vector<1x64xf32> to vector<1000x64xf32>
    %add3A_19 = arith.addf %add3A, %add3A_18 : vector<1000x64xf32>
    %tanh3A = math.tanh %add3A_19 : vector<1000x64xf32>
    %get3A_20 = arith.constant 0 : index
    %get3A_21 = arith.constant 0 : index
    %get3A_22 = arith.constant 0 : index
    %get3A_23 = vector.load %arg6[%get3A_20, %get3A_21, %get3A_22] : memref<4x64x64xf32, #tpu.memory_space<vmem>>, vector<4x64x64xf32>
    %reduce_sum3A_24 = arith.constant dense<0.000000e+00> : vector<4x64xf32>
    %reduce_sum3A_25 = vector.multi_reduction <add>, %get3A_23, %reduce_sum3A_24 [2] : vector<4x64x64xf32> to vector<4x64xf32>
    %dot_general3A_26 = arith.constant dense<0.000000e+00> : vector<1000x4xf32>
    %dot_general3A_27 = tpu.matmul %tanh3A, %reduce_sum3A_25, %dot_general3A_26 {dimension_numbers = #tpu.dot_dimension_numbers<[1], [1], [0], [0], [0, 0, 1, 0], [], []>, precision = #tpu.contract_precision<fp32>, transpose_lhs_hint = false} : vector<1000x64xf32>, vector<4x64xf32>, vector<1000x4xf32> -> vector<1000x4xf32>
    %swap3A = arith.constant 0 : index
    %swap3A_28 = arith.constant 0 : index
    %swap3A_29 = vector.load %arg7[%swap3A, %swap3A_28] : memref<1000x4xf32, #tpu.memory_space<vmem>>, vector<1000x4xf32>
    tpu.vector_store %arg7[%swap3A, %swap3A_28], %dot_general3A_27 {strides = array<i32>} : memref<1000x4xf32, #tpu.memory_space<vmem>>, vector<1000x4xf32>,
    return
  }
  func.func @transform_0(%arg0: i32) -> (i32, i32) {
    %c0_i32 = arith.constant 0 : i32
    %c0_i32_0 = arith.constant 0 : i32
    return %arg0, %c0_i32 : i32, i32
  }
  func.func @transform_1(%arg0: i32) -> (i32, i32) {
    %c0_i32 = arith.constant 0 : i32
    %c0_i32_0 = arith.constant 0 : i32
    return %arg0, %c0_i32 : i32, i32
  }
  func.func @transform_2(%arg0: i32) -> (i32, i32) {
    %c0_i32 = arith.constant 0 : i32
    %c0_i32_0 = arith.constant 0 : i32
    %c0_i32_1 = arith.constant 0 : i32
    return %c0_i32, %c0_i32_0 : i32, i32
  }
  func.func @transform_3(%arg0: i32) -> (i32, i32) {
    %c0_i32 = arith.constant 0 : i32
    %c0_i32_0 = arith.constant 0 : i32
    %c0_i32_1 = arith.constant 0 : i32
    return %c0_i32, %c0_i32_0 : i32, i32
  }
  func.func @transform_4(%arg0: i32) -> (i32, i32) {
    %c0_i32 = arith.constant 0 : i32
    %c0_i32_0 = arith.constant 0 : i32
    %c0_i32_1 = arith.constant 0 : i32
    return %c0_i32, %c0_i32_0 : i32, i32
  }
  func.func @transform_5(%arg0: i32) -> (i32, i32, i32) {
    %c0_i32 = arith.constant 0 : i32
    %c0_i32_0 = arith.constant 0 : i32
    %c0_i32_1 = arith.constant 0 : i32
    %c0_i32_2 = arith.constant 0 : i32
    return %c0_i32, %c0_i32_0, %c0_i32_1 : i32, i32, i32
  }
  func.func @transform_6(%arg0: i32) -> (i32, i32) {
    %c0_i32 = arith.constant 0 : i32
    %c0_i32_0 = arith.constant 0 : i32
    return %arg0, %c0_i32 : i32, i32
  }
}

module attributes {stable_mosaic.version = 14 : i64} {
  func.func @_k7_body(%arg0: memref<32x16xf32, #tpu.memory_space<vmem>>, %arg1: memref<4x64xf32, #tpu.memory_space<vmem>>, %arg2: memref<1x1xf32, #tpu.memory_space<vmem>>) attributes {dimension_semantics = [], scalar_prefetch = 0 : i64, scratch_operands = 0 : i64, tpu.core_type = #tpu.core_type<tc>} {
    %get3A = arith.constant 0 : index
    %get3A_0 = arith.constant 0 : index
    %get3A_1 = vector.load %arg0[%get3A, %get3A_0] : memref<32x16xf32, #tpu.memory_space<vmem>>, vector<32x16xf32>
    %reduce_sum3A = vector.shape_cast %get3A_1 : vector<32x16xf32> to vector<1x32x16xf32>
    %reduce_sum3A_2 = arith.constant dense<0.000000e+00> : vector<1xf32>
    %reduce_sum3A_3 = vector.multi_reduction <add>, %reduce_sum3A, %reduce_sum3A_2 [1, 2] : vector<1x32x16xf32> to vector<1xf32>
    %reduce_sum3A_4 = vector.shape_cast %reduce_sum3A_3 : vector<1xf32> to vector<1x1x1xf32>
    %reduce_sum3A_5 = vector.extract %reduce_sum3A_4[0, 0, 0] : f32 from vector<1x1x1xf32>
    %div3A = arith.constant 6.400000e+05 : f32
    %div3A_6 = arith.divf %reduce_sum3A_5, %div3A : f32
    %get3A_7 = arith.constant 0 : index
    %get3A_8 = arith.constant 0 : index
    %get3A_9 = vector.load %arg1[%get3A_7, %get3A_8] : memref<4x64xf32, #tpu.memory_space<vmem>>, vector<4x64xf32>
    %reduce_sum3A_10 = vector.shape_cast %get3A_9 : vector<4x64xf32> to vector<1x4x64xf32>
    %reduce_sum3A_11 = arith.constant dense<0.000000e+00> : vector<1xf32>
    %reduce_sum3A_12 = vector.multi_reduction <add>, %reduce_sum3A_10, %reduce_sum3A_11 [1, 2] : vector<1x4x64xf32> to vector<1xf32>
    %reduce_sum3A_13 = vector.shape_cast %reduce_sum3A_12 : vector<1xf32> to vector<1x1x1xf32>
    %reduce_sum3A_14 = vector.extract %reduce_sum3A_13[0, 0, 0] : f32 from vector<1x1x1xf32>
    %div3A_15 = arith.constant 6.400000e+01 : f32
    %div3A_16 = arith.divf %reduce_sum3A_14, %div3A_15 : f32
    %add3A = arith.addf %div3A_6, %div3A_16 : f32
    %broadcast_in_dim3A = vector.broadcast %add3A : f32 to vector<1x1xf32>
    %swap3A = arith.constant 0 : index
    %swap3A_17 = arith.constant 0 : index
    %swap3A_18 = vector.load %arg2[%swap3A, %swap3A_17] : memref<1x1xf32, #tpu.memory_space<vmem>>, vector<1x1xf32>
    tpu.vector_store %arg2[%swap3A, %swap3A_17], %broadcast_in_dim3A {strides = array<i32>} : memref<1x1xf32, #tpu.memory_space<vmem>>, vector<1x1xf32>,
    return
  }
}

</mosaic_0001>

<sc_bundles>
// kernel: kernel.12.cloned.1.call-start
scs
__scs_entry_jumppad:
0x0: {  	(pc) =	sbr.rel $0x88, $3  }
0x1: {  	(tag) =	ssettag $0x0;
	lr =	simm.s32 $0x1  }
0x2: {  	[smem:$0x3F86] =	sst lr;
	_ =	strace $0xD0000000  }
0x3: {  	_ = 	snop  }
0x4: {  	_ = 	snop  }
0x5: {  	_ = 	snop  }
0x6: {  	_ = 	snop  }
0x7: {  	_ = 	snop  }
__scs_overlays_trampoline_lowered:
0x8: {  	[smem:$0x3F95] =	sst s0  }
0x9: {  	[smem:$0x3F96] =	sst s1  }
0xa: {  	[smem:$0x3F97] =	sst s2  }
0xb: {  	[smem:$0x3F98] =	sst s3  }
0xc: {  	[smem:$0x3F99] =	sst s4  }
0xd: {  	[smem:$0x3F9A] =	sst s5  }
0xe: {  	[smem:$0x3F9B] =	sst s6  }
0xf: {  	[smem:$0x3F9C] =	sst s7  }
0x10: {  	[smem:$0x3F9D] =	sst s8  }
0x11: {  	[smem:$0x3F9E] =	sst s9;
	s0 =	simm.s32 @!p0 $0x0  }
0x12: {  	s1 =	sld [smem:$0x3F84];
	s0 =	simm.s32 @p0 $0x1  }
0x13: {  	[smem:$0x3F9F] =	sst s0;
	s0 =	simm.s32 @!p1 $0x0  }
0x14: {  	s2 =	sld [smem:$0x3F83];
	s0 =	simm.s32 @p1 $0x1  }
0x15: {  	[smem:$0x3FA0] =	sst s0;
	s0 =	simm.s32 @!p2 $0x0  }
0x16: {  	s3 =	sld [smem:$0x3FDB];
	s0 =	simm.s32 @p2 $0x1  }
0x17: {  	s4 =	simm.s32 $0x1BF5;
	[smem:$0x3FA2] =	sst s0  }
0x18: {  	s0 =	sld [smem:$0x3F85];
	_ =	swait.ge [sflag:s4], $0x0  }
0x19: {  	s7 =	sld [smem:$0x3F86]  }
0x1a: {  	s8 =	sadd.s32 $0xFFFFE003, lr  }
0x1b: {  	s9 =	sadd.s32 $0xFFFFFEF7, lr;
	s5 =	simm.s32 $0xFFFFFFFF;
	p2 =	slt.u32 s8, $0xFFFFF086  }
0x1c: {  	p1 =	slt.u32 s9, $0xF7A;
	s5 =	simm.s32 @!p2 $0x0  }
0x1d: {  	s5 =	simm.s32 @p1 $0x1;
	p0 =	seq.s32 s7, s2  }
0x1e: {  	s7 =	smul.u32 @!p0 $0xF7A, s2;
	p2 =	seq.s32 @!p0 s5, $0x0  }
0x1f: {  	s9 =	smul.u32 $0xF7A, s1;
	s8 =	simm.s32 @!p0 $0x1BF5;
	p2 =	por !p2, p0  }
0x20: {  	[sflag:s8] =	ssyncset.s32 @!p0 $0xFFFFF086;
	s6 =	sadd.s32 @!p0 s3, s7;
	s7 =	simm.s32 @!p0 $0x108  }
0x21: {  	s3 =	sadd.s32 s3, s9;
	s6 =	sadd.s32 @!p0 $0x88, s6;
	s7 =	simm.s32 @p2 $0x1082  }
0x22: {  	[simem:s7], [sflag:s8] =	dma.local @!p0 [hbm:s6], $0xF7A  }
0x23: {  	s9 =	sor.u32 $0xD0000000, s2;
	s6 =	simm.s32 $0x108;
	_ =	swait.ge @!p0 [sflag:s8], $0x0  }
0x24: {  	s3 =	sadd.s32 $0x88, s3;
	s6 =	simm.s32 @!p1 $0x1082;
	[sflag:s4] =	ssyncset.s32 $0xFFFFF086  }
0x25: {  	[simem:s6], [sflag:s4] =	dma.local [hbm:s3], $0xF7A  }
0x26: {  	[smem:$0x3F86] =	sst s1;
	(tag) =	ssettag s2;
	_ =	strace s9  }
0x27: {  	s1 =	sld [smem:$0x3F96]  }
0x28: {  	s2 =	sld [smem:$0x3F97]  }
0x29: {  	s4 =	sld [smem:$0x3F99]  }
0x2a: {  	p0 =	seq.s32 s5, $0x0;
	s5 =	sld [smem:$0x3F9A]  }
0x2b: {  	s6 =	sld [smem:$0x3F9B]  }
0x2c: {  	s7 =	sld [smem:$0x3F9C]  }
0x2d: {  	s3 =	simm.s32 $0x108;
	s8 =	sld [smem:$0x3F9D]  }
0x2e: {  	s3 =	simm.s32 @!p0 $0x1082;
	s9 =	sld [smem:$0x3F9E]  }
0x2f: {  	lr =	sadd.s32 s0, s3;
	s0 =	sld [smem:$0x3F95]  }
0x30: {  	s3 =	sld [smem:$0x3F98]  }
0x31: {  	[smem:$0x3FA1] =	sst s10  }
0x32: {  	s10 =	sld [smem:$0x3F9F];
	_ =	sdelay $0x3  }
0x33: {  	p0 =	seq.s32 s10, $0x1;
	s10 =	sld [smem:$0x3FA1];
	_ =	sdelay $0x3  }
0x34: {  	[smem:$0x3FA1] =	sst s10  }
0x35: {  	s10 =	sld [smem:$0x3FA0];
	_ =	sdelay $0x3  }
0x36: {  	p1 =	seq.s32 s10, $0x1;
	s10 =	sld [smem:$0x3FA1];
	_ =	sdelay $0x3  }
0x37: {  	[smem:$0x3FA1] =	sst s10  }
0x38: {  	s10 =	sld [smem:$0x3FA2]  }
0x39: {  	_ = 	snop;
	(pc) =	sbr.ind lr, $3  }
0x3a: {  	_ = 	snop  }
0x3b: {  	_ = 	snop  }
0x3c: {  	p2 =	seq.s32 s10, $0x1;
	s10 =	sld [smem:$0x3FA1]  }
0x3d: {  	_ =	shalt  }
0x3e: {  	_ =	shalt  }
0x3f: {  	_ =	shalt  }
0x40: {  	_ =	shalt  }
0x41: {  	_ =	shalt  }
0x42: {  	_ =	shalt  }
0x43: {  	_ =	shalt  }
0x44: {  	_ =	shalt  }
0x45: {  	_ =	shalt  }
0x46: {  	_ =	shalt  }
0x47: {  	_ =	shalt  }
0x48: {  	_ =	shalt  }
0x49: {  	_ =	shalt  }
0x4a: {  	_ =	shalt  }
0x4b: {  	_ =	shalt  }
0x4c: {  	_ =	shalt  }
0x4d: {  	_ =	shalt  }
0x4e: {  	_ =	shalt  }
0x4f: {  	_ =	shalt  }
0x50: {  	_ =	shalt  }
0x51: {  	_ =	shalt  }
0x52: {  	_ =	shalt  }
0x53: {  	_ =	shalt  }
0x54: {  	_ =	shalt  }
0x55: {  	_ =	shalt  }
0x56: {  	_ =	shalt  }
0x57: {  	_ =	shalt  }
0x58: {  	_ =	shalt  }
0x59: {  	_ =	shalt  }
0x5a: {  	_ =	shalt  }
0x5b: {  	_ =	shalt  }
0x5c: {  	_ =	shalt  }
0x5d: {  	_ =	shalt  }
0x5e: {  	_ =	shalt  }
0x5f: {  	_ =	shalt  }
0x60: {  	_ =	shalt  }
0x61: {  	_ =	shalt  }
0x62: {  	_ =	shalt  }
0x63: {  	_ =	shalt  }
0x64: {  	_ =	shalt  }
0x65: {  	_ =	shalt  }
0x66: {  	_ =	shalt  }
0x67: {  	_ =	shalt  }
0x68: {  	_ =	shalt  }
0x69: {  	_ =	shalt  }
0x6a: {  	_ =	shalt  }
0x6b: {  	_ =	shalt  }
0x6c: {  	_ =	shalt  }
0x6d: {  	_ =	shalt  }
0x6e: {  	_ =	shalt  }
0x6f: {  	_ =	shalt  }
0x70: {  	_ =	shalt  }
0x71: {  	_ =	shalt  }
0x72: {  	_ =	shalt  }
0x73: {  	_ =	shalt  }
0x74: {  	_ =	shalt  }
0x75: {  	_ =	shalt  }
0x76: {  	_ =	shalt  }
0x77: {  	_ =	shalt  }
0x78: {  	_ =	shalt  }
0x79: {  	_ =	shalt  }
0x7a: {  	_ =	shalt  }
0x7b: {  	_ =	shalt  }
0x7c: {  	_ =	shalt  }
0x7d: {  	_ =	shalt  }
0x7e: {  	_ =	shalt  }
0x7f: {  	_ =	shalt  }
0x80: {  	_ =	shalt  }
0x81: {  	_ =	shalt  }
0x82: {  	_ =	shalt  }
0x83: {  	_ =	shalt  }
0x84: {  	_ =	shalt  }
0x85: {  	_ =	shalt  }
0x86: {  	_ =	shalt  }
0x87: {  	_ =	shalt  }
.Lfunc_end0:
.L_simem_size_0:
called_computation.1_lowered:
.L_overlay_start_0:
0x88: {  	s2 =	sld [smem:$0x3FD9]  }
0x89: {  	s3 =	sld [smem:$0x3FFE];
	_ =	sdelay $0x1  }
0x8a: {  	s1 =	srdreg.scid  }
0x8b: {  	s0 =	sand.u32 $0x1, s1  }
0x8c: {  	s17 =	sshll.u32 s0, $0xA;
	s2 =	sadd.s32 s3, s2  }
0x8d: {  	s2 =	sadd.s32 s2, s17  }
0x8e: {  	[smem:$0x3FAD] =	sst s2  }
0x8f: {  	_ = 	snop  }
0x90: {  	s2 =	sld [smem:$0x3FD0];
	(tm) =	ssettm $0x1  }
0x91: {  	s18 =	sld [smem:$0x3FFB];
	_ =	sdelay $0x3  }
0x92: {  	_ =	strace s18  }
0x93: {  	s3 =	sld [smem:$0x3FFC];
	_ =	sdelay $0x3  }
0x94: {  	_ =	strace s3  }
0x95: {  	s3 =	sld [smem:$0x3FFD];
	_ =	sdelay $0x3  }
0x96: {  	_ =	strace s3  }
0x97: {  	_ =	strace $0x8FFFFFFF  }
0x98: {  	s19 =	sld [smem:$0x3FDB];
	_ =	sdelay $0x1  }
0x99: {  	s4 =	simm.s32 $_scs_section_size  }
0x9a: {  	s5 =	simm.s32 $_size__tile_overlayer_lowered;
	s6 =	simm.s32 $_tile_overlayer_lowered  }
0x9b: {  	s22 =	simm.s32 $0x1BFF;
	s21 =	sshll.u32 s6, $0x1;
	s3 =	sadd.s32 s4, s19  }
0x9c: {  	s7 =	simm.s32 $0x0;
	s20 =	sshll.u32 s5, $0x1;
	s5 =	sadd.s32 s21, s3  }
0x9d: {  	[timem:s7], [sflag:s22] =	dma.local [hbm:s5], s20  }
0x9e: {  	_ =	swait.ge [sflag:s22], s20  }
0x9f: {  	s4 =	ssub.s32 $0x0, s20;
	[sflag:s22] =	ssyncset.done $0x0  }
0xa0: {  	[sflag:s22] =	ssyncadd.s32 s4;
	_ =	sdelay $0x1  }
0xa1: {  	s23 =	simm.s32 $0x1B8B  }
0xa2: {  	_ =	swait.ge [sflag:s23], $0x1  }
0xa3: {  	[sflag:s23] =	ssyncset.done $0x0  }
0xa4: {  	s25 =	simm.s32 $0x1B8E;
	s24 =	sld [smem:$0x3FFE];
	[sflag:s23] =	ssyncadd.s32 $0xFFFFFFFF  }
0xa5: {  	s26 =	simm.s32 $execute0_lowered;
	[smem:$0x3FD2] =	sst s25  }
0xa6: {  	s5 =	sshll.u32 s26, $0x1;
	_ =	strace $0x80000049;
	[dreg:$0x1] =	wrdreg $0xFFFFFFFF  }
0xa7: {  	s28 =	simm.s32 $_size_execute0_lowered;
	s3 =	sadd.s32 s3, s5;
	[dreg:$0x0] =	wrdreg $0x0  }
0xa8: {  	s5 =	sshll.u32 s28, $0x1;
	[dreg:$0x2] =	wrdreg s3  }
0xa9: {  	[dreg:$0x3] =	wrdreg s5  }
0xaa: {  	[dreg:$0x4] =	wrdreg $0xC0  }
0xab: {  	_ =	task [dreg:s7], $0x5FFFF  }
0xac: {  	[dreg:$0x1] =	wrdreg $0xFFFFFFFF  }
0xad: {  	[dreg:$0x0] =	wrdreg $0x60  }
0xae: {  	[dreg:$0x2] =	wrdreg s24  }
0xaf: {  	[dreg:$0x3] =	wrdreg s2  }
0xb0: {  	[dreg:$0x4] =	wrdreg $0x0  }
0xb1: {  	[dreg:$0x5] =	wrdreg $0x9  }
0xb2: {  	_ =	task.clear_ibuf [dreg:s7], $0x6FFFF;
	_ =	strace $0x90000049  }
0xb3: {  	s29 =	simm.s32 $0x9;
	_ =	strace $0x8000004B  }
0xb4: {  	_ =	swait.ge [sflag:s29], $0x1  }
0xb5: {  	[sflag:s29] =	ssyncadd.s32 $0xFFFFFFFF  }
0xb6: {  	_ =	strace $0x9000004B  }
0xb7: {  	_ =	sfence  }
0xb8: {  	s30 =	sld [smem:$0x0];
	_ =	sdelay $0x2  }
0xb9: {  	s31 =	sshll.u32 s1, $0xD;
	s1 =	sshrl.u32 s1, $0x2  }
0xba: {  	s3 =	sand.u32 $0x4000, s31;
	s1 =	sadd.s32 s1, s30  }
0xbb: {  	s0 =	sor.u32 s3, s0;
	s1 =	sshll.u32 s1, $0x11  }
0xbc: {  	s0 =	sor.u32 s1, s0  }
0xbd: {  	s0 =	sadd.s32 $0x8F2B, s0  }
0xbe: {  	[sflag:s0] =	ssyncadd.remote.s32 $0x1  }
0xbf: {  	_ =	sfence.sel $0xFFFF  }
0xc0: {  	[dreg:$0x0] =	wrdreg $0xFFFFFFFF;
	(pc) =	sbr.abs _section_cstart, $3  }
0xc1: {  	[dreg:$0x1] =	wrdreg $0xFFFFFFFF  }
0xc2: {  	_ =	task.clear_ibuf [dreg:s7], $0x2FFFF;
	_ =	strace $0x9FFFFFFF  }
0xc3: {  	(tm) =	ssettm $0x7FFFFFFF  }
tec
execute0_lowered:
.L_overlay_start_1:
0x0: {  	(tag) =	ssettag $0x1  }
0x1: {  	s0 =	rddreg [dreg:$0x0]  }
0x2: {  	s2 =	rddreg [dreg:$0x2];
	s6 =	simm.s32 $0x0  }
0x3: {  	s5 =	stileid.u32;
	s29 =	simm.s32 $0x17510;
	s13 =	simm.s32 $0x16890  }
0x4: {  	s17 =	simm.s32 $0x16C90;
	s28 =	simm.s32 $0x17090;
	s1 =	sadd.s32 $0x132A00, s0  }
0x5: {  	s21 =	srdreg.scid;
	s18 =	sadd.s32 $0x128A00, s0;
	s19 =	sadd.s32 $0x11EA00, s0  }
0x6: {  	[smem:$0x7FF] =	sst s6;
	s20 =	sadd.s32 $0x13CA00, s0;
	s9 =	sadd.s32 $0x24A00, s0  }
0x7: {  	s10 =	sadd.s32 $0x74A00, s0;
	s11 =	sadd.s32 $0xC4A00, s0;
	s8 =	sadd.s32 $0x6A00, s0  }
0x8: {  	s3 =	smul.u32 $0x51000, s5;
	_ =	strace $0x8000004A;
	[dreg:$0x4] =	wrdreg s1  }
0x9: {  	s4 =	sadd.s32 $0x4E00, s0;
	s14 =	sadd.s32 $0x146A00, s0;
	[dreg:$0x5] =	wrdreg s18  }
0xa: {  	s22 =	sand.u32 $0x1, s21;
	s16 =	smul.u32 $0x2800, s5;
	[dreg:$0x6] =	wrdreg s19  }
0xb: {  	s21 =	simm.s32 $0x1;
	[dreg:$0x7] =	wrdreg s20;
	s0 =	smul.u32 $0x28000, s22  }
0xc: {  	[dreg:$0x9] =	wrdreg s4;
	s1 =	ssub.s32 $0x2, s22;
	s18 =	smul.u32 $0x5000, s5  }
0xd: {  	s5 =	simm.s32 $0x14480;
	s20 =	simm.s32 $0x17490;
	s3 =	sshrl.u32 s3, $0x2  }
0xe: {  	[dreg:$0x8] =	wrdreg s8;
	s23 =	sshrl.u32 s1, $0x1;
	s7 =	sadd.s32 s3, s2  }
0xf: {  	s1 =	ssub.s32 s1, s23;
	s3 =	sadd.s32 $0x14000, s7;
	[dreg:$0xa] =	wrdreg s7  }
0x10: {  	s22 =	simm.s32 $0x2;
	s1 =	smax.u32 s1, $0x1;
	[dreg:$0xb] =	wrdreg s3  }
0x11: {  	s4 =	simm.s32 $0x0;
	s25 =	sadd.s32 $0x4000, s7;
	[dreg:$0xc] =	wrdreg s1  }
0x12: {  	s24 =	sadd.s32 $0x28000, s0;
	s26 =	sadd.s32 $0x8000, s7;
	[dreg:$0xd] =	wrdreg s25  }
0x13: {  	vm0 =	vcmask $0x3F24;
	vm1 =	vcmask $0x1F04;
	v2 =	vlaneseq.u32;
	s19 =	sadd.s32 s16, s0;
	s30 =	sadd.s32 $0xC000, s7;
	[dreg:$0xe] =	wrdreg s26  }
0x14: {  	v3 =	vimm.s32 $0x0;
	v6 =	vimm.f32 $0.0e+00;
	v0 =	vmov s0;
	s0 =	simm.s32 $0x15C90;
	s31 =	sadd.s32 $0x10000, s7;
	[dreg:$0xf] =	wrdreg s30  }
0x15: {  	vm0 =	vmor vm1, vm0;
	v4 =	vand.u32 $0x7, v2;
	v5 =	vshrl.u32 v2, $0x3;
	s23 =	simm.s32 $0x1B510;
	s7 =	simm.s32 $0x80;
	[dreg:$0x10] =	wrdreg s31  }
0x16: {  	v7 =	vor.u32 $0x28000, v2;
	v8 =	vmul.u32 $0x8, v5;
	v1 =	vmov s24;
	s25 =	simm.s32 $0x14400;
	s26 =	simm.s32 $0x3;
	s1 =	simm.s32 $0x16490  }
.LBB2_1:
0x17: {  	v9 =	vmov s6  }
0x18: {  	vm1 =	veq.s32 v9, v2  }
0x19: {  	[dreg:$0x11] =	wrdreg s4;
	vm1 =	vmand vm1, vm0  }
0x1a: {  	s3 =	rddreg [dreg:$0x1];
	v9 =	vsel vm1, $0xFFFFFFFF, v3  }
0x1b: {  	[tilespmem:s25], [sflag:$0x3] =	stream.linear.gather [hbm4b:s3+s6], $0x80, $0x38;
	v9 =	vshll.u32 v9, $0x3;
	[tilespmem:$0x1BD10] =	vst v63  }
0x1c: {  	s30 =	simm.s32 $0x10;
	_ =	swait.ge [sflag:s26], $0x80;
	v9 =	vadd.s32 s6, v9  }
0x1d: {  	v10 =	vmov s30;
	[sflag:s26] =	ssyncset.done $0x0;
	v9 =	vadd.s32 v2, v9  }
0x1e: {  	vm1 =	veq.s32 v10, v2;
	s31 =	rddreg [dreg:$0x9];
	[sflag:s26] =	ssyncadd.s32 $0xFFFFFF80;
	v9 =	vand.u32 $0xFFFFFFF8, v9  }
0x1f: {  	vm1 =	vmand vm1, vm0;
	[tilespmem:s5], [sflag:$0x3] =	stream.linear.gather [hbm4b:s31+s6], $0x10, $0x38;
	v9 =	vor.u32 v4, v9;
	[tilespmem:$0x1BD10] =	vst v63  }
0x20: {  	v10 =	vsel vm1, $0xFFFFFFFF, v3;
	_ =	swait.ge [sflag:s26], $0x10  }
0x21: {  	v10 =	vshll.u32 v10, $0x3;
	[sflag:s26] =	ssyncset.done $0x0  }
0x22: {  	s3 =	simm.s32 $0x20;
	v10 =	vadd.s32 s30, v10;
	[sflag:s26] =	ssyncadd.s32 $0xFFFFFFF0  }
.LBB2_2:
0x23: {  	v11 =	vmov s3;
	p0 =	sne.s32 s3, $0x3FF0;
	v10 =	vadd.s32 v2, v10;
	s4 =	smov.u32 s3;
	s3 =	sadd.s32 $0x10, s3  }
.Ltmp0:
0x24: {  	vm1 =	veq.s32 v11, v2;
	v10 =	vand.u32 $0xFFFFFFF8, v10;
	[tilespmem:v9+s29+$0x0] =	vst.idx.msk $0xffff, v6;
	(pc) =	sbr.rel @p0 .LBB2_2-.Ltmp0, $4  }
0x25: {  	vm1 =	vmand vm1, vm0;
	v9 =	vor.u32 v4, v10  }
0x26: {  	v10 =	vsel vm1, $0xFFFFFFFF, v3  }
0x27: {  	v10 =	vshll.u32 v10, $0x3  }
0x28: {  	v10 =	vadd.s32 s4, v10  }
0x29: {  	v10 =	vadd.s32 v2, v10  }
0x2a: {  	v10 =	vand.u32 $0xFFFFFFF8, v10  }
0x2b: {  	v10 =	vor.u32 v4, v10;
	_ =	sdelay $0x3  }
0x2c: {  	[tilespmem:v9+s29+$0x0] =	vst.idx.msk $0xffff, v6  }
0x2d: {  	s3 =	rddreg [dreg:$0xa];
	[tilespmem:v10+s29+$0x0] =	vst.idx.msk $0xffff, v6  }
0x2e: {  	[spmem:s3] =	stream.linear.scatter [tilespmem:s29], [sflag:$0x3], $0x4000, $0x38;
	[tilespmem:$0x1BD10] =	vst v63  }
0x2f: {  	_ =	swait.ge [sflag:s26], $0x4000  }
0x30: {  	[sflag:s26] =	ssyncset.done $0x0  }
0x31: {  	s12 =	rddreg [dreg:$0xd];
	[sflag:s26] =	ssyncadd.s32 $0xFFFFC000  }
0x32: {  	[spmem:s12] =	stream.linear.scatter [tilespmem:s29], [sflag:$0x3], $0x4000, $0x38;
	[tilespmem:$0x1BD10] =	vst v63  }
0x33: {  	_ =	swait.ge [sflag:s26], $0x4000  }
0x34: {  	[sflag:s26] =	ssyncset.done $0x0  }
0x35: {  	s15 =	rddreg [dreg:$0xe];
	[sflag:s26] =	ssyncadd.s32 $0xFFFFC000  }
0x36: {  	[spmem:s15] =	stream.linear.scatter [tilespmem:s29], [sflag:$0x3], $0x4000, $0x38;
	[tilespmem:$0x1BD10] =	vst v63  }
0x37: {  	_ =	swait.ge [sflag:s26], $0x4000  }
0x38: {  	[sflag:s26] =	ssyncset.done $0x0  }
0x39: {  	s24 =	rddreg [dreg:$0xf];
	[sflag:s26] =	ssyncadd.s32 $0xFFFFC000  }
0x3a: {  	[spmem:s24] =	stream.linear.scatter [tilespmem:s29], [sflag:$0x3], $0x4000, $0x38;
	[tilespmem:$0x1BD10] =	vst v63  }
0x3b: {  	_ =	swait.ge [sflag:s26], $0x4000  }
0x3c: {  	[sflag:s26] =	ssyncset.done $0x0  }
0x3d: {  	s30 =	rddreg [dreg:$0x10];
	[sflag:s26] =	ssyncadd.s32 $0xFFFFC000  }
0x3e: {  	[spmem:s30] =	stream.linear.scatter [tilespmem:s29], [sflag:$0x3], $0x4000, $0x38;
	[tilespmem:$0x1BD10] =	vst v63  }
0x3f: {  	_ =	swait.ge [sflag:s26], $0x4000  }
0x40: {  	[sflag:s26] =	ssyncset.done $0x0  }
0x41: {  	s31 =	rddreg [dreg:$0xb];
	[sflag:s26] =	ssyncadd.s32 $0xFFFFC000  }
0x42: {  	[spmem:s31] =	stream.linear.scatter [tilespmem:s29], [sflag:$0x3], $0x400, $0x38;
	[tilespmem:$0x1BD10] =	vst v63  }
0x43: {  	_ =	swait.ge [sflag:s26], $0x400  }
0x44: {  	[sflag:s26] =	ssyncset.done $0x0  }
0x45: {  	[sflag:s26] =	ssyncadd.s32 $0xFFFFFC00  }
0x46: {  	[bflag:$0x0] =	sbarrier.arrive $0xFFFF  }
0x47: {  	v9 =	vld.idx.msk [tilespmem:v4+s5+$0x0], $0xffff;
	_ =	sdelay $0x2  }
0x48: {  	s15 =	simm.s32 $0x0;
	s24 =	simm.s32 $0x0  }
.LBB2_4:
0x49: {  	s3 =	sshll.u32 s24, $0xB  }
0x4a: {  	s3 =	sadd.s32 s18, s3  }
0x4b: {  	s4 =	rddreg [dreg:$0x4];
	s3 =	sshrl.u32 s3, $0x3  }
0x4c: {  	s8 =	simm.s32 $0x14490;
	s4 =	sadd.s32 s4, s3  }
0x4d: {  	[tilespmem:s8], [sflag:$0x3] =	stream.linear.gather [hbm4b:s4+s15], $0x800, $0x38;
	[tilespmem:$0x1BD10] =	vst v63  }
0x4e: {  	_ =	swait.ge [sflag:s26], $0x800  }
0x4f: {  	[sflag:s26] =	ssyncset.done $0x0;
	s5 =	rddreg [dreg:$0x5]  }
0x50: {  	[sflag:s26] =	ssyncadd.s32 $0xFFFFF800;
	s4 =	sadd.s32 s5, s3;
	s5 =	simm.s32 $0x14C90  }
0x51: {  	[tilespmem:s5], [sflag:$0x3] =	stream.linear.gather [hbm4b:s4+s15], $0x800, $0x38;
	[tilespmem:$0x1BD10] =	vst v63  }
0x52: {  	_ =	swait.ge [sflag:s26], $0x800  }
0x53: {  	[sflag:s26] =	ssyncset.done $0x0;
	s6 =	rddreg [dreg:$0x6]  }
0x54: {  	s12 =	simm.s32 $0x15490;
	[sflag:s26] =	ssyncadd.s32 $0xFFFFF800;
	s4 =	sadd.s32 s6, s3  }
0x55: {  	[tilespmem:s12], [sflag:$0x3] =	stream.linear.gather [hbm4b:s4+s15], $0x800, $0x38;
	[tilespmem:$0x1BD10] =	vst v63  }
0x56: {  	_ =	swait.ge [sflag:s26], $0x800  }
0x57: {  	[sflag:s26] =	ssyncset.done $0x0;
	s30 =	rddreg [dreg:$0x7]  }
0x58: {  	[sflag:s26] =	ssyncadd.s32 $0xFFFFF800;
	s3 =	sadd.s32 s30, s3  }
0x59: {  	[tilespmem:s0], [sflag:$0x3] =	stream.linear.gather [hbm4b:s3+s15], $0x800, $0x38;
	[tilespmem:$0x1BD10] =	vst v63  }
0x5a: {  	_ =	swait.ge [sflag:s26], $0x800  }
0x5b: {  	[sflag:s26] =	ssyncset.done $0x0  }
0x5c: {  	s31 =	simm.s32 $0x0;
	s3 =	simm.s32 $0x0;
	[sflag:s26] =	ssyncadd.s32 $0xFFFFF800  }
.LBB2_5:
0x5d: {  	p0 =	seq.s32 s3, $0x0  }
0x5e: {  	s5 =	simm.s32 @!p0 $0x2  }
0x5f: {  	_ =	swait.ge @!p0 [sflag:s5], $0x400  }
0x60: {  	[sflag:s5] =	ssyncset.done @!p0 $0x0  }
0x61: {  	[sflag:s5] =	ssyncadd.s32 @!p0 $0xFFFFFC00  }
0x62: {  	_ =	swait.ge @!p0 [sflag:s5], $0x400  }
0x63: {  	[sflag:s5] =	ssyncset.done @!p0 $0x0  }
0x64: {  	[sflag:s5] =	ssyncadd.s32 @!p0 $0xFFFFFC00  }
0x65: {  	_ =	swait.ge @!p0 [sflag:s5], $0x400  }
0x66: {  	[sflag:s5] =	ssyncset.done @!p0 $0x0  }
0x67: {  	[sflag:s5] =	ssyncadd.s32 @!p0 $0xFFFFFC00  }
0x68: {  	_ =	swait.ge @!p0 [sflag:s5], $0x400  }
0x69: {  	s4 =	sshll.u32 s3, $0x7;
	[sflag:s5] =	ssyncset.done @!p0 $0x0  }
0x6a: {  	s12 =	sadd.s32 $0x14C90, s4;
	[sflag:s5] =	ssyncadd.s32 @!p0 $0xFFFFFC00  }
0x6b: {  	[tilespmem:s1], [sflag:$0x1] =	stream.indirect.gather [hbm4b:s9+s7], $0x8, s12, s7, $0xb8;
	[tilespmem:$0x1BD10] =	vst v63  }
0x6c: {  	s6 =	sadd.s32 $0x15490, s4  }
0x6d: {  	[tilespmem:s13], [sflag:$0x1] =	stream.indirect.gather [hbm4b:s10+s7], $0x8, s6, s7, $0xb8;
	[tilespmem:$0x1BD10] =	vst v63  }
0x6e: {  	s12 =	sadd.s32 $0x14490, s4  }
0x6f: {  	[tilespmem:s17], [sflag:$0x1] =	stream.indirect.gather [hbm4b:s11+s7], $0x8, s12, s7, $0xb8;
	[tilespmem:$0x1BD10] =	vst v63  }
0x70: {  	s30 =	smov.u32 s8;
	s5 =	simm.s32 $0x0;
	s6 =	simm.s32 $0x10;
	v10 =	vld [tilespmem:s8+$0x0]  }
.LBB2_6:
0x71: {  	p0 =	seq.s32 s6, $0x70;
	_ =	sdelay $0x1  }
0x72: {  	v11 =	vor.u32 s5, v2;
	_ =	sdelay $0x1  }
.Ltmp1:
0x73: {  	s12 =	sadd.s32 s5, s31;
	s5 =	smov.u32 s6;
	vm1 =	vge.s32 v10, v0;
	vm2 =	vlt.s32 v10, v1;
	(pc) =	sbr.rel @!p0 .LBB2_6-.Ltmp1, $4  }
0x74: {  	v12 =	vor.u32 s12, v7;
	v10 =	vsub.s32 v10, v0;
	vm1 =	vmand vm1, vm2  }
0x75: {  	v10 =	vsel vm1, v10, v12  }
0x76: {  	s30 =	sadd.s32 $0x10, s30;
	[tilespmem:v11+s20+$0x0] =	vst.idx.msk $0xffff, v10  }
0x77: {  	s6 =	sadd.s32 $0x10, s6;
	v10 =	vld [tilespmem:s30+$0x0]  }
0x78: {  	_ =	sdelay $0x1  }
0x79: {  	v11 =	vor.u32 s5, v2;
	_ =	sdelay $0x1  }
0x7a: {  	s12 =	sadd.s32 s5, s31;
	vm1 =	vge.s32 v10, v0;
	vm2 =	vlt.s32 v10, v1  }
0x7b: {  	v12 =	vor.u32 s12, v7;
	v10 =	vsub.s32 v10, v0;
	vm1 =	vmand vm1, vm2  }
0x7c: {  	v10 =	vsel vm1, v10, v12  }
0x7d: {  	s30 =	simm.s32 $0x0;
	[tilespmem:v11+s20+$0x0] =	vst.idx.msk $0xffff, v10;
	v10 =	vor.u32 s4, v5  }
0x7e: {  	v11 =	vor.u32 s30, v10;
	_ =	sdelay $0x3  }
0x7f: {  	v12 =	vmov s30  }
0x80: {  	v12 =	vshll.u32 v12, $0x3;
	v11 =	vld.idx.msk [tilespmem:v11+s0+$0x0], $0xffff  }
0x81: {  	v12 =	vor.u32 v8, v12  }
0x82: {  	s4 =	simm.s32 $0x2;
	v13 =	vor.u32 v4, v12  }
0x83: {  	s5 =	simm.s32 $0x4;
	v12 =	vor.u32 s4, v10  }
.LBB2_8:
0x84: {  	p0 =	sne.s32 s5, $0x7E  }
0x85: {  	v11 =	vmul.f32 v11, v9;
	_ =	sdelay $0x1  }
0x86: {  	[tilespmem:v13+s28+$0x0] =	vst.idx.msk $0xffff, v11  }
.Ltmp2:
0x87: {  	v13 =	vmov s4;
	s4 =	smov.u32 s5;
	v11 =	vld.idx.msk [tilespmem:v12+s0+$0x0], $0xffff;
	(pc) =	sbr.rel @p0 .LBB2_8-.Ltmp2, $4  }
0x88: {  	v12 =	vshll.u32 v13, $0x3  }
0x89: {  	v12 =	vor.u32 v8, v12  }
0x8a: {  	v13 =	vor.u32 v4, v12  }
0x8b: {  	s5 =	sadd.s32 $0x2, s5;
	v12 =	vor.u32 s4, v10  }
0x8c: {  	_ =	sdelay $0x1  }
0x8d: {  	v10 =	vmul.f32 v11, v9;
	_ =	sdelay $0x1  }
0x8e: {  	[tilespmem:v13+s28+$0x0] =	vst.idx.msk $0xffff, v10;
	v10 =	vmov s4  }
0x8f: {  	v11 =	vld.idx.msk [tilespmem:v12+s0+$0x0], $0xffff;
	v10 =	vshll.u32 v10, $0x3  }
0x90: {  	v10 =	vor.u32 v8, v10  }
0x91: {  	v10 =	vor.u32 v4, v10;
	_ =	sdelay $0x2  }
0x92: {  	v11 =	vmul.f32 v11, v9;
	_ =	sdelay $0x1  }
0x93: {  	[tilespmem:v10+s28+$0x0] =	vst.idx.msk $0xffff, v11  }
0x94: {  	_ =	swait.ge [sflag:s21], $0x400  }
0x95: {  	[sflag:s21] =	ssyncset.done $0x0  }
0x96: {  	[sflag:s21] =	ssyncadd.s32 $0xFFFFFC00  }
0x97: {  	_ =	swait.ge [sflag:s21], $0x400  }
0x98: {  	[sflag:s21] =	ssyncset.done $0x0  }
0x99: {  	[sflag:s21] =	ssyncadd.s32 $0xFFFFFC00  }
0x9a: {  	_ =	swait.ge [sflag:s21], $0x400  }
0x9b: {  	[sflag:s21] =	ssyncset.done $0x0  }
0x9c: {  	s3 =	sadd.s32 $0x1, s3;
	[sflag:s21] =	ssyncadd.s32 $0xFFFFFC00  }
0x9d: {  	[spmem:s2] =	stream.indirect.scatter.add.f32 [tilespmem:s1], [sflag:$0x2], $0x8, s20, s7, $0xb8;
	[tilespmem:$0x1BD10] =	vst v63  }
0x9e: {  	p0 =	sne.s32 s3, $0x10  }
0x9f: {  	[spmem:s2] =	stream.indirect.scatter.add.f32 [tilespmem:s13], [sflag:$0x2], $0x8, s20, s7, $0xb8;
	[tilespmem:$0x1BD10] =	vst v63  }
.Ltmp3:
0xa0: {  	_ = 	snop;
	(pc) =	sbr.rel @p0 .LBB2_5-.Ltmp3, $4  }
0xa1: {  	_ = 	snop  }
0xa2: {  	[spmem:s2] =	stream.indirect.scatter.add.f32 [tilespmem:s17], [sflag:$0x2], $0x8, s20, s7, $0xb8;
	[tilespmem:$0x1BD10] =	vst v63  }
0xa3: {  	s31 =	sadd.s32 $0x80, s31;
	s8 =	sadd.s32 $0x80, s8  }
0xa4: {  	[spmem:s2] =	stream.indirect.scatter.add.f32 [tilespmem:s28], [sflag:$0x2], $0x8, s20, s7, $0xb8;
	[tilespmem:$0x1BD10] =	vst v63  }
0xa5: {  	_ =	swait.ge [sflag:s22], $0x400  }
0xa6: {  	[sflag:s22] =	ssyncset.done $0x0  }
0xa7: {  	[sflag:s22] =	ssyncadd.s32 $0xFFFFFC00  }
0xa8: {  	_ =	swait.ge [sflag:s22], $0x400  }
0xa9: {  	[sflag:s22] =	ssyncset.done $0x0  }
0xaa: {  	s24 =	sadd.s32 $0x1, s24;
	[sflag:s22] =	ssyncadd.s32 $0xFFFFFC00  }
0xab: {  	p0 =	sne.s32 s24, $0xA;
	_ =	swait.ge [sflag:s22], $0x400  }
.Ltmp4:
0xac: {  	[sflag:s22] =	ssyncset.done $0x0;
	(pc) =	sbr.rel @p0 .LBB2_4-.Ltmp4, $4  }
0xad: {  	[sflag:s22] =	ssyncadd.s32 $0xFFFFFC00  }
0xae: {  	_ =	swait.ge [sflag:s22], $0x400  }
0xaf: {  	[sflag:s22] =	ssyncset.done $0x0  }
0xb0: {  	[sflag:s22] =	ssyncadd.s32 $0xFFFFFC00  }
0xb1: {  	[bflag:$0x0] =	sbarrier.arrive $0xFFFF;
	s3 =	simm.s32 $0x0  }
0xb2: {  	s15 =	simm.s32 $0x0;
	s6 =	simm.s32 $0x0;
	s8 =	rddreg [dreg:$0x8]  }
.LBB2_12:
0xb3: {  	s4 =	sshll.u32 s15, $0xB  }
0xb4: {  	s5 =	sadd.s32 s16, s4  }
0xb5: {  	s5 =	sshll.u32 s5, $0x3  }
0xb6: {  	s5 =	sand.u32 $0x3FFFFFF8, s5  }
0xb7: {  	s5 =	sadd.s32 s5, s2  }
0xb8: {  	[tilespmem:s29], [sflag:$0x3] =	stream.linear.gather [spmem:s5], $0x4000, $0x38;
	[tilespmem:$0x1BD10] =	vst v63  }
0xb9: {  	s24 =	sadd.s32 s4, s19;
	_ =	swait.ge [sflag:s26], $0x4000  }
0xba: {  	s4 =	sshrl.u32 s24, $0x3;
	[sflag:s26] =	ssyncset.done $0x0  }
0xbb: {  	v9 =	vor.u32 s3, v5;
	s4 =	sadd.s32 s8, s4;
	[sflag:s26] =	ssyncadd.s32 $0xFFFFC000  }
0xbc: {  	[tilespmem:s23], [sflag:$0x3] =	stream.linear.gather [hbm4b:s4+s3], $0x800, $0x38;
	[tilespmem:$0x1BD10] =	vst v63  }
0xbd: {  	_ =	swait.ge [sflag:s26], $0x800  }
0xbe: {  	[sflag:s26] =	ssyncset.done $0x0  }
0xbf: {  	[sflag:s26] =	ssyncadd.s32 $0xFFFFF800  }
0xc0: {  	v10 =	vld.idx.msk [tilespmem:v9+s23+$0x0], $0xffff;
	_ =	sdelay $0x3  }
0xc1: {  	v9 =	vshll.u32 v9, $0x3  }
0xc2: {  	v9 =	vor.u32 v4, v9;
	v10 =	vshll.u32 v10, $0x3  }
0xc3: {  	v10 =	vor.u32 v4, v10;
	_ =	sdelay $0x3  }
0xc4: {  	v11 =	vld.idx.msk [tilespmem:v9+s29+$0x0], $0xffff  }
0xc5: {  	v12 =	vld.idx.msk [tilespmem:v10+s25+$0x0], $0xffff;
	_ =	sdelay $0x2  }
0xc6: {  	s30 =	simm.s32 $0x2  }
0xc7: {  	s31 =	simm.s32 $0x4;
	s4 =	simm.s32 $0x0;
	v10 =	vor.u32 s30, v5  }
.LBB2_13:
0xc8: {  	p0 =	sne.s32 s31, $0x7FE;
	v11 =	vadd.f32 v12, v11;
	s5 =	sor.u32 s24, s4;
	s4 =	smov.u32 s30  }
0xc9: {  	s30 =	smov.u32 s31;
	p1 =	slt.u32 s5, $0x4E200  }
0xca: {  	v11 =	vpsel !p1, $0x0, v11  }
0xcb: {  	[tilespmem:v9+s29+$0x0] =	vst.idx.msk $0xffff, v11  }
0xcc: {  	v11 =	vld.idx.msk [tilespmem:v10+s23+$0x0], $0xffff;
	_ =	sdelay $0x4  }
0xcd: {  	v9 =	vshll.u32 v10, $0x3  }
0xce: {  	v9 =	vor.u32 v4, v9;
	v10 =	vshll.u32 v11, $0x3  }
0xcf: {  	v10 =	vor.u32 v4, v10;
	_ =	sdelay $0x3  }
0xd0: {  	v11 =	vld.idx.msk [tilespmem:v9+s29+$0x0], $0xffff  }
0xd1: {  	v12 =	vld.idx.msk [tilespmem:v10+s25+$0x0], $0xffff  }
.Ltmp5:
0xd2: {  	(pc) =	sbr.rel @p0 .LBB2_13-.Ltmp5, $2  }
0xd3: {  	_ =	sdelay $0x2  }
0xd4: {  	s31 =	sadd.s32 $0x2, s31;
	v10 =	vor.u32 s30, v5  }
0xd5: {  	_ = 	snop  }
0xd6: {  	v11 =	vadd.f32 v12, v11;
	s4 =	sor.u32 s24, s4  }
0xd7: {  	p0 =	slt.u32 s4, $0x4E200  }
0xd8: {  	v11 =	vpsel !p0, $0x0, v11  }
0xd9: {  	[tilespmem:v9+s29+$0x0] =	vst.idx.msk $0xffff, v11  }
0xda: {  	v9 =	vld.idx.msk [tilespmem:v10+s23+$0x0], $0xffff;
	_ =	sdelay $0x3  }
0xdb: {  	v10 =	vshll.u32 v10, $0x3  }
0xdc: {  	v10 =	vor.u32 v4, v10;
	v9 =	vshll.u32 v9, $0x3  }
0xdd: {  	v9 =	vor.u32 v4, v9;
	_ =	sdelay $0x3  }
0xde: {  	v11 =	vld.idx.msk [tilespmem:v10+s29+$0x0], $0xffff  }
0xdf: {  	v9 =	vld.idx.msk [tilespmem:v9+s25+$0x0], $0xffff;
	_ =	sdelay $0x4  }
0xe0: {  	s30 =	sor.u32 s24, s30;
	v9 =	vadd.f32 v9, v11  }
0xe1: {  	s15 =	sadd.s32 $0x1, s15;
	p6 =	slt.u32 s30, $0x4E200  }
0xe2: {  	p0 =	sne.s32 s15, $0x5;
	v9 =	vpsel !p6, $0x0, v9  }
.Ltmp6:
0xe3: {  	s31 =	sadd.s32 s14, s24;
	[tilespmem:v10+s29+$0x0] =	vst.idx.msk $0xffff, v9;
	(pc) =	sbr.rel @p0 .LBB2_12-.Ltmp6, $4  }
0xe4: {  	[hbm4b:s31+s6] =	stream.linear.scatter [tilespmem:s29], [sflag:$0x3], $0x4000, $0x38;
	[tilespmem:$0x1BD10] =	vst v63  }
0xe5: {  	_ =	swait.ge [sflag:s26], $0x4000  }
0xe6: {  	[sflag:s26] =	ssyncset.done $0x0  }
0xe7: {  	[sflag:s26] =	ssyncadd.s32 $0xFFFFC000  }
0xe8: {  	s4 =	rddreg [dreg:$0x11]  }
0xe9: {  	s3 =	rddreg [dreg:$0xc];
	s4 =	sadd.s32 $0x1, s4  }
0xea: {  	p0 =	sne.s32 s4, s3  }
.Ltmp7:
0xeb: {  	_ = 	snop;
	(pc) =	sbr.rel @p0 .LBB2_1-.Ltmp7, $2  }
0xec: {  	_ =	sdelay $0x2  }
0xed: {  	s5 =	simm.s32 $0x14480  }
0xee: {  	_ =	sfence.sel $0x180000  }
0xef: {  	[bflag:$0x0] =	sbarrier.arrive $0xFFFF  }
0xf0: {  	_ =	strace $0x9000004A  }
0xf1: {  	s0 =	stileid.u32;
	[bflag:$0x2] =	sbarrier.arrive $0xFFFF  }
0xf2: {  	p0 =	sne.s32 s0, $0x0;
	s0 =	rddreg [dreg:$0x3]  }
0xf3: {  	s0 =	sadd.s32 @!p0 $0x100000, s0  }
0xf4: {  	[sflag:s0] =	ssyncadd.tile.s32 @!p0 $0x1;
	_ =	shalt  }
.Lfunc_end2:
_tile_overlayer_lowered:
.L_overlay_start_2:
0xf5: {  	(tag) =	ssettag $0x2  }
0xf6: {  	s0 =	rddreg [dreg:$0x0];
	s2 =	stileid.u32  }
0xf7: {  	s1 =	rddreg [dreg:$0x1];
	p0 =	sne.s32 s2, $0x0  }
0xf8: {  	s3 =	rddreg [dreg:$0x2];
	[bflag:$0x3] =	sbarrier.arrive $0xFFFF;
	s2 =	simm.s32 @!p0 $0x1C03  }
0xf9: {  	[timem:s3], [sflag:s2] =	dma.local @!p0 [hbm:s0], s1  }
0xfa: {  	s0 =	simm.s32 @!p0 $0x3  }
0xfb: {  	_ =	swait.ge @!p0 [sflag:s0], s1  }
0xfc: {  	s1 =	ssub.s32 @!p0 $0x0, s1;
	[sflag:s0] =	ssyncset.done @!p0 $0x0  }
0xfd: {  	[sflag:s0] =	ssyncadd.s32 @!p0 s1  }
0xfe: {  	[bflag:$0x3] =	sbarrier.arrive $0xFFFF  }
0xff: {  	_ =	shalt  }

// kernel: kernel.15.cloned.1.call-start
scs
__scs_entry_jumppad:
0x0: {  	(pc) =	sbr.rel $0x88, $3  }
0x1: {  	(tag) =	ssettag $0x0;
	lr =	simm.s32 $0x1  }
0x2: {  	[smem:$0x3F86] =	sst lr;
	_ =	strace $0xD0000000  }
0x3: {  	_ = 	snop  }
0x4: {  	_ = 	snop  }
0x5: {  	_ = 	snop  }
0x6: {  	_ = 	snop  }
0x7: {  	_ = 	snop  }
__scs_overlays_trampoline_lowered:
0x8: {  	[smem:$0x3F95] =	sst s0  }
0x9: {  	[smem:$0x3F96] =	sst s1  }
0xa: {  	[smem:$0x3F97] =	sst s2  }
0xb: {  	[smem:$0x3F98] =	sst s3  }
0xc: {  	[smem:$0x3F99] =	sst s4  }
0xd: {  	[smem:$0x3F9A] =	sst s5  }
0xe: {  	[smem:$0x3F9B] =	sst s6  }
0xf: {  	[smem:$0x3F9C] =	sst s7  }
0x10: {  	[smem:$0x3F9D] =	sst s8  }
0x11: {  	[smem:$0x3F9E] =	sst s9;
	s0 =	simm.s32 @!p0 $0x0  }
0x12: {  	s1 =	sld [smem:$0x3F84];
	s0 =	simm.s32 @p0 $0x1  }
0x13: {  	[smem:$0x3F9F] =	sst s0;
	s0 =	simm.s32 @!p1 $0x0  }
0x14: {  	s2 =	sld [smem:$0x3F83];
	s0 =	simm.s32 @p1 $0x1  }
0x15: {  	[smem:$0x3FA0] =	sst s0;
	s0 =	simm.s32 @!p2 $0x0  }
0x16: {  	s3 =	sld [smem:$0x3FDB];
	s0 =	simm.s32 @p2 $0x1  }
0x17: {  	s4 =	simm.s32 $0x1BF5;
	[smem:$0x3FA2] =	sst s0  }
0x18: {  	s0 =	sld [smem:$0x3F85];
	_ =	swait.ge [sflag:s4], $0x0  }
0x19: {  	s7 =	sld [smem:$0x3F86]  }
0x1a: {  	s8 =	sadd.s32 $0xFFFFE003, lr  }
0x1b: {  	s9 =	sadd.s32 $0xFFFFFEF7, lr;
	s5 =	simm.s32 $0xFFFFFFFF;
	p2 =	slt.u32 s8, $0xFFFFF086  }
0x1c: {  	p1 =	slt.u32 s9, $0xF7A;
	s5 =	simm.s32 @!p2 $0x0  }
0x1d: {  	s5 =	simm.s32 @p1 $0x1;
	p0 =	seq.s32 s7, s2  }
0x1e: {  	s7 =	smul.u32 @!p0 $0xF7A, s2;
	p2 =	seq.s32 @!p0 s5, $0x0  }
0x1f: {  	s9 =	smul.u32 $0xF7A, s1;
	s8 =	simm.s32 @!p0 $0x1BF5;
	p2 =	por !p2, p0  }
0x20: {  	[sflag:s8] =	ssyncset.s32 @!p0 $0xFFFFF086;
	s6 =	sadd.s32 @!p0 s3, s7;
	s7 =	simm.s32 @!p0 $0x108  }
0x21: {  	s3 =	sadd.s32 s3, s9;
	s6 =	sadd.s32 @!p0 $0x88, s6;
	s7 =	simm.s32 @p2 $0x1082  }
0x22: {  	[simem:s7], [sflag:s8] =	dma.local @!p0 [hbm:s6], $0xF7A  }
0x23: {  	s9 =	sor.u32 $0xD0000000, s2;
	s6 =	simm.s32 $0x108;
	_ =	swait.ge @!p0 [sflag:s8], $0x0  }
0x24: {  	s3 =	sadd.s32 $0x88, s3;
	s6 =	simm.s32 @!p1 $0x1082;
	[sflag:s4] =	ssyncset.s32 $0xFFFFF086  }
0x25: {  	[simem:s6], [sflag:s4] =	dma.local [hbm:s3], $0xF7A  }
0x26: {  	[smem:$0x3F86] =	sst s1;
	(tag) =	ssettag s2;
	_ =	strace s9  }
0x27: {  	s1 =	sld [smem:$0x3F96]  }
0x28: {  	s2 =	sld [smem:$0x3F97]  }
0x29: {  	s4 =	sld [smem:$0x3F99]  }
0x2a: {  	p0 =	seq.s32 s5, $0x0;
	s5 =	sld [smem:$0x3F9A]  }
0x2b: {  	s6 =	sld [smem:$0x3F9B]  }
0x2c: {  	s7 =	sld [smem:$0x3F9C]  }
0x2d: {  	s3 =	simm.s32 $0x108;
	s8 =	sld [smem:$0x3F9D]  }
0x2e: {  	s3 =	simm.s32 @!p0 $0x1082;
	s9 =	sld [smem:$0x3F9E]  }
0x2f: {  	lr =	sadd.s32 s0, s3;
	s0 =	sld [smem:$0x3F95]  }
0x30: {  	s3 =	sld [smem:$0x3F98]  }
0x31: {  	[smem:$0x3FA1] =	sst s10  }
0x32: {  	s10 =	sld [smem:$0x3F9F];
	_ =	sdelay $0x3  }
0x33: {  	p0 =	seq.s32 s10, $0x1;
	s10 =	sld [smem:$0x3FA1];
	_ =	sdelay $0x3  }
0x34: {  	[smem:$0x3FA1] =	sst s10  }
0x35: {  	s10 =	sld [smem:$0x3FA0];
	_ =	sdelay $0x3  }
0x36: {  	p1 =	seq.s32 s10, $0x1;
	s10 =	sld [smem:$0x3FA1];
	_ =	sdelay $0x3  }
0x37: {  	[smem:$0x3FA1] =	sst s10  }
0x38: {  	s10 =	sld [smem:$0x3FA2]  }
0x39: {  	_ = 	snop;
	(pc) =	sbr.ind lr, $3  }
0x3a: {  	_ = 	snop  }
0x3b: {  	_ = 	snop  }
0x3c: {  	p2 =	seq.s32 s10, $0x1;
	s10 =	sld [smem:$0x3FA1]  }
0x3d: {  	_ =	shalt  }
0x3e: {  	_ =	shalt  }
0x3f: {  	_ =	shalt  }
0x40: {  	_ =	shalt  }
0x41: {  	_ =	shalt  }
0x42: {  	_ =	shalt  }
0x43: {  	_ =	shalt  }
0x44: {  	_ =	shalt  }
0x45: {  	_ =	shalt  }
0x46: {  	_ =	shalt  }
0x47: {  	_ =	shalt  }
0x48: {  	_ =	shalt  }
0x49: {  	_ =	shalt  }
0x4a: {  	_ =	shalt  }
0x4b: {  	_ =	shalt  }
0x4c: {  	_ =	shalt  }
0x4d: {  	_ =	shalt  }
0x4e: {  	_ =	shalt  }
0x4f: {  	_ =	shalt  }
0x50: {  	_ =	shalt  }
0x51: {  	_ =	shalt  }
0x52: {  	_ =	shalt  }
0x53: {  	_ =	shalt  }
0x54: {  	_ =	shalt  }
0x55: {  	_ =	shalt  }
0x56: {  	_ =	shalt  }
0x57: {  	_ =	shalt  }
0x58: {  	_ =	shalt  }
0x59: {  	_ =	shalt  }
0x5a: {  	_ =	shalt  }
0x5b: {  	_ =	shalt  }
0x5c: {  	_ =	shalt  }
0x5d: {  	_ =	shalt  }
0x5e: {  	_ =	shalt  }
0x5f: {  	_ =	shalt  }
0x60: {  	_ =	shalt  }
0x61: {  	_ =	shalt  }
0x62: {  	_ =	shalt  }
0x63: {  	_ =	shalt  }
0x64: {  	_ =	shalt  }
0x65: {  	_ =	shalt  }
0x66: {  	_ =	shalt  }
0x67: {  	_ =	shalt  }
0x68: {  	_ =	shalt  }
0x69: {  	_ =	shalt  }
0x6a: {  	_ =	shalt  }
0x6b: {  	_ =	shalt  }
0x6c: {  	_ =	shalt  }
0x6d: {  	_ =	shalt  }
0x6e: {  	_ =	shalt  }
0x6f: {  	_ =	shalt  }
0x70: {  	_ =	shalt  }
0x71: {  	_ =	shalt  }
0x72: {  	_ =	shalt  }
0x73: {  	_ =	shalt  }
0x74: {  	_ =	shalt  }
0x75: {  	_ =	shalt  }
0x76: {  	_ =	shalt  }
0x77: {  	_ =	shalt  }
0x78: {  	_ =	shalt  }
0x79: {  	_ =	shalt  }
0x7a: {  	_ =	shalt  }
0x7b: {  	_ =	shalt  }
0x7c: {  	_ =	shalt  }
0x7d: {  	_ =	shalt  }
0x7e: {  	_ =	shalt  }
0x7f: {  	_ =	shalt  }
0x80: {  	_ =	shalt  }
0x81: {  	_ =	shalt  }
0x82: {  	_ =	shalt  }
0x83: {  	_ =	shalt  }
0x84: {  	_ =	shalt  }
0x85: {  	_ =	shalt  }
0x86: {  	_ =	shalt  }
0x87: {  	_ =	shalt  }
.Lfunc_end0:
.L_simem_size_0:
called_computation.2_lowered:
.L_overlay_start_0:
0x88: {  	s2 =	sld [smem:$0x3FD9]  }
0x89: {  	s3 =	sld [smem:$0x3FFE];
	_ =	sdelay $0x1  }
0x8a: {  	s1 =	srdreg.scid  }
0x8b: {  	s0 =	sand.u32 $0x1, s1  }
0x8c: {  	s16 =	sshll.u32 s0, $0xA;
	s2 =	sadd.s32 s3, s2  }
0x8d: {  	s2 =	sadd.s32 s2, s16  }
0x8e: {  	[smem:$0x3FAD] =	sst s2  }
0x8f: {  	_ = 	snop  }
0x90: {  	(tm) =	ssettm $0x1  }
0x91: {  	s17 =	sld [smem:$0x3FFB];
	_ =	sdelay $0x3  }
0x92: {  	_ =	strace s17  }
0x93: {  	s2 =	sld [smem:$0x3FFC];
	_ =	sdelay $0x3  }
0x94: {  	_ =	strace s2  }
0x95: {  	s2 =	sld [smem:$0x3FFD];
	_ =	sdelay $0x3  }
0x96: {  	_ =	strace s2  }
0x97: {  	_ =	strace $0x8FFFFFFF  }
0x98: {  	s18 =	sld [smem:$0x3FDB];
	_ =	sdelay $0x1  }
0x99: {  	s19 =	simm.s32 $_scs_section_size  }
0x9a: {  	s4 =	simm.s32 $_size__tile_overlayer_lowered;
	s5 =	simm.s32 $_tile_overlayer_lowered  }
0x9b: {  	s22 =	simm.s32 $0x1BFF;
	s21 =	sshll.u32 s5, $0x1;
	s2 =	sadd.s32 s19, s18  }
0x9c: {  	s6 =	simm.s32 $0x0;
	s20 =	sshll.u32 s4, $0x1;
	s4 =	sadd.s32 s21, s2  }
0x9d: {  	[timem:s6], [sflag:s22] =	dma.local [hbm:s4], s20  }
0x9e: {  	_ =	swait.ge [sflag:s22], s20  }
0x9f: {  	s3 =	ssub.s32 $0x0, s20;
	[sflag:s22] =	ssyncset.done $0x0  }
0xa0: {  	[sflag:s22] =	ssyncadd.s32 s3;
	_ =	sdelay $0x1  }
0xa1: {  	s23 =	simm.s32 $0x1B8B  }
0xa2: {  	_ =	swait.ge [sflag:s23], $0x1  }
0xa3: {  	[sflag:s23] =	ssyncset.done $0x0  }
0xa4: {  	s25 =	simm.s32 $0x1B8E;
	s24 =	sld [smem:$0x3FFE];
	[sflag:s23] =	ssyncadd.s32 $0xFFFFFFFF  }
0xa5: {  	s26 =	simm.s32 $execute0_lowered;
	[smem:$0x3FD2] =	sst s25  }
0xa6: {  	s4 =	sshll.u32 s26, $0x1;
	_ =	strace $0x8000004C;
	[dreg:$0x1] =	wrdreg $0xFFFFFFFF  }
0xa7: {  	s28 =	simm.s32 $_size_execute0_lowered;
	s2 =	sadd.s32 s2, s4;
	[dreg:$0x0] =	wrdreg $0x0  }
0xa8: {  	s4 =	sshll.u32 s28, $0x1;
	[dreg:$0x2] =	wrdreg s2  }
0xa9: {  	[dreg:$0x3] =	wrdreg s4  }
0xaa: {  	[dreg:$0x4] =	wrdreg $0xC0  }
0xab: {  	_ =	task [dreg:s6], $0x5FFFF  }
0xac: {  	[dreg:$0x1] =	wrdreg $0xFFFFFFFF  }
0xad: {  	[dreg:$0x0] =	wrdreg $0x60  }
0xae: {  	[dreg:$0x2] =	wrdreg s24  }
0xaf: {  	[dreg:$0x3] =	wrdreg $0x0  }
0xb0: {  	[dreg:$0x4] =	wrdreg $0x9  }
0xb1: {  	_ =	task.clear_ibuf [dreg:s6], $0x5FFFF;
	_ =	strace $0x9000004C  }
0xb2: {  	s29 =	simm.s32 $0x9;
	_ =	strace $0x8000004E  }
0xb3: {  	_ =	swait.ge [sflag:s29], $0x1  }
0xb4: {  	[sflag:s29] =	ssyncadd.s32 $0xFFFFFFFF  }
0xb5: {  	_ =	strace $0x9000004E  }
0xb6: {  	_ =	sfence  }
0xb7: {  	s30 =	sld [smem:$0x0];
	_ =	sdelay $0x2  }
0xb8: {  	s31 =	sshll.u32 s1, $0xD;
	s1 =	sshrl.u32 s1, $0x2  }
0xb9: {  	s3 =	sand.u32 $0x4000, s31;
	s1 =	sadd.s32 s1, s30  }
0xba: {  	s0 =	sor.u32 s3, s0;
	s1 =	sshll.u32 s1, $0x11  }
0xbb: {  	s0 =	sor.u32 s1, s0  }
0xbc: {  	s0 =	sadd.s32 $0x8F2B, s0  }
0xbd: {  	[sflag:s0] =	ssyncadd.remote.s32 $0x1  }
0xbe: {  	_ =	sfence.sel $0xFFFF  }
0xbf: {  	[dreg:$0x0] =	wrdreg $0xFFFFFFFF;
	(pc) =	sbr.abs _section_cstart, $3  }
0xc0: {  	[dreg:$0x1] =	wrdreg $0xFFFFFFFF  }
0xc1: {  	_ =	task.clear_ibuf [dreg:s6], $0x2FFFF;
	_ =	strace $0x9FFFFFFF  }
0xc2: {  	(tm) =	ssettm $0x7FFFFFFF  }
0xc3: {  	_ =	shalt  }
tec
execute0_lowered:
.L_overlay_start_1:
0x0: {  	(tag) =	ssettag $0x1  }
0x1: {  	s0 =	rddreg [dreg:$0x0]  }
0x2: {  	s1 =	rddreg [dreg:$0x1];
	s2 =	simm.s32 $0x0;
	s4 =	srdreg.scid  }
0x3: {  	s11 =	stileid.u32;
	s28 =	simm.s32 $0x15400;
	s29 =	simm.s32 $0x15000  }
0x4: {  	s30 =	simm.s32 $0x80;
	[smem:$0x7FF] =	sst s2;
	s3 =	sadd.s32 $0x10A00, s0  }
0x5: {  	s5 =	sadd.s32 $0x114A00, s0;
	s6 =	sadd.s32 $0x146A00, s0;
	s4 =	sand.u32 $0x1, s4  }
0x6: {  	s10 =	sshll.u32 s11, $0x10;
	_ =	strace $0x8000004D;
	s8 =	ssub.s32 $0x2, s4  }
0x7: {  	s7 =	sshll.u32 s4, $0x11;
	s4 =	smul.u32 $0x1388, s4;
	s9 =	sshrl.u32 s8, $0x1  }
0x8: {  	s0 =	sadd.s32 s7, s0;
	s7 =	sadd.s32 s10, s1;
	s9 =	ssub.s32 s8, s9  }
0x9: {  	s8 =	smul.u32 $0x5000, s11;
	s11 =	sshll.u32 s11, $0xD;
	s18 =	sadd.s32 $0x4000, s7  }
0xa: {  	s12 =	sadd.s32 $0x24A00, s0;
	s19 =	sadd.s32 $0x8000, s7;
	[dreg:$0x4] =	wrdreg s18  }
0xb: {  	s0 =	sadd.s32 $0x64A00, s0;
	s25 =	sadd.s32 $0xC000, s7;
	[dreg:$0x5] =	wrdreg s19  }
0xc: {  	s9 =	smax.u32 s9, $0x1;
	s20 =	sor.u32 $0x800, s11;
	[dreg:$0xf] =	wrdreg s25  }
0xd: {  	s13 =	sadd.s32 s11, s12;
	s14 =	sor.u32 $0x1000, s11;
	[dreg:$0x3] =	wrdreg s9  }
0xe: {  	s15 =	sor.u32 $0x1800, s11;
	s11 =	sadd.s32 s11, s0;
	[dreg:$0x6] =	wrdreg s13  }
0xf: {  	s31 =	simm.s32 $0x15880;
	s16 =	sadd.s32 s20, s12;
	[dreg:$0xd] =	wrdreg s11  }
0x10: {  	s17 =	sadd.s32 $0x1388, s4;
	s24 =	sadd.s32 s14, s12;
	[dreg:$0x8] =	wrdreg s16  }
0x11: {  	v0 =	vmov s4;
	s4 =	simm.s32 $0x1;
	s12 =	sadd.s32 s15, s12;
	[dreg:$0xa] =	wrdreg s24  }
0x12: {  	s25 =	simm.s32 $0x2;
	s9 =	sadd.s32 s20, s0;
	[dreg:$0xc] =	wrdreg s12  }
0x13: {  	s21 =	sshll.u32 s20, $0x3;
	s26 =	sadd.s32 s14, s0;
	[dreg:$0xe] =	wrdreg s9  }
0x14: {  	s22 =	sshll.u32 s14, $0x3;
	s0 =	sadd.s32 s15, s0;
	[dreg:$0x10] =	wrdreg s26  }
0x15: {  	vm0 =	vcmask $0x3F24;
	vm1 =	vcmask $0x1F04;
	s23 =	sshll.u32 s15, $0x3;
	s13 =	sadd.s32 s21, s1;
	[dreg:$0x11] =	wrdreg s0  }
0x16: {  	v2 =	vlaneseq.u32;
	v3 =	vimm.s32 $0x0;
	v5 =	vimm.f32 $0.0e+00;
	s24 =	simm.s32 $0x15900;
	[dreg:$0x7] =	wrdreg s13;
	s13 =	sadd.s32 s22, s1  }
0x17: {  	vm0 =	vmor vm1, vm0;
	v4 =	vand.u32 $0x7, v2;
	v6 =	vadd.s32 $0x1E848, v2;
	s26 =	simm.s32 $0x11000;
	[dreg:$0x9] =	wrdreg s13;
	s13 =	sadd.s32 s23, s1  }
0x18: {  	v7 =	vor.u32 $0xFFFFFFF8, v2;
	v8 =	vmul.u32 $0x8, v2;
	v1 =	vmov s17;
	s0 =	simm.s32 $0x15480;
	s9 =	simm.s32 $0x0;
	[dreg:$0xb] =	wrdreg s13  }
.LBB2_1:
0x19: {  	v9 =	vmov s2  }
0x1a: {  	vm1 =	veq.s32 v9, v2  }
0x1b: {  	vm1 =	vmand vm1, vm0  }
0x1c: {  	v9 =	vsel vm1, $0xFFFFFFFF, v3  }
0x1d: {  	v9 =	vshll.u32 v9, $0x3  }
0x1e: {  	s11 =	simm.s32 $0x10;
	v9 =	vadd.s32 s2, v9  }
0x1f: {  	v10 =	vmov s11;
	v9 =	vadd.s32 v2, v9  }
0x20: {  	vm1 =	veq.s32 v10, v2;
	v9 =	vand.u32 $0xFFFFFFF8, v9  }
0x21: {  	vm1 =	vmand vm1, vm0;
	v9 =	vor.u32 v4, v9  }
0x22: {  	v10 =	vsel vm1, $0xFFFFFFFF, v3  }
0x23: {  	v10 =	vshll.u32 v10, $0x3  }
0x24: {  	s10 =	simm.s32 $0x20;
	v10 =	vadd.s32 s11, v10  }
.LBB2_2:
0x25: {  	v11 =	vmov s10;
	p0 =	seq.s32 s10, $0x3FF0;
	v10 =	vadd.s32 v2, v10;
	s11 =	smov.u32 s10;
	s10 =	sadd.s32 $0x10, s10  }
.Ltmp0:
0x26: {  	vm1 =	veq.s32 v11, v2;
	v10 =	vand.u32 $0xFFFFFFF8, v10;
	[tilespmem:v9+s24+$0x0] =	vst.idx.msk $0xffff, v5;
	(pc) =	sbr.rel @!p0 .LBB2_2-.Ltmp0, $4  }
0x27: {  	vm1 =	vmand vm1, vm0;
	v9 =	vor.u32 v4, v10  }
0x28: {  	v10 =	vsel vm1, $0xFFFFFFFF, v3  }
0x29: {  	v10 =	vshll.u32 v10, $0x3  }
0x2a: {  	v10 =	vadd.s32 s11, v10  }
0x2b: {  	v10 =	vadd.s32 v2, v10  }
0x2c: {  	v10 =	vand.u32 $0xFFFFFFF8, v10  }
0x2d: {  	v10 =	vor.u32 v4, v10;
	_ =	sdelay $0x3  }
0x2e: {  	[tilespmem:v9+s24+$0x0] =	vst.idx.msk $0xffff, v5  }
0x2f: {  	[tilespmem:v10+s24+$0x0] =	vst.idx.msk $0xffff, v5  }
0x30: {  	[spmem:s7] =	stream.linear.scatter [tilespmem:s24], [sflag:$0x2], $0x4000, $0x38;
	[tilespmem:$0x19900] =	vst v63  }
0x31: {  	_ =	swait.ge [sflag:s25], $0x4000  }
0x32: {  	[sflag:s25] =	ssyncset.done $0x0  }
0x33: {  	s10 =	rddreg [dreg:$0x4];
	[sflag:s25] =	ssyncadd.s32 $0xFFFFC000  }
0x34: {  	[spmem:s10] =	stream.linear.scatter [tilespmem:s24], [sflag:$0x2], $0x4000, $0x38;
	[tilespmem:$0x19900] =	vst v63  }
0x35: {  	_ =	swait.ge [sflag:s25], $0x4000  }
0x36: {  	[sflag:s25] =	ssyncset.done $0x0  }
0x37: {  	s22 =	rddreg [dreg:$0x5];
	[sflag:s25] =	ssyncadd.s32 $0xFFFFC000  }
0x38: {  	[spmem:s22] =	stream.linear.scatter [tilespmem:s24], [sflag:$0x2], $0x4000, $0x38;
	[tilespmem:$0x19900] =	vst v63  }
0x39: {  	_ =	swait.ge [sflag:s25], $0x4000  }
0x3a: {  	[sflag:s25] =	ssyncset.done $0x0  }
0x3b: {  	s23 =	rddreg [dreg:$0xf];
	[sflag:s25] =	ssyncadd.s32 $0xFFFFC000  }
0x3c: {  	[spmem:s23] =	stream.linear.scatter [tilespmem:s24], [sflag:$0x2], $0x4000, $0x38;
	[tilespmem:$0x19900] =	vst v63  }
0x3d: {  	_ =	swait.ge [sflag:s25], $0x4000  }
0x3e: {  	[sflag:s25] =	ssyncset.done $0x0  }
0x3f: {  	[sflag:s25] =	ssyncadd.s32 $0xFFFFC000  }
0x40: {  	s12 =	simm.s32 $0x0;
	s14 =	simm.s32 $0x0;
	[bflag:$0x0] =	sbarrier.arrive $0xFFFF  }
.LBB2_4:
0x41: {  	s10 =	sshll.u32 s14, $0xB  }
0x42: {  	s10 =	sadd.s32 s8, s10  }
0x43: {  	s11 =	sshrl.u32 s10, $0x3  }
0x44: {  	s16 =	simm.s32 $0x10000;
	s13 =	sadd.s32 s3, s11  }
0x45: {  	[tilespmem:s16], [sflag:$0x2] =	stream.linear.gather [hbm4b:s13+s12], $0x800, $0x38;
	[tilespmem:$0x19900] =	vst v63  }
0x46: {  	_ =	swait.ge [sflag:s25], $0x800  }
0x47: {  	[sflag:s25] =	ssyncset.done $0x0  }
0x48: {  	s18 =	simm.s32 $0x10800;
	s11 =	sadd.s32 s5, s11;
	[sflag:s25] =	ssyncadd.s32 $0xFFFFF800  }
0x49: {  	[tilespmem:s18], [sflag:$0x2] =	stream.linear.gather [hbm4b:s11+s12], $0x800, $0x38;
	[tilespmem:$0x19900] =	vst v63  }
0x4a: {  	_ =	swait.ge [sflag:s25], $0x800  }
0x4b: {  	[sflag:s25] =	ssyncset.done $0x0  }
0x4c: {  	s10 =	sadd.s32 s6, s10;
	[sflag:s25] =	ssyncadd.s32 $0xFFFFF800  }
0x4d: {  	[tilespmem:s26], [sflag:$0x2] =	stream.linear.gather [hbm4b:s10+s12], $0x4000, $0x38;
	[tilespmem:$0x19900] =	vst v63  }
0x4e: {  	s19 =	simm.s32 $0x10080;
	_ =	swait.ge [sflag:s25], $0x4000  }
0x4f: {  	s20 =	simm.s32 $0x80;
	s22 =	simm.s32 $0x0;
	[sflag:s25] =	ssyncset.done $0x0  }
0x50: {  	s23 =	simm.s32 $0x0;
	s10 =	simm.s32 $0x10880;
	[sflag:s25] =	ssyncadd.s32 $0xFFFFC000  }
.LBB2_5:
0x51: {  	p0 =	seq.s32 s23, $0x0  }
0x52: {  	s11 =	simm.s32 @!p0 $0x1  }
0x53: {  	_ =	swait.ge @!p0 [sflag:s11], $0x400  }
0x54: {  	[sflag:s11] =	ssyncset.done @!p0 $0x0  }
0x55: {  	[sflag:s11] =	ssyncadd.s32 @!p0 $0xFFFFFC00  }
0x56: {  	v9 =	vld [tilespmem:s16+$0x0];
	_ =	sdelay $0x2  }
0x57: {  	v10 =	vld [tilespmem:s18+$0x0];
	_ =	sdelay $0x1  }
0x58: {  	v11 =	vsub.s32 v9, v0  }
0x59: {  	v11 =	vmul.u32 $0x64, v11;
	_ =	sdelay $0x1  }
0x5a: {  	v10 =	vadd.s32 v10, v11  }
0x5b: {  	v11 =	vshra.s32 v10, $0x1F  }
0x5c: {  	v11 =	vshrl.u32 v11, $0x1E  }
0x5d: {  	s21 =	simm.s32 $0x0;
	s13 =	sadd.s32 $0x0, s22;
	v11 =	vadd.s32 v11, v10  }
0x5e: {  	v12 =	vor.u32 s21, v2;
	v13 =	vmov s13;
	v11 =	vshra.s32 v11, $0x2  }
0x5f: {  	v15 =	vand.u32 v7, v12;
	v13 =	vshll.u32 v13, $0x3;
	v14 =	vshll.u32 v11, $0x2  }
0x60: {  	v13 =	vor.u32 v8, v13;
	vm1 =	vlt.s32 v10, $0x1;
	vm2 =	vne.s32 v10, v14  }
0x61: {  	v16 =	vor.u32 $0x1, v13;
	vm1 =	vmand vm1, vm2  }
0x62: {  	vm3 =	vge.s32 v9, v0;
	vm2 =	vlt.s32 v9, v1;
	v9 =	vsel vm1, $0xFFFFFFFF, v3  }
0x63: {  	v17 =	vadd.s32 s13, v6;
	vm1 =	vmand vm3, vm2;
	v9 =	vadd.s32 v9, v11  }
0x64: {  	v9 =	vsel vm1, v9, v17  }
0x65: {  	[tilespmem:v15+s28+$0x0] =	vst.idx.msk $0xffff, v9  }
0x66: {  	v9 =	vld.idx.msk [tilespmem:v13+s26+$0x0], $0xffff  }
0x67: {  	v11 =	vld.idx.msk [tilespmem:v16+s26+$0x0], $0xffff;
	_ =	sdelay $0x1  }
0x68: {  	v12 =	vshll.u32 v12, $0x3;
	v10 =	vsub.s32 v10, v14  }
0x69: {  	v10 =	vshll.u32 v10, $0x1;
	v13 =	vor.u32 $0x1, v12  }
0x6a: {  	v14 =	vor.u32 $0x2, v12;
	v10 =	vand.u32 $0x6, v10;
	v15 =	vadd.f32 $0.0e+00, v9  }
0x6b: {  	vm1 =	veq.s32 v10, $0x0;
	v9 =	vor.u32 $0x3, v12;
	v16 =	vadd.f32 $0.0e+00, v11  }
0x6c: {  	v62 =	vnsel vm1, $0x0, v15  }
0x6d: {  	vm2 =	veq.s32 v10, $0x2;
	v63 =	vnsel vm1, $0x0, v16;
	[tilespmem:v12+s29+$0x0] =	vst.idx.msk $0xffff, v62  }
0x6e: {  	v11 =	vor.u32 $0x4, v12;
	v19 =	vnsel vm2, $0x0, v15;
	[tilespmem:v13+s29+$0x0] =	vst.idx.msk $0xffff, v63  }
0x6f: {  	v18 =	vor.u32 $0x5, v12;
	vm1 =	veq.s32 v10, $0x4;
	v13 =	vnsel vm2, $0x0, v16;
	[tilespmem:v14+s29+$0x0] =	vst.idx.msk $0xffff, v19  }
0x70: {  	v14 =	vnsel vm1, $0x0, v15;
	[tilespmem:v9+s29+$0x0] =	vst.idx.msk $0xffff, v13;
	v9 =	vor.u32 $0x6, v12  }
0x71: {  	v13 =	vnsel vm1, $0x0, v16;
	vm1 =	veq.s32 v10, $0x6;
	v10 =	vor.u32 $0x7, v12;
	_ =	sdelay $0x1  }
0x72: {  	[tilespmem:v11+s29+$0x0] =	vst.idx.msk $0xffff, v14  }
0x73: {  	s15 =	smov.u32 s16;
	s13 =	smov.u32 s18;
	s11 =	simm.s32 $0x10;
	v11 =	vnsel vm1, $0x0, v15;
	v12 =	vnsel vm1, $0x0, v16;
	[tilespmem:v18+s29+$0x0] =	vst.idx.msk $0xffff, v13  }
.LBB2_6:
0x74: {  	p1 =	sne.s32 s11, $0x70;
	[tilespmem:v9+s29+$0x0] =	vst.idx.msk $0xffff, v11;
	s13 =	sadd.s32 $0x10, s13;
	s15 =	sadd.s32 $0x10, s15  }
0x75: {  	s17 =	smov.u32 s11;
	s11 =	sadd.s32 $0x10, s11;
	[tilespmem:v10+s29+$0x0] =	vst.idx.msk $0xffff, v12  }
0x76: {  	v9 =	vld [tilespmem:s15+$0x0];
	_ =	sdelay $0x1  }
0x77: {  	v10 =	vld [tilespmem:s13+$0x0];
	_ =	sdelay $0x2  }
0x78: {  	vm1 =	vge.s32 v9, v0;
	vm2 =	vlt.s32 v9, v1;
	v9 =	vsub.s32 v9, v0  }
0x79: {  	vm1 =	vmand vm1, vm2;
	v9 =	vmul.u32 $0x64, v9;
	_ =	sdelay $0x1  }
0x7a: {  	v9 =	vadd.s32 v10, v9  }
0x7b: {  	v10 =	vshra.s32 v9, $0x1F  }
0x7c: {  	v10 =	vshrl.u32 v10, $0x1E  }
0x7d: {  	s21 =	sadd.s32 s17, s22;
	v10 =	vadd.s32 v10, v9  }
0x7e: {  	v11 =	vor.u32 s17, v2;
	v12 =	vmov s21;
	v10 =	vshra.s32 v10, $0x2  }
0x7f: {  	v14 =	vand.u32 v7, v11;
	vm2 =	vlt.s32 v9, $0x1;
	v13 =	vshll.u32 v10, $0x2  }
0x80: {  	v15 =	vsub.s32 v9, v13;
	vm3 =	vne.s32 v9, v13;
	v9 =	vshll.u32 v12, $0x3  }
0x81: {  	vm2 =	vmand vm2, vm3;
	v12 =	vshll.u32 v15, $0x1;
	v9 =	vor.u32 v8, v9  }
0x82: {  	v15 =	vadd.s32 s21, v6;
	v13 =	vsel vm2, $0xFFFFFFFF, v3;
	v16 =	vor.u32 $0x1, v9  }
0x83: {  	v12 =	vand.u32 $0x6, v12;
	v10 =	vadd.s32 v13, v10  }
0x84: {  	v10 =	vsel vm1, v10, v15  }
0x85: {  	[tilespmem:v14+s28+$0x0] =	vst.idx.msk $0xffff, v10  }
0x86: {  	v9 =	vld.idx.msk [tilespmem:v9+s26+$0x0], $0xffff  }
0x87: {  	v10 =	vld.idx.msk [tilespmem:v16+s26+$0x0], $0xffff;
	_ =	sdelay $0x1  }
0x88: {  	v11 =	vshll.u32 v11, $0x3  }
0x89: {  	v13 =	vor.u32 $0x1, v11  }
0x8a: {  	v14 =	vor.u32 $0x2, v11  }
0x8b: {  	vm1 =	veq.s32 v12, $0x0;
	v16 =	vor.u32 $0x3, v11;
	v15 =	vadd.f32 $0.0e+00, v9  }
0x8c: {  	v18 =	vor.u32 $0x4, v11;
	v17 =	vadd.f32 $0.0e+00, v10  }
0x8d: {  	v19 =	vor.u32 $0x5, v11;
	vm2 =	veq.s32 v12, $0x2;
	v9 =	vnsel vm1, $0x0, v15  }
0x8e: {  	v20 =	vnsel vm2, $0x0, v15;
	v10 =	vnsel vm1, $0x0, v17;
	[tilespmem:v11+s29+$0x0] =	vst.idx.msk $0xffff, v9;
	v9 =	vor.u32 $0x6, v11  }
.Ltmp1:
0x8f: {  	vm1 =	veq.s32 v12, $0x4;
	[tilespmem:v13+s29+$0x0] =	vst.idx.msk $0xffff, v10;
	v13 =	vnsel vm2, $0x0, v17;
	v10 =	vor.u32 $0x7, v11;
	(pc) =	sbr.rel @p1 .LBB2_6-.Ltmp1, $4  }
0x90: {  	v11 =	vnsel vm1, $0x0, v15;
	[tilespmem:v14+s29+$0x0] =	vst.idx.msk $0xffff, v20  }
0x91: {  	[tilespmem:v16+s29+$0x0] =	vst.idx.msk $0xffff, v13;
	v13 =	vnsel vm1, $0x0, v17;
	vm1 =	veq.s32 v12, $0x6  }
0x92: {  	[tilespmem:v18+s29+$0x0] =	vst.idx.msk $0xffff, v11;
	v11 =	vnsel vm1, $0x0, v15  }
0x93: {  	v12 =	vnsel vm1, $0x0, v17;
	[tilespmem:v19+s29+$0x0] =	vst.idx.msk $0xffff, v13  }
0x94: {  	_ =	sdelay $0x3  }
0x95: {  	[tilespmem:v9+s29+$0x0] =	vst.idx.msk $0xffff, v11  }
0x96: {  	s11 =	simm.s32 @!p0 $0x1;
	[tilespmem:v10+s29+$0x0] =	vst.idx.msk $0xffff, v12  }
0x97: {  	[spmem:s1] =	stream.indirect.scatter.add.f32 [tilespmem:s29], [sflag:$0x1], $0x8, s28, s30, $0xb8;
	[tilespmem:$0x19900] =	vst v63  }
0x98: {  	_ =	swait.ge @!p0 [sflag:s11], $0x400  }
0x99: {  	[sflag:s11] =	ssyncset.done @!p0 $0x0  }
0x9a: {  	[sflag:s11] =	ssyncadd.s32 @!p0 $0xFFFFFC00  }
0x9b: {  	v9 =	vld [tilespmem:s19+$0x0];
	_ =	sdelay $0x2  }
0x9c: {  	v10 =	vld [tilespmem:s10+$0x0];
	_ =	sdelay $0x1  }
0x9d: {  	v11 =	vsub.s32 v9, v0  }
0x9e: {  	v11 =	vmul.u32 $0x64, v11;
	_ =	sdelay $0x1  }
0x9f: {  	v10 =	vadd.s32 v10, v11  }
0xa0: {  	v11 =	vshra.s32 v10, $0x1F  }
0xa1: {  	v11 =	vshrl.u32 v11, $0x1E  }
0xa2: {  	s17 =	simm.s32 $0x0;
	v11 =	vadd.s32 v11, v10  }
0xa3: {  	s21 =	sadd.s32 $0x0, s20;
	v12 =	vor.u32 s17, v2;
	v11 =	vshra.s32 v11, $0x2  }
0xa4: {  	v15 =	vor.u32 s21, v2;
	v14 =	vand.u32 v7, v12;
	v13 =	vshll.u32 v11, $0x2  }
0xa5: {  	vm1 =	vge.s32 v9, v0;
	vm2 =	vlt.s32 v10, $0x1;
	vm3 =	vne.s32 v10, v13  }
0xa6: {  	vm2 =	vmand vm2, vm3;
	vm3 =	vlt.s32 v9, v1;
	v9 =	vshll.u32 v15, $0x3  }
0xa7: {  	v15 =	vand.u32 $0xFFF, v15;
	v16 =	vsel vm2, $0xFFFFFFFF, v3;
	v17 =	vor.u32 $0x1, v9  }
0xa8: {  	vm1 =	vmand vm1, vm3;
	v15 =	vadd.s32 $0x1E848, v15;
	v11 =	vadd.s32 v16, v11  }
0xa9: {  	v11 =	vsel vm1, v11, v15  }
0xaa: {  	[tilespmem:v14+s31+$0x0] =	vst.idx.msk $0xffff, v11  }
0xab: {  	v9 =	vld.idx.msk [tilespmem:v9+s26+$0x0], $0xffff  }
0xac: {  	v11 =	vld.idx.msk [tilespmem:v17+s26+$0x0], $0xffff;
	_ =	sdelay $0x1  }
0xad: {  	v12 =	vshll.u32 v12, $0x3;
	v10 =	vsub.s32 v10, v13  }
0xae: {  	v63 =	vor.u32 $0x3, v12;
	v13 =	vor.u32 $0x1, v12;
	v10 =	vshll.u32 v10, $0x1  }
0xaf: {  	v10 =	vand.u32 $0x6, v10;
	v14 =	vor.u32 $0x2, v12;
	v15 =	vadd.f32 $0.0e+00, v9  }
0xb0: {  	vm2 =	veq.s32 v10, $0x2;
	vm1 =	veq.s32 v10, $0x0;
	v17 =	vadd.f32 $0.0e+00, v11  }
0xb1: {  	v18 =	vor.u32 $0x4, v12;
	v9 =	vnsel vm1, $0x0, v15;
	v19 =	vnsel vm2, $0x0, v15  }
0xb2: {  	[tilespmem:v12+s0+$0x0] =	vst.idx.msk $0xffff, v9;
	v11 =	vnsel vm1, $0x0, v17;
	v9 =	vor.u32 $0x5, v12;
	vm1 =	veq.s32 v10, $0x6  }
0xb3: {  	[tilespmem:v13+s0+$0x0] =	vst.idx.msk $0xffff, v11;
	v13 =	vnsel vm2, $0x0, v17;
	vm2 =	veq.s32 v10, $0x4;
	v10 =	vor.u32 $0x6, v12  }
0xb4: {  	v11 =	vor.u32 $0x7, v12;
	[tilespmem:v14+s0+$0x0] =	vst.idx.msk $0xffff, v19  }
0xb5: {  	v14 =	vnsel vm2, $0x0, v15;
	[tilespmem:v63+s0+$0x0] =	vst.idx.msk $0xffff, v13  }
0xb6: {  	s13 =	smov.u32 s19;
	s15 =	smov.u32 s10;
	s11 =	simm.s32 $0x10;
	v12 =	vnsel vm1, $0x0, v17;
	v13 =	vnsel vm2, $0x0, v17;
	[tilespmem:v18+s0+$0x0] =	vst.idx.msk $0xffff, v14;
	v14 =	vnsel vm1, $0x0, v15  }
.LBB2_8:
0xb7: {  	p0 =	sne.s32 s11, $0x70;
	[tilespmem:v9+s0+$0x0] =	vst.idx.msk $0xffff, v13;
	s13 =	sadd.s32 $0x10, s13;
	s15 =	sadd.s32 $0x10, s15  }
0xb8: {  	s17 =	smov.u32 s11;
	s11 =	sadd.s32 $0x10, s11;
	[tilespmem:v10+s0+$0x0] =	vst.idx.msk $0xffff, v14  }
0xb9: {  	[tilespmem:v11+s0+$0x0] =	vst.idx.msk $0xffff, v12  }
0xba: {  	v9 =	vld [tilespmem:s13+$0x0]  }
0xbb: {  	v10 =	vld [tilespmem:s15+$0x0];
	_ =	sdelay $0x3  }
0xbc: {  	vm1 =	vge.s32 v9, v0;
	vm2 =	vlt.s32 v9, v1;
	v9 =	vsub.s32 v9, v0  }
0xbd: {  	vm1 =	vmand vm1, vm2;
	v9 =	vmul.u32 $0x64, v9;
	_ =	sdelay $0x1  }
0xbe: {  	v9 =	vadd.s32 v10, v9  }
0xbf: {  	v10 =	vshra.s32 v9, $0x1F  }
0xc0: {  	v10 =	vshrl.u32 v10, $0x1E  }
0xc1: {  	v11 =	vor.u32 s17, v2;
	v10 =	vadd.s32 v10, v9  }
0xc2: {  	s17 =	sadd.s32 s17, s20;
	vm2 =	vlt.s32 v9, $0x1;
	v10 =	vshra.s32 v10, $0x2  }
0xc3: {  	v13 =	vand.u32 v7, v11;
	v12 =	vshll.u32 v10, $0x2  }
0xc4: {  	v14 =	vsub.s32 v9, v12;
	vm3 =	vne.s32 v9, v12;
	v9 =	vor.u32 s17, v2  }
0xc5: {  	vm2 =	vmand vm2, vm3;
	v12 =	vand.u32 $0xFFF, v9;
	v9 =	vshll.u32 v9, $0x3  }
0xc6: {  	v15 =	vsel vm2, $0xFFFFFFFF, v3;
	v12 =	vadd.s32 $0x1E848, v12;
	v16 =	vor.u32 $0x1, v9  }
0xc7: {  	v14 =	vshll.u32 v14, $0x1;
	v10 =	vadd.s32 v15, v10  }
0xc8: {  	v10 =	vsel vm1, v10, v12;
	v12 =	vand.u32 $0x6, v14  }
0xc9: {  	[tilespmem:v13+s31+$0x0] =	vst.idx.msk $0xffff, v10  }
0xca: {  	v9 =	vld.idx.msk [tilespmem:v9+s26+$0x0], $0xffff  }
0xcb: {  	v10 =	vld.idx.msk [tilespmem:v16+s26+$0x0], $0xffff;
	_ =	sdelay $0x1  }
0xcc: {  	v11 =	vshll.u32 v11, $0x3  }
0xcd: {  	v13 =	vor.u32 $0x1, v11  }
0xce: {  	v15 =	vor.u32 $0x3, v11;
	v14 =	vor.u32 $0x2, v11  }
0xcf: {  	v17 =	vor.u32 $0x4, v11;
	vm1 =	veq.s32 v12, $0x0;
	v16 =	vadd.f32 $0.0e+00, v9  }
0xd0: {  	vm2 =	veq.s32 v12, $0x6;
	v9 =	vor.u32 $0x5, v11;
	v18 =	vadd.f32 $0.0e+00, v10  }
0xd1: {  	vm3 =	veq.s32 v12, $0x2;
	v10 =	vor.u32 $0x6, v11;
	v19 =	vnsel vm1, $0x0, v16  }
.Ltmp2:
0xd2: {  	v20 =	vnsel vm3, $0x0, v16;
	[tilespmem:v11+s0+$0x0] =	vst.idx.msk $0xffff, v19;
	v19 =	vnsel vm1, $0x0, v18;
	v11 =	vor.u32 $0x7, v11;
	(pc) =	sbr.rel @p0 .LBB2_8-.Ltmp2, $4  }
0xd3: {  	vm1 =	veq.s32 v12, $0x4;
	v12 =	vnsel vm2, $0x0, v18;
	[tilespmem:v13+s0+$0x0] =	vst.idx.msk $0xffff, v19;
	v13 =	vnsel vm3, $0x0, v18  }
0xd4: {  	[tilespmem:v14+s0+$0x0] =	vst.idx.msk $0xffff, v20;
	v14 =	vnsel vm1, $0x0, v16  }
0xd5: {  	[tilespmem:v15+s0+$0x0] =	vst.idx.msk $0xffff, v13;
	v13 =	vnsel vm1, $0x0, v18  }
0xd6: {  	[tilespmem:v17+s0+$0x0] =	vst.idx.msk $0xffff, v14;
	v14 =	vnsel vm2, $0x0, v16  }
0xd7: {  	_ = 	snop  }
0xd8: {  	s23 =	sadd.s32 $0x1, s23  }
0xd9: {  	p0 =	sne.s32 s23, $0x8  }
.Ltmp3:
0xda: {  	_ = 	snop;
	(pc) =	sbr.rel @p0 .LBB2_5-.Ltmp3, $4  }
0xdb: {  	[tilespmem:v9+s0+$0x0] =	vst.idx.msk $0xffff, v13  }
0xdc: {  	s22 =	sadd.s32 $0x100, s22;
	s18 =	sadd.s32 $0x100, s18;
	s16 =	sadd.s32 $0x100, s16;
	[tilespmem:v10+s0+$0x0] =	vst.idx.msk $0xffff, v14  }
0xdd: {  	s19 =	sadd.s32 $0x100, s19;
	s10 =	sadd.s32 $0x100, s10;
	s20 =	sadd.s32 $0x100, s20;
	[tilespmem:v11+s0+$0x0] =	vst.idx.msk $0xffff, v12  }
0xde: {  	[spmem:s1] =	stream.indirect.scatter.add.f32 [tilespmem:s0], [sflag:$0x1], $0x8, s31, s30, $0xb8;
	[tilespmem:$0x19900] =	vst v63  }
0xdf: {  	s14 =	sadd.s32 $0x1, s14  }
0xe0: {  	_ =	swait.ge [sflag:s4], $0x400;
	p0 =	sne.s32 s14, $0xA  }
.Ltmp4:
0xe1: {  	[sflag:s4] =	ssyncset.done $0x0;
	(pc) =	sbr.rel @p0 .LBB2_4-.Ltmp4, $4  }
0xe2: {  	[sflag:s4] =	ssyncadd.s32 $0xFFFFFC00  }
0xe3: {  	_ =	swait.ge [sflag:s4], $0x400  }
0xe4: {  	[sflag:s4] =	ssyncset.done $0x0  }
0xe5: {  	[sflag:s4] =	ssyncadd.s32 $0xFFFFFC00  }
0xe6: {  	[bflag:$0x0] =	sbarrier.arrive $0xFFFF  }
0xe7: {  	[tilespmem:s24], [sflag:$0x2] =	stream.linear.gather [spmem:s7], $0x4000, $0x38;
	[tilespmem:$0x19900] =	vst v63  }
0xe8: {  	_ =	swait.ge [sflag:s25], $0x4000  }
0xe9: {  	[sflag:s25] =	ssyncset.done $0x0  }
0xea: {  	s10 =	simm.s32 $0x0;
	s11 =	rddreg [dreg:$0x6];
	[sflag:s25] =	ssyncadd.s32 $0xFFFFC000  }
0xeb: {  	[hbm4b:s11+s10] =	stream.linear.scatter [tilespmem:s24], [sflag:$0x2], $0x4000, $0x38;
	[tilespmem:$0x19900] =	vst v63  }
0xec: {  	_ =	swait.ge [sflag:s25], $0x4000  }
0xed: {  	[sflag:s25] =	ssyncset.done $0x0  }
0xee: {  	s17 =	rddreg [dreg:$0x7];
	[sflag:s25] =	ssyncadd.s32 $0xFFFFC000  }
0xef: {  	[tilespmem:s24], [sflag:$0x2] =	stream.linear.gather [spmem:s17], $0x4000, $0x38;
	[tilespmem:$0x19900] =	vst v63  }
0xf0: {  	_ =	swait.ge [sflag:s25], $0x4000  }
0xf1: {  	[sflag:s25] =	ssyncset.done $0x0  }
0xf2: {  	s18 =	rddreg [dreg:$0x8];
	[sflag:s25] =	ssyncadd.s32 $0xFFFFC000  }
0xf3: {  	[hbm4b:s18+s10] =	stream.linear.scatter [tilespmem:s24], [sflag:$0x2], $0x4000, $0x38;
	[tilespmem:$0x19900] =	vst v63  }
0xf4: {  	_ =	swait.ge [sflag:s25], $0x4000  }
0xf5: {  	[sflag:s25] =	ssyncset.done $0x0  }
0xf6: {  	s19 =	rddreg [dreg:$0x9];
	[sflag:s25] =	ssyncadd.s32 $0xFFFFC000  }
0xf7: {  	[tilespmem:s24], [sflag:$0x2] =	stream.linear.gather [spmem:s19], $0x4000, $0x38;
	[tilespmem:$0x19900] =	vst v63  }
0xf8: {  	_ =	swait.ge [sflag:s25], $0x4000  }
0xf9: {  	[sflag:s25] =	ssyncset.done $0x0  }
0xfa: {  	s20 =	rddreg [dreg:$0xa];
	[sflag:s25] =	ssyncadd.s32 $0xFFFFC000  }
0xfb: {  	[hbm4b:s20+s10] =	stream.linear.scatter [tilespmem:s24], [sflag:$0x2], $0x4000, $0x38;
	[tilespmem:$0x19900] =	vst v63  }
0xfc: {  	v9 =	vmov s10;
	_ =	swait.ge [sflag:s25], $0x4000  }
0xfd: {  	vm1 =	veq.s32 v9, v2;
	[sflag:s25] =	ssyncset.done $0x0  }
0xfe: {  	vm1 =	vmand vm1, vm0;
	s21 =	rddreg [dreg:$0xb];
	[sflag:s25] =	ssyncadd.s32 $0xFFFFC000  }
0xff: {  	v9 =	vsel vm1, $0xFFFFFFFF, v3;
	[tilespmem:s24], [sflag:$0x2] =	stream.linear.gather [spmem:s21], $0x4000, $0x38;
	[tilespmem:$0x19900] =	vst v63  }
0x100: {  	v9 =	vshll.u32 v9, $0x3;
	_ =	swait.ge [sflag:s25], $0x4000  }
0x101: {  	s23 =	simm.s32 $0x10;
	v9 =	vadd.s32 s10, v9;
	[sflag:s25] =	ssyncset.done $0x0  }
0x102: {  	v10 =	vmov s23;
	v9 =	vadd.s32 v2, v9;
	s22 =	rddreg [dreg:$0xc];
	[sflag:s25] =	ssyncadd.s32 $0xFFFFC000  }
0x103: {  	vm1 =	veq.s32 v10, v2;
	v9 =	vand.u32 $0xFFFFFFF8, v9;
	[hbm4b:s22+s10] =	stream.linear.scatter [tilespmem:s24], [sflag:$0x2], $0x4000, $0x38;
	[tilespmem:$0x19900] =	vst v63  }
0x104: {  	vm1 =	vmand vm1, vm0;
	v9 =	vor.u32 v4, v9;
	_ =	swait.ge [sflag:s25], $0x4000  }
0x105: {  	v10 =	vsel vm1, $0xFFFFFFFF, v3;
	[sflag:s25] =	ssyncset.done $0x0  }
0x106: {  	v10 =	vshll.u32 v10, $0x3;
	[sflag:s25] =	ssyncadd.s32 $0xFFFFC000  }
0x107: {  	v10 =	vadd.s32 s23, v10;
	s10 =	simm.s32 $0x20;
	[bflag:$0x0] =	sbarrier.arrive $0xFFFF  }
.LBB2_12:
0x108: {  	v11 =	vmov s10;
	p0 =	seq.s32 s10, $0x3FF0;
	v10 =	vadd.s32 v2, v10;
	s11 =	smov.u32 s10;
	s10 =	sadd.s32 $0x10, s10  }
.Ltmp5:
0x109: {  	vm1 =	veq.s32 v11, v2;
	v10 =	vand.u32 $0xFFFFFFF8, v10;
	[tilespmem:v9+s24+$0x0] =	vst.idx.msk $0xffff, v5;
	(pc) =	sbr.rel @!p0 .LBB2_12-.Ltmp5, $4  }
0x10a: {  	vm1 =	vmand vm1, vm0;
	v9 =	vor.u32 v4, v10  }
0x10b: {  	v10 =	vsel vm1, $0xFFFFFFFF, v3  }
0x10c: {  	v10 =	vshll.u32 v10, $0x3  }
0x10d: {  	v10 =	vadd.s32 s11, v10  }
0x10e: {  	v10 =	vadd.s32 v2, v10  }
0x10f: {  	v10 =	vand.u32 $0xFFFFFFF8, v10  }
0x110: {  	v10 =	vor.u32 v4, v10;
	_ =	sdelay $0x3  }
0x111: {  	[tilespmem:v9+s24+$0x0] =	vst.idx.msk $0xffff, v5  }
0x112: {  	[tilespmem:v10+s24+$0x0] =	vst.idx.msk $0xffff, v5  }
0x113: {  	[spmem:s7] =	stream.linear.scatter [tilespmem:s24], [sflag:$0x2], $0x4000, $0x38;
	[tilespmem:$0x19900] =	vst v63  }
0x114: {  	_ =	swait.ge [sflag:s25], $0x4000  }
0x115: {  	[sflag:s25] =	ssyncset.done $0x0  }
0x116: {  	s10 =	rddreg [dreg:$0x4];
	[sflag:s25] =	ssyncadd.s32 $0xFFFFC000  }
0x117: {  	[spmem:s10] =	stream.linear.scatter [tilespmem:s24], [sflag:$0x2], $0x4000, $0x38;
	[tilespmem:$0x19900] =	vst v63  }
0x118: {  	_ =	swait.ge [sflag:s25], $0x4000  }
0x119: {  	[sflag:s25] =	ssyncset.done $0x0  }
0x11a: {  	s22 =	rddreg [dreg:$0x5];
	[sflag:s25] =	ssyncadd.s32 $0xFFFFC000  }
0x11b: {  	[spmem:s22] =	stream.linear.scatter [tilespmem:s24], [sflag:$0x2], $0x4000, $0x38;
	[tilespmem:$0x19900] =	vst v63  }
0x11c: {  	_ =	swait.ge [sflag:s25], $0x4000  }
0x11d: {  	[sflag:s25] =	ssyncset.done $0x0  }
0x11e: {  	s23 =	rddreg [dreg:$0xf];
	[sflag:s25] =	ssyncadd.s32 $0xFFFFC000  }
0x11f: {  	[spmem:s23] =	stream.linear.scatter [tilespmem:s24], [sflag:$0x2], $0x4000, $0x38;
	[tilespmem:$0x19900] =	vst v63  }
0x120: {  	_ =	swait.ge [sflag:s25], $0x4000  }
0x121: {  	[sflag:s25] =	ssyncset.done $0x0  }
0x122: {  	[sflag:s25] =	ssyncadd.s32 $0xFFFFC000  }
0x123: {  	s12 =	simm.s32 $0x0;
	s14 =	simm.s32 $0x0;
	[bflag:$0x0] =	sbarrier.arrive $0xFFFF  }
.LBB2_14:
0x124: {  	s10 =	sshll.u32 s14, $0xB  }
0x125: {  	s10 =	sadd.s32 s8, s10  }
0x126: {  	s11 =	sshrl.u32 s10, $0x3  }
0x127: {  	s15 =	simm.s32 $0x10000;
	s13 =	sadd.s32 s3, s11  }
0x128: {  	[tilespmem:s15], [sflag:$0x2] =	stream.linear.gather [hbm4b:s13+s12], $0x800, $0x38;
	[tilespmem:$0x19900] =	vst v63  }
0x129: {  	_ =	swait.ge [sflag:s25], $0x800  }
0x12a: {  	[sflag:s25] =	ssyncset.done $0x0  }
0x12b: {  	s11 =	sadd.s32 s5, s11;
	s13 =	simm.s32 $0x10800;
	[sflag:s25] =	ssyncadd.s32 $0xFFFFF800  }
0x12c: {  	[tilespmem:s13], [sflag:$0x2] =	stream.linear.gather [hbm4b:s11+s12], $0x800, $0x38;
	[tilespmem:$0x19900] =	vst v63  }
0x12d: {  	_ =	swait.ge [sflag:s25], $0x800  }
0x12e: {  	[sflag:s25] =	ssyncset.done $0x0  }
0x12f: {  	s10 =	sadd.s32 s6, s10;
	[sflag:s25] =	ssyncadd.s32 $0xFFFFF800  }
0x130: {  	[tilespmem:s26], [sflag:$0x2] =	stream.linear.gather [hbm4b:s10+s12], $0x4000, $0x38;
	[tilespmem:$0x19900] =	vst v63  }
0x131: {  	s19 =	simm.s32 $0x10080;
	_ =	swait.ge [sflag:s25], $0x4000  }
0x132: {  	s20 =	simm.s32 $0x10880;
	s22 =	simm.s32 $0x80;
	[sflag:s25] =	ssyncset.done $0x0  }
0x133: {  	s23 =	simm.s32 $0x0;
	s10 =	simm.s32 $0x0;
	[sflag:s25] =	ssyncadd.s32 $0xFFFFC000  }
.LBB2_15:
0x134: {  	p0 =	seq.s32 s10, $0x0  }
0x135: {  	s11 =	simm.s32 @!p0 $0x1  }
0x136: {  	_ =	swait.ge @!p0 [sflag:s11], $0x400  }
0x137: {  	[sflag:s11] =	ssyncset.done @!p0 $0x0  }
0x138: {  	[sflag:s11] =	ssyncadd.s32 @!p0 $0xFFFFFC00  }
0x139: {  	v9 =	vld [tilespmem:s15+$0x0];
	_ =	sdelay $0x2  }
0x13a: {  	v10 =	vld [tilespmem:s13+$0x0];
	_ =	sdelay $0x1  }
0x13b: {  	v11 =	vsub.s32 v9, v0  }
0x13c: {  	v11 =	vmul.u32 $0x64, v11;
	_ =	sdelay $0x1  }
0x13d: {  	v10 =	vadd.s32 v10, v11  }
0x13e: {  	v11 =	vshra.s32 v10, $0x1F  }
0x13f: {  	v11 =	vshrl.u32 v11, $0x1E  }
0x140: {  	s21 =	simm.s32 $0x0;
	s16 =	sadd.s32 $0x0, s23;
	v11 =	vadd.s32 v11, v10  }
0x141: {  	v12 =	vmov s16;
	v13 =	vor.u32 s21, v2;
	v11 =	vshra.s32 v11, $0x2  }
0x142: {  	v12 =	vshll.u32 v12, $0x3;
	v15 =	vand.u32 v7, v13;
	v14 =	vshll.u32 v11, $0x2  }
0x143: {  	v12 =	vor.u32 v8, v12;
	vm1 =	vlt.s32 v10, $0x1;
	vm2 =	vne.s32 v10, v14  }
0x144: {  	v16 =	vor.u32 $0x2, v12;
	vm3 =	vge.s32 v9, v0;
	vm1 =	vmand vm1, vm2  }
0x145: {  	vm2 =	vlt.s32 v9, v1;
	v9 =	vor.u32 $0x3, v12;
	v12 =	vsel vm1, $0xFFFFFFFF, v3  }
0x146: {  	v17 =	vadd.s32 s16, v6;
	vm1 =	vmand vm3, vm2;
	v11 =	vadd.s32 v12, v11  }
0x147: {  	v11 =	vsel vm1, v11, v17  }
0x148: {  	[tilespmem:v15+s28+$0x0] =	vst.idx.msk $0xffff, v11  }
0x149: {  	v11 =	vld.idx.msk [tilespmem:v16+s26+$0x0], $0xffff  }
0x14a: {  	v9 =	vld.idx.msk [tilespmem:v9+s26+$0x0], $0xffff;
	_ =	sdelay $0x1  }
0x14b: {  	v10 =	vsub.s32 v10, v14;
	v12 =	vshll.u32 v13, $0x3  }
0x14c: {  	v10 =	vshll.u32 v10, $0x1;
	v13 =	vor.u32 $0x1, v12  }
0x14d: {  	v10 =	vand.u32 $0x6, v10;
	v14 =	vor.u32 $0x2, v12;
	v11 =	vadd.f32 $0.0e+00, v11  }
0x14e: {  	vm1 =	veq.s32 v10, $0x0;
	v15 =	vadd.f32 $0.0e+00, v9;
	v9 =	vor.u32 $0x3, v12  }
0x14f: {  	v62 =	vnsel vm1, $0x0, v11  }
0x150: {  	v63 =	vnsel vm1, $0x0, v15;
	vm1 =	veq.s32 v10, $0x2;
	[tilespmem:v12+s29+$0x0] =	vst.idx.msk $0xffff, v62  }
0x151: {  	v61 =	vor.u32 $0x4, v12;
	[tilespmem:v13+s29+$0x0] =	vst.idx.msk $0xffff, v63;
	v13 =	vnsel vm1, $0x0, v11  }
0x152: {  	v18 =	vor.u32 $0x5, v12;
	[tilespmem:v14+s29+$0x0] =	vst.idx.msk $0xffff, v13;
	v13 =	vnsel vm1, $0x0, v15  }
0x153: {  	[tilespmem:v9+s29+$0x0] =	vst.idx.msk $0xffff, v13;
	v9 =	vor.u32 $0x6, v12  }
0x154: {  	vm2 =	veq.s32 v10, $0x4;
	vm1 =	veq.s32 v10, $0x6;
	v10 =	vor.u32 $0x7, v12  }
0x155: {  	v14 =	vnsel vm2, $0x0, v11  }
0x156: {  	v13 =	vnsel vm2, $0x0, v15;
	[tilespmem:v61+s29+$0x0] =	vst.idx.msk $0xffff, v14  }
0x157: {  	s18 =	smov.u32 s13;
	s16 =	smov.u32 s15;
	s11 =	simm.s32 $0x10;
	v11 =	vnsel vm1, $0x0, v11;
	v12 =	vnsel vm1, $0x0, v15;
	[tilespmem:v18+s29+$0x0] =	vst.idx.msk $0xffff, v13  }
.LBB2_16:
0x158: {  	p1 =	sne.s32 s11, $0x70;
	[tilespmem:v9+s29+$0x0] =	vst.idx.msk $0xffff, v11;
	s18 =	sadd.s32 $0x10, s18;
	s16 =	sadd.s32 $0x10, s16  }
0x159: {  	s17 =	smov.u32 s11;
	s11 =	sadd.s32 $0x10, s11;
	[tilespmem:v10+s29+$0x0] =	vst.idx.msk $0xffff, v12  }
0x15a: {  	v9 =	vld [tilespmem:s16+$0x0];
	_ =	sdelay $0x1  }
0x15b: {  	v10 =	vld [tilespmem:s18+$0x0];
	_ =	sdelay $0x2  }
0x15c: {  	vm1 =	vge.s32 v9, v0;
	vm2 =	vlt.s32 v9, v1;
	v9 =	vsub.s32 v9, v0  }
0x15d: {  	vm1 =	vmand vm1, vm2;
	v9 =	vmul.u32 $0x64, v9;
	_ =	sdelay $0x1  }
0x15e: {  	v9 =	vadd.s32 v10, v9  }
0x15f: {  	v10 =	vshra.s32 v9, $0x1F  }
0x160: {  	s21 =	sadd.s32 s17, s23;
	v10 =	vshrl.u32 v10, $0x1E  }
0x161: {  	v11 =	vmov s21;
	v10 =	vadd.s32 v10, v9  }
0x162: {  	v12 =	vor.u32 s17, v2;
	v11 =	vshll.u32 v11, $0x3;
	v10 =	vshra.s32 v10, $0x2  }
0x163: {  	v14 =	vand.u32 v7, v12;
	vm2 =	vlt.s32 v9, $0x1;
	v13 =	vshll.u32 v10, $0x2  }
0x164: {  	v15 =	vsub.s32 v9, v13;
	vm3 =	vne.s32 v9, v13;
	v9 =	vor.u32 v8, v11  }
0x165: {  	vm2 =	vmand vm2, vm3;
	v11 =	vor.u32 $0x2, v9;
	v9 =	vor.u32 $0x3, v9  }
0x166: {  	v16 =	vadd.s32 s21, v6;
	v15 =	vshll.u32 v15, $0x1;
	v13 =	vsel vm2, $0xFFFFFFFF, v3  }
0x167: {  	v10 =	vadd.s32 v13, v10;
	v13 =	vand.u32 $0x6, v15  }
0x168: {  	v10 =	vsel vm1, v10, v16  }
0x169: {  	[tilespmem:v14+s28+$0x0] =	vst.idx.msk $0xffff, v10  }
0x16a: {  	v10 =	vld.idx.msk [tilespmem:v11+s26+$0x0], $0xffff  }
0x16b: {  	v9 =	vld.idx.msk [tilespmem:v9+s26+$0x0], $0xffff;
	_ =	sdelay $0x2  }
0x16c: {  	v11 =	vshll.u32 v12, $0x3  }
0x16d: {  	v12 =	vor.u32 $0x1, v11  }
0x16e: {  	v15 =	vor.u32 $0x2, v11;
	v16 =	vor.u32 $0x4, v11;
	v14 =	vadd.f32 $0.0e+00, v10  }
0x16f: {  	vm1 =	veq.s32 v13, $0x0;
	v18 =	vor.u32 $0x3, v11;
	v17 =	vadd.f32 $0.0e+00, v9  }
0x170: {  	v19 =	vor.u32 $0x5, v11;
	v9 =	vnsel vm1, $0x0, v14  }
0x171: {  	v10 =	vnsel vm1, $0x0, v17;
	vm1 =	veq.s32 v13, $0x2;
	[tilespmem:v11+s29+$0x0] =	vst.idx.msk $0xffff, v9;
	v9 =	vor.u32 $0x6, v11  }
.Ltmp6:
0x172: {  	vm2 =	veq.s32 v13, $0x4;
	[tilespmem:v12+s29+$0x0] =	vst.idx.msk $0xffff, v10;
	v12 =	vnsel vm1, $0x0, v14;
	v10 =	vor.u32 $0x7, v11;
	(pc) =	sbr.rel @p1 .LBB2_16-.Ltmp6, $4  }
0x173: {  	v11 =	vnsel vm1, $0x0, v17;
	[tilespmem:v15+s29+$0x0] =	vst.idx.msk $0xffff, v12;
	v12 =	vnsel vm2, $0x0, v14  }
0x174: {  	vm1 =	veq.s32 v13, $0x6;
	v15 =	vnsel vm2, $0x0, v17;
	[tilespmem:v18+s29+$0x0] =	vst.idx.msk $0xffff, v11  }
0x175: {  	v11 =	vnsel vm1, $0x0, v14;
	[tilespmem:v16+s29+$0x0] =	vst.idx.msk $0xffff, v12  }
0x176: {  	v12 =	vnsel vm1, $0x0, v17;
	[tilespmem:v19+s29+$0x0] =	vst.idx.msk $0xffff, v15  }
0x177: {  	_ =	sdelay $0x3  }
0x178: {  	[tilespmem:v9+s29+$0x0] =	vst.idx.msk $0xffff, v11  }
0x179: {  	s11 =	simm.s32 @!p0 $0x1;
	[tilespmem:v10+s29+$0x0] =	vst.idx.msk $0xffff, v12  }
0x17a: {  	[spmem:s1] =	stream.indirect.scatter.add.f32 [tilespmem:s29], [sflag:$0x1], $0x8, s28, s30, $0xb8;
	[tilespmem:$0x19900] =	vst v63  }
0x17b: {  	_ =	swait.ge @!p0 [sflag:s11], $0x400  }
0x17c: {  	[sflag:s11] =	ssyncset.done @!p0 $0x0  }
0x17d: {  	[sflag:s11] =	ssyncadd.s32 @!p0 $0xFFFFFC00  }
0x17e: {  	v9 =	vld [tilespmem:s19+$0x0];
	_ =	sdelay $0x2  }
0x17f: {  	v10 =	vld [tilespmem:s20+$0x0];
	_ =	sdelay $0x1  }
0x180: {  	v11 =	vsub.s32 v9, v0  }
0x181: {  	v11 =	vmul.u32 $0x64, v11;
	_ =	sdelay $0x1  }
0x182: {  	v10 =	vadd.s32 v10, v11  }
0x183: {  	v11 =	vshra.s32 v10, $0x1F  }
0x184: {  	v11 =	vshrl.u32 v11, $0x1E  }
0x185: {  	s21 =	simm.s32 $0x0;
	s16 =	sadd.s32 $0x0, s22;
	v11 =	vadd.s32 v11, v10  }
0x186: {  	v12 =	vor.u32 s21, v2;
	v13 =	vor.u32 s16, v2;
	v11 =	vshra.s32 v11, $0x2  }
0x187: {  	v14 =	vand.u32 v7, v12;
	v16 =	vshll.u32 v13, $0x3;
	v15 =	vshll.u32 v11, $0x2  }
0x188: {  	vm1 =	vge.s32 v9, v0;
	vm2 =	vlt.s32 v10, $0x1;
	vm3 =	vne.s32 v10, v15  }
0x189: {  	vm2 =	vmand vm2, vm3;
	vm3 =	vlt.s32 v9, v1;
	v9 =	vor.u32 $0x2, v16  }
0x18a: {  	v13 =	vand.u32 $0xFFF, v13;
	v16 =	vor.u32 $0x3, v16;
	v17 =	vsel vm2, $0xFFFFFFFF, v3  }
0x18b: {  	v13 =	vadd.s32 $0x1E848, v13;
	vm1 =	vmand vm1, vm3;
	v11 =	vadd.s32 v17, v11  }
0x18c: {  	v11 =	vsel vm1, v11, v13  }
0x18d: {  	[tilespmem:v14+s31+$0x0] =	vst.idx.msk $0xffff, v11  }
0x18e: {  	v9 =	vld.idx.msk [tilespmem:v9+s26+$0x0], $0xffff  }
0x18f: {  	v11 =	vld.idx.msk [tilespmem:v16+s26+$0x0], $0xffff;
	_ =	sdelay $0x1  }
0x190: {  	v12 =	vshll.u32 v12, $0x3;
	v10 =	vsub.s32 v10, v15  }
0x191: {  	v10 =	vshll.u32 v10, $0x1;
	v13 =	vor.u32 $0x1, v12  }
0x192: {  	v10 =	vand.u32 $0x6, v10;
	v14 =	vadd.f32 $0.0e+00, v9;
	v9 =	vor.u32 $0x2, v12  }
0x193: {  	vm1 =	veq.s32 v10, $0x0;
	v15 =	vadd.f32 $0.0e+00, v11;
	v11 =	vor.u32 $0x3, v12  }
0x194: {  	v61 =	vnsel vm1, $0x0, v14  }
0x195: {  	v63 =	vnsel vm1, $0x0, v15;
	vm1 =	veq.s32 v10, $0x2;
	[tilespmem:v12+s0+$0x0] =	vst.idx.msk $0xffff, v61  }
0x196: {  	v62 =	vor.u32 $0x4, v12;
	[tilespmem:v13+s0+$0x0] =	vst.idx.msk $0xffff, v63;
	v13 =	vnsel vm1, $0x0, v14  }
0x197: {  	v18 =	vor.u32 $0x5, v12;
	[tilespmem:v9+s0+$0x0] =	vst.idx.msk $0xffff, v13;
	v9 =	vnsel vm1, $0x0, v15;
	vm1 =	veq.s32 v10, $0x4  }
0x198: {  	[tilespmem:v11+s0+$0x0] =	vst.idx.msk $0xffff, v9;
	v11 =	vnsel vm1, $0x0, v14;
	v9 =	vor.u32 $0x6, v12  }
0x199: {  	v13 =	vnsel vm1, $0x0, v15;
	vm1 =	veq.s32 v10, $0x6;
	v10 =	vor.u32 $0x7, v12;
	_ =	sdelay $0x1  }
0x19a: {  	[tilespmem:v62+s0+$0x0] =	vst.idx.msk $0xffff, v11  }
0x19b: {  	s18 =	smov.u32 s19;
	s16 =	smov.u32 s20;
	s11 =	simm.s32 $0x10;
	v11 =	vnsel vm1, $0x0, v14;
	v12 =	vnsel vm1, $0x0, v15;
	[tilespmem:v18+s0+$0x0] =	vst.idx.msk $0xffff, v13  }
.LBB2_18:
0x19c: {  	p0 =	sne.s32 s11, $0x70;
	[tilespmem:v9+s0+$0x0] =	vst.idx.msk $0xffff, v11;
	s18 =	sadd.s32 $0x10, s18;
	s16 =	sadd.s32 $0x10, s16  }
0x19d: {  	s17 =	smov.u32 s11;
	s11 =	sadd.s32 $0x10, s11;
	[tilespmem:v10+s0+$0x0] =	vst.idx.msk $0xffff, v12  }
0x19e: {  	v9 =	vld [tilespmem:s18+$0x0];
	_ =	sdelay $0x1  }
0x19f: {  	v10 =	vld [tilespmem:s16+$0x0];
	_ =	sdelay $0x2  }
0x1a0: {  	vm1 =	vge.s32 v9, v0;
	vm2 =	vlt.s32 v9, v1;
	v9 =	vsub.s32 v9, v0  }
0x1a1: {  	vm1 =	vmand vm1, vm2;
	v9 =	vmul.u32 $0x64, v9;
	_ =	sdelay $0x1  }
0x1a2: {  	v9 =	vadd.s32 v10, v9  }
0x1a3: {  	v10 =	vshra.s32 v9, $0x1F  }
0x1a4: {  	v10 =	vshrl.u32 v10, $0x1E  }
0x1a5: {  	s21 =	sadd.s32 s17, s22;
	v11 =	vor.u32 s17, v2;
	v10 =	vadd.s32 v10, v9  }
0x1a6: {  	v12 =	vor.u32 s21, v2;
	v13 =	vand.u32 v7, v11;
	v10 =	vshra.s32 v10, $0x2  }
0x1a7: {  	v15 =	vand.u32 $0xFFF, v12;
	vm2 =	vlt.s32 v9, $0x1;
	v14 =	vshll.u32 v10, $0x2  }
0x1a8: {  	v16 =	vsub.s32 v9, v14;
	vm3 =	vne.s32 v9, v14;
	v9 =	vshll.u32 v12, $0x3  }
0x1a9: {  	vm2 =	vmand vm2, vm3;
	v12 =	vor.u32 $0x2, v9;
	v9 =	vor.u32 $0x3, v9  }
0x1aa: {  	v15 =	vadd.s32 $0x1E848, v15;
	v16 =	vshll.u32 v16, $0x1;
	v14 =	vsel vm2, $0xFFFFFFFF, v3  }
0x1ab: {  	v10 =	vadd.s32 v14, v10;
	v14 =	vand.u32 $0x6, v16  }
0x1ac: {  	v10 =	vsel vm1, v10, v15  }
0x1ad: {  	[tilespmem:v13+s31+$0x0] =	vst.idx.msk $0xffff, v10  }
0x1ae: {  	v10 =	vld.idx.msk [tilespmem:v12+s26+$0x0], $0xffff  }
0x1af: {  	v9 =	vld.idx.msk [tilespmem:v9+s26+$0x0], $0xffff;
	_ =	sdelay $0x2  }
0x1b0: {  	v11 =	vshll.u32 v11, $0x3  }
0x1b1: {  	v12 =	vor.u32 $0x1, v11  }
0x1b2: {  	v15 =	vor.u32 $0x2, v11;
	v13 =	vadd.f32 $0.0e+00, v10  }
0x1b3: {  	v17 =	vor.u32 $0x3, v11;
	vm1 =	veq.s32 v14, $0x0;
	v16 =	vadd.f32 $0.0e+00, v9  }
0x1b4: {  	v18 =	vor.u32 $0x4, v11;
	v19 =	vor.u32 $0x5, v11;
	v9 =	vnsel vm1, $0x0, v13  }
0x1b5: {  	v10 =	vnsel vm1, $0x0, v16;
	vm1 =	veq.s32 v14, $0x2;
	[tilespmem:v11+s0+$0x0] =	vst.idx.msk $0xffff, v9;
	v9 =	vor.u32 $0x6, v11  }
.Ltmp7:
0x1b6: {  	[tilespmem:v12+s0+$0x0] =	vst.idx.msk $0xffff, v10;
	v12 =	vnsel vm1, $0x0, v13;
	v10 =	vor.u32 $0x7, v11;
	(pc) =	sbr.rel @p0 .LBB2_18-.Ltmp7, $4  }
0x1b7: {  	v11 =	vnsel vm1, $0x0, v16;
	vm1 =	veq.s32 v14, $0x4;
	[tilespmem:v15+s0+$0x0] =	vst.idx.msk $0xffff, v12  }
0x1b8: {  	v12 =	vnsel vm1, $0x0, v16;
	[tilespmem:v17+s0+$0x0] =	vst.idx.msk $0xffff, v11;
	v11 =	vnsel vm1, $0x0, v13;
	vm1 =	veq.s32 v14, $0x6  }
0x1b9: {  	[tilespmem:v18+s0+$0x0] =	vst.idx.msk $0xffff, v11;
	v11 =	vnsel vm1, $0x0, v13  }
0x1ba: {  	[tilespmem:v19+s0+$0x0] =	vst.idx.msk $0xffff, v12;
	v12 =	vnsel vm1, $0x0, v16  }
0x1bb: {  	s10 =	sadd.s32 $0x1, s10  }
0x1bc: {  	p0 =	sne.s32 s10, $0x8  }
.Ltmp8:
0x1bd: {  	_ = 	snop;
	(pc) =	sbr.rel @p0 .LBB2_15-.Ltmp8, $4  }
0x1be: {  	_ = 	snop  }
0x1bf: {  	[tilespmem:v9+s0+$0x0] =	vst.idx.msk $0xffff, v11;
	s23 =	sadd.s32 $0x100, s23;
	s13 =	sadd.s32 $0x100, s13;
	s15 =	sadd.s32 $0x100, s15  }
0x1c0: {  	s19 =	sadd.s32 $0x100, s19;
	s20 =	sadd.s32 $0x100, s20;
	s22 =	sadd.s32 $0x100, s22;
	[tilespmem:v10+s0+$0x0] =	vst.idx.msk $0xffff, v12  }
0x1c1: {  	[spmem:s1] =	stream.indirect.scatter.add.f32 [tilespmem:s0], [sflag:$0x1], $0x8, s31, s30, $0xb8;
	[tilespmem:$0x19900] =	vst v63  }
0x1c2: {  	s14 =	sadd.s32 $0x1, s14  }
0x1c3: {  	_ =	swait.ge [sflag:s4], $0x400;
	p0 =	sne.s32 s14, $0xA  }
.Ltmp9:
0x1c4: {  	[sflag:s4] =	ssyncset.done $0x0;
	(pc) =	sbr.rel @p0 .LBB2_14-.Ltmp9, $4  }
0x1c5: {  	[sflag:s4] =	ssyncadd.s32 $0xFFFFFC00  }
0x1c6: {  	_ =	swait.ge [sflag:s4], $0x400  }
0x1c7: {  	[sflag:s4] =	ssyncset.done $0x0  }
0x1c8: {  	[sflag:s4] =	ssyncadd.s32 $0xFFFFFC00  }
0x1c9: {  	[bflag:$0x0] =	sbarrier.arrive $0xFFFF  }
0x1ca: {  	[tilespmem:s24], [sflag:$0x2] =	stream.linear.gather [spmem:s7], $0x4000, $0x38;
	[tilespmem:$0x19900] =	vst v63  }
0x1cb: {  	_ =	swait.ge [sflag:s25], $0x4000  }
0x1cc: {  	[sflag:s25] =	ssyncset.done $0x0  }
0x1cd: {  	s10 =	rddreg [dreg:$0xd];
	[sflag:s25] =	ssyncadd.s32 $0xFFFFC000  }
0x1ce: {  	[hbm4b:s10+s2] =	stream.linear.scatter [tilespmem:s24], [sflag:$0x2], $0x4000, $0x38;
	[tilespmem:$0x19900] =	vst v63  }
0x1cf: {  	_ =	swait.ge [sflag:s25], $0x4000  }
0x1d0: {  	[sflag:s25] =	ssyncset.done $0x0  }
0x1d1: {  	s17 =	rddreg [dreg:$0x7];
	[sflag:s25] =	ssyncadd.s32 $0xFFFFC000  }
0x1d2: {  	[tilespmem:s24], [sflag:$0x2] =	stream.linear.gather [spmem:s17], $0x4000, $0x38;
	[tilespmem:$0x19900] =	vst v63  }
0x1d3: {  	_ =	swait.ge [sflag:s25], $0x4000  }
0x1d4: {  	[sflag:s25] =	ssyncset.done $0x0  }
0x1d5: {  	s18 =	rddreg [dreg:$0xe];
	[sflag:s25] =	ssyncadd.s32 $0xFFFFC000  }
0x1d6: {  	[hbm4b:s18+s2] =	stream.linear.scatter [tilespmem:s24], [sflag:$0x2], $0x4000, $0x38;
	[tilespmem:$0x19900] =	vst v63  }
0x1d7: {  	_ =	swait.ge [sflag:s25], $0x4000  }
0x1d8: {  	[sflag:s25] =	ssyncset.done $0x0  }
0x1d9: {  	s19 =	rddreg [dreg:$0x9];
	[sflag:s25] =	ssyncadd.s32 $0xFFFFC000  }
0x1da: {  	[tilespmem:s24], [sflag:$0x2] =	stream.linear.gather [spmem:s19], $0x4000, $0x38;
	[tilespmem:$0x19900] =	vst v63  }
0x1db: {  	_ =	swait.ge [sflag:s25], $0x4000  }
0x1dc: {  	[sflag:s25] =	ssyncset.done $0x0  }
0x1dd: {  	s20 =	rddreg [dreg:$0x10];
	[sflag:s25] =	ssyncadd.s32 $0xFFFFC000  }
0x1de: {  	[hbm4b:s20+s2] =	stream.linear.scatter [tilespmem:s24], [sflag:$0x2], $0x4000, $0x38;
	[tilespmem:$0x19900] =	vst v63  }
0x1df: {  	_ =	swait.ge [sflag:s25], $0x4000  }
0x1e0: {  	[sflag:s25] =	ssyncset.done $0x0  }
0x1e1: {  	s21 =	rddreg [dreg:$0xb];
	[sflag:s25] =	ssyncadd.s32 $0xFFFFC000  }
0x1e2: {  	[tilespmem:s24], [sflag:$0x2] =	stream.linear.gather [spmem:s21], $0x4000, $0x38;
	[tilespmem:$0x19900] =	vst v63  }
0x1e3: {  	_ =	swait.ge [sflag:s25], $0x4000  }
0x1e4: {  	[sflag:s25] =	ssyncset.done $0x0  }
0x1e5: {  	s22 =	rddreg [dreg:$0x11];
	[sflag:s25] =	ssyncadd.s32 $0xFFFFC000  }
0x1e6: {  	[hbm4b:s22+s2] =	stream.linear.scatter [tilespmem:s24], [sflag:$0x2], $0x4000, $0x38;
	[tilespmem:$0x19900] =	vst v63  }
0x1e7: {  	_ =	swait.ge [sflag:s25], $0x4000  }
0x1e8: {  	s9 =	sadd.s32 $0x1, s9;
	s23 =	rddreg [dreg:$0x3]  }
0x1e9: {  	p0 =	sne.s32 s9, s23  }
.Ltmp10:
0x1ea: {  	_ = 	snop;
	(pc) =	sbr.rel @p0 .LBB2_1-.Ltmp10, $3  }
0x1eb: {  	_ =	sdelay $0x1  }
0x1ec: {  	[sflag:s25] =	ssyncset.done $0x0  }
0x1ed: {  	[sflag:s25] =	ssyncadd.s32 $0xFFFFC000  }
0x1ee: {  	_ =	sfence.sel $0x180000  }
0x1ef: {  	[bflag:$0x0] =	sbarrier.arrive $0xFFFF  }
0x1f0: {  	_ =	strace $0x9000004D  }
0x1f1: {  	s0 =	stileid.u32;
	[bflag:$0x2] =	sbarrier.arrive $0xFFFF  }
0x1f2: {  	p0 =	sne.s32 s0, $0x0;
	s0 =	rddreg [dreg:$0x2]  }
0x1f3: {  	s0 =	sadd.s32 @!p0 $0x100000, s0  }
0x1f4: {  	[sflag:s0] =	ssyncadd.tile.s32 @!p0 $0x1;
	_ =	shalt  }
.Lfunc_end2:
_tile_overlayer_lowered:
.L_overlay_start_2:
0x1f5: {  	(tag) =	ssettag $0x2  }
0x1f6: {  	s0 =	rddreg [dreg:$0x0];
	s2 =	stileid.u32  }
0x1f7: {  	s1 =	rddreg [dreg:$0x1];
	p0 =	sne.s32 s2, $0x0  }
0x1f8: {  	s3 =	rddreg [dreg:$0x2];
	[bflag:$0x3] =	sbarrier.arrive $0xFFFF;
	s2 =	simm.s32 @!p0 $0x1C02  }
0x1f9: {  	[timem:s3], [sflag:s2] =	dma.local @!p0 [hbm:s0], s1  }
0x1fa: {  	s0 =	simm.s32 @!p0 $0x2  }
0x1fb: {  	_ =	swait.ge @!p0 [sflag:s0], s1  }
0x1fc: {  	s1 =	ssub.s32 @!p0 $0x0, s1;
	[sflag:s0] =	ssyncset.done @!p0 $0x0  }
0x1fd: {  	[sflag:s0] =	ssyncadd.s32 @!p0 s1  }
0x1fe: {  	[bflag:$0x3] =	sbarrier.arrive $0xFFFF  }
0x1ff: {  	_ =	shalt  }

// kernel: kernel.18.cloned.1.call-start
scs
__scs_entry_jumppad:
0x0: {  	(pc) =	sbr.rel $0x88, $3  }
0x1: {  	(tag) =	ssettag $0x0;
	lr =	simm.s32 $0x1  }
0x2: {  	[smem:$0x3F86] =	sst lr;
	_ =	strace $0xD0000000  }
0x3: {  	_ = 	snop  }
0x4: {  	_ = 	snop  }
0x5: {  	_ = 	snop  }
0x6: {  	_ = 	snop  }
0x7: {  	_ = 	snop  }
__scs_overlays_trampoline_lowered:
0x8: {  	[smem:$0x3F95] =	sst s0  }
0x9: {  	[smem:$0x3F96] =	sst s1  }
0xa: {  	[smem:$0x3F97] =	sst s2  }
0xb: {  	[smem:$0x3F98] =	sst s3  }
0xc: {  	[smem:$0x3F99] =	sst s4  }
0xd: {  	[smem:$0x3F9A] =	sst s5  }
0xe: {  	[smem:$0x3F9B] =	sst s6  }
0xf: {  	[smem:$0x3F9C] =	sst s7  }
0x10: {  	[smem:$0x3F9D] =	sst s8  }
0x11: {  	[smem:$0x3F9E] =	sst s9;
	s0 =	simm.s32 @!p0 $0x0  }
0x12: {  	s1 =	sld [smem:$0x3F84];
	s0 =	simm.s32 @p0 $0x1  }
0x13: {  	[smem:$0x3F9F] =	sst s0;
	s0 =	simm.s32 @!p1 $0x0  }
0x14: {  	s2 =	sld [smem:$0x3F83];
	s0 =	simm.s32 @p1 $0x1  }
0x15: {  	[smem:$0x3FA0] =	sst s0;
	s0 =	simm.s32 @!p2 $0x0  }
0x16: {  	s3 =	sld [smem:$0x3FDB];
	s0 =	simm.s32 @p2 $0x1  }
0x17: {  	s4 =	simm.s32 $0x1BF5;
	[smem:$0x3FA2] =	sst s0  }
0x18: {  	s0 =	sld [smem:$0x3F85];
	_ =	swait.ge [sflag:s4], $0x0  }
0x19: {  	s7 =	sld [smem:$0x3F86]  }
0x1a: {  	s8 =	sadd.s32 $0xFFFFE003, lr  }
0x1b: {  	s9 =	sadd.s32 $0xFFFFFEF7, lr;
	s5 =	simm.s32 $0xFFFFFFFF;
	p2 =	slt.u32 s8, $0xFFFFF086  }
0x1c: {  	p1 =	slt.u32 s9, $0xF7A;
	s5 =	simm.s32 @!p2 $0x0  }
0x1d: {  	s5 =	simm.s32 @p1 $0x1;
	p0 =	seq.s32 s7, s2  }
0x1e: {  	s7 =	smul.u32 @!p0 $0xF7A, s2;
	p2 =	seq.s32 @!p0 s5, $0x0  }
0x1f: {  	s9 =	smul.u32 $0xF7A, s1;
	s8 =	simm.s32 @!p0 $0x1BF5;
	p2 =	por !p2, p0  }
0x20: {  	[sflag:s8] =	ssyncset.s32 @!p0 $0xFFFFF086;
	s6 =	sadd.s32 @!p0 s3, s7;
	s7 =	simm.s32 @!p0 $0x108  }
0x21: {  	s3 =	sadd.s32 s3, s9;
	s6 =	sadd.s32 @!p0 $0x88, s6;
	s7 =	simm.s32 @p2 $0x1082  }
0x22: {  	[simem:s7], [sflag:s8] =	dma.local @!p0 [hbm:s6], $0xF7A  }
0x23: {  	s9 =	sor.u32 $0xD0000000, s2;
	s6 =	simm.s32 $0x108;
	_ =	swait.ge @!p0 [sflag:s8], $0x0  }
0x24: {  	s3 =	sadd.s32 $0x88, s3;
	s6 =	simm.s32 @!p1 $0x1082;
	[sflag:s4] =	ssyncset.s32 $0xFFFFF086  }
0x25: {  	[simem:s6], [sflag:s4] =	dma.local [hbm:s3], $0xF7A  }
0x26: {  	[smem:$0x3F86] =	sst s1;
	(tag) =	ssettag s2;
	_ =	strace s9  }
0x27: {  	s1 =	sld [smem:$0x3F96]  }
0x28: {  	s2 =	sld [smem:$0x3F97]  }
0x29: {  	s4 =	sld [smem:$0x3F99]  }
0x2a: {  	p0 =	seq.s32 s5, $0x0;
	s5 =	sld [smem:$0x3F9A]  }
0x2b: {  	s6 =	sld [smem:$0x3F9B]  }
0x2c: {  	s7 =	sld [smem:$0x3F9C]  }
0x2d: {  	s3 =	simm.s32 $0x108;
	s8 =	sld [smem:$0x3F9D]  }
0x2e: {  	s3 =	simm.s32 @!p0 $0x1082;
	s9 =	sld [smem:$0x3F9E]  }
0x2f: {  	lr =	sadd.s32 s0, s3;
	s0 =	sld [smem:$0x3F95]  }
0x30: {  	s3 =	sld [smem:$0x3F98]  }
0x31: {  	[smem:$0x3FA1] =	sst s10  }
0x32: {  	s10 =	sld [smem:$0x3F9F];
	_ =	sdelay $0x3  }
0x33: {  	p0 =	seq.s32 s10, $0x1;
	s10 =	sld [smem:$0x3FA1];
	_ =	sdelay $0x3  }
0x34: {  	[smem:$0x3FA1] =	sst s10  }
0x35: {  	s10 =	sld [smem:$0x3FA0];
	_ =	sdelay $0x3  }
0x36: {  	p1 =	seq.s32 s10, $0x1;
	s10 =	sld [smem:$0x3FA1];
	_ =	sdelay $0x3  }
0x37: {  	[smem:$0x3FA1] =	sst s10  }
0x38: {  	s10 =	sld [smem:$0x3FA2]  }
0x39: {  	_ = 	snop;
	(pc) =	sbr.ind lr, $3  }
0x3a: {  	_ = 	snop  }
0x3b: {  	_ = 	snop  }
0x3c: {  	p2 =	seq.s32 s10, $0x1;
	s10 =	sld [smem:$0x3FA1]  }
0x3d: {  	_ =	shalt  }
0x3e: {  	_ =	shalt  }
0x3f: {  	_ =	shalt  }
0x40: {  	_ =	shalt  }
0x41: {  	_ =	shalt  }
0x42: {  	_ =	shalt  }
0x43: {  	_ =	shalt  }
0x44: {  	_ =	shalt  }
0x45: {  	_ =	shalt  }
0x46: {  	_ =	shalt  }
0x47: {  	_ =	shalt  }
0x48: {  	_ =	shalt  }
0x49: {  	_ =	shalt  }
0x4a: {  	_ =	shalt  }
0x4b: {  	_ =	shalt  }
0x4c: {  	_ =	shalt  }
0x4d: {  	_ =	shalt  }
0x4e: {  	_ =	shalt  }
0x4f: {  	_ =	shalt  }
0x50: {  	_ =	shalt  }
0x51: {  	_ =	shalt  }
0x52: {  	_ =	shalt  }
0x53: {  	_ =	shalt  }
0x54: {  	_ =	shalt  }
0x55: {  	_ =	shalt  }
0x56: {  	_ =	shalt  }
0x57: {  	_ =	shalt  }
0x58: {  	_ =	shalt  }
0x59: {  	_ =	shalt  }
0x5a: {  	_ =	shalt  }
0x5b: {  	_ =	shalt  }
0x5c: {  	_ =	shalt  }
0x5d: {  	_ =	shalt  }
0x5e: {  	_ =	shalt  }
0x5f: {  	_ =	shalt  }
0x60: {  	_ =	shalt  }
0x61: {  	_ =	shalt  }
0x62: {  	_ =	shalt  }
0x63: {  	_ =	shalt  }
0x64: {  	_ =	shalt  }
0x65: {  	_ =	shalt  }
0x66: {  	_ =	shalt  }
0x67: {  	_ =	shalt  }
0x68: {  	_ =	shalt  }
0x69: {  	_ =	shalt  }
0x6a: {  	_ =	shalt  }
0x6b: {  	_ =	shalt  }
0x6c: {  	_ =	shalt  }
0x6d: {  	_ =	shalt  }
0x6e: {  	_ =	shalt  }
0x6f: {  	_ =	shalt  }
0x70: {  	_ =	shalt  }
0x71: {  	_ =	shalt  }
0x72: {  	_ =	shalt  }
0x73: {  	_ =	shalt  }
0x74: {  	_ =	shalt  }
0x75: {  	_ =	shalt  }
0x76: {  	_ =	shalt  }
0x77: {  	_ =	shalt  }
0x78: {  	_ =	shalt  }
0x79: {  	_ =	shalt  }
0x7a: {  	_ =	shalt  }
0x7b: {  	_ =	shalt  }
0x7c: {  	_ =	shalt  }
0x7d: {  	_ =	shalt  }
0x7e: {  	_ =	shalt  }
0x7f: {  	_ =	shalt  }
0x80: {  	_ =	shalt  }
0x81: {  	_ =	shalt  }
0x82: {  	_ =	shalt  }
0x83: {  	_ =	shalt  }
0x84: {  	_ =	shalt  }
0x85: {  	_ =	shalt  }
0x86: {  	_ =	shalt  }
0x87: {  	_ =	shalt  }
.Lfunc_end0:
.L_simem_size_0:
called_computation.3_lowered:
.L_overlay_start_0:
0x88: {  	s2 =	sld [smem:$0x3FD9]  }
0x89: {  	s3 =	sld [smem:$0x3FFE];
	_ =	sdelay $0x1  }
0x8a: {  	s1 =	srdreg.scid  }
0x8b: {  	s0 =	sand.u32 $0x1, s1  }
0x8c: {  	s16 =	sshll.u32 s0, $0xA;
	s2 =	sadd.s32 s3, s2  }
0x8d: {  	s2 =	sadd.s32 s2, s16  }
0x8e: {  	[smem:$0x3FAD] =	sst s2  }
0x8f: {  	_ = 	snop  }
0x90: {  	(tm) =	ssettm $0x1  }
0x91: {  	s17 =	sld [smem:$0x3FFB];
	_ =	sdelay $0x3  }
0x92: {  	_ =	strace s17  }
0x93: {  	s2 =	sld [smem:$0x3FFC];
	_ =	sdelay $0x3  }
0x94: {  	_ =	strace s2  }
0x95: {  	s2 =	sld [smem:$0x3FFD];
	_ =	sdelay $0x3  }
0x96: {  	_ =	strace s2  }
0x97: {  	_ =	strace $0x8FFFFFFF  }
0x98: {  	s18 =	sld [smem:$0x3FDB];
	_ =	sdelay $0x1  }
0x99: {  	s19 =	simm.s32 $_scs_section_size  }
0x9a: {  	s4 =	simm.s32 $_size__tile_overlayer_lowered;
	s5 =	simm.s32 $_tile_overlayer_lowered  }
0x9b: {  	s22 =	simm.s32 $0x1BFF;
	s21 =	sshll.u32 s5, $0x1;
	s2 =	sadd.s32 s19, s18  }
0x9c: {  	s6 =	simm.s32 $0x0;
	s20 =	sshll.u32 s4, $0x1;
	s4 =	sadd.s32 s21, s2  }
0x9d: {  	[timem:s6], [sflag:s22] =	dma.local [hbm:s4], s20  }
0x9e: {  	_ =	swait.ge [sflag:s22], s20  }
0x9f: {  	s3 =	ssub.s32 $0x0, s20;
	[sflag:s22] =	ssyncset.done $0x0  }
0xa0: {  	[sflag:s22] =	ssyncadd.s32 s3;
	_ =	sdelay $0x1  }
0xa1: {  	s23 =	simm.s32 $0x1B8B  }
0xa2: {  	_ =	swait.ge [sflag:s23], $0x1  }
0xa3: {  	[sflag:s23] =	ssyncset.done $0x0  }
0xa4: {  	s25 =	simm.s32 $0x1B8E;
	s24 =	sld [smem:$0x3FFE];
	[sflag:s23] =	ssyncadd.s32 $0xFFFFFFFF  }
0xa5: {  	s26 =	simm.s32 $execute0_lowered;
	[smem:$0x3FD2] =	sst s25  }
0xa6: {  	s4 =	sshll.u32 s26, $0x1;
	_ =	strace $0x8000004F;
	[dreg:$0x1] =	wrdreg $0xFFFFFFFF  }
0xa7: {  	s28 =	simm.s32 $_size_execute0_lowered;
	s2 =	sadd.s32 s2, s4;
	[dreg:$0x0] =	wrdreg $0x0  }
0xa8: {  	s4 =	sshll.u32 s28, $0x1;
	[dreg:$0x2] =	wrdreg s2  }
0xa9: {  	[dreg:$0x3] =	wrdreg s4  }
0xaa: {  	[dreg:$0x4] =	wrdreg $0xC0  }
0xab: {  	_ =	task [dreg:s6], $0x5FFFF  }
0xac: {  	[dreg:$0x1] =	wrdreg $0xFFFFFFFF  }
0xad: {  	[dreg:$0x0] =	wrdreg $0x60  }
0xae: {  	[dreg:$0x2] =	wrdreg s24  }
0xaf: {  	[dreg:$0x3] =	wrdreg $0x9  }
0xb0: {  	_ =	task.clear_ibuf [dreg:s6], $0x4FFFF;
	_ =	strace $0x9000004F  }
0xb1: {  	s29 =	simm.s32 $0x9;
	_ =	strace $0x80000051  }
0xb2: {  	_ =	swait.ge [sflag:s29], $0x1  }
0xb3: {  	[sflag:s29] =	ssyncadd.s32 $0xFFFFFFFF  }
0xb4: {  	_ =	strace $0x90000051  }
0xb5: {  	_ =	sfence  }
0xb6: {  	s30 =	sld [smem:$0x0];
	_ =	sdelay $0x2  }
0xb7: {  	s31 =	sshll.u32 s1, $0xD;
	s1 =	sshrl.u32 s1, $0x2  }
0xb8: {  	s3 =	sand.u32 $0x4000, s31;
	s1 =	sadd.s32 s1, s30  }
0xb9: {  	s0 =	sor.u32 s3, s0;
	s1 =	sshll.u32 s1, $0x11  }
0xba: {  	s0 =	sor.u32 s1, s0  }
0xbb: {  	s0 =	sadd.s32 $0x8F2B, s0  }
0xbc: {  	[sflag:s0] =	ssyncadd.remote.s32 $0x1  }
0xbd: {  	_ =	sfence.sel $0xFFFF  }
0xbe: {  	[dreg:$0x0] =	wrdreg $0xFFFFFFFF;
	(pc) =	sbr.abs _section_cstart, $3  }
0xbf: {  	[dreg:$0x1] =	wrdreg $0xFFFFFFFF  }
0xc0: {  	_ =	task.clear_ibuf [dreg:s6], $0x2FFFF;
	_ =	strace $0x9FFFFFFF  }
0xc1: {  	(tm) =	ssettm $0x7FFFFFFF  }
tec
execute0_lowered:
.L_overlay_start_1:
0x0: {  	(tag) =	ssettag $0x1  }
0x1: {  	s6 =	rddreg [dreg:$0x0]  }
0x2: {  	s0 =	rddreg [dreg:$0x1];
	s2 =	simm.s32 $0x0  }
0x3: {  	s4 =	srdreg.scid;
	s1 =	stileid.u32;
	s11 =	simm.s32 $0x18080  }
0x4: {  	s12 =	simm.s32 $0x0;
	s16 =	simm.s32 $0x0;
	s17 =	simm.s32 $0x13880  }
0x5: {  	[smem:$0x7FF] =	sst s2;
	s5 =	sand.u32 $0x1, s4;
	s7 =	sshll.u32 s1, $0x1  }
0x6: {  	s3 =	sadd.s32 $0x1AA00, s6;
	s4 =	sadd.s32 $0x146A00, s6;
	s7 =	sor.u32 s5, s7  }
0x7: {  	_ =	strace $0x80000050;
	s8 =	ssub.s32 $0x2, s5;
	s9 =	sshll.u32 s7, $0x1  }
0x8: {  	s5 =	sadd.s32 $0x3200, s6;
	s10 =	sshrl.u32 s8, $0x1;
	s9 =	sadd.s32 s9, s6  }
0x9: {  	v0 =	vlaneseq.u32;
	s8 =	ssub.s32 s8, s10;
	s6 =	smul.u32 $0x2800, s7;
	s10 =	simm.s32 $0x14080  }
0xa: {  	v0 =	vmul.u32 $0x8, v0;
	s7 =	sadd.s32 $0x5A00, s9;
	s8 =	smax.u32 s8, $0x1;
	s9 =	simm.s32 $0x1  }
.LBB2_1:
0xb: {  	[tilespmem:s2], [sflag:$0x1] =	stream.linear.gather [hbm4b:s5+s2], $0x13880, $0x38;
	[tilespmem:$0x18090] =	vst v63  }
0xc: {  	_ =	swait.ge [sflag:s9], $0x13880  }
0xd: {  	[sflag:s9] =	ssyncset.done $0x0  }
0xe: {  	v1 =	vimm.f32 $0.0e+00;
	v2 =	vimm.f32 $0.0e+00;
	s13 =	simm.s32 $0x0;
	[sflag:s9] =	ssyncadd.s32 $0xFFFEC780  }
.LBB2_2:
0xf: {  	s14 =	sshll.u32 s13, $0xB  }
0x10: {  	s14 =	sadd.s32 s6, s14  }
0x11: {  	s15 =	sshrl.u32 s14, $0x3  }
0x12: {  	s15 =	sadd.s32 s3, s15  }
0x13: {  	[tilespmem:s17], [sflag:$0x1] =	stream.linear.gather [hbm4b:s15+s16], $0x800, $0x38;
	[tilespmem:$0x18090] =	vst v63  }
0x14: {  	_ =	swait.ge [sflag:s9], $0x800  }
0x15: {  	[sflag:s9] =	ssyncset.done $0x0  }
0x16: {  	s14 =	sadd.s32 s4, s14;
	[sflag:s9] =	ssyncadd.s32 $0xFFFFF800  }
0x17: {  	[tilespmem:s10], [sflag:$0x1] =	stream.linear.gather [hbm4b:s14+s16], $0x4000, $0x38;
	[tilespmem:$0x18090] =	vst v63  }
0x18: {  	_ =	swait.ge [sflag:s9], $0x4000  }
0x19: {  	[sflag:s9] =	ssyncset.done $0x0  }
0x1a: {  	v4 =	vmov s16;
	[sflag:s9] =	ssyncadd.s32 $0xFFFFC000  }
0x1b: {  	v4 =	vshll.u32 v4, $0x3;
	v3 =	vld [tilespmem:s17+$0x0]  }
0x1c: {  	v4 =	vor.u32 v0, v4  }
0x1d: {  	v5 =	vor.u32 $0x4, v4  }
0x1e: {  	v6 =	vor.u32 $0x5, v4  }
0x1f: {  	s26 =	simm.s32 $0x13890;
	s28 =	simm.s32 $0x10;
	v9 =	vor.u32 $0x6, v4  }
0x20: {  	v11 =	vmov s28;
	v8 =	vld [tilespmem:s26+$0x0];
	v3 =	vshll.u32 v3, $0x3  }
0x21: {  	v11 =	vshll.u32 v11, $0x3;
	v4 =	vor.u32 $0x7, v4  }
0x22: {  	v11 =	vor.u32 v0, v11;
	v5 =	vld.idx.msk [tilespmem:v5+s10+$0x0], $0xffff;
	v7 =	vor.u32 $0x1, v3  }
0x23: {  	v13 =	vor.u32 $0x4, v11;
	v6 =	vld.idx.msk [tilespmem:v6+s10+$0x0], $0xffff  }
0x24: {  	v9 =	vld.idx.msk [tilespmem:v9+s10+$0x0], $0xffff;
	v10 =	vor.u32 $0x2, v3  }
0x25: {  	v8 =	vshll.u32 v8, $0x3;
	v12 =	vld.idx.msk [tilespmem:v3+s2+$0x0], $0xffff  }
0x26: {  	v15 =	vld.idx.msk [tilespmem:v4+s10+$0x0], $0xffff;
	v3 =	vor.u32 $0x3, v3  }
0x27: {  	v7 =	vld.idx.msk [tilespmem:v7+s2+$0x0], $0xffff  }
0x28: {  	v13 =	vld.idx.msk [tilespmem:v13+s10+$0x0], $0xffff  }
0x29: {  	v14 =	vor.u32 $0x5, v11;
	v10 =	vld.idx.msk [tilespmem:v10+s2+$0x0], $0xffff  }
0x2a: {  	v16 =	vor.u32 $0x1, v8;
	v19 =	vld.idx.msk [tilespmem:v8+s2+$0x0], $0xffff;
	v4 =	vmul.f32 v5, v12  }
0x2b: {  	s30 =	simm.s32 $0x138A0;
	v17 =	vor.u32 $0x6, v11;
	v3 =	vld.idx.msk [tilespmem:v3+s2+$0x0], $0xffff  }
0x2c: {  	s29 =	simm.s32 $0x20;
	v11 =	vor.u32 $0x7, v11;
	v12 =	vld [tilespmem:s30+$0x0];
	v6 =	vmul.f32 v6, v7;
	v4 =	vadd.f32 $0.0e+00, v4  }
0x2d: {  	v18 =	vor.u32 $0x2, v8;
	v8 =	vor.u32 $0x3, v8;
	v5 =	vmov s29  }
0x2e: {  	v20 =	vld.idx.msk [tilespmem:v14+s10+$0x0], $0xffff;
	v5 =	vshll.u32 v5, $0x3;
	v7 =	vmul.f32 v9, v10;
	v6 =	vadd.f32 v6, v4  }
0x2f: {  	v21 =	vld.idx.msk [tilespmem:v16+s2+$0x0], $0xffff;
	v4 =	vor.u32 v0, v5  }
0x30: {  	v5 =	vld.idx.msk [tilespmem:v17+s10+$0x0], $0xffff;
	v22 =	vor.u32 $0x4, v4;
	v10 =	vmul.f32 v15, v3;
	v9 =	vadd.f32 v7, v6  }
0x31: {  	v3 =	vld.idx.msk [tilespmem:v11+s10+$0x0], $0xffff;
	v11 =	vmul.f32 v13, v19;
	v6 =	vshll.u32 v12, $0x3  }
0x32: {  	v14 =	vor.u32 $0x5, v4;
	v7 =	vld.idx.msk [tilespmem:v18+s2+$0x0], $0xffff;
	v10 =	vadd.f32 v10, v9  }
0x33: {  	s31 =	simm.s32 $0x30;
	s14 =	simm.s32 $0x138B0;
	v12 =	vor.u32 $0x1, v6;
	v9 =	vld.idx.msk [tilespmem:v8+s2+$0x0], $0xffff  }
0x34: {  	v16 =	vmov s31;
	v13 =	vor.u32 $0x6, v4;
	v8 =	vld [tilespmem:s14+$0x0];
	v10 =	vsub.f32 v10, v2  }
0x35: {  	s15 =	simm.s32 $0x40;
	v18 =	vmul.f32 v20, v21;
	v15 =	vor.u32 $0x2, v6;
	v17 =	vadd.f32 $0.0e+00, v11;
	v11 =	vmovc v1;
	v2 =	vld.idx.msk [tilespmem:v22+s10+$0x0], $0xffff  }
.LBB2_3:
0x36: {  	p0 =	sne.s32 s15, $0x7F0;
	v16 =	vshll.u32 v16, $0x3;
	v19 =	vld.idx.msk [tilespmem:v6+s2+$0x0], $0xffff;
	v20 =	vor.u32 $0x7, v4;
	v1 =	vadd.f32 v10, v1  }
0x37: {  	v22 =	vor.u32 $0x3, v6;
	v7 =	vmul.f32 v5, v7;
	v21 =	vld.idx.msk [tilespmem:v14+s10+$0x0], $0xffff;
	v6 =	vadd.f32 v18, v17  }
0x38: {  	v4 =	vor.u32 v0, v16;
	v18 =	vld.idx.msk [tilespmem:v12+s2+$0x0], $0xffff;
	v12 =	vsub.f32 v1, v11;
	v11 =	vmov v1  }
0x39: {  	v17 =	vor.u32 $0x4, v4;
	v9 =	vmul.f32 v3, v9;
	v5 =	vld.idx.msk [tilespmem:v13+s10+$0x0], $0xffff;
	v13 =	vadd.f32 v7, v6  }
.Ltmp0:
0x3a: {  	v6 =	vshll.u32 v8, $0x3;
	v7 =	vld.idx.msk [tilespmem:v15+s2+$0x0], $0xffff;
	v10 =	vsub.f32 v12, v10;
	(pc) =	sbr.rel @p0 .LBB2_3-.Ltmp0, $4  }
0x3b: {  	v14 =	vor.u32 $0x5, v4;
	v3 =	vld.idx.msk [tilespmem:v20+s10+$0x0], $0xffff;
	v15 =	vadd.f32 v9, v13  }
0x3c: {  	s14 =	sadd.s32 $0x10, s14;
	v12 =	vor.u32 $0x1, v6;
	v19 =	vmul.f32 v2, v19;
	v9 =	vld.idx.msk [tilespmem:v22+s2+$0x0], $0xffff  }
0x3d: {  	v16 =	vmov s15;
	v13 =	vor.u32 $0x6, v4;
	v8 =	vld [tilespmem:s14+$0x0];
	v10 =	vsub.f32 v15, v10  }
0x3e: {  	s15 =	sadd.s32 $0x10, s15;
	v15 =	vor.u32 $0x2, v6;
	v18 =	vmul.f32 v21, v18;
	v2 =	vld.idx.msk [tilespmem:v17+s10+$0x0], $0xffff;
	v17 =	vadd.f32 $0.0e+00, v19  }
0x3f: {  	_ =	sdelay $0x3  }
0x40: {  	v16 =	vshll.u32 v16, $0x3;
	v19 =	vld.idx.msk [tilespmem:v6+s2+$0x0], $0xffff  }
0x41: {  	v1 =	vadd.f32 v10, v1;
	v4 =	vor.u32 $0x7, v4;
	v5 =	vmul.f32 v5, v7;
	v42 =	vld.idx.msk [tilespmem:v14+s10+$0x0], $0xffff  }
0x42: {  	v43 =	vor.u32 $0x3, v6;
	v12 =	vld.idx.msk [tilespmem:v12+s2+$0x0], $0xffff;
	v17 =	vadd.f32 v18, v17;
	v44 =	vor.u32 v0, v16  }
0x43: {  	v45 =	vld.idx.msk [tilespmem:v13+s10+$0x0], $0xffff;
	v11 =	vsub.f32 v1, v11;
	v16 =	vor.u32 $0x4, v44  }
0x44: {  	v46 =	vld.idx.msk [tilespmem:v15+s2+$0x0], $0xffff;
	v3 =	vmul.f32 v3, v9;
	v5 =	vadd.f32 v5, v17;
	v8 =	vshll.u32 v8, $0x3  }
0x45: {  	v48 =	vor.u32 $0x5, v44;
	v47 =	vsub.f32 v11, v10  }
0x46: {  	v49 =	vor.u32 $0x1, v8;
	v3 =	vadd.f32 v3, v5;
	v4 =	vld.idx.msk [tilespmem:v4+s10+$0x0], $0xffff;
	v2 =	vmul.f32 v2, v19  }
0x47: {  	v50 =	vor.u32 $0x6, v44;
	v52 =	vor.u32 $0x2, v8;
	v6 =	vld.idx.msk [tilespmem:v43+s2+$0x0], $0xffff  }
0x48: {  	v7 =	vmul.f32 v42, v12;
	v3 =	vsub.f32 v3, v47;
	v51 =	vld.idx.msk [tilespmem:v16+s10+$0x0], $0xffff;
	v2 =	vadd.f32 $0.0e+00, v2  }
0x49: {  	v14 =	vor.u32 $0x7, v44;
	v55 =	vmul.f32 v45, v46;
	v53 =	vld.idx.msk [tilespmem:v8+s2+$0x0], $0xffff  }
0x4a: {  	v11 =	vld.idx.msk [tilespmem:v48+s10+$0x0], $0xffff;
	v8 =	vor.u32 $0x3, v8;
	v54 =	vadd.f32 v3, v1;
	v2 =	vadd.f32 v7, v2  }
0x4b: {  	v5 =	vld.idx.msk [tilespmem:v49+s2+$0x0], $0xffff  }
0x4c: {  	v56 =	vld.idx.msk [tilespmem:v50+s10+$0x0], $0xffff;
	v4 =	vmul.f32 v4, v6;
	v1 =	vsub.f32 v54, v1;
	v2 =	vadd.f32 v55, v2  }
0x4d: {  	v57 =	vld.idx.msk [tilespmem:v52+s2+$0x0], $0xffff  }
0x4e: {  	v1 =	vsub.f32 v1, v3;
	v3 =	vld.idx.msk [tilespmem:v14+s10+$0x0], $0xffff;
	v2 =	vadd.f32 v4, v2;
	v58 =	vmul.f32 v51, v53  }
0x4f: {  	v59 =	vld.idx.msk [tilespmem:v8+s2+$0x0], $0xffff  }
0x50: {  	v60 =	vmul.f32 v11, v5;
	v1 =	vsub.f32 v2, v1;
	v2 =	vadd.f32 $0.0e+00, v58;
	_ =	sdelay $0x1  }
0x51: {  	v62 =	vmul.f32 v56, v57;
	v61 =	vadd.f32 v1, v54;
	v2 =	vadd.f32 v60, v2;
	_ =	sdelay $0x1  }
0x52: {  	v3 =	vmul.f32 v3, v59;
	v63 =	vsub.f32 v61, v54;
	v2 =	vadd.f32 v62, v2;
	_ =	sdelay $0x1  }
0x53: {  	v1 =	vsub.f32 v63, v1;
	v2 =	vadd.f32 v3, v2;
	_ =	sdelay $0x1  }
0x54: {  	s13 =	sadd.s32 $0x1, s13;
	v2 =	vsub.f32 v2, v1  }
0x55: {  	p0 =	sne.s32 s13, $0x5  }
.Ltmp1:
0x56: {  	v1 =	vadd.f32 v2, v61;
	(pc) =	sbr.rel @p0 .LBB2_2-.Ltmp1, $3  }
0x57: {  	_ = 	snop  }
0x58: {  	v3 =	vsub.f32 v1, v61;
	_ =	sdelay $0x1  }
0x59: {  	v2 =	vsub.f32 v3, v2  }
0x5a: {  	_ = 	snop  }
0x5b: {  	s12 =	sadd.s32 $0x1, s12;
	v1 =	vsub.f32 v1, v2  }
0x5c: {  	p0 =	sne.s32 s12, s8  }
.Ltmp2:
0x5d: {  	[tilespmem:$0x18080] =	vst v1;
	(pc) =	sbr.rel @p0 .LBB2_1-.Ltmp2, $4  }
0x5e: {  	[hbm4b:s7+s2] =	stream.linear.scatter [tilespmem:s11], [sflag:$0x1], $0x10, $0x38;
	[tilespmem:$0x18090] =	vst v63  }
0x5f: {  	_ =	swait.ge [sflag:s9], $0x10  }
0x60: {  	[sflag:s9] =	ssyncset.done $0x0  }
0x61: {  	[sflag:s9] =	ssyncadd.s32 $0xFFFFFFF0  }
0x62: {  	_ =	sfence.sel $0x180000  }
0x63: {  	[bflag:$0x0] =	sbarrier.arrive $0xFFFF  }
0x64: {  	p0 =	sne.s32 s1, $0x0;
	_ =	strace $0x90000050  }
0x65: {  	s0 =	sadd.s32 @!p0 $0x100000, s0;
	[bflag:$0x2] =	sbarrier.arrive $0xFFFF  }
0x66: {  	[sflag:s0] =	ssyncadd.tile.s32 @!p0 $0x1;
	_ =	shalt  }
.Lfunc_end2:
_tile_overlayer_lowered:
.L_overlay_start_2:
0x67: {  	(tag) =	ssettag $0x2  }
0x68: {  	s0 =	rddreg [dreg:$0x0];
	s2 =	stileid.u32  }
0x69: {  	s1 =	rddreg [dreg:$0x1];
	p0 =	sne.s32 s2, $0x0  }
0x6a: {  	s3 =	rddreg [dreg:$0x2];
	[bflag:$0x3] =	sbarrier.arrive $0xFFFF;
	s2 =	simm.s32 @!p0 $0x1C01  }
0x6b: {  	[timem:s3], [sflag:s2] =	dma.local @!p0 [hbm:s0], s1  }
0x6c: {  	s0 =	simm.s32 @!p0 $0x1  }
0x6d: {  	_ =	swait.ge @!p0 [sflag:s0], s1  }
0x6e: {  	s1 =	ssub.s32 @!p0 $0x0, s1;
	[sflag:s0] =	ssyncset.done @!p0 $0x0  }
0x6f: {  	[sflag:s0] =	ssyncadd.s32 @!p0 s1  }
0x70: {  	[bflag:$0x3] =	sbarrier.arrive $0xFFFF  }
0x71: {  	_ =	shalt  }

// kernel: kernel.9.cloned.1.call-start
scs
__scs_entry_jumppad:
0x0: {  	(pc) =	sbr.rel $0x88, $3  }
0x1: {  	(tag) =	ssettag $0x0;
	lr =	simm.s32 $0x1  }
0x2: {  	[smem:$0x3F86] =	sst lr;
	_ =	strace $0xD0000000  }
0x3: {  	_ = 	snop  }
0x4: {  	_ = 	snop  }
0x5: {  	_ = 	snop  }
0x6: {  	_ = 	snop  }
0x7: {  	_ = 	snop  }
__scs_overlays_trampoline_lowered:
0x8: {  	[smem:$0x3F95] =	sst s0  }
0x9: {  	[smem:$0x3F96] =	sst s1  }
0xa: {  	[smem:$0x3F97] =	sst s2  }
0xb: {  	[smem:$0x3F98] =	sst s3  }
0xc: {  	[smem:$0x3F99] =	sst s4  }
0xd: {  	[smem:$0x3F9A] =	sst s5  }
0xe: {  	[smem:$0x3F9B] =	sst s6  }
0xf: {  	[smem:$0x3F9C] =	sst s7  }
0x10: {  	[smem:$0x3F9D] =	sst s8  }
0x11: {  	[smem:$0x3F9E] =	sst s9;
	s0 =	simm.s32 @!p0 $0x0  }
0x12: {  	s1 =	sld [smem:$0x3F84];
	s0 =	simm.s32 @p0 $0x1  }
0x13: {  	[smem:$0x3F9F] =	sst s0;
	s0 =	simm.s32 @!p1 $0x0  }
0x14: {  	s2 =	sld [smem:$0x3F83];
	s0 =	simm.s32 @p1 $0x1  }
0x15: {  	[smem:$0x3FA0] =	sst s0;
	s0 =	simm.s32 @!p2 $0x0  }
0x16: {  	s3 =	sld [smem:$0x3FDB];
	s0 =	simm.s32 @p2 $0x1  }
0x17: {  	s4 =	simm.s32 $0x1BF5;
	[smem:$0x3FA2] =	sst s0  }
0x18: {  	s0 =	sld [smem:$0x3F85];
	_ =	swait.ge [sflag:s4], $0x0  }
0x19: {  	s7 =	sld [smem:$0x3F86]  }
0x1a: {  	s8 =	sadd.s32 $0xFFFFE003, lr  }
0x1b: {  	s9 =	sadd.s32 $0xFFFFFEF7, lr;
	s5 =	simm.s32 $0xFFFFFFFF;
	p2 =	slt.u32 s8, $0xFFFFF086  }
0x1c: {  	p1 =	slt.u32 s9, $0xF7A;
	s5 =	simm.s32 @!p2 $0x0  }
0x1d: {  	s5 =	simm.s32 @p1 $0x1;
	p0 =	seq.s32 s7, s2  }
0x1e: {  	s7 =	smul.u32 @!p0 $0xF7A, s2;
	p2 =	seq.s32 @!p0 s5, $0x0  }
0x1f: {  	s9 =	smul.u32 $0xF7A, s1;
	s8 =	simm.s32 @!p0 $0x1BF5;
	p2 =	por !p2, p0  }
0x20: {  	[sflag:s8] =	ssyncset.s32 @!p0 $0xFFFFF086;
	s6 =	sadd.s32 @!p0 s3, s7;
	s7 =	simm.s32 @!p0 $0x108  }
0x21: {  	s3 =	sadd.s32 s3, s9;
	s6 =	sadd.s32 @!p0 $0x88, s6;
	s7 =	simm.s32 @p2 $0x1082  }
0x22: {  	[simem:s7], [sflag:s8] =	dma.local @!p0 [hbm:s6], $0xF7A  }
0x23: {  	s9 =	sor.u32 $0xD0000000, s2;
	s6 =	simm.s32 $0x108;
	_ =	swait.ge @!p0 [sflag:s8], $0x0  }
0x24: {  	s3 =	sadd.s32 $0x88, s3;
	s6 =	simm.s32 @!p1 $0x1082;
	[sflag:s4] =	ssyncset.s32 $0xFFFFF086  }
0x25: {  	[simem:s6], [sflag:s4] =	dma.local [hbm:s3], $0xF7A  }
0x26: {  	[smem:$0x3F86] =	sst s1;
	(tag) =	ssettag s2;
	_ =	strace s9  }
0x27: {  	s1 =	sld [smem:$0x3F96]  }
0x28: {  	s2 =	sld [smem:$0x3F97]  }
0x29: {  	s4 =	sld [smem:$0x3F99]  }
0x2a: {  	p0 =	seq.s32 s5, $0x0;
	s5 =	sld [smem:$0x3F9A]  }
0x2b: {  	s6 =	sld [smem:$0x3F9B]  }
0x2c: {  	s7 =	sld [smem:$0x3F9C]  }
0x2d: {  	s3 =	simm.s32 $0x108;
	s8 =	sld [smem:$0x3F9D]  }
0x2e: {  	s3 =	simm.s32 @!p0 $0x1082;
	s9 =	sld [smem:$0x3F9E]  }
0x2f: {  	lr =	sadd.s32 s0, s3;
	s0 =	sld [smem:$0x3F95]  }
0x30: {  	s3 =	sld [smem:$0x3F98]  }
0x31: {  	[smem:$0x3FA1] =	sst s10  }
0x32: {  	s10 =	sld [smem:$0x3F9F];
	_ =	sdelay $0x3  }
0x33: {  	p0 =	seq.s32 s10, $0x1;
	s10 =	sld [smem:$0x3FA1];
	_ =	sdelay $0x3  }
0x34: {  	[smem:$0x3FA1] =	sst s10  }
0x35: {  	s10 =	sld [smem:$0x3FA0];
	_ =	sdelay $0x3  }
0x36: {  	p1 =	seq.s32 s10, $0x1;
	s10 =	sld [smem:$0x3FA1];
	_ =	sdelay $0x3  }
0x37: {  	[smem:$0x3FA1] =	sst s10  }
0x38: {  	s10 =	sld [smem:$0x3FA2]  }
0x39: {  	_ = 	snop;
	(pc) =	sbr.ind lr, $3  }
0x3a: {  	_ = 	snop  }
0x3b: {  	_ = 	snop  }
0x3c: {  	p2 =	seq.s32 s10, $0x1;
	s10 =	sld [smem:$0x3FA1]  }
0x3d: {  	_ =	shalt  }
0x3e: {  	_ =	shalt  }
0x3f: {  	_ =	shalt  }
0x40: {  	_ =	shalt  }
0x41: {  	_ =	shalt  }
0x42: {  	_ =	shalt  }
0x43: {  	_ =	shalt  }
0x44: {  	_ =	shalt  }
0x45: {  	_ =	shalt  }
0x46: {  	_ =	shalt  }
0x47: {  	_ =	shalt  }
0x48: {  	_ =	shalt  }
0x49: {  	_ =	shalt  }
0x4a: {  	_ =	shalt  }
0x4b: {  	_ =	shalt  }
0x4c: {  	_ =	shalt  }
0x4d: {  	_ =	shalt  }
0x4e: {  	_ =	shalt  }
0x4f: {  	_ =	shalt  }
0x50: {  	_ =	shalt  }
0x51: {  	_ =	shalt  }
0x52: {  	_ =	shalt  }
0x53: {  	_ =	shalt  }
0x54: {  	_ =	shalt  }
0x55: {  	_ =	shalt  }
0x56: {  	_ =	shalt  }
0x57: {  	_ =	shalt  }
0x58: {  	_ =	shalt  }
0x59: {  	_ =	shalt  }
0x5a: {  	_ =	shalt  }
0x5b: {  	_ =	shalt  }
0x5c: {  	_ =	shalt  }
0x5d: {  	_ =	shalt  }
0x5e: {  	_ =	shalt  }
0x5f: {  	_ =	shalt  }
0x60: {  	_ =	shalt  }
0x61: {  	_ =	shalt  }
0x62: {  	_ =	shalt  }
0x63: {  	_ =	shalt  }
0x64: {  	_ =	shalt  }
0x65: {  	_ =	shalt  }
0x66: {  	_ =	shalt  }
0x67: {  	_ =	shalt  }
0x68: {  	_ =	shalt  }
0x69: {  	_ =	shalt  }
0x6a: {  	_ =	shalt  }
0x6b: {  	_ =	shalt  }
0x6c: {  	_ =	shalt  }
0x6d: {  	_ =	shalt  }
0x6e: {  	_ =	shalt  }
0x6f: {  	_ =	shalt  }
0x70: {  	_ =	shalt  }
0x71: {  	_ =	shalt  }
0x72: {  	_ =	shalt  }
0x73: {  	_ =	shalt  }
0x74: {  	_ =	shalt  }
0x75: {  	_ =	shalt  }
0x76: {  	_ =	shalt  }
0x77: {  	_ =	shalt  }
0x78: {  	_ =	shalt  }
0x79: {  	_ =	shalt  }
0x7a: {  	_ =	shalt  }
0x7b: {  	_ =	shalt  }
0x7c: {  	_ =	shalt  }
0x7d: {  	_ =	shalt  }
0x7e: {  	_ =	shalt  }
0x7f: {  	_ =	shalt  }
0x80: {  	_ =	shalt  }
0x81: {  	_ =	shalt  }
0x82: {  	_ =	shalt  }
0x83: {  	_ =	shalt  }
0x84: {  	_ =	shalt  }
0x85: {  	_ =	shalt  }
0x86: {  	_ =	shalt  }
0x87: {  	_ =	shalt  }
.Lfunc_end0:
.L_simem_size_0:
called_computation_lowered:
.L_overlay_start_0:
0x88: {  	s2 =	sld [smem:$0x3FD9]  }
0x89: {  	s3 =	sld [smem:$0x3FFE];
	_ =	sdelay $0x1  }
0x8a: {  	s1 =	srdreg.scid  }
0x8b: {  	s0 =	sand.u32 $0x1, s1  }
0x8c: {  	s17 =	sshll.u32 s0, $0xA;
	s2 =	sadd.s32 s3, s2  }
0x8d: {  	s2 =	sadd.s32 s2, s17  }
0x8e: {  	[smem:$0x3FAD] =	sst s2  }
0x8f: {  	_ = 	snop  }
0x90: {  	s2 =	sld [smem:$0x3FC9];
	(tm) =	ssettm $0x1  }
0x91: {  	s18 =	sld [smem:$0x3FFB];
	_ =	sdelay $0x3  }
0x92: {  	_ =	strace s18  }
0x93: {  	s3 =	sld [smem:$0x3FFC];
	_ =	sdelay $0x3  }
0x94: {  	_ =	strace s3  }
0x95: {  	s3 =	sld [smem:$0x3FFD];
	_ =	sdelay $0x3  }
0x96: {  	_ =	strace s3  }
0x97: {  	_ =	strace $0x8FFFFFFF  }
0x98: {  	s19 =	sld [smem:$0x3FDB];
	_ =	sdelay $0x1  }
0x99: {  	s4 =	simm.s32 $_scs_section_size  }
0x9a: {  	s5 =	simm.s32 $_size__tile_overlayer_lowered;
	s6 =	simm.s32 $_tile_overlayer_lowered  }
0x9b: {  	s22 =	simm.s32 $0x1BFF;
	s21 =	sshll.u32 s6, $0x1;
	s3 =	sadd.s32 s4, s19  }
0x9c: {  	s7 =	simm.s32 $0x0;
	s20 =	sshll.u32 s5, $0x1;
	s5 =	sadd.s32 s21, s3  }
0x9d: {  	[timem:s7], [sflag:s22] =	dma.local [hbm:s5], s20  }
0x9e: {  	_ =	swait.ge [sflag:s22], s20  }
0x9f: {  	s4 =	ssub.s32 $0x0, s20;
	[sflag:s22] =	ssyncset.done $0x0  }
0xa0: {  	[sflag:s22] =	ssyncadd.s32 s4;
	_ =	sdelay $0x1  }
0xa1: {  	s23 =	simm.s32 $0x1B8B  }
0xa2: {  	_ =	swait.ge [sflag:s23], $0x1  }
0xa3: {  	[sflag:s23] =	ssyncset.done $0x0  }
0xa4: {  	s25 =	simm.s32 $0x1B8E;
	s24 =	sld [smem:$0x3FFE];
	[sflag:s23] =	ssyncadd.s32 $0xFFFFFFFF  }
0xa5: {  	s26 =	simm.s32 $execute0_lowered;
	[smem:$0x3FD2] =	sst s25  }
0xa6: {  	s5 =	sshll.u32 s26, $0x1;
	_ =	strace $0x80000046;
	[dreg:$0x1] =	wrdreg $0xFFFFFFFF  }
0xa7: {  	s28 =	simm.s32 $_size_execute0_lowered;
	s3 =	sadd.s32 s3, s5;
	[dreg:$0x0] =	wrdreg $0x0  }
0xa8: {  	s5 =	sshll.u32 s28, $0x1;
	[dreg:$0x2] =	wrdreg s3  }
0xa9: {  	[dreg:$0x3] =	wrdreg s5  }
0xaa: {  	[dreg:$0x4] =	wrdreg $0xC0  }
0xab: {  	_ =	task [dreg:s7], $0x5FFFF  }
0xac: {  	[dreg:$0x1] =	wrdreg $0xFFFFFFFF  }
0xad: {  	[dreg:$0x0] =	wrdreg $0x60  }
0xae: {  	[dreg:$0x2] =	wrdreg s2  }
0xaf: {  	[dreg:$0x3] =	wrdreg s24  }
0xb0: {  	[dreg:$0x4] =	wrdreg $0x9  }
0xb1: {  	_ =	task.clear_ibuf [dreg:s7], $0x5FFFF;
	_ =	strace $0x90000046  }
0xb2: {  	s29 =	simm.s32 $0x9;
	_ =	strace $0x80000048  }
0xb3: {  	_ =	swait.ge [sflag:s29], $0x1  }
0xb4: {  	[sflag:s29] =	ssyncadd.s32 $0xFFFFFFFF  }
0xb5: {  	_ =	strace $0x90000048  }
0xb6: {  	_ =	sfence  }
0xb7: {  	s30 =	sld [smem:$0x0];
	_ =	sdelay $0x2  }
0xb8: {  	s31 =	sshll.u32 s1, $0xD;
	s1 =	sshrl.u32 s1, $0x2  }
0xb9: {  	s3 =	sand.u32 $0x4000, s31;
	s1 =	sadd.s32 s1, s30  }
0xba: {  	s0 =	sor.u32 s3, s0;
	s1 =	sshll.u32 s1, $0x11  }
0xbb: {  	s0 =	sor.u32 s1, s0  }
0xbc: {  	s0 =	sadd.s32 $0x8F2B, s0  }
0xbd: {  	[sflag:s0] =	ssyncadd.remote.s32 $0x1  }
0xbe: {  	_ =	sfence.sel $0xFFFF  }
0xbf: {  	[dreg:$0x0] =	wrdreg $0xFFFFFFFF;
	(pc) =	sbr.abs _section_cstart, $3  }
0xc0: {  	[dreg:$0x1] =	wrdreg $0xFFFFFFFF  }
0xc1: {  	_ =	task.clear_ibuf [dreg:s7], $0x2FFFF;
	_ =	strace $0x9FFFFFFF  }
0xc2: {  	(tm) =	ssettm $0x7FFFFFFF  }
0xc3: {  	_ =	shalt  }
tec
execute0_lowered:
.L_overlay_start_1:
0x0: {  	(tag) =	ssettag $0x1  }
0x1: {  	s0 =	rddreg [dreg:$0x1];
	s2 =	simm.s32 $0x0;
	s23 =	srdreg.scid  }
0x2: {  	s8 =	stileid.u32;
	s17 =	simm.s32 $0x1;
	s18 =	simm.s32 $0x2710  }
0x3: {  	s19 =	simm.s32 $0x5910;
	s20 =	simm.s32 $0x8B10;
	s21 =	simm.s32 $0xBD10  }
0x4: {  	s28 =	simm.s32 $0xD830;
	s29 =	simm.s32 $0xF830;
	s30 =	simm.s32 $0x11830  }
0x5: {  	s31 =	simm.s32 $0xCC30;
	[smem:$0x7FF] =	sst s2;
	s3 =	sadd.s32 $0x1AA00, s0  }
0x6: {  	s4 =	sadd.s32 $0x10A00, s0;
	s5 =	sadd.s32 $0x6A00, s0;
	s1 =	sadd.s32 $0x5000, s0  }
0x7: {  	s22 =	sadd.s32 $0x5A00, s0;
	s6 =	sadd.s32 $0x6200, s0;
	s24 =	sadd.s32 $0x5800, s0  }
0x8: {  	s11 =	sadd.s32 $0x114A00, s0;
	_ =	strace $0x80000047;
	[dreg:$0x3] =	wrdreg s1  }
0x9: {  	s12 =	sadd.s32 $0x24A00, s0;
	s8 =	sshll.u32 s8, $0x1;
	[dreg:$0x4] =	wrdreg s22  }
0xa: {  	s13 =	sadd.s32 $0x74A00, s0;
	[dreg:$0x5] =	wrdreg s6;
	s1 =	sand.u32 $0x1, s23  }
0xb: {  	s14 =	sadd.s32 $0xC4A00, s0;
	[dreg:$0x6] =	wrdreg s24;
	s25 =	ssub.s32 $0x2, s1  }
0xc: {  	s22 =	simm.s32 $0xC030;
	s23 =	simm.s32 $0xC430;
	s7 =	sshrl.u32 s25, $0x1  }
0xd: {  	s24 =	simm.s32 $0xC830;
	s1 =	sor.u32 s1, s8;
	s6 =	ssub.s32 s25, s7  }
0xe: {  	v1 =	vlaneseq.u32;
	s15 =	smul.u32 $0x2800, s1;
	s1 =	simm.s32 $0x0;
	s26 =	smax.u32 s6, $0x1  }
0xf: {  	v0 =	vshrl.u32 v1, $0x3;
	v1 =	vand.u32 $0x7, v1;
	s25 =	simm.s32 $0xD030;
	[dreg:$0x7] =	wrdreg s26;
	s26 =	simm.s32 $0xD430  }
.LBB2_1:
0x10: {  	[dreg:$0x8] =	wrdreg s1  }
0x11: {  	s0 =	rddreg [dreg:$0x0]  }
0x12: {  	[tilespmem:s2], [sflag:$0x1] =	stream.linear.gather [hbm4b:s0+s2], $0x2710, $0x38;
	[tilespmem:$0x13830] =	vst v63  }
0x13: {  	_ =	swait.ge [sflag:s17], $0x2710  }
0x14: {  	[sflag:s17] =	ssyncset.done $0x0  }
0x15: {  	s8 =	rddreg [dreg:$0x3];
	[sflag:s17] =	ssyncadd.s32 $0xFFFFD8F0  }
0x16: {  	[tilespmem:s18], [sflag:$0x1] =	stream.linear.gather [hbm4b:s8+s2], $0x3200, $0x38;
	[tilespmem:$0x13830] =	vst v63  }
0x17: {  	_ =	swait.ge [sflag:s17], $0x3200  }
0x18: {  	[sflag:s17] =	ssyncset.done $0x0  }
0x19: {  	s9 =	rddreg [dreg:$0x4];
	[sflag:s17] =	ssyncadd.s32 $0xFFFFCE00  }
0x1a: {  	[tilespmem:s19], [sflag:$0x1] =	stream.linear.gather [hbm4b:s9+s2], $0x3200, $0x38;
	[tilespmem:$0x13830] =	vst v63  }
0x1b: {  	_ =	swait.ge [sflag:s17], $0x3200  }
0x1c: {  	[sflag:s17] =	ssyncset.done $0x0  }
0x1d: {  	s10 =	rddreg [dreg:$0x5];
	[sflag:s17] =	ssyncadd.s32 $0xFFFFCE00  }
0x1e: {  	[tilespmem:s20], [sflag:$0x1] =	stream.linear.gather [hbm4b:s10+s2], $0x3200, $0x38;
	[tilespmem:$0x13830] =	vst v63  }
0x1f: {  	_ =	swait.ge [sflag:s17], $0x3200  }
0x20: {  	[sflag:s17] =	ssyncset.done $0x0  }
0x21: {  	s16 =	rddreg [dreg:$0x6];
	[sflag:s17] =	ssyncadd.s32 $0xFFFFCE00  }
0x22: {  	[tilespmem:s21], [sflag:$0x1] =	stream.linear.gather [hbm4b:s16+s2], $0x320, $0x38;
	[tilespmem:$0x13830] =	vst v63  }
0x23: {  	_ =	swait.ge [sflag:s17], $0x320  }
0x24: {  	[sflag:s17] =	ssyncset.done $0x0  }
0x25: {  	s8 =	simm.s32 $0x0;
	[sflag:s17] =	ssyncadd.s32 $0xFFFFFCE0  }
.LBB2_2:
0x26: {  	s1 =	sshll.u32 s8, $0xA  }
0x27: {  	s1 =	sadd.s32 s15, s1  }
0x28: {  	s6 =	sshrl.u32 s1, $0x3  }
0x29: {  	s7 =	simm.s32 $0x0;
	s9 =	sadd.s32 s3, s6  }
0x2a: {  	[tilespmem:s22], [sflag:$0x1] =	stream.linear.gather [hbm4b:s9+s7], $0x400, $0x38;
	[tilespmem:$0x13830] =	vst v63  }
0x2b: {  	_ =	swait.ge [sflag:s17], $0x400  }
0x2c: {  	[sflag:s17] =	ssyncset.done $0x0  }
0x2d: {  	s10 =	sadd.s32 s4, s6;
	[sflag:s17] =	ssyncadd.s32 $0xFFFFFC00  }
0x2e: {  	[tilespmem:s23], [sflag:$0x1] =	stream.linear.gather [hbm4b:s10+s7], $0x400, $0x38;
	[tilespmem:$0x13830] =	vst v63  }
0x2f: {  	_ =	swait.ge [sflag:s17], $0x400  }
0x30: {  	[sflag:s17] =	ssyncset.done $0x0  }
0x31: {  	s16 =	sadd.s32 s5, s6;
	[sflag:s17] =	ssyncadd.s32 $0xFFFFFC00  }
0x32: {  	[tilespmem:s24], [sflag:$0x1] =	stream.linear.gather [hbm4b:s16+s7], $0x400, $0x38;
	[tilespmem:$0x13830] =	vst v63  }
0x33: {  	_ =	swait.ge [sflag:s17], $0x400  }
0x34: {  	[sflag:s17] =	ssyncset.done $0x0  }
0x35: {  	s10 =	simm.s32 $0x0;
	[sflag:s17] =	ssyncadd.s32 $0xFFFFFC00  }
0x36: {  	v2 =	vld [tilespmem:s10+$0xC030];
	_ =	sdelay $0x1  }
0x37: {  	v3 =	vld [tilespmem:s10+$0xC430];
	_ =	sdelay $0x4  }
0x38: {  	v4 =	vld [tilespmem:s10+$0xC830]  }
0x39: {  	s9 =	simm.s32 $0x10;
	v6 =	vld.idx.msk [tilespmem:v2+s7+$0x0], $0xffff  }
0x3a: {  	v2 =	vld [tilespmem:s9+$0xC030]  }
0x3b: {  	v5 =	vld.idx.msk [tilespmem:v3+s7+$0x0], $0xffff  }
0x3c: {  	v3 =	vld [tilespmem:s9+$0xC430]  }
0x3d: {  	v7 =	vmul.u32 $0x64, v4;
	_ =	sdelay $0x1  }
0x3e: {  	s16 =	simm.s32 $0x80;
	v4 =	vld [tilespmem:s9+$0xC830];
	[tilespmem:s10+$0xCC30] =	vst v6;
	v6 =	vadd.s32 v6, v7  }
.LBB2_3:
0x3f: {  	p0 =	sne.s32 s16, $0xFC0;
	[tilespmem:s10+$0xD030] =	vst v6;
	s0 =	smov.u32 s16;
	s16 =	sadd.s32 $0x40, s16  }
0x40: {  	[tilespmem:s10+$0xD430] =	vst v5;
	s10 =	smov.u32 s9  }
0x41: {  	s9 =	sshra.s32 s0, $0x2;
	v6 =	vld.idx.msk [tilespmem:v2+s7+$0x0], $0xffff  }
0x42: {  	v2 =	vld [tilespmem:s9+$0xC030]  }
.Ltmp0:
0x43: {  	v5 =	vld.idx.msk [tilespmem:v3+s7+$0x0], $0xffff;
	(pc) =	sbr.rel @p0 .LBB2_3-.Ltmp0, $3  }
0x44: {  	v3 =	vld [tilespmem:s9+$0xC430]  }
0x45: {  	v7 =	vmul.u32 $0x64, v4;
	v4 =	vld [tilespmem:s9+$0xC830];
	_ =	sdelay $0x1  }
0x46: {  	[tilespmem:s10+$0xCC30] =	vst v6;
	v6 =	vadd.s32 v6, v7  }
0x47: {  	_ =	sdelay $0x1  }
0x48: {  	[tilespmem:s10+$0xD030] =	vst v6  }
0x49: {  	[tilespmem:s10+$0xD430] =	vst v5  }
0x4a: {  	v2 =	vld.idx.msk [tilespmem:v2+s7+$0x0], $0xffff  }
0x4b: {  	v3 =	vld.idx.msk [tilespmem:v3+s7+$0x0], $0xffff;
	_ =	sdelay $0x1  }
0x4c: {  	v5 =	vor.u32 s7, v0  }
0x4d: {  	v4 =	vmul.u32 $0x64, v4  }
0x4e: {  	[tilespmem:s9+$0xCC30] =	vst v2  }
0x4f: {  	v2 =	vadd.s32 v2, v4;
	[tilespmem:s9+$0xD430] =	vst v3  }
0x50: {  	[tilespmem:s9+$0xD030] =	vst v2  }
0x51: {  	v2 =	vld.idx.msk [tilespmem:v5+s25+$0x0], $0xffff;
	_ =	sdelay $0x4  }
0x52: {  	v2 =	vshll.u32 v2, $0x3  }
0x53: {  	v3 =	vor.u32 v1, v2;
	_ =	sdelay $0x3  }
0x54: {  	v2 =	vshll.u32 v5, $0x3  }
0x55: {  	v2 =	vor.u32 v1, v2;
	v4 =	vld.idx.msk [tilespmem:v3+s18+$0x0], $0xffff;
	_ =	sdelay $0x1  }
0x56: {  	v5 =	vld.idx.msk [tilespmem:v5+s26+$0x0], $0xffff;
	_ =	sdelay $0x2  }
0x57: {  	[tilespmem:v2+s28+$0x0] =	vst.idx.msk $0xffff, v4  }
0x58: {  	v4 =	vld.idx.msk [tilespmem:v3+s19+$0x0], $0xffff  }
0x59: {  	v5 =	vshll.u32 v5, $0x3  }
0x5a: {  	v5 =	vor.u32 v1, v5;
	_ =	sdelay $0x2  }
0x5b: {  	[tilespmem:v2+s29+$0x0] =	vst.idx.msk $0xffff, v4  }
0x5c: {  	v6 =	vld.idx.msk [tilespmem:v3+s20+$0x0], $0xffff  }
0x5d: {  	v5 =	vld.idx.msk [tilespmem:v5+s21+$0x0], $0xffff;
	_ =	sdelay $0x1  }
0x5e: {  	s0 =	simm.s32 $0x2  }
0x5f: {  	v3 =	vor.u32 s0, v0;
	_ =	sdelay $0x1  }
0x60: {  	s7 =	simm.s32 $0x4;
	v4 =	vshll.u32 v3, $0x3;
	v5 =	vadd.f32 v5, v6  }
.LBB2_5:
0x61: {  	p0 =	sne.s32 s7, $0x3FE;
	s0 =	smov.u32 s7;
	s7 =	sadd.s32 $0x2, s7  }
0x62: {  	[tilespmem:v2+s30+$0x0] =	vst.idx.msk $0xffff, v5  }
0x63: {  	v2 =	vld.idx.msk [tilespmem:v3+s25+$0x0], $0xffff;
	_ =	sdelay $0x5  }
0x64: {  	v2 =	vshll.u32 v2, $0x3  }
0x65: {  	v5 =	vor.u32 v1, v2;
	_ =	sdelay $0x4  }
0x66: {  	v6 =	vld.idx.msk [tilespmem:v5+s18+$0x0], $0xffff  }
0x67: {  	v2 =	vor.u32 v1, v4  }
0x68: {  	v3 =	vld.idx.msk [tilespmem:v3+s26+$0x0], $0xffff;
	_ =	sdelay $0x3  }
0x69: {  	[tilespmem:v2+s28+$0x0] =	vst.idx.msk $0xffff, v6  }
0x6a: {  	v4 =	vld.idx.msk [tilespmem:v5+s19+$0x0], $0xffff  }
0x6b: {  	v3 =	vshll.u32 v3, $0x3  }
0x6c: {  	v3 =	vor.u32 v1, v3;
	_ =	sdelay $0x3  }
0x6d: {  	[tilespmem:v2+s29+$0x0] =	vst.idx.msk $0xffff, v4  }
0x6e: {  	v5 =	vld.idx.msk [tilespmem:v5+s20+$0x0], $0xffff  }
0x6f: {  	v6 =	vld.idx.msk [tilespmem:v3+s21+$0x0], $0xffff;
	_ =	sdelay $0x1  }
.Ltmp1:
0x70: {  	(pc) =	sbr.rel @p0 .LBB2_5-.Ltmp1, $4  }
0x71: {  	_ = 	snop  }
0x72: {  	v3 =	vor.u32 s0, v0  }
0x73: {  	v4 =	vshll.u32 v3, $0x3  }
0x74: {  	v5 =	vadd.f32 v6, v5  }
0x75: {  	_ =	sdelay $0x3  }
0x76: {  	[tilespmem:v2+s30+$0x0] =	vst.idx.msk $0xffff, v5  }
0x77: {  	v2 =	vld.idx.msk [tilespmem:v3+s25+$0x0], $0xffff;
	_ =	sdelay $0x4  }
0x78: {  	v2 =	vshll.u32 v2, $0x3  }
0x79: {  	v2 =	vor.u32 v1, v2;
	_ =	sdelay $0x4  }
0x7a: {  	v4 =	vor.u32 v1, v4;
	v5 =	vld.idx.msk [tilespmem:v2+s18+$0x0], $0xffff;
	_ =	sdelay $0x1  }
0x7b: {  	v3 =	vld.idx.msk [tilespmem:v3+s26+$0x0], $0xffff;
	_ =	sdelay $0x2  }
0x7c: {  	[tilespmem:v4+s28+$0x0] =	vst.idx.msk $0xffff, v5  }
0x7d: {  	v5 =	vld.idx.msk [tilespmem:v2+s19+$0x0], $0xffff  }
0x7e: {  	v3 =	vshll.u32 v3, $0x3  }
0x7f: {  	v3 =	vor.u32 v1, v3;
	_ =	sdelay $0x2  }
0x80: {  	[tilespmem:v4+s29+$0x0] =	vst.idx.msk $0xffff, v5  }
0x81: {  	v2 =	vld.idx.msk [tilespmem:v2+s20+$0x0], $0xffff  }
0x82: {  	v3 =	vld.idx.msk [tilespmem:v3+s21+$0x0], $0xffff;
	_ =	sdelay $0x4  }
0x83: {  	v2 =	vadd.f32 v3, v2;
	_ =	sdelay $0x1  }
0x84: {  	s0 =	sadd.s32 s11, s6;
	[tilespmem:v4+s30+$0x0] =	vst.idx.msk $0xffff, v2  }
0x85: {  	[hbm4b:s0+s2] =	stream.linear.scatter [tilespmem:s31], [sflag:$0x1], $0x400, $0x38;
	[tilespmem:$0x13830] =	vst v63  }
0x86: {  	_ =	swait.ge [sflag:s17], $0x400  }
0x87: {  	[sflag:s17] =	ssyncset.done $0x0  }
0x88: {  	s9 =	sadd.s32 s12, s1;
	[sflag:s17] =	ssyncadd.s32 $0xFFFFFC00  }
0x89: {  	[hbm4b:s9+s2] =	stream.linear.scatter [tilespmem:s28], [sflag:$0x1], $0x2000, $0x38;
	[tilespmem:$0x13830] =	vst v63  }
0x8a: {  	_ =	swait.ge [sflag:s17], $0x2000  }
0x8b: {  	[sflag:s17] =	ssyncset.done $0x0  }
0x8c: {  	s10 =	sadd.s32 s13, s1;
	[sflag:s17] =	ssyncadd.s32 $0xFFFFE000  }
0x8d: {  	[hbm4b:s10+s2] =	stream.linear.scatter [tilespmem:s29], [sflag:$0x1], $0x2000, $0x38;
	[tilespmem:$0x13830] =	vst v63  }
0x8e: {  	s8 =	sadd.s32 $0x1, s8;
	_ =	swait.ge [sflag:s17], $0x2000  }
0x8f: {  	p0 =	sne.s32 s8, $0xA;
	[sflag:s17] =	ssyncset.done $0x0  }
.Ltmp2:
0x90: {  	s16 =	sadd.s32 s14, s1;
	[sflag:s17] =	ssyncadd.s32 $0xFFFFE000;
	(pc) =	sbr.rel @p0 .LBB2_2-.Ltmp2, $4  }
0x91: {  	[hbm4b:s16+s2] =	stream.linear.scatter [tilespmem:s30], [sflag:$0x1], $0x2000, $0x38;
	[tilespmem:$0x13830] =	vst v63  }
0x92: {  	_ =	swait.ge [sflag:s17], $0x2000  }
0x93: {  	[sflag:s17] =	ssyncset.done $0x0  }
0x94: {  	[sflag:s17] =	ssyncadd.s32 $0xFFFFE000  }
0x95: {  	s1 =	rddreg [dreg:$0x8]  }
0x96: {  	s0 =	rddreg [dreg:$0x7];
	s1 =	sadd.s32 $0x1, s1  }
0x97: {  	p0 =	sne.s32 s1, s0  }
.Ltmp3:
0x98: {  	_ = 	snop;
	(pc) =	sbr.rel @p0 .LBB2_1-.Ltmp3, $1  }
0x99: {  	_ =	sdelay $0x3  }
0x9a: {  	_ =	sfence.sel $0x180000  }
0x9b: {  	[bflag:$0x0] =	sbarrier.arrive $0xFFFF  }
0x9c: {  	_ =	strace $0x90000047  }
0x9d: {  	s0 =	stileid.u32;
	[bflag:$0x2] =	sbarrier.arrive $0xFFFF  }
0x9e: {  	p0 =	sne.s32 s0, $0x0;
	s0 =	rddreg [dreg:$0x2]  }
0x9f: {  	s0 =	sadd.s32 @!p0 $0x100000, s0  }
0xa0: {  	[sflag:s0] =	ssyncadd.tile.s32 @!p0 $0x1;
	_ =	shalt  }
.Lfunc_end2:
_tile_overlayer_lowered:
.L_overlay_start_2:
0xa1: {  	(tag) =	ssettag $0x2  }
0xa2: {  	s0 =	rddreg [dreg:$0x0];
	s2 =	stileid.u32  }
0xa3: {  	s1 =	rddreg [dreg:$0x1];
	p0 =	sne.s32 s2, $0x0  }
0xa4: {  	s3 =	rddreg [dreg:$0x2];
	[bflag:$0x3] =	sbarrier.arrive $0xFFFF;
	s2 =	simm.s32 @!p0 $0x1C01  }
0xa5: {  	[timem:s3], [sflag:s2] =	dma.local @!p0 [hbm:s0], s1  }
0xa6: {  	s0 =	simm.s32 @!p0 $0x1  }
0xa7: {  	_ =	swait.ge @!p0 [sflag:s0], s1  }
0xa8: {  	s1 =	ssub.s32 @!p0 $0x0, s1;
	[sflag:s0] =	ssyncset.done @!p0 $0x0  }
0xa9: {  	[sflag:s0] =	ssyncadd.s32 @!p0 s1  }
0xaa: {  	[bflag:$0x3] =	sbarrier.arrive $0xFFFF  }
0xab: {  	_ =	shalt  }

</sc_bundles>
